<compile_context>
chip_gen: v7x
topology: tpu7x:2x2x1
jax: 0.10.2.dev20260603
libtpu: 0.0.44.dev20260713+nightly
codegen_flags: <defaults>
</compile_context>

<pallas_src>
import functools

import jax
import jax.numpy as jnp
from jax import lax
from jax.experimental import pallas as pl
from jax.experimental.pallas import tpu as pltpu
from jax.experimental.pallas import tpu_sc as plsc

H = 8
D = 64
HD = H * D

NC = 2
NS = 16
NW = NC * NS
CHS = 296

CH = 512
TT = 128


def _sc_gather_body(feats_hbm, idx_hbm, out,
                    a0, a1, a2, b0, b1, b2,
                    ia0, ia1, ia2, ib0, ib1, ib2, sem_a, sem_b,
                    *, ch, k, e_pad):
    wid = lax.axis_index("s") * NC + lax.axis_index("c")
    abufs = (a0, a1, a2)
    bbufs = (b0, b1, b2)
    ias = (ia0, ia1, ia2)
    ibs = (ib0, ib1, ib2)

    def load_idx(j, idxb):
        row0 = wid * ch + j * CHS
        for l in range(3):
            pltpu.sync_copy(idx_hbm.at[pl.ds(l * e_pad + row0, CHS)],
                            idxb[l])

    def fire(idxb, bufs, sem):
        return [pltpu.async_copy(feats_hbm.at[idxb[l]], bufs[l], sem)
                for l in range(3)]

    def write_out(j, bufs):
        row0 = wid * ch + j * CHS
        for l in range(3):
            pltpu.sync_copy(bufs[l],
                            out.at[pl.ds(row0, CHS), pl.ds(l * D, D)])

    load_idx(0, ias)

    def pbody(p, _):
        ja = 2 * p
        jb = 2 * p + 1
        cps_a = fire(ias, abufs, sem_a)

        @pl.when(p > 0)
        def _wb():
            write_out(jb - 2, bbufs)

        load_idx(jb, ibs)
        for c in cps_a:
            c.wait()
        cps_b = fire(ibs, bbufs, sem_b)
        write_out(ja, abufs)

        @pl.when(p < k // 2 - 1)
        def _la():
            load_idx(ja + 2, ias)

        for c in cps_b:
            c.wait()
        return 0

    lax.fori_loop(0, k // 2, pbody, 0)
    write_out(k - 1, bbufs)


def _sc_gather(feats, idxs, e_pad):
    ch = e_pad // NW
    k = ch // CHS
    mesh = plsc.VectorSubcoreMesh(core_axis_name="c", subcore_axis_name="s")
    fn = pl.kernel(
        functools.partial(_sc_gather_body, ch=ch, k=k, e_pad=e_pad),
        out_type=jax.ShapeDtypeStruct((e_pad, 3 * D), jnp.float32),
        mesh=mesh,
        compiler_params=pltpu.CompilerParams(use_tc_tiling_on_sc=False),
        scratch_types=[pltpu.VMEM((CHS, D), jnp.float32)] * 6
                      + [pltpu.VMEM((CHS,), jnp.int32)] * 6
                      + [pltpu.SemaphoreType.DMA] * 2,
    )
    return fn(feats, idxs)


def _seg_body(offs_ref, comb_ref, dst_ref, w_ref, b_ref, m_ref, s_ref, r_ref,
              out_ref, cb0, cb1, db0, db1, sc0, sc1, sd0, sd1, *, nchunks):
    k = pl.program_id(0)
    s = offs_ref[k]
    e_ = offs_ref[k + 1]
    c_lo = s // CH
    c_hi = (e_ + CH - 1) // CH
    n = c_hi - c_lo
    nxt = jnp.minimum(e_ // CH, nchunks - 1)
    rows = k * TT + lax.broadcasted_iota(jnp.int32, (TT, CH), 0)

    def cidx(i):
        return jnp.minimum(c_lo + i, nxt)

    def start(i, cb, db, sc, sd):
        c = cidx(i)
        pltpu.make_async_copy(comb_ref.at[pl.ds(c * CH, CH)], cb, sc).start()
        pltpu.make_async_copy(dst_ref.at[pl.ds(c * CH, CH)], db, sd).start()

    def wait(cb, db, sc, sd):
        pltpu.make_async_copy(comb_ref.at[pl.ds(0, CH)], cb, sc).wait()
        pltpu.make_async_copy(dst_ref.at[pl.ds(0, CH)], db, sd).wait()

    def compute(i, cb, db, acc0, acc1):
        comb = cb[...]
        z = jnp.dot(comb, w_ref[...], preferred_element_type=jnp.float32)
        eft = jnp.tanh(z + b_ref[...])
        a2 = jnp.dot(eft, m_ref[...], preferred_element_type=jnp.float32)
        a1 = jnp.dot(comb, s_ref[...], preferred_element_type=jnp.float32)
        a = a1 + a2
        a = jnp.where(a >= 0, a, 0.2 * a)
        ea = jnp.exp(a)
        wef = eft * jnp.dot(ea, r_ref[...],
                            preferred_element_type=jnp.float32)
        dstv = jnp.where(i < n, db[...], -1)
        oh = (rows == dstv.reshape(1, CH)).astype(jnp.float32)
        acc0 = acc0 + jnp.dot(oh, wef, preferred_element_type=jnp.float32)
        acc1 = acc1 + jnp.dot(oh, ea, preferred_element_type=jnp.float32)
        return acc0, acc1

    @pl.when(k == 0)
    def _prologue():
        start(0, cb0, db0, sc0, sd0)

    acc0 = jnp.zeros((TT, HD), jnp.float32)
    acc1 = jnp.zeros((TT, H), jnp.float32)

    def pair(ip, carry):
        acc0, acc1 = carry
        i0 = 2 * ip
        start(i0 + 1, cb1, db1, sc1, sd1)
        wait(cb0, db0, sc0, sd0)
        acc0, acc1 = compute(i0, cb0, db0, acc0, acc1)
        start(i0 + 2, cb0, db0, sc0, sd0)
        wait(cb1, db1, sc1, sd1)
        acc0, acc1 = compute(i0 + 1, cb1, db1, acc0, acc1)
        return acc0, acc1

    acc0, acc1 = lax.fori_loop(0, (n + 1) // 2, pair, (acc0, acc1))

    @pl.when(k == pl.num_programs(0) - 1)
    def _drain():
        wait(cb0, db0, sc0, sd0)

    scale = 1.0 / (acc1 + 1e-9)
    ft = acc0 * jnp.dot(scale, r_ref[...], preferred_element_type=jnp.float32)
    out_ref[...] = jnp.where(ft > 0, ft, jnp.exp(jnp.minimum(ft, 0.0)) - 1.0)


def _seg_pass(offs, comb, dst, w, b, m, sel, r, t_pad):
    return pl.pallas_call(
        functools.partial(_seg_body, nchunks=comb.shape[0] // CH),
        grid=(t_pad // TT,),
        in_specs=[
            pl.BlockSpec(memory_space=pltpu.MemorySpace.SMEM),
            pl.BlockSpec(memory_space=pl.ANY),
            pl.BlockSpec(memory_space=pl.ANY),
            pl.BlockSpec((3 * D, HD), lambda i: (0, 0)),
            pl.BlockSpec((1, HD), lambda i: (0, 0)),
            pl.BlockSpec((HD, H), lambda i: (0, 0)),
            pl.BlockSpec((3 * D, H), lambda i: (0, 0)),
            pl.BlockSpec((H, HD), lambda i: (0, 0)),
        ],
        out_specs=pl.BlockSpec((TT, HD), lambda i: (i, 0)),
        out_shape=jax.ShapeDtypeStruct((t_pad, HD), jnp.float32),
        scratch_shapes=[
            pltpu.VMEM((CH, 3 * D), jnp.float32),
            pltpu.VMEM((CH, 3 * D), jnp.float32),
            pltpu.VMEM((CH,), jnp.int32),
            pltpu.VMEM((CH,), jnp.int32),
            pltpu.SemaphoreType.DMA,
            pltpu.SemaphoreType.DMA,
            pltpu.SemaphoreType.DMA,
            pltpu.SemaphoreType.DMA,
        ],
    )(offs, comb, dst, w, b, m, sel, r)


def kernel(features_0, features_1, type_mask, mp_m0, mp_m1, mp_d0, mp_d1,
           dst_m0, dst_m1, dst_d0, dst_d1, target_m, target_d, params):
    p = params
    t = features_0.shape[0]
    e = mp_m0.shape[0]
    chunk = NW * CHS
    e_pad = ((e + chunk - 1) // chunk) * chunk
    t_pad = ((t + TT - 1) // TT) * TT

    tf0 = features_0 @ p['fc0_W'].T + p['fc0_b']
    tf1 = features_1 @ p['fc1_W'].T + p['fc1_b']
    feats = jnp.concatenate([tf0, tf1], axis=0)

    eye = jnp.eye(H, dtype=jnp.float32)
    rep = jnp.repeat(eye, D, axis=1)

    mps = {'m': (mp_m0, mp_m1), 'd': (mp_d0, mp_d1)}
    dsts = {'m': (dst_m0, dst_m1), 'd': (dst_d0, dst_d1)}
    keys = [('m', 0), ('m', 1), ('d', 0), ('d', 1)]

    pad_i = jnp.zeros((e_pad - e, 3), jnp.int32)
    combd = {}
    for nt, i in keys:
        idxs = jnp.concatenate([mps[nt][i], pad_i], axis=0).T.reshape(-1)
        combd[(nt, i)] = _sc_gather(feats, idxs, e_pad)

    pad_d = jnp.full((e_pad - e,), t, jnp.int32)
    tile_starts = jnp.arange(t_pad // TT + 1, dtype=jnp.int32) * TT
    outs = {}
    for nt in ('m', 'd'):
        res = []
        for i in range(2):
            w = jnp.tile(p[nt + '_rnn_W' + str(i)].T / 3.0, (3, 1))
            sel = jnp.zeros((3 * D, H), jnp.float32).at[2 * D:].set(
                p[nt + '_attn1_W' + str(i)].T)
            b = p[nt + '_rnn_b' + str(i)].reshape(1, HD)
            attn2 = p[nt + '_attn2_' + str(i)]
            m = (attn2[:, :, None] * eye[:, None, :]).reshape(HD, H)
            dst = jnp.concatenate([dsts[nt][i], pad_d])
            offs = jnp.searchsorted(dst, tile_starts).astype(jnp.int32)
            ft = _seg_pass(offs, combd[(nt, i)], dst, w, b, m, sel, rep,
                           t_pad)
            res.append(ft[:t])
        betas = []
        for out in res:
            s = jnp.tanh(out @ p[nt + '_sem_fc1_W'].T + p[nt + '_sem_fc1_b'])
            betas.append(jnp.mean(s @ p[nt + '_sem_fc2_W'].T))
        beta = jax.nn.softmax(jnp.stack(betas))
        outs[nt] = beta[0] * res[0] + beta[1] * res[1]

    lm = outs['m'] @ p['m_out_W'].T + p['m_out_b']
    ld = outs['d'] @ p['d_out_W'].T + p['d_out_b']
    return (lm, ld, outs['m'], outs['d'])

# --- scband reference (transcript-rebuilt; emitter-appended) ---
"""Pipeline reference for scband-mdpbmp-lp-85676007620844 (READ-ONLY COPY).

The authoritative reference and input builder live on the scoring server;
editing this copy changes nothing except your own understanding.
"""

import jax, jax.numpy as jnp
import numpy as np

H = 8
D = 64
OUT = 64
AV = 128
T = 25000
N = 50000
E = 300000
L = 3
FD = 128


def _init_params(key):
    ks = jax.random.split(key, 32)
    it = iter(range(32))
    def nrm(shape, scale=0.05):
        return jax.random.normal(ks[next(it)], shape, dtype=jnp.float32) * scale
    p = {}
    p['fc0_W'] = nrm((D, FD)); p['fc0_b'] = jnp.zeros((D,), jnp.float32)
    p['fc1_W'] = nrm((D, FD)); p['fc1_b'] = jnp.zeros((D,), jnp.float32)
    for nt in ('m', 'd'):
        for i in range(2):
            p[nt + '_rnn_W' + str(i)] = nrm((H * D, D))
            p[nt + '_rnn_b' + str(i)] = jnp.zeros((H * D,), jnp.float32)
            p[nt + '_attn1_W' + str(i)] = nrm((H, D))
            p[nt + '_attn2_' + str(i)] = nrm((H, D))
        p[nt + '_sem_fc1_W'] = nrm((AV, H * D))
        p[nt + '_sem_fc1_b'] = jnp.zeros((AV,), jnp.float32)
        p[nt + '_sem_fc2_W'] = nrm((1, AV))
        p[nt + '_out_W'] = nrm((OUT, H * D))
        p[nt + '_out_b'] = jnp.zeros((OUT,), jnp.float32)
    return p


def setup_inputs(seed: int = 0):
    key = jax.random.key(seed)
    ks = jax.random.split(key, 12)
    inp = {}
    inp['features_0'] = jax.random.normal(ks[0], (T, FD), dtype=jnp.float32)
    inp['features_1'] = jax.random.normal(ks[1], (T, FD), dtype=jnp.float32)
    inp['type_mask'] = jnp.concatenate([jnp.zeros((T,), jnp.int32), jnp.ones((T,), jnp.int32)])
    inp['mp_m0'] = jax.random.randint(ks[2], (E, L), 0, N, dtype=jnp.int32)
    inp['mp_m1'] = jax.random.randint(ks[3], (E, L), 0, N, dtype=jnp.int32)
    inp['mp_d0'] = jax.random.randint(ks[4], (E, L), 0, N, dtype=jnp.int32)
    inp['mp_d1'] = jax.random.randint(ks[5], (E, L), 0, N, dtype=jnp.int32)
    inp['dst_m0'] = jnp.sort(jax.random.randint(ks[6], (E,), 0, T, dtype=jnp.int32))
    inp['dst_m1'] = jnp.sort(jax.random.randint(ks[7], (E,), 0, T, dtype=jnp.int32))
    inp['dst_d0'] = jnp.sort(jax.random.randint(ks[8], (E,), 0, T, dtype=jnp.int32))
    inp['dst_d1'] = jnp.sort(jax.random.randint(ks[9], (E,), 0, T, dtype=jnp.int32))
    inp['target_m'] = jnp.arange(T, dtype=jnp.int32)
    inp['target_d'] = jnp.arange(T, dtype=jnp.int32)
    inp['params'] = _init_params(ks[10])
    return inp


def _ctr(features, mp_list, dst_list, target_idx, p, nt):
    outs = []
    for i in range(2):
        idx = mp_list[i]
        dst = dst_list[i]
        edata = jnp.take(features, idx, axis=0)
        hidden = jnp.tanh(edata.mean(axis=1) @ p[nt + '_rnn_W' + str(i)].T + p[nt + '_rnn_b' + str(i)])
        eft = hidden.reshape(-1, H, D)
        center = jnp.take(features, idx[:, -1], axis=0)
        a1 = center @ p[nt + '_attn1_W' + str(i)].T
        a2 = jnp.sum(eft * p[nt + '_attn2_' + str(i)][None, :, :], axis=-1)
        a = jax.nn.leaky_relu(a1 + a2, negative_slope=0.2)
        amax = jax.ops.segment_max(a, dst, num_segments=T)
        amax = jnp.where(jnp.isfinite(amax), amax, 0.0)
        ea = jnp.exp(a - amax[dst])
        denom = jax.ops.segment_sum(ea, dst, num_segments=T)
        attn = ea / (denom[dst] + 1e-9)
        ft = jax.ops.segment_sum(eft * attn[:, :, None], dst, num_segments=T)
        outs.append(jax.nn.elu(ft.reshape(T, H * D))[target_idx])
    betas = []
    for out in outs:
        s = jnp.tanh(out @ p[nt + '_sem_fc1_W'].T + p[nt + '_sem_fc1_b'])
        betas.append(jnp.mean(s @ p[nt + '_sem_fc2_W'].T))
    beta = jax.nn.softmax(jnp.stack(betas))
    return beta[0] * outs[0] + beta[1] * outs[1]


def _forward(features_0, features_1, params, mp_m0, mp_m1, mp_d0, mp_d1, dst_m0, dst_m1, dst_d0, dst_d1, target_m, target_d):
    tf0 = features_0 @ params['fc0_W'].T + params['fc0_b']
    tf1 = features_1 @ params['fc1_W'].T + params['fc1_b']
    feats = jnp.zeros((N, D), jnp.float32)
    feats = feats.at[jnp.arange(T)].set(tf0).at[jnp.arange(T, N)].set(tf1)
    h_m = _ctr(feats, [mp_m0, mp_m1], [dst_m0, dst_m1], target_m, params, 'm')
    h_d = _ctr(feats, [mp_d0, mp_d1], [dst_d0, dst_d1], target_d, params, 'd')
    lm = h_m @ params['m_out_W'].T + params['m_out_b']
    ld = h_d @ params['d_out_W'].T + params['d_out_b']
    return (lm, ld, h_m, h_d)


def reference(features_0, features_1, type_mask, mp_m0, mp_m1, mp_d0, mp_d1, dst_m0, dst_m1, dst_d0, dst_d1, target_m, target_d, params):
    return _forward(features_0, features_1, params, mp_m0, mp_m1, mp_d0, mp_d1, dst_m0, dst_m1, dst_d0, dst_d1, target_m, target_d)

if __name__ == "__main__":
    import jax
    _d = setup_inputs()
    print(jax.jit(kernel)(*tuple(_d.values())))

</pallas_src>

<mosaic_0001>
#map = affine_map<(d0, d1) -> (0, 0)>
#map1 = affine_map<(d0, d1) -> (0)>
module attributes {stable_mosaic.version = 14 : i64} {
  func.func @_sc_gather_body(%arg0: i32, %arg1: i32, %arg2: memref<50000x64xf32, #tpu.memory_space<hbm>>, %arg3: memref<909312xi32, #tpu.memory_space<hbm>>, %arg4: memref<303104x192xf32, #tpu.memory_space<hbm>>, %arg5: memref<296x64xf32, #tpu.memory_space<vmem>>, %arg6: memref<296x64xf32, #tpu.memory_space<vmem>>, %arg7: memref<296x64xf32, #tpu.memory_space<vmem>>, %arg8: memref<296x64xf32, #tpu.memory_space<vmem>>, %arg9: memref<296x64xf32, #tpu.memory_space<vmem>>, %arg10: memref<296x64xf32, #tpu.memory_space<vmem>>, %arg11: memref<296xi32, #tpu.memory_space<vmem>>, %arg12: memref<296xi32, #tpu.memory_space<vmem>>, %arg13: memref<296xi32, #tpu.memory_space<vmem>>, %arg14: memref<296xi32, #tpu.memory_space<vmem>>, %arg15: memref<296xi32, #tpu.memory_space<vmem>>, %arg16: memref<296xi32, #tpu.memory_space<vmem>>, %arg17: memref<!tpu.dma_semaphore, #tpu.memory_space<semaphore_mem>>, %arg18: memref<!tpu.dma_semaphore, #tpu.memory_space<semaphore_mem>>) attributes {dimension_semantics = [#tpu.dimension_semantics<core_parallel>, #tpu.dimension_semantics<subcore_parallel>], iteration_bounds = array<i64: 2, 16>, scalar_prefetch = 0 : i64, scratch_operands = 14 : i64, tpu.core_type = #tpu.core_type<sc_vector_subcore>, window_params = [{transform_indices = #map}, {transform_indices = #map1}, {transform_indices = #map}]} {
    %mul3A = arith.constant 2 : i32
    %mul3A_0 = arith.muli %arg1, %mul3A : i32
    %add3A = arith.addi %mul3A_0, %arg0 : i32
    %mul3A_1 = arith.constant 9472 : i32
    %mul3A_2 = arith.muli %add3A, %mul3A_1 : i32
    %add3A_3 = arith.constant 0 : i32
    %add3A_4 = arith.addi %mul3A_2, %add3A_3 : i32
    %add3A_5 = arith.constant 0 : i32
    %add3A_6 = arith.addi %add3A_5, %add3A_4 : i32
    "tpu.region"() ({
      %run_scoped3A = tpu.sem_alloc : memref<!tpu.dma_semaphore, #tpu.memory_space<semaphore_mem>>
      %dma_start3A = tpu.memref_slice %arg3[%add3A_6] : memref<909312xi32, #tpu.memory_space<hbm>> -> memref<296xi32, #tpu.memory_space<hbm>>
      %dma_start3A_21 = tpu.memref_slice %arg3[%add3A_6] : memref<909312xi32, #tpu.memory_space<hbm>> -> memref<296xi32, #tpu.memory_space<hbm>>
      tpu.enqueue_dma source(%dma_start3A_21 : memref<296xi32, #tpu.memory_space<hbm>>) target(%arg11 : memref<296xi32, #tpu.memory_space<vmem>>) target_semaphore(%run_scoped3A : memref<!tpu.dma_semaphore, #tpu.memory_space<semaphore_mem>>)
      %dma_wait3A = tpu.memref_slice %arg3[%add3A_6] : memref<909312xi32, #tpu.memory_space<hbm>> -> memref<296xi32, #tpu.memory_space<hbm>>
      %dma_wait3A_22 = tpu.memref_slice %arg3[%add3A_6] : memref<909312xi32, #tpu.memory_space<hbm>> -> memref<296xi32, #tpu.memory_space<hbm>>
      tpu.wait_dma2 semaphore(%run_scoped3A : memref<!tpu.dma_semaphore, #tpu.memory_space<semaphore_mem>>) src(%dma_wait3A_22 : memref<296xi32, #tpu.memory_space<hbm>>) dst(%arg11 : memref<296xi32, #tpu.memory_space<vmem>>)
      tpu.yield
    }) : () -> ()
    %add3A_7 = arith.constant 303104 : i32
    %add3A_8 = arith.addi %add3A_7, %add3A_4 : i32
    "tpu.region"() ({
      %run_scoped3A = tpu.sem_alloc : memref<!tpu.dma_semaphore, #tpu.memory_space<semaphore_mem>>
      %dma_start3A = tpu.memref_slice %arg3[%add3A_8] : memref<909312xi32, #tpu.memory_space<hbm>> -> memref<296xi32, #tpu.memory_space<hbm>>
      %dma_start3A_21 = tpu.memref_slice %arg3[%add3A_8] : memref<909312xi32, #tpu.memory_space<hbm>> -> memref<296xi32, #tpu.memory_space<hbm>>
      tpu.enqueue_dma source(%dma_start3A_21 : memref<296xi32, #tpu.memory_space<hbm>>) target(%arg12 : memref<296xi32, #tpu.memory_space<vmem>>) target_semaphore(%run_scoped3A : memref<!tpu.dma_semaphore, #tpu.memory_space<semaphore_mem>>)
      %dma_wait3A = tpu.memref_slice %arg3[%add3A_8] : memref<909312xi32, #tpu.memory_space<hbm>> -> memref<296xi32, #tpu.memory_space<hbm>>
      %dma_wait3A_22 = tpu.memref_slice %arg3[%add3A_8] : memref<909312xi32, #tpu.memory_space<hbm>> -> memref<296xi32, #tpu.memory_space<hbm>>
      tpu.wait_dma2 semaphore(%run_scoped3A : memref<!tpu.dma_semaphore, #tpu.memory_space<semaphore_mem>>) src(%dma_wait3A_22 : memref<296xi32, #tpu.memory_space<hbm>>) dst(%arg12 : memref<296xi32, #tpu.memory_space<vmem>>)
      tpu.yield
    }) : () -> ()
    %add3A_9 = arith.constant 606208 : i32
    %add3A_10 = arith.addi %add3A_9, %add3A_4 : i32
    "tpu.region"() ({
      %run_scoped3A = tpu.sem_alloc : memref<!tpu.dma_semaphore, #tpu.memory_space<semaphore_mem>>
      %dma_start3A = tpu.memref_slice %arg3[%add3A_10] : memref<909312xi32, #tpu.memory_space<hbm>> -> memref<296xi32, #tpu.memory_space<hbm>>
      %dma_start3A_21 = tpu.memref_slice %arg3[%add3A_10] : memref<909312xi32, #tpu.memory_space<hbm>> -> memref<296xi32, #tpu.memory_space<hbm>>
      tpu.enqueue_dma source(%dma_start3A_21 : memref<296xi32, #tpu.memory_space<hbm>>) target(%arg13 : memref<296xi32, #tpu.memory_space<vmem>>) target_semaphore(%run_scoped3A : memref<!tpu.dma_semaphore, #tpu.memory_space<semaphore_mem>>)
      %dma_wait3A = tpu.memref_slice %arg3[%add3A_10] : memref<909312xi32, #tpu.memory_space<hbm>> -> memref<296xi32, #tpu.memory_space<hbm>>
      %dma_wait3A_22 = tpu.memref_slice %arg3[%add3A_10] : memref<909312xi32, #tpu.memory_space<hbm>> -> memref<296xi32, #tpu.memory_space<hbm>>
      tpu.wait_dma2 semaphore(%run_scoped3A : memref<!tpu.dma_semaphore, #tpu.memory_space<semaphore_mem>>) src(%dma_wait3A_22 : memref<296xi32, #tpu.memory_space<hbm>>) dst(%arg13 : memref<296xi32, #tpu.memory_space<vmem>>)
      tpu.yield
    }) : () -> ()
    %scan3A = arith.constant 0 : i32
    %scan3A_11 = arith.constant 0 : i32
    %scan3A_12 = arith.constant 16 : i32
    %scan3A_13 = arith.addi %scan3A_11, %scan3A_12 : i32
    %scan3A_14 = arith.constant 1 : i32
    %scan3A_15 = scf.for %scan3A_21 = %scan3A_11 to %scan3A_13 step %scan3A_14 iter_args(%scan3A_22 = %scan3A) -> (i32)  : i32 {
      %mul3A_23 = arith.constant 2 : i32
      %mul3A_24 = arith.muli %mul3A_23, %scan3A_21 : i32
      %mul3A_25 = arith.constant 2 : i32
      %mul3A_26 = arith.muli %mul3A_25, %scan3A_21 : i32
      %add3A_27 = arith.constant 1 : i32
      %add3A_28 = arith.addi %mul3A_26, %add3A_27 : i32
      %dma_start3A = arith.constant 0 : i32
      %dma_start3A_29 = arith.constant 0 : i32
      %dma_start3A_30 = tpu.memref_slice %arg2[%dma_start3A, %dma_start3A_29] : memref<50000x64xf32, #tpu.memory_space<hbm>> -> memref<50000x64xf32, #tpu.memory_space<hbm>>
      tpu.enqueue_indirect_dma source(%dma_start3A_30 : memref<50000x64xf32, #tpu.memory_space<hbm>>) target(%arg5 : memref<296x64xf32, #tpu.memory_space<vmem>>) offsets(%arg11 : memref<296xi32, #tpu.memory_space<vmem>>) semaphore(%arg17 : memref<!tpu.dma_semaphore, #tpu.memory_space<semaphore_mem>>)
      %dma_start3A_31 = arith.constant 0 : i32
      %dma_start3A_32 = arith.constant 0 : i32
      %dma_start3A_33 = tpu.memref_slice %arg2[%dma_start3A_31, %dma_start3A_32] : memref<50000x64xf32, #tpu.memory_space<hbm>> -> memref<50000x64xf32, #tpu.memory_space<hbm>>
      tpu.enqueue_indirect_dma source(%dma_start3A_33 : memref<50000x64xf32, #tpu.memory_space<hbm>>) target(%arg6 : memref<296x64xf32, #tpu.memory_space<vmem>>) offsets(%arg12 : memref<296xi32, #tpu.memory_space<vmem>>) semaphore(%arg17 : memref<!tpu.dma_semaphore, #tpu.memory_space<semaphore_mem>>)
      %dma_start3A_34 = arith.constant 0 : i32
      %dma_start3A_35 = arith.constant 0 : i32
      %dma_start3A_36 = tpu.memref_slice %arg2[%dma_start3A_34, %dma_start3A_35] : memref<50000x64xf32, #tpu.memory_space<hbm>> -> memref<50000x64xf32, #tpu.memory_space<hbm>>
      tpu.enqueue_indirect_dma source(%dma_start3A_36 : memref<50000x64xf32, #tpu.memory_space<hbm>>) target(%arg7 : memref<296x64xf32, #tpu.memory_space<vmem>>) offsets(%arg13 : memref<296xi32, #tpu.memory_space<vmem>>) semaphore(%arg17 : memref<!tpu.dma_semaphore, #tpu.memory_space<semaphore_mem>>)
      %gt3A = arith.constant 0 : i32
      %gt3A_37 = arith.cmpi sgt, %scan3A_21, %gt3A : i32
      %convert_element_type3A = arith.extui %gt3A_37 : i1 to i32
      %cond3A = arith.constant 0 : i32
      %cond3A_38 = arith.cmpi ne, %convert_element_type3A, %cond3A : i32
      scf.if %cond3A_38 {
        %sub3A = arith.constant 2 : i32
        %sub3A_86 = arith.subi %add3A_28, %sub3A : i32
        %mul3A_87 = arith.constant 9472 : i32
        %mul3A_88 = arith.muli %add3A, %mul3A_87 : i32
        %mul3A_89 = arith.constant 296 : i32
        %mul3A_90 = arith.muli %sub3A_86, %mul3A_89 : i32
        %add3A_91 = arith.addi %mul3A_88, %mul3A_90 : i32
        "tpu.region"() ({
          %run_scoped3A = tpu.sem_alloc : memref<!tpu.dma_semaphore, #tpu.memory_space<semaphore_mem>>
          %dma_start3A_92 = arith.constant 0 : i32
          %dma_start3A_93 = tpu.memref_slice %arg4[%add3A_91, %dma_start3A_92] : memref<303104x192xf32, #tpu.memory_space<hbm>> -> memref<296x64xf32, #tpu.memory_space<hbm>>
          %dma_start3A_94 = arith.constant 0 : i32
          %dma_start3A_95 = tpu.memref_slice %arg4[%add3A_91, %dma_start3A_94] : memref<303104x192xf32, #tpu.memory_space<hbm>> -> memref<296x64xf32, #tpu.memory_space<hbm>>
          tpu.enqueue_dma source(%arg8 : memref<296x64xf32, #tpu.memory_space<vmem>>) target(%dma_start3A_95 : memref<296x64xf32, #tpu.memory_space<hbm>>) target_semaphore(%run_scoped3A : memref<!tpu.dma_semaphore, #tpu.memory_space<semaphore_mem>>)
          %dma_wait3A_96 = arith.constant 0 : i32
          %dma_wait3A_97 = tpu.memref_slice %arg4[%add3A_91, %dma_wait3A_96] : memref<303104x192xf32, #tpu.memory_space<hbm>> -> memref<296x64xf32, #tpu.memory_space<hbm>>
          %dma_wait3A_98 = arith.constant 0 : i32
          %dma_wait3A_99 = tpu.memref_slice %arg4[%add3A_91, %dma_wait3A_98] : memref<303104x192xf32, #tpu.memory_space<hbm>> -> memref<296x64xf32, #tpu.memory_space<hbm>>
          tpu.wait_dma2 semaphore(%run_scoped3A : memref<!tpu.dma_semaphore, #tpu.memory_space<semaphore_mem>>) src(%arg8 : memref<296x64xf32, #tpu.memory_space<vmem>>) dst(%dma_wait3A_99 : memref<296x64xf32, #tpu.memory_space<hbm>>)
          tpu.yield
        }) : () -> ()
        "tpu.region"() ({
          %run_scoped3A = tpu.sem_alloc : memref<!tpu.dma_semaphore, #tpu.memory_space<semaphore_mem>>
          %dma_start3A_92 = arith.constant 64 : i32
          %dma_start3A_93 = tpu.memref_slice %arg4[%add3A_91, %dma_start3A_92] : memref<303104x192xf32, #tpu.memory_space<hbm>> -> memref<296x64xf32, #tpu.memory_space<hbm>>
          %dma_start3A_94 = arith.constant 64 : i32
          %dma_start3A_95 = tpu.memref_slice %arg4[%add3A_91, %dma_start3A_94] : memref<303104x192xf32, #tpu.memory_space<hbm>> -> memref<296x64xf32, #tpu.memory_space<hbm>>
          tpu.enqueue_dma source(%arg9 : memref<296x64xf32, #tpu.memory_space<vmem>>) target(%dma_start3A_95 : memref<296x64xf32, #tpu.memory_space<hbm>>) target_semaphore(%run_scoped3A : memref<!tpu.dma_semaphore, #tpu.memory_space<semaphore_mem>>)
          %dma_wait3A_96 = arith.constant 64 : i32
          %dma_wait3A_97 = tpu.memref_slice %arg4[%add3A_91, %dma_wait3A_96] : memref<303104x192xf32, #tpu.memory_space<hbm>> -> memref<296x64xf32, #tpu.memory_space<hbm>>
          %dma_wait3A_98 = arith.constant 64 : i32
          %dma_wait3A_99 = tpu.memref_slice %arg4[%add3A_91, %dma_wait3A_98] : memref<303104x192xf32, #tpu.memory_space<hbm>> -> memref<296x64xf32, #tpu.memory_space<hbm>>
          tpu.wait_dma2 semaphore(%run_scoped3A : memref<!tpu.dma_semaphore, #tpu.memory_space<semaphore_mem>>) src(%arg9 : memref<296x64xf32, #tpu.memory_space<vmem>>) dst(%dma_wait3A_99 : memref<296x64xf32, #tpu.memory_space<hbm>>)
          tpu.yield
        }) : () -> ()
        "tpu.region"() ({
          %run_scoped3A = tpu.sem_alloc : memref<!tpu.dma_semaphore, #tpu.memory_space<semaphore_mem>>
          %dma_start3A_92 = arith.constant 128 : i32
          %dma_start3A_93 = tpu.memref_slice %arg4[%add3A_91, %dma_start3A_92] : memref<303104x192xf32, #tpu.memory_space<hbm>> -> memref<296x64xf32, #tpu.memory_space<hbm>>
          %dma_start3A_94 = arith.constant 128 : i32
          %dma_start3A_95 = tpu.memref_slice %arg4[%add3A_91, %dma_start3A_94] : memref<303104x192xf32, #tpu.memory_space<hbm>> -> memref<296x64xf32, #tpu.memory_space<hbm>>
          tpu.enqueue_dma source(%arg10 : memref<296x64xf32, #tpu.memory_space<vmem>>) target(%dma_start3A_95 : memref<296x64xf32, #tpu.memory_space<hbm>>) target_semaphore(%run_scoped3A : memref<!tpu.dma_semaphore, #tpu.memory_space<semaphore_mem>>)
          %dma_wait3A_96 = arith.constant 128 : i32
          %dma_wait3A_97 = tpu.memref_slice %arg4[%add3A_91, %dma_wait3A_96] : memref<303104x192xf32, #tpu.memory_space<hbm>> -> memref<296x64xf32, #tpu.memory_space<hbm>>
          %dma_wait3A_98 = arith.constant 128 : i32
          %dma_wait3A_99 = tpu.memref_slice %arg4[%add3A_91, %dma_wait3A_98] : memref<303104x192xf32, #tpu.memory_space<hbm>> -> memref<296x64xf32, #tpu.memory_space<hbm>>
          tpu.wait_dma2 semaphore(%run_scoped3A : memref<!tpu.dma_semaphore, #tpu.memory_space<semaphore_mem>>) src(%arg10 : memref<296x64xf32, #tpu.memory_space<vmem>>) dst(%dma_wait3A_99 : memref<296x64xf32, #tpu.memory_space<hbm>>)
          tpu.yield
        }) : () -> ()
      } else {
      }
      %mul3A_39 = arith.constant 9472 : i32
      %mul3A_40 = arith.muli %add3A, %mul3A_39 : i32
      %mul3A_41 = arith.constant 296 : i32
      %mul3A_42 = arith.muli %add3A_28, %mul3A_41 : i32
      %add3A_43 = arith.addi %mul3A_40, %mul3A_42 : i32
      %add3A_44 = arith.constant 0 : i32
      %add3A_45 = arith.addi %add3A_44, %add3A_43 : i32
      "tpu.region"() ({
        %run_scoped3A = tpu.sem_alloc : memref<!tpu.dma_semaphore, #tpu.memory_space<semaphore_mem>>
        %dma_start3A_86 = tpu.memref_slice %arg3[%add3A_45] : memref<909312xi32, #tpu.memory_space<hbm>> -> memref<296xi32, #tpu.memory_space<hbm>>
        %dma_start3A_87 = tpu.memref_slice %arg3[%add3A_45] : memref<909312xi32, #tpu.memory_space<hbm>> -> memref<296xi32, #tpu.memory_space<hbm>>
        tpu.enqueue_dma source(%dma_start3A_87 : memref<296xi32, #tpu.memory_space<hbm>>) target(%arg14 : memref<296xi32, #tpu.memory_space<vmem>>) target_semaphore(%run_scoped3A : memref<!tpu.dma_semaphore, #tpu.memory_space<semaphore_mem>>)
        %dma_wait3A_88 = tpu.memref_slice %arg3[%add3A_45] : memref<909312xi32, #tpu.memory_space<hbm>> -> memref<296xi32, #tpu.memory_space<hbm>>
        %dma_wait3A_89 = tpu.memref_slice %arg3[%add3A_45] : memref<909312xi32, #tpu.memory_space<hbm>> -> memref<296xi32, #tpu.memory_space<hbm>>
        tpu.wait_dma2 semaphore(%run_scoped3A : memref<!tpu.dma_semaphore, #tpu.memory_space<semaphore_mem>>) src(%dma_wait3A_89 : memref<296xi32, #tpu.memory_space<hbm>>) dst(%arg14 : memref<296xi32, #tpu.memory_space<vmem>>)
        tpu.yield
      }) : () -> ()
      %add3A_46 = arith.constant 303104 : i32
      %add3A_47 = arith.addi %add3A_46, %add3A_43 : i32
      "tpu.region"() ({
        %run_scoped3A = tpu.sem_alloc : memref<!tpu.dma_semaphore, #tpu.memory_space<semaphore_mem>>
        %dma_start3A_86 = tpu.memref_slice %arg3[%add3A_47] : memref<909312xi32, #tpu.memory_space<hbm>> -> memref<296xi32, #tpu.memory_space<hbm>>
        %dma_start3A_87 = tpu.memref_slice %arg3[%add3A_47] : memref<909312xi32, #tpu.memory_space<hbm>> -> memref<296xi32, #tpu.memory_space<hbm>>
        tpu.enqueue_dma source(%dma_start3A_87 : memref<296xi32, #tpu.memory_space<hbm>>) target(%arg15 : memref<296xi32, #tpu.memory_space<vmem>>) target_semaphore(%run_scoped3A : memref<!tpu.dma_semaphore, #tpu.memory_space<semaphore_mem>>)
        %dma_wait3A_88 = tpu.memref_slice %arg3[%add3A_47] : memref<909312xi32, #tpu.memory_space<hbm>> -> memref<296xi32, #tpu.memory_space<hbm>>
        %dma_wait3A_89 = tpu.memref_slice %arg3[%add3A_47] : memref<909312xi32, #tpu.memory_space<hbm>> -> memref<296xi32, #tpu.memory_space<hbm>>
        tpu.wait_dma2 semaphore(%run_scoped3A : memref<!tpu.dma_semaphore, #tpu.memory_space<semaphore_mem>>) src(%dma_wait3A_89 : memref<296xi32, #tpu.memory_space<hbm>>) dst(%arg15 : memref<296xi32, #tpu.memory_space<vmem>>)
        tpu.yield
      }) : () -> ()
      %add3A_48 = arith.constant 606208 : i32
      %add3A_49 = arith.addi %add3A_48, %add3A_43 : i32
      "tpu.region"() ({
        %run_scoped3A = tpu.sem_alloc : memref<!tpu.dma_semaphore, #tpu.memory_space<semaphore_mem>>
        %dma_start3A_86 = tpu.memref_slice %arg3[%add3A_49] : memref<909312xi32, #tpu.memory_space<hbm>> -> memref<296xi32, #tpu.memory_space<hbm>>
        %dma_start3A_87 = tpu.memref_slice %arg3[%add3A_49] : memref<909312xi32, #tpu.memory_space<hbm>> -> memref<296xi32, #tpu.memory_space<hbm>>
        tpu.enqueue_dma source(%dma_start3A_87 : memref<296xi32, #tpu.memory_space<hbm>>) target(%arg16 : memref<296xi32, #tpu.memory_space<vmem>>) target_semaphore(%run_scoped3A : memref<!tpu.dma_semaphore, #tpu.memory_space<semaphore_mem>>)
        %dma_wait3A_88 = tpu.memref_slice %arg3[%add3A_49] : memref<909312xi32, #tpu.memory_space<hbm>> -> memref<296xi32, #tpu.memory_space<hbm>>
        %dma_wait3A_89 = tpu.memref_slice %arg3[%add3A_49] : memref<909312xi32, #tpu.memory_space<hbm>> -> memref<296xi32, #tpu.memory_space<hbm>>
        tpu.wait_dma2 semaphore(%run_scoped3A : memref<!tpu.dma_semaphore, #tpu.memory_space<semaphore_mem>>) src(%dma_wait3A_89 : memref<296xi32, #tpu.memory_space<hbm>>) dst(%arg16 : memref<296xi32, #tpu.memory_space<vmem>>)
        tpu.yield
      }) : () -> ()
      %dma_wait3A = arith.constant 0 : i32
      %dma_wait3A_50 = arith.constant 0 : i32
      %dma_wait3A_51 = tpu.memref_slice %arg2[%dma_wait3A, %dma_wait3A_50] : memref<50000x64xf32, #tpu.memory_space<hbm>> -> memref<50000x64xf32, #tpu.memory_space<hbm>>
      tpu.wait_indirect_dma semaphore(%arg17 : memref<!tpu.dma_semaphore, #tpu.memory_space<semaphore_mem>>) src(%dma_wait3A_51 : memref<50000x64xf32, #tpu.memory_space<hbm>>) dst(%arg5 : memref<296x64xf32, #tpu.memory_space<vmem>>)
      %dma_wait3A_52 = arith.constant 0 : i32
      %dma_wait3A_53 = arith.constant 0 : i32
      %dma_wait3A_54 = tpu.memref_slice %arg2[%dma_wait3A_52, %dma_wait3A_53] : memref<50000x64xf32, #tpu.memory_space<hbm>> -> memref<50000x64xf32, #tpu.memory_space<hbm>>
      tpu.wait_indirect_dma semaphore(%arg17 : memref<!tpu.dma_semaphore, #tpu.memory_space<semaphore_mem>>) src(%dma_wait3A_54 : memref<50000x64xf32, #tpu.memory_space<hbm>>) dst(%arg6 : memref<296x64xf32, #tpu.memory_space<vmem>>)
      %dma_wait3A_55 = arith.constant 0 : i32
      %dma_wait3A_56 = arith.constant 0 : i32
      %dma_wait3A_57 = tpu.memref_slice %arg2[%dma_wait3A_55, %dma_wait3A_56] : memref<50000x64xf32, #tpu.memory_space<hbm>> -> memref<50000x64xf32, #tpu.memory_space<hbm>>
      tpu.wait_indirect_dma semaphore(%arg17 : memref<!tpu.dma_semaphore, #tpu.memory_space<semaphore_mem>>) src(%dma_wait3A_57 : memref<50000x64xf32, #tpu.memory_space<hbm>>) dst(%arg7 : memref<296x64xf32, #tpu.memory_space<vmem>>)
      %dma_start3A_58 = arith.constant 0 : i32
      %dma_start3A_59 = arith.constant 0 : i32
      %dma_start3A_60 = tpu.memref_slice %arg2[%dma_start3A_58, %dma_start3A_59] : memref<50000x64xf32, #tpu.memory_space<hbm>> -> memref<50000x64xf32, #tpu.memory_space<hbm>>
      tpu.enqueue_indirect_dma source(%dma_start3A_60 : memref<50000x64xf32, #tpu.memory_space<hbm>>) target(%arg8 : memref<296x64xf32, #tpu.memory_space<vmem>>) offsets(%arg14 : memref<296xi32, #tpu.memory_space<vmem>>) semaphore(%arg18 : memref<!tpu.dma_semaphore, #tpu.memory_space<semaphore_mem>>)
      %dma_start3A_61 = arith.constant 0 : i32
      %dma_start3A_62 = arith.constant 0 : i32
      %dma_start3A_63 = tpu.memref_slice %arg2[%dma_start3A_61, %dma_start3A_62] : memref<50000x64xf32, #tpu.memory_space<hbm>> -> memref<50000x64xf32, #tpu.memory_space<hbm>>
      tpu.enqueue_indirect_dma source(%dma_start3A_63 : memref<50000x64xf32, #tpu.memory_space<hbm>>) target(%arg9 : memref<296x64xf32, #tpu.memory_space<vmem>>) offsets(%arg15 : memref<296xi32, #tpu.memory_space<vmem>>) semaphore(%arg18 : memref<!tpu.dma_semaphore, #tpu.memory_space<semaphore_mem>>)
      %dma_start3A_64 = arith.constant 0 : i32
      %dma_start3A_65 = arith.constant 0 : i32
      %dma_start3A_66 = tpu.memref_slice %arg2[%dma_start3A_64, %dma_start3A_65] : memref<50000x64xf32, #tpu.memory_space<hbm>> -> memref<50000x64xf32, #tpu.memory_space<hbm>>
      tpu.enqueue_indirect_dma source(%dma_start3A_66 : memref<50000x64xf32, #tpu.memory_space<hbm>>) target(%arg10 : memref<296x64xf32, #tpu.memory_space<vmem>>) offsets(%arg16 : memref<296xi32, #tpu.memory_space<vmem>>) semaphore(%arg18 : memref<!tpu.dma_semaphore, #tpu.memory_space<semaphore_mem>>)
      %mul3A_67 = arith.constant 9472 : i32
      %mul3A_68 = arith.muli %add3A, %mul3A_67 : i32
      %mul3A_69 = arith.constant 296 : i32
      %mul3A_70 = arith.muli %mul3A_24, %mul3A_69 : i32
      %add3A_71 = arith.addi %mul3A_68, %mul3A_70 : i32
      "tpu.region"() ({
        %run_scoped3A = tpu.sem_alloc : memref<!tpu.dma_semaphore, #tpu.memory_space<semaphore_mem>>
        %dma_start3A_86 = arith.constant 0 : i32
        %dma_start3A_87 = tpu.memref_slice %arg4[%add3A_71, %dma_start3A_86] : memref<303104x192xf32, #tpu.memory_space<hbm>> -> memref<296x64xf32, #tpu.memory_space<hbm>>
        %dma_start3A_88 = arith.constant 0 : i32
        %dma_start3A_89 = tpu.memref_slice %arg4[%add3A_71, %dma_start3A_88] : memref<303104x192xf32, #tpu.memory_space<hbm>> -> memref<296x64xf32, #tpu.memory_space<hbm>>
        tpu.enqueue_dma source(%arg5 : memref<296x64xf32, #tpu.memory_space<vmem>>) target(%dma_start3A_89 : memref<296x64xf32, #tpu.memory_space<hbm>>) target_semaphore(%run_scoped3A : memref<!tpu.dma_semaphore, #tpu.memory_space<semaphore_mem>>)
        %dma_wait3A_90 = arith.constant 0 : i32
        %dma_wait3A_91 = tpu.memref_slice %arg4[%add3A_71, %dma_wait3A_90] : memref<303104x192xf32, #tpu.memory_space<hbm>> -> memref<296x64xf32, #tpu.memory_space<hbm>>
        %dma_wait3A_92 = arith.constant 0 : i32
        %dma_wait3A_93 = tpu.memref_slice %arg4[%add3A_71, %dma_wait3A_92] : memref<303104x192xf32, #tpu.memory_space<hbm>> -> memref<296x64xf32, #tpu.memory_space<hbm>>
        tpu.wait_dma2 semaphore(%run_scoped3A : memref<!tpu.dma_semaphore, #tpu.memory_space<semaphore_mem>>) src(%arg5 : memref<296x64xf32, #tpu.memory_space<vmem>>) dst(%dma_wait3A_93 : memref<296x64xf32, #tpu.memory_space<hbm>>)
        tpu.yield
      }) : () -> ()
      "tpu.region"() ({
        %run_scoped3A = tpu.sem_alloc : memref<!tpu.dma_semaphore, #tpu.memory_space<semaphore_mem>>
        %dma_start3A_86 = arith.constant 64 : i32
        %dma_start3A_87 = tpu.memref_slice %arg4[%add3A_71, %dma_start3A_86] : memref<303104x192xf32, #tpu.memory_space<hbm>> -> memref<296x64xf32, #tpu.memory_space<hbm>>
        %dma_start3A_88 = arith.constant 64 : i32
        %dma_start3A_89 = tpu.memref_slice %arg4[%add3A_71, %dma_start3A_88] : memref<303104x192xf32, #tpu.memory_space<hbm>> -> memref<296x64xf32, #tpu.memory_space<hbm>>
        tpu.enqueue_dma source(%arg6 : memref<296x64xf32, #tpu.memory_space<vmem>>) target(%dma_start3A_89 : memref<296x64xf32, #tpu.memory_space<hbm>>) target_semaphore(%run_scoped3A : memref<!tpu.dma_semaphore, #tpu.memory_space<semaphore_mem>>)
        %dma_wait3A_90 = arith.constant 64 : i32
        %dma_wait3A_91 = tpu.memref_slice %arg4[%add3A_71, %dma_wait3A_90] : memref<303104x192xf32, #tpu.memory_space<hbm>> -> memref<296x64xf32, #tpu.memory_space<hbm>>
        %dma_wait3A_92 = arith.constant 64 : i32
        %dma_wait3A_93 = tpu.memref_slice %arg4[%add3A_71, %dma_wait3A_92] : memref<303104x192xf32, #tpu.memory_space<hbm>> -> memref<296x64xf32, #tpu.memory_space<hbm>>
        tpu.wait_dma2 semaphore(%run_scoped3A : memref<!tpu.dma_semaphore, #tpu.memory_space<semaphore_mem>>) src(%arg6 : memref<296x64xf32, #tpu.memory_space<vmem>>) dst(%dma_wait3A_93 : memref<296x64xf32, #tpu.memory_space<hbm>>)
        tpu.yield
      }) : () -> ()
      "tpu.region"() ({
        %run_scoped3A = tpu.sem_alloc : memref<!tpu.dma_semaphore, #tpu.memory_space<semaphore_mem>>
        %dma_start3A_86 = arith.constant 128 : i32
        %dma_start3A_87 = tpu.memref_slice %arg4[%add3A_71, %dma_start3A_86] : memref<303104x192xf32, #tpu.memory_space<hbm>> -> memref<296x64xf32, #tpu.memory_space<hbm>>
        %dma_start3A_88 = arith.constant 128 : i32
        %dma_start3A_89 = tpu.memref_slice %arg4[%add3A_71, %dma_start3A_88] : memref<303104x192xf32, #tpu.memory_space<hbm>> -> memref<296x64xf32, #tpu.memory_space<hbm>>
        tpu.enqueue_dma source(%arg7 : memref<296x64xf32, #tpu.memory_space<vmem>>) target(%dma_start3A_89 : memref<296x64xf32, #tpu.memory_space<hbm>>) target_semaphore(%run_scoped3A : memref<!tpu.dma_semaphore, #tpu.memory_space<semaphore_mem>>)
        %dma_wait3A_90 = arith.constant 128 : i32
        %dma_wait3A_91 = tpu.memref_slice %arg4[%add3A_71, %dma_wait3A_90] : memref<303104x192xf32, #tpu.memory_space<hbm>> -> memref<296x64xf32, #tpu.memory_space<hbm>>
        %dma_wait3A_92 = arith.constant 128 : i32
        %dma_wait3A_93 = tpu.memref_slice %arg4[%add3A_71, %dma_wait3A_92] : memref<303104x192xf32, #tpu.memory_space<hbm>> -> memref<296x64xf32, #tpu.memory_space<hbm>>
        tpu.wait_dma2 semaphore(%run_scoped3A : memref<!tpu.dma_semaphore, #tpu.memory_space<semaphore_mem>>) src(%arg7 : memref<296x64xf32, #tpu.memory_space<vmem>>) dst(%dma_wait3A_93 : memref<296x64xf32, #tpu.memory_space<hbm>>)
        tpu.yield
      }) : () -> ()
      %lt3A = arith.constant 15 : i32
      %lt3A_72 = arith.cmpi slt, %scan3A_21, %lt3A : i32
      %convert_element_type3A_73 = arith.extui %lt3A_72 : i1 to i32
      %cond3A_74 = arith.constant 0 : i32
      %cond3A_75 = arith.cmpi ne, %convert_element_type3A_73, %cond3A_74 : i32
      scf.if %cond3A_75 {
        %add3A_86 = arith.constant 2 : i32
        %add3A_87 = arith.addi %mul3A_24, %add3A_86 : i32
        %mul3A_88 = arith.constant 9472 : i32
        %mul3A_89 = arith.muli %add3A, %mul3A_88 : i32
        %mul3A_90 = arith.constant 296 : i32
        %mul3A_91 = arith.muli %add3A_87, %mul3A_90 : i32
        %add3A_92 = arith.addi %mul3A_89, %mul3A_91 : i32
        %add3A_93 = arith.constant 0 : i32
        %add3A_94 = arith.addi %add3A_93, %add3A_92 : i32
        "tpu.region"() ({
          %run_scoped3A = tpu.sem_alloc : memref<!tpu.dma_semaphore, #tpu.memory_space<semaphore_mem>>
          %dma_start3A_99 = tpu.memref_slice %arg3[%add3A_94] : memref<909312xi32, #tpu.memory_space<hbm>> -> memref<296xi32, #tpu.memory_space<hbm>>
          %dma_start3A_100 = tpu.memref_slice %arg3[%add3A_94] : memref<909312xi32, #tpu.memory_space<hbm>> -> memref<296xi32, #tpu.memory_space<hbm>>
          tpu.enqueue_dma source(%dma_start3A_100 : memref<296xi32, #tpu.memory_space<hbm>>) target(%arg11 : memref<296xi32, #tpu.memory_space<vmem>>) target_semaphore(%run_scoped3A : memref<!tpu.dma_semaphore, #tpu.memory_space<semaphore_mem>>)
          %dma_wait3A_101 = tpu.memref_slice %arg3[%add3A_94] : memref<909312xi32, #tpu.memory_space<hbm>> -> memref<296xi32, #tpu.memory_space<hbm>>
          %dma_wait3A_102 = tpu.memref_slice %arg3[%add3A_94] : memref<909312xi32, #tpu.memory_space<hbm>> -> memref<296xi32, #tpu.memory_space<hbm>>
          tpu.wait_dma2 semaphore(%run_scoped3A : memref<!tpu.dma_semaphore, #tpu.memory_space<semaphore_mem>>) src(%dma_wait3A_102 : memref<296xi32, #tpu.memory_space<hbm>>) dst(%arg11 : memref<296xi32, #tpu.memory_space<vmem>>)
          tpu.yield
        }) : () -> ()
        %add3A_95 = arith.constant 303104 : i32
        %add3A_96 = arith.addi %add3A_95, %add3A_92 : i32
        "tpu.region"() ({
          %run_scoped3A = tpu.sem_alloc : memref<!tpu.dma_semaphore, #tpu.memory_space<semaphore_mem>>
          %dma_start3A_99 = tpu.memref_slice %arg3[%add3A_96] : memref<909312xi32, #tpu.memory_space<hbm>> -> memref<296xi32, #tpu.memory_space<hbm>>
          %dma_start3A_100 = tpu.memref_slice %arg3[%add3A_96] : memref<909312xi32, #tpu.memory_space<hbm>> -> memref<296xi32, #tpu.memory_space<hbm>>
          tpu.enqueue_dma source(%dma_start3A_100 : memref<296xi32, #tpu.memory_space<hbm>>) target(%arg12 : memref<296xi32, #tpu.memory_space<vmem>>) target_semaphore(%run_scoped3A : memref<!tpu.dma_semaphore, #tpu.memory_space<semaphore_mem>>)
          %dma_wait3A_101 = tpu.memref_slice %arg3[%add3A_96] : memref<909312xi32, #tpu.memory_space<hbm>> -> memref<296xi32, #tpu.memory_space<hbm>>
          %dma_wait3A_102 = tpu.memref_slice %arg3[%add3A_96] : memref<909312xi32, #tpu.memory_space<hbm>> -> memref<296xi32, #tpu.memory_space<hbm>>
          tpu.wait_dma2 semaphore(%run_scoped3A : memref<!tpu.dma_semaphore, #tpu.memory_space<semaphore_mem>>) src(%dma_wait3A_102 : memref<296xi32, #tpu.memory_space<hbm>>) dst(%arg12 : memref<296xi32, #tpu.memory_space<vmem>>)
          tpu.yield
        }) : () -> ()
        %add3A_97 = arith.constant 606208 : i32
        %add3A_98 = arith.addi %add3A_97, %add3A_92 : i32
        "tpu.region"() ({
          %run_scoped3A = tpu.sem_alloc : memref<!tpu.dma_semaphore, #tpu.memory_space<semaphore_mem>>
          %dma_start3A_99 = tpu.memref_slice %arg3[%add3A_98] : memref<909312xi32, #tpu.memory_space<hbm>> -> memref<296xi32, #tpu.memory_space<hbm>>
          %dma_start3A_100 = tpu.memref_slice %arg3[%add3A_98] : memref<909312xi32, #tpu.memory_space<hbm>> -> memref<296xi32, #tpu.memory_space<hbm>>
          tpu.enqueue_dma source(%dma_start3A_100 : memref<296xi32, #tpu.memory_space<hbm>>) target(%arg13 : memref<296xi32, #tpu.memory_space<vmem>>) target_semaphore(%run_scoped3A : memref<!tpu.dma_semaphore, #tpu.memory_space<semaphore_mem>>)
          %dma_wait3A_101 = tpu.memref_slice %arg3[%add3A_98] : memref<909312xi32, #tpu.memory_space<hbm>> -> memref<296xi32, #tpu.memory_space<hbm>>
          %dma_wait3A_102 = tpu.memref_slice %arg3[%add3A_98] : memref<909312xi32, #tpu.memory_space<hbm>> -> memref<296xi32, #tpu.memory_space<hbm>>
          tpu.wait_dma2 semaphore(%run_scoped3A : memref<!tpu.dma_semaphore, #tpu.memory_space<semaphore_mem>>) src(%dma_wait3A_102 : memref<296xi32, #tpu.memory_space<hbm>>) dst(%arg13 : memref<296xi32, #tpu.memory_space<vmem>>)
          tpu.yield
        }) : () -> ()
      } else {
      }
      %dma_wait3A_76 = arith.constant 0 : i32
      %dma_wait3A_77 = arith.constant 0 : i32
      %dma_wait3A_78 = tpu.memref_slice %arg2[%dma_wait3A_76, %dma_wait3A_77] : memref<50000x64xf32, #tpu.memory_space<hbm>> -> memref<50000x64xf32, #tpu.memory_space<hbm>>
      tpu.wait_indirect_dma semaphore(%arg18 : memref<!tpu.dma_semaphore, #tpu.memory_space<semaphore_mem>>) src(%dma_wait3A_78 : memref<50000x64xf32, #tpu.memory_space<hbm>>) dst(%arg8 : memref<296x64xf32, #tpu.memory_space<vmem>>)
      %dma_wait3A_79 = arith.constant 0 : i32
      %dma_wait3A_80 = arith.constant 0 : i32
      %dma_wait3A_81 = tpu.memref_slice %arg2[%dma_wait3A_79, %dma_wait3A_80] : memref<50000x64xf32, #tpu.memory_space<hbm>> -> memref<50000x64xf32, #tpu.memory_space<hbm>>
      tpu.wait_indirect_dma semaphore(%arg18 : memref<!tpu.dma_semaphore, #tpu.memory_space<semaphore_mem>>) src(%dma_wait3A_81 : memref<50000x64xf32, #tpu.memory_space<hbm>>) dst(%arg9 : memref<296x64xf32, #tpu.memory_space<vmem>>)
      %dma_wait3A_82 = arith.constant 0 : i32
      %dma_wait3A_83 = arith.constant 0 : i32
      %dma_wait3A_84 = tpu.memref_slice %arg2[%dma_wait3A_82, %dma_wait3A_83] : memref<50000x64xf32, #tpu.memory_space<hbm>> -> memref<50000x64xf32, #tpu.memory_space<hbm>>
      tpu.wait_indirect_dma semaphore(%arg18 : memref<!tpu.dma_semaphore, #tpu.memory_space<semaphore_mem>>) src(%dma_wait3A_84 : memref<50000x64xf32, #tpu.memory_space<hbm>>) dst(%arg10 : memref<296x64xf32, #tpu.memory_space<vmem>>)
      %scan3A_85 = arith.constant 0 : i32
      scf.yield %scan3A_85 : i32
    }
    %scan3A_16 = arith.constant 16 : i32
    %mul3A_17 = arith.constant 9472 : i32
    %mul3A_18 = arith.muli %add3A, %mul3A_17 : i32
    %add3A_19 = arith.constant 9176 : i32
    %add3A_20 = arith.addi %mul3A_18, %add3A_19 : i32
    "tpu.region"() ({
      %run_scoped3A = tpu.sem_alloc : memref<!tpu.dma_semaphore, #tpu.memory_space<semaphore_mem>>
      %dma_start3A = arith.constant 0 : i32
      %dma_start3A_21 = tpu.memref_slice %arg4[%add3A_20, %dma_start3A] : memref<303104x192xf32, #tpu.memory_space<hbm>> -> memref<296x64xf32, #tpu.memory_space<hbm>>
      %dma_start3A_22 = arith.constant 0 : i32
      %dma_start3A_23 = tpu.memref_slice %arg4[%add3A_20, %dma_start3A_22] : memref<303104x192xf32, #tpu.memory_space<hbm>> -> memref<296x64xf32, #tpu.memory_space<hbm>>
      tpu.enqueue_dma source(%arg8 : memref<296x64xf32, #tpu.memory_space<vmem>>) target(%dma_start3A_23 : memref<296x64xf32, #tpu.memory_space<hbm>>) target_semaphore(%run_scoped3A : memref<!tpu.dma_semaphore, #tpu.memory_space<semaphore_mem>>)
      %dma_wait3A = arith.constant 0 : i32
      %dma_wait3A_24 = tpu.memref_slice %arg4[%add3A_20, %dma_wait3A] : memref<303104x192xf32, #tpu.memory_space<hbm>> -> memref<296x64xf32, #tpu.memory_space<hbm>>
      %dma_wait3A_25 = arith.constant 0 : i32
      %dma_wait3A_26 = tpu.memref_slice %arg4[%add3A_20, %dma_wait3A_25] : memref<303104x192xf32, #tpu.memory_space<hbm>> -> memref<296x64xf32, #tpu.memory_space<hbm>>
      tpu.wait_dma2 semaphore(%run_scoped3A : memref<!tpu.dma_semaphore, #tpu.memory_space<semaphore_mem>>) src(%arg8 : memref<296x64xf32, #tpu.memory_space<vmem>>) dst(%dma_wait3A_26 : memref<296x64xf32, #tpu.memory_space<hbm>>)
      tpu.yield
    }) : () -> ()
    "tpu.region"() ({
      %run_scoped3A = tpu.sem_alloc : memref<!tpu.dma_semaphore, #tpu.memory_space<semaphore_mem>>
      %dma_start3A = arith.constant 64 : i32
      %dma_start3A_21 = tpu.memref_slice %arg4[%add3A_20, %dma_start3A] : memref<303104x192xf32, #tpu.memory_space<hbm>> -> memref<296x64xf32, #tpu.memory_space<hbm>>
      %dma_start3A_22 = arith.constant 64 : i32
      %dma_start3A_23 = tpu.memref_slice %arg4[%add3A_20, %dma_start3A_22] : memref<303104x192xf32, #tpu.memory_space<hbm>> -> memref<296x64xf32, #tpu.memory_space<hbm>>
      tpu.enqueue_dma source(%arg9 : memref<296x64xf32, #tpu.memory_space<vmem>>) target(%dma_start3A_23 : memref<296x64xf32, #tpu.memory_space<hbm>>) target_semaphore(%run_scoped3A : memref<!tpu.dma_semaphore, #tpu.memory_space<semaphore_mem>>)
      %dma_wait3A = arith.constant 64 : i32
      %dma_wait3A_24 = tpu.memref_slice %arg4[%add3A_20, %dma_wait3A] : memref<303104x192xf32, #tpu.memory_space<hbm>> -> memref<296x64xf32, #tpu.memory_space<hbm>>
      %dma_wait3A_25 = arith.constant 64 : i32
      %dma_wait3A_26 = tpu.memref_slice %arg4[%add3A_20, %dma_wait3A_25] : memref<303104x192xf32, #tpu.memory_space<hbm>> -> memref<296x64xf32, #tpu.memory_space<hbm>>
      tpu.wait_dma2 semaphore(%run_scoped3A : memref<!tpu.dma_semaphore, #tpu.memory_space<semaphore_mem>>) src(%arg9 : memref<296x64xf32, #tpu.memory_space<vmem>>) dst(%dma_wait3A_26 : memref<296x64xf32, #tpu.memory_space<hbm>>)
      tpu.yield
    }) : () -> ()
    "tpu.region"() ({
      %run_scoped3A = tpu.sem_alloc : memref<!tpu.dma_semaphore, #tpu.memory_space<semaphore_mem>>
      %dma_start3A = arith.constant 128 : i32
      %dma_start3A_21 = tpu.memref_slice %arg4[%add3A_20, %dma_start3A] : memref<303104x192xf32, #tpu.memory_space<hbm>> -> memref<296x64xf32, #tpu.memory_space<hbm>>
      %dma_start3A_22 = arith.constant 128 : i32
      %dma_start3A_23 = tpu.memref_slice %arg4[%add3A_20, %dma_start3A_22] : memref<303104x192xf32, #tpu.memory_space<hbm>> -> memref<296x64xf32, #tpu.memory_space<hbm>>
      tpu.enqueue_dma source(%arg10 : memref<296x64xf32, #tpu.memory_space<vmem>>) target(%dma_start3A_23 : memref<296x64xf32, #tpu.memory_space<hbm>>) target_semaphore(%run_scoped3A : memref<!tpu.dma_semaphore, #tpu.memory_space<semaphore_mem>>)
      %dma_wait3A = arith.constant 128 : i32
      %dma_wait3A_24 = tpu.memref_slice %arg4[%add3A_20, %dma_wait3A] : memref<303104x192xf32, #tpu.memory_space<hbm>> -> memref<296x64xf32, #tpu.memory_space<hbm>>
      %dma_wait3A_25 = arith.constant 128 : i32
      %dma_wait3A_26 = tpu.memref_slice %arg4[%add3A_20, %dma_wait3A_25] : memref<303104x192xf32, #tpu.memory_space<hbm>> -> memref<296x64xf32, #tpu.memory_space<hbm>>
      tpu.wait_dma2 semaphore(%run_scoped3A : memref<!tpu.dma_semaphore, #tpu.memory_space<semaphore_mem>>) src(%arg10 : memref<296x64xf32, #tpu.memory_space<vmem>>) dst(%dma_wait3A_26 : memref<296x64xf32, #tpu.memory_space<hbm>>)
      tpu.yield
    }) : () -> ()
    return
  }
}

#map = affine_map<(d0, d1) -> (0, 0)>
#map1 = affine_map<(d0, d1) -> (0)>
module attributes {stable_mosaic.version = 14 : i64} {
  func.func @_sc_gather_body(%arg0: i32, %arg1: i32, %arg2: memref<50000x64xf32, #tpu.memory_space<hbm>>, %arg3: memref<909312xi32, #tpu.memory_space<hbm>>, %arg4: memref<303104x192xf32, #tpu.memory_space<hbm>>, %arg5: memref<296x64xf32, #tpu.memory_space<vmem>>, %arg6: memref<296x64xf32, #tpu.memory_space<vmem>>, %arg7: memref<296x64xf32, #tpu.memory_space<vmem>>, %arg8: memref<296x64xf32, #tpu.memory_space<vmem>>, %arg9: memref<296x64xf32, #tpu.memory_space<vmem>>, %arg10: memref<296x64xf32, #tpu.memory_space<vmem>>, %arg11: memref<296xi32, #tpu.memory_space<vmem>>, %arg12: memref<296xi32, #tpu.memory_space<vmem>>, %arg13: memref<296xi32, #tpu.memory_space<vmem>>, %arg14: memref<296xi32, #tpu.memory_space<vmem>>, %arg15: memref<296xi32, #tpu.memory_space<vmem>>, %arg16: memref<296xi32, #tpu.memory_space<vmem>>, %arg17: memref<!tpu.dma_semaphore, #tpu.memory_space<semaphore_mem>>, %arg18: memref<!tpu.dma_semaphore, #tpu.memory_space<semaphore_mem>>) attributes {dimension_semantics = [#tpu.dimension_semantics<core_parallel>, #tpu.dimension_semantics<subcore_parallel>], iteration_bounds = array<i64: 2, 16>, scalar_prefetch = 0 : i64, scratch_operands = 14 : i64, tpu.core_type = #tpu.core_type<sc_vector_subcore>, window_params = [{transform_indices = #map}, {transform_indices = #map1}, {transform_indices = #map}]} {
    %mul3A = arith.constant 2 : i32
    %mul3A_0 = arith.muli %arg1, %mul3A : i32
    %add3A = arith.addi %mul3A_0, %arg0 : i32
    %mul3A_1 = arith.constant 9472 : i32
    %mul3A_2 = arith.muli %add3A, %mul3A_1 : i32
    %add3A_3 = arith.constant 0 : i32
    %add3A_4 = arith.addi %mul3A_2, %add3A_3 : i32
    %add3A_5 = arith.constant 0 : i32
    %add3A_6 = arith.addi %add3A_5, %add3A_4 : i32
    "tpu.region"() ({
      %run_scoped3A = tpu.sem_alloc : memref<!tpu.dma_semaphore, #tpu.memory_space<semaphore_mem>>
      %dma_start3A = tpu.memref_slice %arg3[%add3A_6] : memref<909312xi32, #tpu.memory_space<hbm>> -> memref<296xi32, #tpu.memory_space<hbm>>
      %dma_start3A_21 = tpu.memref_slice %arg3[%add3A_6] : memref<909312xi32, #tpu.memory_space<hbm>> -> memref<296xi32, #tpu.memory_space<hbm>>
      tpu.enqueue_dma source(%dma_start3A_21 : memref<296xi32, #tpu.memory_space<hbm>>) target(%arg11 : memref<296xi32, #tpu.memory_space<vmem>>) target_semaphore(%run_scoped3A : memref<!tpu.dma_semaphore, #tpu.memory_space<semaphore_mem>>)
      %dma_wait3A = tpu.memref_slice %arg3[%add3A_6] : memref<909312xi32, #tpu.memory_space<hbm>> -> memref<296xi32, #tpu.memory_space<hbm>>
      %dma_wait3A_22 = tpu.memref_slice %arg3[%add3A_6] : memref<909312xi32, #tpu.memory_space<hbm>> -> memref<296xi32, #tpu.memory_space<hbm>>
      tpu.wait_dma2 semaphore(%run_scoped3A : memref<!tpu.dma_semaphore, #tpu.memory_space<semaphore_mem>>) src(%dma_wait3A_22 : memref<296xi32, #tpu.memory_space<hbm>>) dst(%arg11 : memref<296xi32, #tpu.memory_space<vmem>>)
      tpu.yield
    }) : () -> ()
    %add3A_7 = arith.constant 303104 : i32
    %add3A_8 = arith.addi %add3A_7, %add3A_4 : i32
    "tpu.region"() ({
      %run_scoped3A = tpu.sem_alloc : memref<!tpu.dma_semaphore, #tpu.memory_space<semaphore_mem>>
      %dma_start3A = tpu.memref_slice %arg3[%add3A_8] : memref<909312xi32, #tpu.memory_space<hbm>> -> memref<296xi32, #tpu.memory_space<hbm>>
      %dma_start3A_21 = tpu.memref_slice %arg3[%add3A_8] : memref<909312xi32, #tpu.memory_space<hbm>> -> memref<296xi32, #tpu.memory_space<hbm>>
      tpu.enqueue_dma source(%dma_start3A_21 : memref<296xi32, #tpu.memory_space<hbm>>) target(%arg12 : memref<296xi32, #tpu.memory_space<vmem>>) target_semaphore(%run_scoped3A : memref<!tpu.dma_semaphore, #tpu.memory_space<semaphore_mem>>)
      %dma_wait3A = tpu.memref_slice %arg3[%add3A_8] : memref<909312xi32, #tpu.memory_space<hbm>> -> memref<296xi32, #tpu.memory_space<hbm>>
      %dma_wait3A_22 = tpu.memref_slice %arg3[%add3A_8] : memref<909312xi32, #tpu.memory_space<hbm>> -> memref<296xi32, #tpu.memory_space<hbm>>
      tpu.wait_dma2 semaphore(%run_scoped3A : memref<!tpu.dma_semaphore, #tpu.memory_space<semaphore_mem>>) src(%dma_wait3A_22 : memref<296xi32, #tpu.memory_space<hbm>>) dst(%arg12 : memref<296xi32, #tpu.memory_space<vmem>>)
      tpu.yield
    }) : () -> ()
    %add3A_9 = arith.constant 606208 : i32
    %add3A_10 = arith.addi %add3A_9, %add3A_4 : i32
    "tpu.region"() ({
      %run_scoped3A = tpu.sem_alloc : memref<!tpu.dma_semaphore, #tpu.memory_space<semaphore_mem>>
      %dma_start3A = tpu.memref_slice %arg3[%add3A_10] : memref<909312xi32, #tpu.memory_space<hbm>> -> memref<296xi32, #tpu.memory_space<hbm>>
      %dma_start3A_21 = tpu.memref_slice %arg3[%add3A_10] : memref<909312xi32, #tpu.memory_space<hbm>> -> memref<296xi32, #tpu.memory_space<hbm>>
      tpu.enqueue_dma source(%dma_start3A_21 : memref<296xi32, #tpu.memory_space<hbm>>) target(%arg13 : memref<296xi32, #tpu.memory_space<vmem>>) target_semaphore(%run_scoped3A : memref<!tpu.dma_semaphore, #tpu.memory_space<semaphore_mem>>)
      %dma_wait3A = tpu.memref_slice %arg3[%add3A_10] : memref<909312xi32, #tpu.memory_space<hbm>> -> memref<296xi32, #tpu.memory_space<hbm>>
      %dma_wait3A_22 = tpu.memref_slice %arg3[%add3A_10] : memref<909312xi32, #tpu.memory_space<hbm>> -> memref<296xi32, #tpu.memory_space<hbm>>
      tpu.wait_dma2 semaphore(%run_scoped3A : memref<!tpu.dma_semaphore, #tpu.memory_space<semaphore_mem>>) src(%dma_wait3A_22 : memref<296xi32, #tpu.memory_space<hbm>>) dst(%arg13 : memref<296xi32, #tpu.memory_space<vmem>>)
      tpu.yield
    }) : () -> ()
    %scan3A = arith.constant 0 : i32
    %scan3A_11 = arith.constant 0 : i32
    %scan3A_12 = arith.constant 16 : i32
    %scan3A_13 = arith.addi %scan3A_11, %scan3A_12 : i32
    %scan3A_14 = arith.constant 1 : i32
    %scan3A_15 = scf.for %scan3A_21 = %scan3A_11 to %scan3A_13 step %scan3A_14 iter_args(%scan3A_22 = %scan3A) -> (i32)  : i32 {
      %mul3A_23 = arith.constant 2 : i32
      %mul3A_24 = arith.muli %mul3A_23, %scan3A_21 : i32
      %mul3A_25 = arith.constant 2 : i32
      %mul3A_26 = arith.muli %mul3A_25, %scan3A_21 : i32
      %add3A_27 = arith.constant 1 : i32
      %add3A_28 = arith.addi %mul3A_26, %add3A_27 : i32
      %dma_start3A = arith.constant 0 : i32
      %dma_start3A_29 = arith.constant 0 : i32
      %dma_start3A_30 = tpu.memref_slice %arg2[%dma_start3A, %dma_start3A_29] : memref<50000x64xf32, #tpu.memory_space<hbm>> -> memref<50000x64xf32, #tpu.memory_space<hbm>>
      tpu.enqueue_indirect_dma source(%dma_start3A_30 : memref<50000x64xf32, #tpu.memory_space<hbm>>) target(%arg5 : memref<296x64xf32, #tpu.memory_space<vmem>>) offsets(%arg11 : memref<296xi32, #tpu.memory_space<vmem>>) semaphore(%arg17 : memref<!tpu.dma_semaphore, #tpu.memory_space<semaphore_mem>>)
      %dma_start3A_31 = arith.constant 0 : i32
      %dma_start3A_32 = arith.constant 0 : i32
      %dma_start3A_33 = tpu.memref_slice %arg2[%dma_start3A_31, %dma_start3A_32] : memref<50000x64xf32, #tpu.memory_space<hbm>> -> memref<50000x64xf32, #tpu.memory_space<hbm>>
      tpu.enqueue_indirect_dma source(%dma_start3A_33 : memref<50000x64xf32, #tpu.memory_space<hbm>>) target(%arg6 : memref<296x64xf32, #tpu.memory_space<vmem>>) offsets(%arg12 : memref<296xi32, #tpu.memory_space<vmem>>) semaphore(%arg17 : memref<!tpu.dma_semaphore, #tpu.memory_space<semaphore_mem>>)
      %dma_start3A_34 = arith.constant 0 : i32
      %dma_start3A_35 = arith.constant 0 : i32
      %dma_start3A_36 = tpu.memref_slice %arg2[%dma_start3A_34, %dma_start3A_35] : memref<50000x64xf32, #tpu.memory_space<hbm>> -> memref<50000x64xf32, #tpu.memory_space<hbm>>
      tpu.enqueue_indirect_dma source(%dma_start3A_36 : memref<50000x64xf32, #tpu.memory_space<hbm>>) target(%arg7 : memref<296x64xf32, #tpu.memory_space<vmem>>) offsets(%arg13 : memref<296xi32, #tpu.memory_space<vmem>>) semaphore(%arg17 : memref<!tpu.dma_semaphore, #tpu.memory_space<semaphore_mem>>)
      %gt3A = arith.constant 0 : i32
      %gt3A_37 = arith.cmpi sgt, %scan3A_21, %gt3A : i32
      %convert_element_type3A = arith.extui %gt3A_37 : i1 to i32
      %cond3A = arith.constant 0 : i32
      %cond3A_38 = arith.cmpi ne, %convert_element_type3A, %cond3A : i32
      scf.if %cond3A_38 {
        %sub3A = arith.constant 2 : i32
        %sub3A_86 = arith.subi %add3A_28, %sub3A : i32
        %mul3A_87 = arith.constant 9472 : i32
        %mul3A_88 = arith.muli %add3A, %mul3A_87 : i32
        %mul3A_89 = arith.constant 296 : i32
        %mul3A_90 = arith.muli %sub3A_86, %mul3A_89 : i32
        %add3A_91 = arith.addi %mul3A_88, %mul3A_90 : i32
        "tpu.region"() ({
          %run_scoped3A = tpu.sem_alloc : memref<!tpu.dma_semaphore, #tpu.memory_space<semaphore_mem>>
          %dma_start3A_92 = arith.constant 0 : i32
          %dma_start3A_93 = tpu.memref_slice %arg4[%add3A_91, %dma_start3A_92] : memref<303104x192xf32, #tpu.memory_space<hbm>> -> memref<296x64xf32, #tpu.memory_space<hbm>>
          %dma_start3A_94 = arith.constant 0 : i32
          %dma_start3A_95 = tpu.memref_slice %arg4[%add3A_91, %dma_start3A_94] : memref<303104x192xf32, #tpu.memory_space<hbm>> -> memref<296x64xf32, #tpu.memory_space<hbm>>
          tpu.enqueue_dma source(%arg8 : memref<296x64xf32, #tpu.memory_space<vmem>>) target(%dma_start3A_95 : memref<296x64xf32, #tpu.memory_space<hbm>>) target_semaphore(%run_scoped3A : memref<!tpu.dma_semaphore, #tpu.memory_space<semaphore_mem>>)
          %dma_wait3A_96 = arith.constant 0 : i32
          %dma_wait3A_97 = tpu.memref_slice %arg4[%add3A_91, %dma_wait3A_96] : memref<303104x192xf32, #tpu.memory_space<hbm>> -> memref<296x64xf32, #tpu.memory_space<hbm>>
          %dma_wait3A_98 = arith.constant 0 : i32
          %dma_wait3A_99 = tpu.memref_slice %arg4[%add3A_91, %dma_wait3A_98] : memref<303104x192xf32, #tpu.memory_space<hbm>> -> memref<296x64xf32, #tpu.memory_space<hbm>>
          tpu.wait_dma2 semaphore(%run_scoped3A : memref<!tpu.dma_semaphore, #tpu.memory_space<semaphore_mem>>) src(%arg8 : memref<296x64xf32, #tpu.memory_space<vmem>>) dst(%dma_wait3A_99 : memref<296x64xf32, #tpu.memory_space<hbm>>)
          tpu.yield
        }) : () -> ()
        "tpu.region"() ({
          %run_scoped3A = tpu.sem_alloc : memref<!tpu.dma_semaphore, #tpu.memory_space<semaphore_mem>>
          %dma_start3A_92 = arith.constant 64 : i32
          %dma_start3A_93 = tpu.memref_slice %arg4[%add3A_91, %dma_start3A_92] : memref<303104x192xf32, #tpu.memory_space<hbm>> -> memref<296x64xf32, #tpu.memory_space<hbm>>
          %dma_start3A_94 = arith.constant 64 : i32
          %dma_start3A_95 = tpu.memref_slice %arg4[%add3A_91, %dma_start3A_94] : memref<303104x192xf32, #tpu.memory_space<hbm>> -> memref<296x64xf32, #tpu.memory_space<hbm>>
          tpu.enqueue_dma source(%arg9 : memref<296x64xf32, #tpu.memory_space<vmem>>) target(%dma_start3A_95 : memref<296x64xf32, #tpu.memory_space<hbm>>) target_semaphore(%run_scoped3A : memref<!tpu.dma_semaphore, #tpu.memory_space<semaphore_mem>>)
          %dma_wait3A_96 = arith.constant 64 : i32
          %dma_wait3A_97 = tpu.memref_slice %arg4[%add3A_91, %dma_wait3A_96] : memref<303104x192xf32, #tpu.memory_space<hbm>> -> memref<296x64xf32, #tpu.memory_space<hbm>>
          %dma_wait3A_98 = arith.constant 64 : i32
          %dma_wait3A_99 = tpu.memref_slice %arg4[%add3A_91, %dma_wait3A_98] : memref<303104x192xf32, #tpu.memory_space<hbm>> -> memref<296x64xf32, #tpu.memory_space<hbm>>
          tpu.wait_dma2 semaphore(%run_scoped3A : memref<!tpu.dma_semaphore, #tpu.memory_space<semaphore_mem>>) src(%arg9 : memref<296x64xf32, #tpu.memory_space<vmem>>) dst(%dma_wait3A_99 : memref<296x64xf32, #tpu.memory_space<hbm>>)
          tpu.yield
        }) : () -> ()
        "tpu.region"() ({
          %run_scoped3A = tpu.sem_alloc : memref<!tpu.dma_semaphore, #tpu.memory_space<semaphore_mem>>
          %dma_start3A_92 = arith.constant 128 : i32
          %dma_start3A_93 = tpu.memref_slice %arg4[%add3A_91, %dma_start3A_92] : memref<303104x192xf32, #tpu.memory_space<hbm>> -> memref<296x64xf32, #tpu.memory_space<hbm>>
          %dma_start3A_94 = arith.constant 128 : i32
          %dma_start3A_95 = tpu.memref_slice %arg4[%add3A_91, %dma_start3A_94] : memref<303104x192xf32, #tpu.memory_space<hbm>> -> memref<296x64xf32, #tpu.memory_space<hbm>>
          tpu.enqueue_dma source(%arg10 : memref<296x64xf32, #tpu.memory_space<vmem>>) target(%dma_start3A_95 : memref<296x64xf32, #tpu.memory_space<hbm>>) target_semaphore(%run_scoped3A : memref<!tpu.dma_semaphore, #tpu.memory_space<semaphore_mem>>)
          %dma_wait3A_96 = arith.constant 128 : i32
          %dma_wait3A_97 = tpu.memref_slice %arg4[%add3A_91, %dma_wait3A_96] : memref<303104x192xf32, #tpu.memory_space<hbm>> -> memref<296x64xf32, #tpu.memory_space<hbm>>
          %dma_wait3A_98 = arith.constant 128 : i32
          %dma_wait3A_99 = tpu.memref_slice %arg4[%add3A_91, %dma_wait3A_98] : memref<303104x192xf32, #tpu.memory_space<hbm>> -> memref<296x64xf32, #tpu.memory_space<hbm>>
          tpu.wait_dma2 semaphore(%run_scoped3A : memref<!tpu.dma_semaphore, #tpu.memory_space<semaphore_mem>>) src(%arg10 : memref<296x64xf32, #tpu.memory_space<vmem>>) dst(%dma_wait3A_99 : memref<296x64xf32, #tpu.memory_space<hbm>>)
          tpu.yield
        }) : () -> ()
      } else {
      }
      %mul3A_39 = arith.constant 9472 : i32
      %mul3A_40 = arith.muli %add3A, %mul3A_39 : i32
      %mul3A_41 = arith.constant 296 : i32
      %mul3A_42 = arith.muli %add3A_28, %mul3A_41 : i32
      %add3A_43 = arith.addi %mul3A_40, %mul3A_42 : i32
      %add3A_44 = arith.constant 0 : i32
      %add3A_45 = arith.addi %add3A_44, %add3A_43 : i32
      "tpu.region"() ({
        %run_scoped3A = tpu.sem_alloc : memref<!tpu.dma_semaphore, #tpu.memory_space<semaphore_mem>>
        %dma_start3A_86 = tpu.memref_slice %arg3[%add3A_45] : memref<909312xi32, #tpu.memory_space<hbm>> -> memref<296xi32, #tpu.memory_space<hbm>>
        %dma_start3A_87 = tpu.memref_slice %arg3[%add3A_45] : memref<909312xi32, #tpu.memory_space<hbm>> -> memref<296xi32, #tpu.memory_space<hbm>>
        tpu.enqueue_dma source(%dma_start3A_87 : memref<296xi32, #tpu.memory_space<hbm>>) target(%arg14 : memref<296xi32, #tpu.memory_space<vmem>>) target_semaphore(%run_scoped3A : memref<!tpu.dma_semaphore, #tpu.memory_space<semaphore_mem>>)
        %dma_wait3A_88 = tpu.memref_slice %arg3[%add3A_45] : memref<909312xi32, #tpu.memory_space<hbm>> -> memref<296xi32, #tpu.memory_space<hbm>>
        %dma_wait3A_89 = tpu.memref_slice %arg3[%add3A_45] : memref<909312xi32, #tpu.memory_space<hbm>> -> memref<296xi32, #tpu.memory_space<hbm>>
        tpu.wait_dma2 semaphore(%run_scoped3A : memref<!tpu.dma_semaphore, #tpu.memory_space<semaphore_mem>>) src(%dma_wait3A_89 : memref<296xi32, #tpu.memory_space<hbm>>) dst(%arg14 : memref<296xi32, #tpu.memory_space<vmem>>)
        tpu.yield
      }) : () -> ()
      %add3A_46 = arith.constant 303104 : i32
      %add3A_47 = arith.addi %add3A_46, %add3A_43 : i32
      "tpu.region"() ({
        %run_scoped3A = tpu.sem_alloc : memref<!tpu.dma_semaphore, #tpu.memory_space<semaphore_mem>>
        %dma_start3A_86 = tpu.memref_slice %arg3[%add3A_47] : memref<909312xi32, #tpu.memory_space<hbm>> -> memref<296xi32, #tpu.memory_space<hbm>>
        %dma_start3A_87 = tpu.memref_slice %arg3[%add3A_47] : memref<909312xi32, #tpu.memory_space<hbm>> -> memref<296xi32, #tpu.memory_space<hbm>>
        tpu.enqueue_dma source(%dma_start3A_87 : memref<296xi32, #tpu.memory_space<hbm>>) target(%arg15 : memref<296xi32, #tpu.memory_space<vmem>>) target_semaphore(%run_scoped3A : memref<!tpu.dma_semaphore, #tpu.memory_space<semaphore_mem>>)
        %dma_wait3A_88 = tpu.memref_slice %arg3[%add3A_47] : memref<909312xi32, #tpu.memory_space<hbm>> -> memref<296xi32, #tpu.memory_space<hbm>>
        %dma_wait3A_89 = tpu.memref_slice %arg3[%add3A_47] : memref<909312xi32, #tpu.memory_space<hbm>> -> memref<296xi32, #tpu.memory_space<hbm>>
        tpu.wait_dma2 semaphore(%run_scoped3A : memref<!tpu.dma_semaphore, #tpu.memory_space<semaphore_mem>>) src(%dma_wait3A_89 : memref<296xi32, #tpu.memory_space<hbm>>) dst(%arg15 : memref<296xi32, #tpu.memory_space<vmem>>)
        tpu.yield
      }) : () -> ()
      %add3A_48 = arith.constant 606208 : i32
      %add3A_49 = arith.addi %add3A_48, %add3A_43 : i32
      "tpu.region"() ({
        %run_scoped3A = tpu.sem_alloc : memref<!tpu.dma_semaphore, #tpu.memory_space<semaphore_mem>>
        %dma_start3A_86 = tpu.memref_slice %arg3[%add3A_49] : memref<909312xi32, #tpu.memory_space<hbm>> -> memref<296xi32, #tpu.memory_space<hbm>>
        %dma_start3A_87 = tpu.memref_slice %arg3[%add3A_49] : memref<909312xi32, #tpu.memory_space<hbm>> -> memref<296xi32, #tpu.memory_space<hbm>>
        tpu.enqueue_dma source(%dma_start3A_87 : memref<296xi32, #tpu.memory_space<hbm>>) target(%arg16 : memref<296xi32, #tpu.memory_space<vmem>>) target_semaphore(%run_scoped3A : memref<!tpu.dma_semaphore, #tpu.memory_space<semaphore_mem>>)
        %dma_wait3A_88 = tpu.memref_slice %arg3[%add3A_49] : memref<909312xi32, #tpu.memory_space<hbm>> -> memref<296xi32, #tpu.memory_space<hbm>>
        %dma_wait3A_89 = tpu.memref_slice %arg3[%add3A_49] : memref<909312xi32, #tpu.memory_space<hbm>> -> memref<296xi32, #tpu.memory_space<hbm>>
        tpu.wait_dma2 semaphore(%run_scoped3A : memref<!tpu.dma_semaphore, #tpu.memory_space<semaphore_mem>>) src(%dma_wait3A_89 : memref<296xi32, #tpu.memory_space<hbm>>) dst(%arg16 : memref<296xi32, #tpu.memory_space<vmem>>)
        tpu.yield
      }) : () -> ()
      %dma_wait3A = arith.constant 0 : i32
      %dma_wait3A_50 = arith.constant 0 : i32
      %dma_wait3A_51 = tpu.memref_slice %arg2[%dma_wait3A, %dma_wait3A_50] : memref<50000x64xf32, #tpu.memory_space<hbm>> -> memref<50000x64xf32, #tpu.memory_space<hbm>>
      tpu.wait_indirect_dma semaphore(%arg17 : memref<!tpu.dma_semaphore, #tpu.memory_space<semaphore_mem>>) src(%dma_wait3A_51 : memref<50000x64xf32, #tpu.memory_space<hbm>>) dst(%arg5 : memref<296x64xf32, #tpu.memory_space<vmem>>)
      %dma_wait3A_52 = arith.constant 0 : i32
      %dma_wait3A_53 = arith.constant 0 : i32
      %dma_wait3A_54 = tpu.memref_slice %arg2[%dma_wait3A_52, %dma_wait3A_53] : memref<50000x64xf32, #tpu.memory_space<hbm>> -> memref<50000x64xf32, #tpu.memory_space<hbm>>
      tpu.wait_indirect_dma semaphore(%arg17 : memref<!tpu.dma_semaphore, #tpu.memory_space<semaphore_mem>>) src(%dma_wait3A_54 : memref<50000x64xf32, #tpu.memory_space<hbm>>) dst(%arg6 : memref<296x64xf32, #tpu.memory_space<vmem>>)
      %dma_wait3A_55 = arith.constant 0 : i32
      %dma_wait3A_56 = arith.constant 0 : i32
      %dma_wait3A_57 = tpu.memref_slice %arg2[%dma_wait3A_55, %dma_wait3A_56] : memref<50000x64xf32, #tpu.memory_space<hbm>> -> memref<50000x64xf32, #tpu.memory_space<hbm>>
      tpu.wait_indirect_dma semaphore(%arg17 : memref<!tpu.dma_semaphore, #tpu.memory_space<semaphore_mem>>) src(%dma_wait3A_57 : memref<50000x64xf32, #tpu.memory_space<hbm>>) dst(%arg7 : memref<296x64xf32, #tpu.memory_space<vmem>>)
      %dma_start3A_58 = arith.constant 0 : i32
      %dma_start3A_59 = arith.constant 0 : i32
      %dma_start3A_60 = tpu.memref_slice %arg2[%dma_start3A_58, %dma_start3A_59] : memref<50000x64xf32, #tpu.memory_space<hbm>> -> memref<50000x64xf32, #tpu.memory_space<hbm>>
      tpu.enqueue_indirect_dma source(%dma_start3A_60 : memref<50000x64xf32, #tpu.memory_space<hbm>>) target(%arg8 : memref<296x64xf32, #tpu.memory_space<vmem>>) offsets(%arg14 : memref<296xi32, #tpu.memory_space<vmem>>) semaphore(%arg18 : memref<!tpu.dma_semaphore, #tpu.memory_space<semaphore_mem>>)
      %dma_start3A_61 = arith.constant 0 : i32
      %dma_start3A_62 = arith.constant 0 : i32
      %dma_start3A_63 = tpu.memref_slice %arg2[%dma_start3A_61, %dma_start3A_62] : memref<50000x64xf32, #tpu.memory_space<hbm>> -> memref<50000x64xf32, #tpu.memory_space<hbm>>
      tpu.enqueue_indirect_dma source(%dma_start3A_63 : memref<50000x64xf32, #tpu.memory_space<hbm>>) target(%arg9 : memref<296x64xf32, #tpu.memory_space<vmem>>) offsets(%arg15 : memref<296xi32, #tpu.memory_space<vmem>>) semaphore(%arg18 : memref<!tpu.dma_semaphore, #tpu.memory_space<semaphore_mem>>)
      %dma_start3A_64 = arith.constant 0 : i32
      %dma_start3A_65 = arith.constant 0 : i32
      %dma_start3A_66 = tpu.memref_slice %arg2[%dma_start3A_64, %dma_start3A_65] : memref<50000x64xf32, #tpu.memory_space<hbm>> -> memref<50000x64xf32, #tpu.memory_space<hbm>>
      tpu.enqueue_indirect_dma source(%dma_start3A_66 : memref<50000x64xf32, #tpu.memory_space<hbm>>) target(%arg10 : memref<296x64xf32, #tpu.memory_space<vmem>>) offsets(%arg16 : memref<296xi32, #tpu.memory_space<vmem>>) semaphore(%arg18 : memref<!tpu.dma_semaphore, #tpu.memory_space<semaphore_mem>>)
      %mul3A_67 = arith.constant 9472 : i32
      %mul3A_68 = arith.muli %add3A, %mul3A_67 : i32
      %mul3A_69 = arith.constant 296 : i32
      %mul3A_70 = arith.muli %mul3A_24, %mul3A_69 : i32
      %add3A_71 = arith.addi %mul3A_68, %mul3A_70 : i32
      "tpu.region"() ({
        %run_scoped3A = tpu.sem_alloc : memref<!tpu.dma_semaphore, #tpu.memory_space<semaphore_mem>>
        %dma_start3A_86 = arith.constant 0 : i32
        %dma_start3A_87 = tpu.memref_slice %arg4[%add3A_71, %dma_start3A_86] : memref<303104x192xf32, #tpu.memory_space<hbm>> -> memref<296x64xf32, #tpu.memory_space<hbm>>
        %dma_start3A_88 = arith.constant 0 : i32
        %dma_start3A_89 = tpu.memref_slice %arg4[%add3A_71, %dma_start3A_88] : memref<303104x192xf32, #tpu.memory_space<hbm>> -> memref<296x64xf32, #tpu.memory_space<hbm>>
        tpu.enqueue_dma source(%arg5 : memref<296x64xf32, #tpu.memory_space<vmem>>) target(%dma_start3A_89 : memref<296x64xf32, #tpu.memory_space<hbm>>) target_semaphore(%run_scoped3A : memref<!tpu.dma_semaphore, #tpu.memory_space<semaphore_mem>>)
        %dma_wait3A_90 = arith.constant 0 : i32
        %dma_wait3A_91 = tpu.memref_slice %arg4[%add3A_71, %dma_wait3A_90] : memref<303104x192xf32, #tpu.memory_space<hbm>> -> memref<296x64xf32, #tpu.memory_space<hbm>>
        %dma_wait3A_92 = arith.constant 0 : i32
        %dma_wait3A_93 = tpu.memref_slice %arg4[%add3A_71, %dma_wait3A_92] : memref<303104x192xf32, #tpu.memory_space<hbm>> -> memref<296x64xf32, #tpu.memory_space<hbm>>
        tpu.wait_dma2 semaphore(%run_scoped3A : memref<!tpu.dma_semaphore, #tpu.memory_space<semaphore_mem>>) src(%arg5 : memref<296x64xf32, #tpu.memory_space<vmem>>) dst(%dma_wait3A_93 : memref<296x64xf32, #tpu.memory_space<hbm>>)
        tpu.yield
      }) : () -> ()
      "tpu.region"() ({
        %run_scoped3A = tpu.sem_alloc : memref<!tpu.dma_semaphore, #tpu.memory_space<semaphore_mem>>
        %dma_start3A_86 = arith.constant 64 : i32
        %dma_start3A_87 = tpu.memref_slice %arg4[%add3A_71, %dma_start3A_86] : memref<303104x192xf32, #tpu.memory_space<hbm>> -> memref<296x64xf32, #tpu.memory_space<hbm>>
        %dma_start3A_88 = arith.constant 64 : i32
        %dma_start3A_89 = tpu.memref_slice %arg4[%add3A_71, %dma_start3A_88] : memref<303104x192xf32, #tpu.memory_space<hbm>> -> memref<296x64xf32, #tpu.memory_space<hbm>>
        tpu.enqueue_dma source(%arg6 : memref<296x64xf32, #tpu.memory_space<vmem>>) target(%dma_start3A_89 : memref<296x64xf32, #tpu.memory_space<hbm>>) target_semaphore(%run_scoped3A : memref<!tpu.dma_semaphore, #tpu.memory_space<semaphore_mem>>)
        %dma_wait3A_90 = arith.constant 64 : i32
        %dma_wait3A_91 = tpu.memref_slice %arg4[%add3A_71, %dma_wait3A_90] : memref<303104x192xf32, #tpu.memory_space<hbm>> -> memref<296x64xf32, #tpu.memory_space<hbm>>
        %dma_wait3A_92 = arith.constant 64 : i32
        %dma_wait3A_93 = tpu.memref_slice %arg4[%add3A_71, %dma_wait3A_92] : memref<303104x192xf32, #tpu.memory_space<hbm>> -> memref<296x64xf32, #tpu.memory_space<hbm>>
        tpu.wait_dma2 semaphore(%run_scoped3A : memref<!tpu.dma_semaphore, #tpu.memory_space<semaphore_mem>>) src(%arg6 : memref<296x64xf32, #tpu.memory_space<vmem>>) dst(%dma_wait3A_93 : memref<296x64xf32, #tpu.memory_space<hbm>>)
        tpu.yield
      }) : () -> ()
      "tpu.region"() ({
        %run_scoped3A = tpu.sem_alloc : memref<!tpu.dma_semaphore, #tpu.memory_space<semaphore_mem>>
        %dma_start3A_86 = arith.constant 128 : i32
        %dma_start3A_87 = tpu.memref_slice %arg4[%add3A_71, %dma_start3A_86] : memref<303104x192xf32, #tpu.memory_space<hbm>> -> memref<296x64xf32, #tpu.memory_space<hbm>>
        %dma_start3A_88 = arith.constant 128 : i32
        %dma_start3A_89 = tpu.memref_slice %arg4[%add3A_71, %dma_start3A_88] : memref<303104x192xf32, #tpu.memory_space<hbm>> -> memref<296x64xf32, #tpu.memory_space<hbm>>
        tpu.enqueue_dma source(%arg7 : memref<296x64xf32, #tpu.memory_space<vmem>>) target(%dma_start3A_89 : memref<296x64xf32, #tpu.memory_space<hbm>>) target_semaphore(%run_scoped3A : memref<!tpu.dma_semaphore, #tpu.memory_space<semaphore_mem>>)
        %dma_wait3A_90 = arith.constant 128 : i32
        %dma_wait3A_91 = tpu.memref_slice %arg4[%add3A_71, %dma_wait3A_90] : memref<303104x192xf32, #tpu.memory_space<hbm>> -> memref<296x64xf32, #tpu.memory_space<hbm>>
        %dma_wait3A_92 = arith.constant 128 : i32
        %dma_wait3A_93 = tpu.memref_slice %arg4[%add3A_71, %dma_wait3A_92] : memref<303104x192xf32, #tpu.memory_space<hbm>> -> memref<296x64xf32, #tpu.memory_space<hbm>>
        tpu.wait_dma2 semaphore(%run_scoped3A : memref<!tpu.dma_semaphore, #tpu.memory_space<semaphore_mem>>) src(%arg7 : memref<296x64xf32, #tpu.memory_space<vmem>>) dst(%dma_wait3A_93 : memref<296x64xf32, #tpu.memory_space<hbm>>)
        tpu.yield
      }) : () -> ()
      %lt3A = arith.constant 15 : i32
      %lt3A_72 = arith.cmpi slt, %scan3A_21, %lt3A : i32
      %convert_element_type3A_73 = arith.extui %lt3A_72 : i1 to i32
      %cond3A_74 = arith.constant 0 : i32
      %cond3A_75 = arith.cmpi ne, %convert_element_type3A_73, %cond3A_74 : i32
      scf.if %cond3A_75 {
        %add3A_86 = arith.constant 2 : i32
        %add3A_87 = arith.addi %mul3A_24, %add3A_86 : i32
        %mul3A_88 = arith.constant 9472 : i32
        %mul3A_89 = arith.muli %add3A, %mul3A_88 : i32
        %mul3A_90 = arith.constant 296 : i32
        %mul3A_91 = arith.muli %add3A_87, %mul3A_90 : i32
        %add3A_92 = arith.addi %mul3A_89, %mul3A_91 : i32
        %add3A_93 = arith.constant 0 : i32
        %add3A_94 = arith.addi %add3A_93, %add3A_92 : i32
        "tpu.region"() ({
          %run_scoped3A = tpu.sem_alloc : memref<!tpu.dma_semaphore, #tpu.memory_space<semaphore_mem>>
          %dma_start3A_99 = tpu.memref_slice %arg3[%add3A_94] : memref<909312xi32, #tpu.memory_space<hbm>> -> memref<296xi32, #tpu.memory_space<hbm>>
          %dma_start3A_100 = tpu.memref_slice %arg3[%add3A_94] : memref<909312xi32, #tpu.memory_space<hbm>> -> memref<296xi32, #tpu.memory_space<hbm>>
          tpu.enqueue_dma source(%dma_start3A_100 : memref<296xi32, #tpu.memory_space<hbm>>) target(%arg11 : memref<296xi32, #tpu.memory_space<vmem>>) target_semaphore(%run_scoped3A : memref<!tpu.dma_semaphore, #tpu.memory_space<semaphore_mem>>)
          %dma_wait3A_101 = tpu.memref_slice %arg3[%add3A_94] : memref<909312xi32, #tpu.memory_space<hbm>> -> memref<296xi32, #tpu.memory_space<hbm>>
          %dma_wait3A_102 = tpu.memref_slice %arg3[%add3A_94] : memref<909312xi32, #tpu.memory_space<hbm>> -> memref<296xi32, #tpu.memory_space<hbm>>
          tpu.wait_dma2 semaphore(%run_scoped3A : memref<!tpu.dma_semaphore, #tpu.memory_space<semaphore_mem>>) src(%dma_wait3A_102 : memref<296xi32, #tpu.memory_space<hbm>>) dst(%arg11 : memref<296xi32, #tpu.memory_space<vmem>>)
          tpu.yield
        }) : () -> ()
        %add3A_95 = arith.constant 303104 : i32
        %add3A_96 = arith.addi %add3A_95, %add3A_92 : i32
        "tpu.region"() ({
          %run_scoped3A = tpu.sem_alloc : memref<!tpu.dma_semaphore, #tpu.memory_space<semaphore_mem>>
          %dma_start3A_99 = tpu.memref_slice %arg3[%add3A_96] : memref<909312xi32, #tpu.memory_space<hbm>> -> memref<296xi32, #tpu.memory_space<hbm>>
          %dma_start3A_100 = tpu.memref_slice %arg3[%add3A_96] : memref<909312xi32, #tpu.memory_space<hbm>> -> memref<296xi32, #tpu.memory_space<hbm>>
          tpu.enqueue_dma source(%dma_start3A_100 : memref<296xi32, #tpu.memory_space<hbm>>) target(%arg12 : memref<296xi32, #tpu.memory_space<vmem>>) target_semaphore(%run_scoped3A : memref<!tpu.dma_semaphore, #tpu.memory_space<semaphore_mem>>)
          %dma_wait3A_101 = tpu.memref_slice %arg3[%add3A_96] : memref<909312xi32, #tpu.memory_space<hbm>> -> memref<296xi32, #tpu.memory_space<hbm>>
          %dma_wait3A_102 = tpu.memref_slice %arg3[%add3A_96] : memref<909312xi32, #tpu.memory_space<hbm>> -> memref<296xi32, #tpu.memory_space<hbm>>
          tpu.wait_dma2 semaphore(%run_scoped3A : memref<!tpu.dma_semaphore, #tpu.memory_space<semaphore_mem>>) src(%dma_wait3A_102 : memref<296xi32, #tpu.memory_space<hbm>>) dst(%arg12 : memref<296xi32, #tpu.memory_space<vmem>>)
          tpu.yield
        }) : () -> ()
        %add3A_97 = arith.constant 606208 : i32
        %add3A_98 = arith.addi %add3A_97, %add3A_92 : i32
        "tpu.region"() ({
          %run_scoped3A = tpu.sem_alloc : memref<!tpu.dma_semaphore, #tpu.memory_space<semaphore_mem>>
          %dma_start3A_99 = tpu.memref_slice %arg3[%add3A_98] : memref<909312xi32, #tpu.memory_space<hbm>> -> memref<296xi32, #tpu.memory_space<hbm>>
          %dma_start3A_100 = tpu.memref_slice %arg3[%add3A_98] : memref<909312xi32, #tpu.memory_space<hbm>> -> memref<296xi32, #tpu.memory_space<hbm>>
          tpu.enqueue_dma source(%dma_start3A_100 : memref<296xi32, #tpu.memory_space<hbm>>) target(%arg13 : memref<296xi32, #tpu.memory_space<vmem>>) target_semaphore(%run_scoped3A : memref<!tpu.dma_semaphore, #tpu.memory_space<semaphore_mem>>)
          %dma_wait3A_101 = tpu.memref_slice %arg3[%add3A_98] : memref<909312xi32, #tpu.memory_space<hbm>> -> memref<296xi32, #tpu.memory_space<hbm>>
          %dma_wait3A_102 = tpu.memref_slice %arg3[%add3A_98] : memref<909312xi32, #tpu.memory_space<hbm>> -> memref<296xi32, #tpu.memory_space<hbm>>
          tpu.wait_dma2 semaphore(%run_scoped3A : memref<!tpu.dma_semaphore, #tpu.memory_space<semaphore_mem>>) src(%dma_wait3A_102 : memref<296xi32, #tpu.memory_space<hbm>>) dst(%arg13 : memref<296xi32, #tpu.memory_space<vmem>>)
          tpu.yield
        }) : () -> ()
      } else {
      }
      %dma_wait3A_76 = arith.constant 0 : i32
      %dma_wait3A_77 = arith.constant 0 : i32
      %dma_wait3A_78 = tpu.memref_slice %arg2[%dma_wait3A_76, %dma_wait3A_77] : memref<50000x64xf32, #tpu.memory_space<hbm>> -> memref<50000x64xf32, #tpu.memory_space<hbm>>
      tpu.wait_indirect_dma semaphore(%arg18 : memref<!tpu.dma_semaphore, #tpu.memory_space<semaphore_mem>>) src(%dma_wait3A_78 : memref<50000x64xf32, #tpu.memory_space<hbm>>) dst(%arg8 : memref<296x64xf32, #tpu.memory_space<vmem>>)
      %dma_wait3A_79 = arith.constant 0 : i32
      %dma_wait3A_80 = arith.constant 0 : i32
      %dma_wait3A_81 = tpu.memref_slice %arg2[%dma_wait3A_79, %dma_wait3A_80] : memref<50000x64xf32, #tpu.memory_space<hbm>> -> memref<50000x64xf32, #tpu.memory_space<hbm>>
      tpu.wait_indirect_dma semaphore(%arg18 : memref<!tpu.dma_semaphore, #tpu.memory_space<semaphore_mem>>) src(%dma_wait3A_81 : memref<50000x64xf32, #tpu.memory_space<hbm>>) dst(%arg9 : memref<296x64xf32, #tpu.memory_space<vmem>>)
      %dma_wait3A_82 = arith.constant 0 : i32
      %dma_wait3A_83 = arith.constant 0 : i32
      %dma_wait3A_84 = tpu.memref_slice %arg2[%dma_wait3A_82, %dma_wait3A_83] : memref<50000x64xf32, #tpu.memory_space<hbm>> -> memref<50000x64xf32, #tpu.memory_space<hbm>>
      tpu.wait_indirect_dma semaphore(%arg18 : memref<!tpu.dma_semaphore, #tpu.memory_space<semaphore_mem>>) src(%dma_wait3A_84 : memref<50000x64xf32, #tpu.memory_space<hbm>>) dst(%arg10 : memref<296x64xf32, #tpu.memory_space<vmem>>)
      %scan3A_85 = arith.constant 0 : i32
      scf.yield %scan3A_85 : i32
    }
    %scan3A_16 = arith.constant 16 : i32
    %mul3A_17 = arith.constant 9472 : i32
    %mul3A_18 = arith.muli %add3A, %mul3A_17 : i32
    %add3A_19 = arith.constant 9176 : i32
    %add3A_20 = arith.addi %mul3A_18, %add3A_19 : i32
    "tpu.region"() ({
      %run_scoped3A = tpu.sem_alloc : memref<!tpu.dma_semaphore, #tpu.memory_space<semaphore_mem>>
      %dma_start3A = arith.constant 0 : i32
      %dma_start3A_21 = tpu.memref_slice %arg4[%add3A_20, %dma_start3A] : memref<303104x192xf32, #tpu.memory_space<hbm>> -> memref<296x64xf32, #tpu.memory_space<hbm>>
      %dma_start3A_22 = arith.constant 0 : i32
      %dma_start3A_23 = tpu.memref_slice %arg4[%add3A_20, %dma_start3A_22] : memref<303104x192xf32, #tpu.memory_space<hbm>> -> memref<296x64xf32, #tpu.memory_space<hbm>>
      tpu.enqueue_dma source(%arg8 : memref<296x64xf32, #tpu.memory_space<vmem>>) target(%dma_start3A_23 : memref<296x64xf32, #tpu.memory_space<hbm>>) target_semaphore(%run_scoped3A : memref<!tpu.dma_semaphore, #tpu.memory_space<semaphore_mem>>)
      %dma_wait3A = arith.constant 0 : i32
      %dma_wait3A_24 = tpu.memref_slice %arg4[%add3A_20, %dma_wait3A] : memref<303104x192xf32, #tpu.memory_space<hbm>> -> memref<296x64xf32, #tpu.memory_space<hbm>>
      %dma_wait3A_25 = arith.constant 0 : i32
      %dma_wait3A_26 = tpu.memref_slice %arg4[%add3A_20, %dma_wait3A_25] : memref<303104x192xf32, #tpu.memory_space<hbm>> -> memref<296x64xf32, #tpu.memory_space<hbm>>
      tpu.wait_dma2 semaphore(%run_scoped3A : memref<!tpu.dma_semaphore, #tpu.memory_space<semaphore_mem>>) src(%arg8 : memref<296x64xf32, #tpu.memory_space<vmem>>) dst(%dma_wait3A_26 : memref<296x64xf32, #tpu.memory_space<hbm>>)
      tpu.yield
    }) : () -> ()
    "tpu.region"() ({
      %run_scoped3A = tpu.sem_alloc : memref<!tpu.dma_semaphore, #tpu.memory_space<semaphore_mem>>
      %dma_start3A = arith.constant 64 : i32
      %dma_start3A_21 = tpu.memref_slice %arg4[%add3A_20, %dma_start3A] : memref<303104x192xf32, #tpu.memory_space<hbm>> -> memref<296x64xf32, #tpu.memory_space<hbm>>
      %dma_start3A_22 = arith.constant 64 : i32
      %dma_start3A_23 = tpu.memref_slice %arg4[%add3A_20, %dma_start3A_22] : memref<303104x192xf32, #tpu.memory_space<hbm>> -> memref<296x64xf32, #tpu.memory_space<hbm>>
      tpu.enqueue_dma source(%arg9 : memref<296x64xf32, #tpu.memory_space<vmem>>) target(%dma_start3A_23 : memref<296x64xf32, #tpu.memory_space<hbm>>) target_semaphore(%run_scoped3A : memref<!tpu.dma_semaphore, #tpu.memory_space<semaphore_mem>>)
      %dma_wait3A = arith.constant 64 : i32
      %dma_wait3A_24 = tpu.memref_slice %arg4[%add3A_20, %dma_wait3A] : memref<303104x192xf32, #tpu.memory_space<hbm>> -> memref<296x64xf32, #tpu.memory_space<hbm>>
      %dma_wait3A_25 = arith.constant 64 : i32
      %dma_wait3A_26 = tpu.memref_slice %arg4[%add3A_20, %dma_wait3A_25] : memref<303104x192xf32, #tpu.memory_space<hbm>> -> memref<296x64xf32, #tpu.memory_space<hbm>>
      tpu.wait_dma2 semaphore(%run_scoped3A : memref<!tpu.dma_semaphore, #tpu.memory_space<semaphore_mem>>) src(%arg9 : memref<296x64xf32, #tpu.memory_space<vmem>>) dst(%dma_wait3A_26 : memref<296x64xf32, #tpu.memory_space<hbm>>)
      tpu.yield
    }) : () -> ()
    "tpu.region"() ({
      %run_scoped3A = tpu.sem_alloc : memref<!tpu.dma_semaphore, #tpu.memory_space<semaphore_mem>>
      %dma_start3A = arith.constant 128 : i32
      %dma_start3A_21 = tpu.memref_slice %arg4[%add3A_20, %dma_start3A] : memref<303104x192xf32, #tpu.memory_space<hbm>> -> memref<296x64xf32, #tpu.memory_space<hbm>>
      %dma_start3A_22 = arith.constant 128 : i32
      %dma_start3A_23 = tpu.memref_slice %arg4[%add3A_20, %dma_start3A_22] : memref<303104x192xf32, #tpu.memory_space<hbm>> -> memref<296x64xf32, #tpu.memory_space<hbm>>
      tpu.enqueue_dma source(%arg10 : memref<296x64xf32, #tpu.memory_space<vmem>>) target(%dma_start3A_23 : memref<296x64xf32, #tpu.memory_space<hbm>>) target_semaphore(%run_scoped3A : memref<!tpu.dma_semaphore, #tpu.memory_space<semaphore_mem>>)
      %dma_wait3A = arith.constant 128 : i32
      %dma_wait3A_24 = tpu.memref_slice %arg4[%add3A_20, %dma_wait3A] : memref<303104x192xf32, #tpu.memory_space<hbm>> -> memref<296x64xf32, #tpu.memory_space<hbm>>
      %dma_wait3A_25 = arith.constant 128 : i32
      %dma_wait3A_26 = tpu.memref_slice %arg4[%add3A_20, %dma_wait3A_25] : memref<303104x192xf32, #tpu.memory_space<hbm>> -> memref<296x64xf32, #tpu.memory_space<hbm>>
      tpu.wait_dma2 semaphore(%run_scoped3A : memref<!tpu.dma_semaphore, #tpu.memory_space<semaphore_mem>>) src(%arg10 : memref<296x64xf32, #tpu.memory_space<vmem>>) dst(%dma_wait3A_26 : memref<296x64xf32, #tpu.memory_space<hbm>>)
      tpu.yield
    }) : () -> ()
    return
  }
}

#map = affine_map<(d0, d1) -> (0, 0)>
#map1 = affine_map<(d0, d1) -> (0)>
module attributes {stable_mosaic.version = 14 : i64} {
  func.func @_sc_gather_body(%arg0: i32, %arg1: i32, %arg2: memref<50000x64xf32, #tpu.memory_space<hbm>>, %arg3: memref<909312xi32, #tpu.memory_space<hbm>>, %arg4: memref<303104x192xf32, #tpu.memory_space<hbm>>, %arg5: memref<296x64xf32, #tpu.memory_space<vmem>>, %arg6: memref<296x64xf32, #tpu.memory_space<vmem>>, %arg7: memref<296x64xf32, #tpu.memory_space<vmem>>, %arg8: memref<296x64xf32, #tpu.memory_space<vmem>>, %arg9: memref<296x64xf32, #tpu.memory_space<vmem>>, %arg10: memref<296x64xf32, #tpu.memory_space<vmem>>, %arg11: memref<296xi32, #tpu.memory_space<vmem>>, %arg12: memref<296xi32, #tpu.memory_space<vmem>>, %arg13: memref<296xi32, #tpu.memory_space<vmem>>, %arg14: memref<296xi32, #tpu.memory_space<vmem>>, %arg15: memref<296xi32, #tpu.memory_space<vmem>>, %arg16: memref<296xi32, #tpu.memory_space<vmem>>, %arg17: memref<!tpu.dma_semaphore, #tpu.memory_space<semaphore_mem>>, %arg18: memref<!tpu.dma_semaphore, #tpu.memory_space<semaphore_mem>>) attributes {dimension_semantics = [#tpu.dimension_semantics<core_parallel>, #tpu.dimension_semantics<subcore_parallel>], iteration_bounds = array<i64: 2, 16>, scalar_prefetch = 0 : i64, scratch_operands = 14 : i64, tpu.core_type = #tpu.core_type<sc_vector_subcore>, window_params = [{transform_indices = #map}, {transform_indices = #map1}, {transform_indices = #map}]} {
    %mul3A = arith.constant 2 : i32
    %mul3A_0 = arith.muli %arg1, %mul3A : i32
    %add3A = arith.addi %mul3A_0, %arg0 : i32
    %mul3A_1 = arith.constant 9472 : i32
    %mul3A_2 = arith.muli %add3A, %mul3A_1 : i32
    %add3A_3 = arith.constant 0 : i32
    %add3A_4 = arith.addi %mul3A_2, %add3A_3 : i32
    %add3A_5 = arith.constant 0 : i32
    %add3A_6 = arith.addi %add3A_5, %add3A_4 : i32
    "tpu.region"() ({
      %run_scoped3A = tpu.sem_alloc : memref<!tpu.dma_semaphore, #tpu.memory_space<semaphore_mem>>
      %dma_start3A = tpu.memref_slice %arg3[%add3A_6] : memref<909312xi32, #tpu.memory_space<hbm>> -> memref<296xi32, #tpu.memory_space<hbm>>
      %dma_start3A_21 = tpu.memref_slice %arg3[%add3A_6] : memref<909312xi32, #tpu.memory_space<hbm>> -> memref<296xi32, #tpu.memory_space<hbm>>
      tpu.enqueue_dma source(%dma_start3A_21 : memref<296xi32, #tpu.memory_space<hbm>>) target(%arg11 : memref<296xi32, #tpu.memory_space<vmem>>) target_semaphore(%run_scoped3A : memref<!tpu.dma_semaphore, #tpu.memory_space<semaphore_mem>>)
      %dma_wait3A = tpu.memref_slice %arg3[%add3A_6] : memref<909312xi32, #tpu.memory_space<hbm>> -> memref<296xi32, #tpu.memory_space<hbm>>
      %dma_wait3A_22 = tpu.memref_slice %arg3[%add3A_6] : memref<909312xi32, #tpu.memory_space<hbm>> -> memref<296xi32, #tpu.memory_space<hbm>>
      tpu.wait_dma2 semaphore(%run_scoped3A : memref<!tpu.dma_semaphore, #tpu.memory_space<semaphore_mem>>) src(%dma_wait3A_22 : memref<296xi32, #tpu.memory_space<hbm>>) dst(%arg11 : memref<296xi32, #tpu.memory_space<vmem>>)
      tpu.yield
    }) : () -> ()
    %add3A_7 = arith.constant 303104 : i32
    %add3A_8 = arith.addi %add3A_7, %add3A_4 : i32
    "tpu.region"() ({
      %run_scoped3A = tpu.sem_alloc : memref<!tpu.dma_semaphore, #tpu.memory_space<semaphore_mem>>
      %dma_start3A = tpu.memref_slice %arg3[%add3A_8] : memref<909312xi32, #tpu.memory_space<hbm>> -> memref<296xi32, #tpu.memory_space<hbm>>
      %dma_start3A_21 = tpu.memref_slice %arg3[%add3A_8] : memref<909312xi32, #tpu.memory_space<hbm>> -> memref<296xi32, #tpu.memory_space<hbm>>
      tpu.enqueue_dma source(%dma_start3A_21 : memref<296xi32, #tpu.memory_space<hbm>>) target(%arg12 : memref<296xi32, #tpu.memory_space<vmem>>) target_semaphore(%run_scoped3A : memref<!tpu.dma_semaphore, #tpu.memory_space<semaphore_mem>>)
      %dma_wait3A = tpu.memref_slice %arg3[%add3A_8] : memref<909312xi32, #tpu.memory_space<hbm>> -> memref<296xi32, #tpu.memory_space<hbm>>
      %dma_wait3A_22 = tpu.memref_slice %arg3[%add3A_8] : memref<909312xi32, #tpu.memory_space<hbm>> -> memref<296xi32, #tpu.memory_space<hbm>>
      tpu.wait_dma2 semaphore(%run_scoped3A : memref<!tpu.dma_semaphore, #tpu.memory_space<semaphore_mem>>) src(%dma_wait3A_22 : memref<296xi32, #tpu.memory_space<hbm>>) dst(%arg12 : memref<296xi32, #tpu.memory_space<vmem>>)
      tpu.yield
    }) : () -> ()
    %add3A_9 = arith.constant 606208 : i32
    %add3A_10 = arith.addi %add3A_9, %add3A_4 : i32
    "tpu.region"() ({
      %run_scoped3A = tpu.sem_alloc : memref<!tpu.dma_semaphore, #tpu.memory_space<semaphore_mem>>
      %dma_start3A = tpu.memref_slice %arg3[%add3A_10] : memref<909312xi32, #tpu.memory_space<hbm>> -> memref<296xi32, #tpu.memory_space<hbm>>
      %dma_start3A_21 = tpu.memref_slice %arg3[%add3A_10] : memref<909312xi32, #tpu.memory_space<hbm>> -> memref<296xi32, #tpu.memory_space<hbm>>
      tpu.enqueue_dma source(%dma_start3A_21 : memref<296xi32, #tpu.memory_space<hbm>>) target(%arg13 : memref<296xi32, #tpu.memory_space<vmem>>) target_semaphore(%run_scoped3A : memref<!tpu.dma_semaphore, #tpu.memory_space<semaphore_mem>>)
      %dma_wait3A = tpu.memref_slice %arg3[%add3A_10] : memref<909312xi32, #tpu.memory_space<hbm>> -> memref<296xi32, #tpu.memory_space<hbm>>
      %dma_wait3A_22 = tpu.memref_slice %arg3[%add3A_10] : memref<909312xi32, #tpu.memory_space<hbm>> -> memref<296xi32, #tpu.memory_space<hbm>>
      tpu.wait_dma2 semaphore(%run_scoped3A : memref<!tpu.dma_semaphore, #tpu.memory_space<semaphore_mem>>) src(%dma_wait3A_22 : memref<296xi32, #tpu.memory_space<hbm>>) dst(%arg13 : memref<296xi32, #tpu.memory_space<vmem>>)
      tpu.yield
    }) : () -> ()
    %scan3A = arith.constant 0 : i32
    %scan3A_11 = arith.constant 0 : i32
    %scan3A_12 = arith.constant 16 : i32
    %scan3A_13 = arith.addi %scan3A_11, %scan3A_12 : i32
    %scan3A_14 = arith.constant 1 : i32
    %scan3A_15 = scf.for %scan3A_21 = %scan3A_11 to %scan3A_13 step %scan3A_14 iter_args(%scan3A_22 = %scan3A) -> (i32)  : i32 {
      %mul3A_23 = arith.constant 2 : i32
      %mul3A_24 = arith.muli %mul3A_23, %scan3A_21 : i32
      %mul3A_25 = arith.constant 2 : i32
      %mul3A_26 = arith.muli %mul3A_25, %scan3A_21 : i32
      %add3A_27 = arith.constant 1 : i32
      %add3A_28 = arith.addi %mul3A_26, %add3A_27 : i32
      %dma_start3A = arith.constant 0 : i32
      %dma_start3A_29 = arith.constant 0 : i32
      %dma_start3A_30 = tpu.memref_slice %arg2[%dma_start3A, %dma_start3A_29] : memref<50000x64xf32, #tpu.memory_space<hbm>> -> memref<50000x64xf32, #tpu.memory_space<hbm>>
      tpu.enqueue_indirect_dma source(%dma_start3A_30 : memref<50000x64xf32, #tpu.memory_space<hbm>>) target(%arg5 : memref<296x64xf32, #tpu.memory_space<vmem>>) offsets(%arg11 : memref<296xi32, #tpu.memory_space<vmem>>) semaphore(%arg17 : memref<!tpu.dma_semaphore, #tpu.memory_space<semaphore_mem>>)
      %dma_start3A_31 = arith.constant 0 : i32
      %dma_start3A_32 = arith.constant 0 : i32
      %dma_start3A_33 = tpu.memref_slice %arg2[%dma_start3A_31, %dma_start3A_32] : memref<50000x64xf32, #tpu.memory_space<hbm>> -> memref<50000x64xf32, #tpu.memory_space<hbm>>
      tpu.enqueue_indirect_dma source(%dma_start3A_33 : memref<50000x64xf32, #tpu.memory_space<hbm>>) target(%arg6 : memref<296x64xf32, #tpu.memory_space<vmem>>) offsets(%arg12 : memref<296xi32, #tpu.memory_space<vmem>>) semaphore(%arg17 : memref<!tpu.dma_semaphore, #tpu.memory_space<semaphore_mem>>)
      %dma_start3A_34 = arith.constant 0 : i32
      %dma_start3A_35 = arith.constant 0 : i32
      %dma_start3A_36 = tpu.memref_slice %arg2[%dma_start3A_34, %dma_start3A_35] : memref<50000x64xf32, #tpu.memory_space<hbm>> -> memref<50000x64xf32, #tpu.memory_space<hbm>>
      tpu.enqueue_indirect_dma source(%dma_start3A_36 : memref<50000x64xf32, #tpu.memory_space<hbm>>) target(%arg7 : memref<296x64xf32, #tpu.memory_space<vmem>>) offsets(%arg13 : memref<296xi32, #tpu.memory_space<vmem>>) semaphore(%arg17 : memref<!tpu.dma_semaphore, #tpu.memory_space<semaphore_mem>>)
      %gt3A = arith.constant 0 : i32
      %gt3A_37 = arith.cmpi sgt, %scan3A_21, %gt3A : i32
      %convert_element_type3A = arith.extui %gt3A_37 : i1 to i32
      %cond3A = arith.constant 0 : i32
      %cond3A_38 = arith.cmpi ne, %convert_element_type3A, %cond3A : i32
      scf.if %cond3A_38 {
        %sub3A = arith.constant 2 : i32
        %sub3A_86 = arith.subi %add3A_28, %sub3A : i32
        %mul3A_87 = arith.constant 9472 : i32
        %mul3A_88 = arith.muli %add3A, %mul3A_87 : i32
        %mul3A_89 = arith.constant 296 : i32
        %mul3A_90 = arith.muli %sub3A_86, %mul3A_89 : i32
        %add3A_91 = arith.addi %mul3A_88, %mul3A_90 : i32
        "tpu.region"() ({
          %run_scoped3A = tpu.sem_alloc : memref<!tpu.dma_semaphore, #tpu.memory_space<semaphore_mem>>
          %dma_start3A_92 = arith.constant 0 : i32
          %dma_start3A_93 = tpu.memref_slice %arg4[%add3A_91, %dma_start3A_92] : memref<303104x192xf32, #tpu.memory_space<hbm>> -> memref<296x64xf32, #tpu.memory_space<hbm>>
          %dma_start3A_94 = arith.constant 0 : i32
          %dma_start3A_95 = tpu.memref_slice %arg4[%add3A_91, %dma_start3A_94] : memref<303104x192xf32, #tpu.memory_space<hbm>> -> memref<296x64xf32, #tpu.memory_space<hbm>>
          tpu.enqueue_dma source(%arg8 : memref<296x64xf32, #tpu.memory_space<vmem>>) target(%dma_start3A_95 : memref<296x64xf32, #tpu.memory_space<hbm>>) target_semaphore(%run_scoped3A : memref<!tpu.dma_semaphore, #tpu.memory_space<semaphore_mem>>)
          %dma_wait3A_96 = arith.constant 0 : i32
          %dma_wait3A_97 = tpu.memref_slice %arg4[%add3A_91, %dma_wait3A_96] : memref<303104x192xf32, #tpu.memory_space<hbm>> -> memref<296x64xf32, #tpu.memory_space<hbm>>
          %dma_wait3A_98 = arith.constant 0 : i32
          %dma_wait3A_99 = tpu.memref_slice %arg4[%add3A_91, %dma_wait3A_98] : memref<303104x192xf32, #tpu.memory_space<hbm>> -> memref<296x64xf32, #tpu.memory_space<hbm>>
          tpu.wait_dma2 semaphore(%run_scoped3A : memref<!tpu.dma_semaphore, #tpu.memory_space<semaphore_mem>>) src(%arg8 : memref<296x64xf32, #tpu.memory_space<vmem>>) dst(%dma_wait3A_99 : memref<296x64xf32, #tpu.memory_space<hbm>>)
          tpu.yield
        }) : () -> ()
        "tpu.region"() ({
          %run_scoped3A = tpu.sem_alloc : memref<!tpu.dma_semaphore, #tpu.memory_space<semaphore_mem>>
          %dma_start3A_92 = arith.constant 64 : i32
          %dma_start3A_93 = tpu.memref_slice %arg4[%add3A_91, %dma_start3A_92] : memref<303104x192xf32, #tpu.memory_space<hbm>> -> memref<296x64xf32, #tpu.memory_space<hbm>>
          %dma_start3A_94 = arith.constant 64 : i32
          %dma_start3A_95 = tpu.memref_slice %arg4[%add3A_91, %dma_start3A_94] : memref<303104x192xf32, #tpu.memory_space<hbm>> -> memref<296x64xf32, #tpu.memory_space<hbm>>
          tpu.enqueue_dma source(%arg9 : memref<296x64xf32, #tpu.memory_space<vmem>>) target(%dma_start3A_95 : memref<296x64xf32, #tpu.memory_space<hbm>>) target_semaphore(%run_scoped3A : memref<!tpu.dma_semaphore, #tpu.memory_space<semaphore_mem>>)
          %dma_wait3A_96 = arith.constant 64 : i32
          %dma_wait3A_97 = tpu.memref_slice %arg4[%add3A_91, %dma_wait3A_96] : memref<303104x192xf32, #tpu.memory_space<hbm>> -> memref<296x64xf32, #tpu.memory_space<hbm>>
          %dma_wait3A_98 = arith.constant 64 : i32
          %dma_wait3A_99 = tpu.memref_slice %arg4[%add3A_91, %dma_wait3A_98] : memref<303104x192xf32, #tpu.memory_space<hbm>> -> memref<296x64xf32, #tpu.memory_space<hbm>>
          tpu.wait_dma2 semaphore(%run_scoped3A : memref<!tpu.dma_semaphore, #tpu.memory_space<semaphore_mem>>) src(%arg9 : memref<296x64xf32, #tpu.memory_space<vmem>>) dst(%dma_wait3A_99 : memref<296x64xf32, #tpu.memory_space<hbm>>)
          tpu.yield
        }) : () -> ()
        "tpu.region"() ({
          %run_scoped3A = tpu.sem_alloc : memref<!tpu.dma_semaphore, #tpu.memory_space<semaphore_mem>>
          %dma_start3A_92 = arith.constant 128 : i32
          %dma_start3A_93 = tpu.memref_slice %arg4[%add3A_91, %dma_start3A_92] : memref<303104x192xf32, #tpu.memory_space<hbm>> -> memref<296x64xf32, #tpu.memory_space<hbm>>
          %dma_start3A_94 = arith.constant 128 : i32
          %dma_start3A_95 = tpu.memref_slice %arg4[%add3A_91, %dma_start3A_94] : memref<303104x192xf32, #tpu.memory_space<hbm>> -> memref<296x64xf32, #tpu.memory_space<hbm>>
          tpu.enqueue_dma source(%arg10 : memref<296x64xf32, #tpu.memory_space<vmem>>) target(%dma_start3A_95 : memref<296x64xf32, #tpu.memory_space<hbm>>) target_semaphore(%run_scoped3A : memref<!tpu.dma_semaphore, #tpu.memory_space<semaphore_mem>>)
          %dma_wait3A_96 = arith.constant 128 : i32
          %dma_wait3A_97 = tpu.memref_slice %arg4[%add3A_91, %dma_wait3A_96] : memref<303104x192xf32, #tpu.memory_space<hbm>> -> memref<296x64xf32, #tpu.memory_space<hbm>>
          %dma_wait3A_98 = arith.constant 128 : i32
          %dma_wait3A_99 = tpu.memref_slice %arg4[%add3A_91, %dma_wait3A_98] : memref<303104x192xf32, #tpu.memory_space<hbm>> -> memref<296x64xf32, #tpu.memory_space<hbm>>
          tpu.wait_dma2 semaphore(%run_scoped3A : memref<!tpu.dma_semaphore, #tpu.memory_space<semaphore_mem>>) src(%arg10 : memref<296x64xf32, #tpu.memory_space<vmem>>) dst(%dma_wait3A_99 : memref<296x64xf32, #tpu.memory_space<hbm>>)
          tpu.yield
        }) : () -> ()
      } else {
      }
      %mul3A_39 = arith.constant 9472 : i32
      %mul3A_40 = arith.muli %add3A, %mul3A_39 : i32
      %mul3A_41 = arith.constant 296 : i32
      %mul3A_42 = arith.muli %add3A_28, %mul3A_41 : i32
      %add3A_43 = arith.addi %mul3A_40, %mul3A_42 : i32
      %add3A_44 = arith.constant 0 : i32
      %add3A_45 = arith.addi %add3A_44, %add3A_43 : i32
      "tpu.region"() ({
        %run_scoped3A = tpu.sem_alloc : memref<!tpu.dma_semaphore, #tpu.memory_space<semaphore_mem>>
        %dma_start3A_86 = tpu.memref_slice %arg3[%add3A_45] : memref<909312xi32, #tpu.memory_space<hbm>> -> memref<296xi32, #tpu.memory_space<hbm>>
        %dma_start3A_87 = tpu.memref_slice %arg3[%add3A_45] : memref<909312xi32, #tpu.memory_space<hbm>> -> memref<296xi32, #tpu.memory_space<hbm>>
        tpu.enqueue_dma source(%dma_start3A_87 : memref<296xi32, #tpu.memory_space<hbm>>) target(%arg14 : memref<296xi32, #tpu.memory_space<vmem>>) target_semaphore(%run_scoped3A : memref<!tpu.dma_semaphore, #tpu.memory_space<semaphore_mem>>)
        %dma_wait3A_88 = tpu.memref_slice %arg3[%add3A_45] : memref<909312xi32, #tpu.memory_space<hbm>> -> memref<296xi32, #tpu.memory_space<hbm>>
        %dma_wait3A_89 = tpu.memref_slice %arg3[%add3A_45] : memref<909312xi32, #tpu.memory_space<hbm>> -> memref<296xi32, #tpu.memory_space<hbm>>
        tpu.wait_dma2 semaphore(%run_scoped3A : memref<!tpu.dma_semaphore, #tpu.memory_space<semaphore_mem>>) src(%dma_wait3A_89 : memref<296xi32, #tpu.memory_space<hbm>>) dst(%arg14 : memref<296xi32, #tpu.memory_space<vmem>>)
        tpu.yield
      }) : () -> ()
      %add3A_46 = arith.constant 303104 : i32
      %add3A_47 = arith.addi %add3A_46, %add3A_43 : i32
      "tpu.region"() ({
        %run_scoped3A = tpu.sem_alloc : memref<!tpu.dma_semaphore, #tpu.memory_space<semaphore_mem>>
        %dma_start3A_86 = tpu.memref_slice %arg3[%add3A_47] : memref<909312xi32, #tpu.memory_space<hbm>> -> memref<296xi32, #tpu.memory_space<hbm>>
        %dma_start3A_87 = tpu.memref_slice %arg3[%add3A_47] : memref<909312xi32, #tpu.memory_space<hbm>> -> memref<296xi32, #tpu.memory_space<hbm>>
        tpu.enqueue_dma source(%dma_start3A_87 : memref<296xi32, #tpu.memory_space<hbm>>) target(%arg15 : memref<296xi32, #tpu.memory_space<vmem>>) target_semaphore(%run_scoped3A : memref<!tpu.dma_semaphore, #tpu.memory_space<semaphore_mem>>)
        %dma_wait3A_88 = tpu.memref_slice %arg3[%add3A_47] : memref<909312xi32, #tpu.memory_space<hbm>> -> memref<296xi32, #tpu.memory_space<hbm>>
        %dma_wait3A_89 = tpu.memref_slice %arg3[%add3A_47] : memref<909312xi32, #tpu.memory_space<hbm>> -> memref<296xi32, #tpu.memory_space<hbm>>
        tpu.wait_dma2 semaphore(%run_scoped3A : memref<!tpu.dma_semaphore, #tpu.memory_space<semaphore_mem>>) src(%dma_wait3A_89 : memref<296xi32, #tpu.memory_space<hbm>>) dst(%arg15 : memref<296xi32, #tpu.memory_space<vmem>>)
        tpu.yield
      }) : () -> ()
      %add3A_48 = arith.constant 606208 : i32
      %add3A_49 = arith.addi %add3A_48, %add3A_43 : i32
      "tpu.region"() ({
        %run_scoped3A = tpu.sem_alloc : memref<!tpu.dma_semaphore, #tpu.memory_space<semaphore_mem>>
        %dma_start3A_86 = tpu.memref_slice %arg3[%add3A_49] : memref<909312xi32, #tpu.memory_space<hbm>> -> memref<296xi32, #tpu.memory_space<hbm>>
        %dma_start3A_87 = tpu.memref_slice %arg3[%add3A_49] : memref<909312xi32, #tpu.memory_space<hbm>> -> memref<296xi32, #tpu.memory_space<hbm>>
        tpu.enqueue_dma source(%dma_start3A_87 : memref<296xi32, #tpu.memory_space<hbm>>) target(%arg16 : memref<296xi32, #tpu.memory_space<vmem>>) target_semaphore(%run_scoped3A : memref<!tpu.dma_semaphore, #tpu.memory_space<semaphore_mem>>)
        %dma_wait3A_88 = tpu.memref_slice %arg3[%add3A_49] : memref<909312xi32, #tpu.memory_space<hbm>> -> memref<296xi32, #tpu.memory_space<hbm>>
        %dma_wait3A_89 = tpu.memref_slice %arg3[%add3A_49] : memref<909312xi32, #tpu.memory_space<hbm>> -> memref<296xi32, #tpu.memory_space<hbm>>
        tpu.wait_dma2 semaphore(%run_scoped3A : memref<!tpu.dma_semaphore, #tpu.memory_space<semaphore_mem>>) src(%dma_wait3A_89 : memref<296xi32, #tpu.memory_space<hbm>>) dst(%arg16 : memref<296xi32, #tpu.memory_space<vmem>>)
        tpu.yield
      }) : () -> ()
      %dma_wait3A = arith.constant 0 : i32
      %dma_wait3A_50 = arith.constant 0 : i32
      %dma_wait3A_51 = tpu.memref_slice %arg2[%dma_wait3A, %dma_wait3A_50] : memref<50000x64xf32, #tpu.memory_space<hbm>> -> memref<50000x64xf32, #tpu.memory_space<hbm>>
      tpu.wait_indirect_dma semaphore(%arg17 : memref<!tpu.dma_semaphore, #tpu.memory_space<semaphore_mem>>) src(%dma_wait3A_51 : memref<50000x64xf32, #tpu.memory_space<hbm>>) dst(%arg5 : memref<296x64xf32, #tpu.memory_space<vmem>>)
      %dma_wait3A_52 = arith.constant 0 : i32
      %dma_wait3A_53 = arith.constant 0 : i32
      %dma_wait3A_54 = tpu.memref_slice %arg2[%dma_wait3A_52, %dma_wait3A_53] : memref<50000x64xf32, #tpu.memory_space<hbm>> -> memref<50000x64xf32, #tpu.memory_space<hbm>>
      tpu.wait_indirect_dma semaphore(%arg17 : memref<!tpu.dma_semaphore, #tpu.memory_space<semaphore_mem>>) src(%dma_wait3A_54 : memref<50000x64xf32, #tpu.memory_space<hbm>>) dst(%arg6 : memref<296x64xf32, #tpu.memory_space<vmem>>)
      %dma_wait3A_55 = arith.constant 0 : i32
      %dma_wait3A_56 = arith.constant 0 : i32
      %dma_wait3A_57 = tpu.memref_slice %arg2[%dma_wait3A_55, %dma_wait3A_56] : memref<50000x64xf32, #tpu.memory_space<hbm>> -> memref<50000x64xf32, #tpu.memory_space<hbm>>
      tpu.wait_indirect_dma semaphore(%arg17 : memref<!tpu.dma_semaphore, #tpu.memory_space<semaphore_mem>>) src(%dma_wait3A_57 : memref<50000x64xf32, #tpu.memory_space<hbm>>) dst(%arg7 : memref<296x64xf32, #tpu.memory_space<vmem>>)
      %dma_start3A_58 = arith.constant 0 : i32
      %dma_start3A_59 = arith.constant 0 : i32
      %dma_start3A_60 = tpu.memref_slice %arg2[%dma_start3A_58, %dma_start3A_59] : memref<50000x64xf32, #tpu.memory_space<hbm>> -> memref<50000x64xf32, #tpu.memory_space<hbm>>
      tpu.enqueue_indirect_dma source(%dma_start3A_60 : memref<50000x64xf32, #tpu.memory_space<hbm>>) target(%arg8 : memref<296x64xf32, #tpu.memory_space<vmem>>) offsets(%arg14 : memref<296xi32, #tpu.memory_space<vmem>>) semaphore(%arg18 : memref<!tpu.dma_semaphore, #tpu.memory_space<semaphore_mem>>)
      %dma_start3A_61 = arith.constant 0 : i32
      %dma_start3A_62 = arith.constant 0 : i32
      %dma_start3A_63 = tpu.memref_slice %arg2[%dma_start3A_61, %dma_start3A_62] : memref<50000x64xf32, #tpu.memory_space<hbm>> -> memref<50000x64xf32, #tpu.memory_space<hbm>>
      tpu.enqueue_indirect_dma source(%dma_start3A_63 : memref<50000x64xf32, #tpu.memory_space<hbm>>) target(%arg9 : memref<296x64xf32, #tpu.memory_space<vmem>>) offsets(%arg15 : memref<296xi32, #tpu.memory_space<vmem>>) semaphore(%arg18 : memref<!tpu.dma_semaphore, #tpu.memory_space<semaphore_mem>>)
      %dma_start3A_64 = arith.constant 0 : i32
      %dma_start3A_65 = arith.constant 0 : i32
      %dma_start3A_66 = tpu.memref_slice %arg2[%dma_start3A_64, %dma_start3A_65] : memref<50000x64xf32, #tpu.memory_space<hbm>> -> memref<50000x64xf32, #tpu.memory_space<hbm>>
      tpu.enqueue_indirect_dma source(%dma_start3A_66 : memref<50000x64xf32, #tpu.memory_space<hbm>>) target(%arg10 : memref<296x64xf32, #tpu.memory_space<vmem>>) offsets(%arg16 : memref<296xi32, #tpu.memory_space<vmem>>) semaphore(%arg18 : memref<!tpu.dma_semaphore, #tpu.memory_space<semaphore_mem>>)
      %mul3A_67 = arith.constant 9472 : i32
      %mul3A_68 = arith.muli %add3A, %mul3A_67 : i32
      %mul3A_69 = arith.constant 296 : i32
      %mul3A_70 = arith.muli %mul3A_24, %mul3A_69 : i32
      %add3A_71 = arith.addi %mul3A_68, %mul3A_70 : i32
      "tpu.region"() ({
        %run_scoped3A = tpu.sem_alloc : memref<!tpu.dma_semaphore, #tpu.memory_space<semaphore_mem>>
        %dma_start3A_86 = arith.constant 0 : i32
        %dma_start3A_87 = tpu.memref_slice %arg4[%add3A_71, %dma_start3A_86] : memref<303104x192xf32, #tpu.memory_space<hbm>> -> memref<296x64xf32, #tpu.memory_space<hbm>>
        %dma_start3A_88 = arith.constant 0 : i32
        %dma_start3A_89 = tpu.memref_slice %arg4[%add3A_71, %dma_start3A_88] : memref<303104x192xf32, #tpu.memory_space<hbm>> -> memref<296x64xf32, #tpu.memory_space<hbm>>
        tpu.enqueue_dma source(%arg5 : memref<296x64xf32, #tpu.memory_space<vmem>>) target(%dma_start3A_89 : memref<296x64xf32, #tpu.memory_space<hbm>>) target_semaphore(%run_scoped3A : memref<!tpu.dma_semaphore, #tpu.memory_space<semaphore_mem>>)
        %dma_wait3A_90 = arith.constant 0 : i32
        %dma_wait3A_91 = tpu.memref_slice %arg4[%add3A_71, %dma_wait3A_90] : memref<303104x192xf32, #tpu.memory_space<hbm>> -> memref<296x64xf32, #tpu.memory_space<hbm>>
        %dma_wait3A_92 = arith.constant 0 : i32
        %dma_wait3A_93 = tpu.memref_slice %arg4[%add3A_71, %dma_wait3A_92] : memref<303104x192xf32, #tpu.memory_space<hbm>> -> memref<296x64xf32, #tpu.memory_space<hbm>>
        tpu.wait_dma2 semaphore(%run_scoped3A : memref<!tpu.dma_semaphore, #tpu.memory_space<semaphore_mem>>) src(%arg5 : memref<296x64xf32, #tpu.memory_space<vmem>>) dst(%dma_wait3A_93 : memref<296x64xf32, #tpu.memory_space<hbm>>)
        tpu.yield
      }) : () -> ()
      "tpu.region"() ({
        %run_scoped3A = tpu.sem_alloc : memref<!tpu.dma_semaphore, #tpu.memory_space<semaphore_mem>>
        %dma_start3A_86 = arith.constant 64 : i32
        %dma_start3A_87 = tpu.memref_slice %arg4[%add3A_71, %dma_start3A_86] : memref<303104x192xf32, #tpu.memory_space<hbm>> -> memref<296x64xf32, #tpu.memory_space<hbm>>
        %dma_start3A_88 = arith.constant 64 : i32
        %dma_start3A_89 = tpu.memref_slice %arg4[%add3A_71, %dma_start3A_88] : memref<303104x192xf32, #tpu.memory_space<hbm>> -> memref<296x64xf32, #tpu.memory_space<hbm>>
        tpu.enqueue_dma source(%arg6 : memref<296x64xf32, #tpu.memory_space<vmem>>) target(%dma_start3A_89 : memref<296x64xf32, #tpu.memory_space<hbm>>) target_semaphore(%run_scoped3A : memref<!tpu.dma_semaphore, #tpu.memory_space<semaphore_mem>>)
        %dma_wait3A_90 = arith.constant 64 : i32
        %dma_wait3A_91 = tpu.memref_slice %arg4[%add3A_71, %dma_wait3A_90] : memref<303104x192xf32, #tpu.memory_space<hbm>> -> memref<296x64xf32, #tpu.memory_space<hbm>>
        %dma_wait3A_92 = arith.constant 64 : i32
        %dma_wait3A_93 = tpu.memref_slice %arg4[%add3A_71, %dma_wait3A_92] : memref<303104x192xf32, #tpu.memory_space<hbm>> -> memref<296x64xf32, #tpu.memory_space<hbm>>
        tpu.wait_dma2 semaphore(%run_scoped3A : memref<!tpu.dma_semaphore, #tpu.memory_space<semaphore_mem>>) src(%arg6 : memref<296x64xf32, #tpu.memory_space<vmem>>) dst(%dma_wait3A_93 : memref<296x64xf32, #tpu.memory_space<hbm>>)
        tpu.yield
      }) : () -> ()
      "tpu.region"() ({
        %run_scoped3A = tpu.sem_alloc : memref<!tpu.dma_semaphore, #tpu.memory_space<semaphore_mem>>
        %dma_start3A_86 = arith.constant 128 : i32
        %dma_start3A_87 = tpu.memref_slice %arg4[%add3A_71, %dma_start3A_86] : memref<303104x192xf32, #tpu.memory_space<hbm>> -> memref<296x64xf32, #tpu.memory_space<hbm>>
        %dma_start3A_88 = arith.constant 128 : i32
        %dma_start3A_89 = tpu.memref_slice %arg4[%add3A_71, %dma_start3A_88] : memref<303104x192xf32, #tpu.memory_space<hbm>> -> memref<296x64xf32, #tpu.memory_space<hbm>>
        tpu.enqueue_dma source(%arg7 : memref<296x64xf32, #tpu.memory_space<vmem>>) target(%dma_start3A_89 : memref<296x64xf32, #tpu.memory_space<hbm>>) target_semaphore(%run_scoped3A : memref<!tpu.dma_semaphore, #tpu.memory_space<semaphore_mem>>)
        %dma_wait3A_90 = arith.constant 128 : i32
        %dma_wait3A_91 = tpu.memref_slice %arg4[%add3A_71, %dma_wait3A_90] : memref<303104x192xf32, #tpu.memory_space<hbm>> -> memref<296x64xf32, #tpu.memory_space<hbm>>
        %dma_wait3A_92 = arith.constant 128 : i32
        %dma_wait3A_93 = tpu.memref_slice %arg4[%add3A_71, %dma_wait3A_92] : memref<303104x192xf32, #tpu.memory_space<hbm>> -> memref<296x64xf32, #tpu.memory_space<hbm>>
        tpu.wait_dma2 semaphore(%run_scoped3A : memref<!tpu.dma_semaphore, #tpu.memory_space<semaphore_mem>>) src(%arg7 : memref<296x64xf32, #tpu.memory_space<vmem>>) dst(%dma_wait3A_93 : memref<296x64xf32, #tpu.memory_space<hbm>>)
        tpu.yield
      }) : () -> ()
      %lt3A = arith.constant 15 : i32
      %lt3A_72 = arith.cmpi slt, %scan3A_21, %lt3A : i32
      %convert_element_type3A_73 = arith.extui %lt3A_72 : i1 to i32
      %cond3A_74 = arith.constant 0 : i32
      %cond3A_75 = arith.cmpi ne, %convert_element_type3A_73, %cond3A_74 : i32
      scf.if %cond3A_75 {
        %add3A_86 = arith.constant 2 : i32
        %add3A_87 = arith.addi %mul3A_24, %add3A_86 : i32
        %mul3A_88 = arith.constant 9472 : i32
        %mul3A_89 = arith.muli %add3A, %mul3A_88 : i32
        %mul3A_90 = arith.constant 296 : i32
        %mul3A_91 = arith.muli %add3A_87, %mul3A_90 : i32
        %add3A_92 = arith.addi %mul3A_89, %mul3A_91 : i32
        %add3A_93 = arith.constant 0 : i32
        %add3A_94 = arith.addi %add3A_93, %add3A_92 : i32
        "tpu.region"() ({
          %run_scoped3A = tpu.sem_alloc : memref<!tpu.dma_semaphore, #tpu.memory_space<semaphore_mem>>
          %dma_start3A_99 = tpu.memref_slice %arg3[%add3A_94] : memref<909312xi32, #tpu.memory_space<hbm>> -> memref<296xi32, #tpu.memory_space<hbm>>
          %dma_start3A_100 = tpu.memref_slice %arg3[%add3A_94] : memref<909312xi32, #tpu.memory_space<hbm>> -> memref<296xi32, #tpu.memory_space<hbm>>
          tpu.enqueue_dma source(%dma_start3A_100 : memref<296xi32, #tpu.memory_space<hbm>>) target(%arg11 : memref<296xi32, #tpu.memory_space<vmem>>) target_semaphore(%run_scoped3A : memref<!tpu.dma_semaphore, #tpu.memory_space<semaphore_mem>>)
          %dma_wait3A_101 = tpu.memref_slice %arg3[%add3A_94] : memref<909312xi32, #tpu.memory_space<hbm>> -> memref<296xi32, #tpu.memory_space<hbm>>
          %dma_wait3A_102 = tpu.memref_slice %arg3[%add3A_94] : memref<909312xi32, #tpu.memory_space<hbm>> -> memref<296xi32, #tpu.memory_space<hbm>>
          tpu.wait_dma2 semaphore(%run_scoped3A : memref<!tpu.dma_semaphore, #tpu.memory_space<semaphore_mem>>) src(%dma_wait3A_102 : memref<296xi32, #tpu.memory_space<hbm>>) dst(%arg11 : memref<296xi32, #tpu.memory_space<vmem>>)
          tpu.yield
        }) : () -> ()
        %add3A_95 = arith.constant 303104 : i32
        %add3A_96 = arith.addi %add3A_95, %add3A_92 : i32
        "tpu.region"() ({
          %run_scoped3A = tpu.sem_alloc : memref<!tpu.dma_semaphore, #tpu.memory_space<semaphore_mem>>
          %dma_start3A_99 = tpu.memref_slice %arg3[%add3A_96] : memref<909312xi32, #tpu.memory_space<hbm>> -> memref<296xi32, #tpu.memory_space<hbm>>
          %dma_start3A_100 = tpu.memref_slice %arg3[%add3A_96] : memref<909312xi32, #tpu.memory_space<hbm>> -> memref<296xi32, #tpu.memory_space<hbm>>
          tpu.enqueue_dma source(%dma_start3A_100 : memref<296xi32, #tpu.memory_space<hbm>>) target(%arg12 : memref<296xi32, #tpu.memory_space<vmem>>) target_semaphore(%run_scoped3A : memref<!tpu.dma_semaphore, #tpu.memory_space<semaphore_mem>>)
          %dma_wait3A_101 = tpu.memref_slice %arg3[%add3A_96] : memref<909312xi32, #tpu.memory_space<hbm>> -> memref<296xi32, #tpu.memory_space<hbm>>
          %dma_wait3A_102 = tpu.memref_slice %arg3[%add3A_96] : memref<909312xi32, #tpu.memory_space<hbm>> -> memref<296xi32, #tpu.memory_space<hbm>>
          tpu.wait_dma2 semaphore(%run_scoped3A : memref<!tpu.dma_semaphore, #tpu.memory_space<semaphore_mem>>) src(%dma_wait3A_102 : memref<296xi32, #tpu.memory_space<hbm>>) dst(%arg12 : memref<296xi32, #tpu.memory_space<vmem>>)
          tpu.yield
        }) : () -> ()
        %add3A_97 = arith.constant 606208 : i32
        %add3A_98 = arith.addi %add3A_97, %add3A_92 : i32
        "tpu.region"() ({
          %run_scoped3A = tpu.sem_alloc : memref<!tpu.dma_semaphore, #tpu.memory_space<semaphore_mem>>
          %dma_start3A_99 = tpu.memref_slice %arg3[%add3A_98] : memref<909312xi32, #tpu.memory_space<hbm>> -> memref<296xi32, #tpu.memory_space<hbm>>
          %dma_start3A_100 = tpu.memref_slice %arg3[%add3A_98] : memref<909312xi32, #tpu.memory_space<hbm>> -> memref<296xi32, #tpu.memory_space<hbm>>
          tpu.enqueue_dma source(%dma_start3A_100 : memref<296xi32, #tpu.memory_space<hbm>>) target(%arg13 : memref<296xi32, #tpu.memory_space<vmem>>) target_semaphore(%run_scoped3A : memref<!tpu.dma_semaphore, #tpu.memory_space<semaphore_mem>>)
          %dma_wait3A_101 = tpu.memref_slice %arg3[%add3A_98] : memref<909312xi32, #tpu.memory_space<hbm>> -> memref<296xi32, #tpu.memory_space<hbm>>
          %dma_wait3A_102 = tpu.memref_slice %arg3[%add3A_98] : memref<909312xi32, #tpu.memory_space<hbm>> -> memref<296xi32, #tpu.memory_space<hbm>>
          tpu.wait_dma2 semaphore(%run_scoped3A : memref<!tpu.dma_semaphore, #tpu.memory_space<semaphore_mem>>) src(%dma_wait3A_102 : memref<296xi32, #tpu.memory_space<hbm>>) dst(%arg13 : memref<296xi32, #tpu.memory_space<vmem>>)
          tpu.yield
        }) : () -> ()
      } else {
      }
      %dma_wait3A_76 = arith.constant 0 : i32
      %dma_wait3A_77 = arith.constant 0 : i32
      %dma_wait3A_78 = tpu.memref_slice %arg2[%dma_wait3A_76, %dma_wait3A_77] : memref<50000x64xf32, #tpu.memory_space<hbm>> -> memref<50000x64xf32, #tpu.memory_space<hbm>>
      tpu.wait_indirect_dma semaphore(%arg18 : memref<!tpu.dma_semaphore, #tpu.memory_space<semaphore_mem>>) src(%dma_wait3A_78 : memref<50000x64xf32, #tpu.memory_space<hbm>>) dst(%arg8 : memref<296x64xf32, #tpu.memory_space<vmem>>)
      %dma_wait3A_79 = arith.constant 0 : i32
      %dma_wait3A_80 = arith.constant 0 : i32
      %dma_wait3A_81 = tpu.memref_slice %arg2[%dma_wait3A_79, %dma_wait3A_80] : memref<50000x64xf32, #tpu.memory_space<hbm>> -> memref<50000x64xf32, #tpu.memory_space<hbm>>
      tpu.wait_indirect_dma semaphore(%arg18 : memref<!tpu.dma_semaphore, #tpu.memory_space<semaphore_mem>>) src(%dma_wait3A_81 : memref<50000x64xf32, #tpu.memory_space<hbm>>) dst(%arg9 : memref<296x64xf32, #tpu.memory_space<vmem>>)
      %dma_wait3A_82 = arith.constant 0 : i32
      %dma_wait3A_83 = arith.constant 0 : i32
      %dma_wait3A_84 = tpu.memref_slice %arg2[%dma_wait3A_82, %dma_wait3A_83] : memref<50000x64xf32, #tpu.memory_space<hbm>> -> memref<50000x64xf32, #tpu.memory_space<hbm>>
      tpu.wait_indirect_dma semaphore(%arg18 : memref<!tpu.dma_semaphore, #tpu.memory_space<semaphore_mem>>) src(%dma_wait3A_84 : memref<50000x64xf32, #tpu.memory_space<hbm>>) dst(%arg10 : memref<296x64xf32, #tpu.memory_space<vmem>>)
      %scan3A_85 = arith.constant 0 : i32
      scf.yield %scan3A_85 : i32
    }
    %scan3A_16 = arith.constant 16 : i32
    %mul3A_17 = arith.constant 9472 : i32
    %mul3A_18 = arith.muli %add3A, %mul3A_17 : i32
    %add3A_19 = arith.constant 9176 : i32
    %add3A_20 = arith.addi %mul3A_18, %add3A_19 : i32
    "tpu.region"() ({
      %run_scoped3A = tpu.sem_alloc : memref<!tpu.dma_semaphore, #tpu.memory_space<semaphore_mem>>
      %dma_start3A = arith.constant 0 : i32
      %dma_start3A_21 = tpu.memref_slice %arg4[%add3A_20, %dma_start3A] : memref<303104x192xf32, #tpu.memory_space<hbm>> -> memref<296x64xf32, #tpu.memory_space<hbm>>
      %dma_start3A_22 = arith.constant 0 : i32
      %dma_start3A_23 = tpu.memref_slice %arg4[%add3A_20, %dma_start3A_22] : memref<303104x192xf32, #tpu.memory_space<hbm>> -> memref<296x64xf32, #tpu.memory_space<hbm>>
      tpu.enqueue_dma source(%arg8 : memref<296x64xf32, #tpu.memory_space<vmem>>) target(%dma_start3A_23 : memref<296x64xf32, #tpu.memory_space<hbm>>) target_semaphore(%run_scoped3A : memref<!tpu.dma_semaphore, #tpu.memory_space<semaphore_mem>>)
      %dma_wait3A = arith.constant 0 : i32
      %dma_wait3A_24 = tpu.memref_slice %arg4[%add3A_20, %dma_wait3A] : memref<303104x192xf32, #tpu.memory_space<hbm>> -> memref<296x64xf32, #tpu.memory_space<hbm>>
      %dma_wait3A_25 = arith.constant 0 : i32
      %dma_wait3A_26 = tpu.memref_slice %arg4[%add3A_20, %dma_wait3A_25] : memref<303104x192xf32, #tpu.memory_space<hbm>> -> memref<296x64xf32, #tpu.memory_space<hbm>>
      tpu.wait_dma2 semaphore(%run_scoped3A : memref<!tpu.dma_semaphore, #tpu.memory_space<semaphore_mem>>) src(%arg8 : memref<296x64xf32, #tpu.memory_space<vmem>>) dst(%dma_wait3A_26 : memref<296x64xf32, #tpu.memory_space<hbm>>)
      tpu.yield
    }) : () -> ()
    "tpu.region"() ({
      %run_scoped3A = tpu.sem_alloc : memref<!tpu.dma_semaphore, #tpu.memory_space<semaphore_mem>>
      %dma_start3A = arith.constant 64 : i32
      %dma_start3A_21 = tpu.memref_slice %arg4[%add3A_20, %dma_start3A] : memref<303104x192xf32, #tpu.memory_space<hbm>> -> memref<296x64xf32, #tpu.memory_space<hbm>>
      %dma_start3A_22 = arith.constant 64 : i32
      %dma_start3A_23 = tpu.memref_slice %arg4[%add3A_20, %dma_start3A_22] : memref<303104x192xf32, #tpu.memory_space<hbm>> -> memref<296x64xf32, #tpu.memory_space<hbm>>
      tpu.enqueue_dma source(%arg9 : memref<296x64xf32, #tpu.memory_space<vmem>>) target(%dma_start3A_23 : memref<296x64xf32, #tpu.memory_space<hbm>>) target_semaphore(%run_scoped3A : memref<!tpu.dma_semaphore, #tpu.memory_space<semaphore_mem>>)
      %dma_wait3A = arith.constant 64 : i32
      %dma_wait3A_24 = tpu.memref_slice %arg4[%add3A_20, %dma_wait3A] : memref<303104x192xf32, #tpu.memory_space<hbm>> -> memref<296x64xf32, #tpu.memory_space<hbm>>
      %dma_wait3A_25 = arith.constant 64 : i32
      %dma_wait3A_26 = tpu.memref_slice %arg4[%add3A_20, %dma_wait3A_25] : memref<303104x192xf32, #tpu.memory_space<hbm>> -> memref<296x64xf32, #tpu.memory_space<hbm>>
      tpu.wait_dma2 semaphore(%run_scoped3A : memref<!tpu.dma_semaphore, #tpu.memory_space<semaphore_mem>>) src(%arg9 : memref<296x64xf32, #tpu.memory_space<vmem>>) dst(%dma_wait3A_26 : memref<296x64xf32, #tpu.memory_space<hbm>>)
      tpu.yield
    }) : () -> ()
    "tpu.region"() ({
      %run_scoped3A = tpu.sem_alloc : memref<!tpu.dma_semaphore, #tpu.memory_space<semaphore_mem>>
      %dma_start3A = arith.constant 128 : i32
      %dma_start3A_21 = tpu.memref_slice %arg4[%add3A_20, %dma_start3A] : memref<303104x192xf32, #tpu.memory_space<hbm>> -> memref<296x64xf32, #tpu.memory_space<hbm>>
      %dma_start3A_22 = arith.constant 128 : i32
      %dma_start3A_23 = tpu.memref_slice %arg4[%add3A_20, %dma_start3A_22] : memref<303104x192xf32, #tpu.memory_space<hbm>> -> memref<296x64xf32, #tpu.memory_space<hbm>>
      tpu.enqueue_dma source(%arg10 : memref<296x64xf32, #tpu.memory_space<vmem>>) target(%dma_start3A_23 : memref<296x64xf32, #tpu.memory_space<hbm>>) target_semaphore(%run_scoped3A : memref<!tpu.dma_semaphore, #tpu.memory_space<semaphore_mem>>)
      %dma_wait3A = arith.constant 128 : i32
      %dma_wait3A_24 = tpu.memref_slice %arg4[%add3A_20, %dma_wait3A] : memref<303104x192xf32, #tpu.memory_space<hbm>> -> memref<296x64xf32, #tpu.memory_space<hbm>>
      %dma_wait3A_25 = arith.constant 128 : i32
      %dma_wait3A_26 = tpu.memref_slice %arg4[%add3A_20, %dma_wait3A_25] : memref<303104x192xf32, #tpu.memory_space<hbm>> -> memref<296x64xf32, #tpu.memory_space<hbm>>
      tpu.wait_dma2 semaphore(%run_scoped3A : memref<!tpu.dma_semaphore, #tpu.memory_space<semaphore_mem>>) src(%arg10 : memref<296x64xf32, #tpu.memory_space<vmem>>) dst(%dma_wait3A_26 : memref<296x64xf32, #tpu.memory_space<hbm>>)
      tpu.yield
    }) : () -> ()
    return
  }
}

#map = affine_map<(d0, d1) -> (0, 0)>
#map1 = affine_map<(d0, d1) -> (0)>
module attributes {stable_mosaic.version = 14 : i64} {
  func.func @_sc_gather_body(%arg0: i32, %arg1: i32, %arg2: memref<50000x64xf32, #tpu.memory_space<hbm>>, %arg3: memref<909312xi32, #tpu.memory_space<hbm>>, %arg4: memref<303104x192xf32, #tpu.memory_space<hbm>>, %arg5: memref<296x64xf32, #tpu.memory_space<vmem>>, %arg6: memref<296x64xf32, #tpu.memory_space<vmem>>, %arg7: memref<296x64xf32, #tpu.memory_space<vmem>>, %arg8: memref<296x64xf32, #tpu.memory_space<vmem>>, %arg9: memref<296x64xf32, #tpu.memory_space<vmem>>, %arg10: memref<296x64xf32, #tpu.memory_space<vmem>>, %arg11: memref<296xi32, #tpu.memory_space<vmem>>, %arg12: memref<296xi32, #tpu.memory_space<vmem>>, %arg13: memref<296xi32, #tpu.memory_space<vmem>>, %arg14: memref<296xi32, #tpu.memory_space<vmem>>, %arg15: memref<296xi32, #tpu.memory_space<vmem>>, %arg16: memref<296xi32, #tpu.memory_space<vmem>>, %arg17: memref<!tpu.dma_semaphore, #tpu.memory_space<semaphore_mem>>, %arg18: memref<!tpu.dma_semaphore, #tpu.memory_space<semaphore_mem>>) attributes {dimension_semantics = [#tpu.dimension_semantics<core_parallel>, #tpu.dimension_semantics<subcore_parallel>], iteration_bounds = array<i64: 2, 16>, scalar_prefetch = 0 : i64, scratch_operands = 14 : i64, tpu.core_type = #tpu.core_type<sc_vector_subcore>, window_params = [{transform_indices = #map}, {transform_indices = #map1}, {transform_indices = #map}]} {
    %mul3A = arith.constant 2 : i32
    %mul3A_0 = arith.muli %arg1, %mul3A : i32
    %add3A = arith.addi %mul3A_0, %arg0 : i32
    %mul3A_1 = arith.constant 9472 : i32
    %mul3A_2 = arith.muli %add3A, %mul3A_1 : i32
    %add3A_3 = arith.constant 0 : i32
    %add3A_4 = arith.addi %mul3A_2, %add3A_3 : i32
    %add3A_5 = arith.constant 0 : i32
    %add3A_6 = arith.addi %add3A_5, %add3A_4 : i32
    "tpu.region"() ({
      %run_scoped3A = tpu.sem_alloc : memref<!tpu.dma_semaphore, #tpu.memory_space<semaphore_mem>>
      %dma_start3A = tpu.memref_slice %arg3[%add3A_6] : memref<909312xi32, #tpu.memory_space<hbm>> -> memref<296xi32, #tpu.memory_space<hbm>>
      %dma_start3A_21 = tpu.memref_slice %arg3[%add3A_6] : memref<909312xi32, #tpu.memory_space<hbm>> -> memref<296xi32, #tpu.memory_space<hbm>>
      tpu.enqueue_dma source(%dma_start3A_21 : memref<296xi32, #tpu.memory_space<hbm>>) target(%arg11 : memref<296xi32, #tpu.memory_space<vmem>>) target_semaphore(%run_scoped3A : memref<!tpu.dma_semaphore, #tpu.memory_space<semaphore_mem>>)
      %dma_wait3A = tpu.memref_slice %arg3[%add3A_6] : memref<909312xi32, #tpu.memory_space<hbm>> -> memref<296xi32, #tpu.memory_space<hbm>>
      %dma_wait3A_22 = tpu.memref_slice %arg3[%add3A_6] : memref<909312xi32, #tpu.memory_space<hbm>> -> memref<296xi32, #tpu.memory_space<hbm>>
      tpu.wait_dma2 semaphore(%run_scoped3A : memref<!tpu.dma_semaphore, #tpu.memory_space<semaphore_mem>>) src(%dma_wait3A_22 : memref<296xi32, #tpu.memory_space<hbm>>) dst(%arg11 : memref<296xi32, #tpu.memory_space<vmem>>)
      tpu.yield
    }) : () -> ()
    %add3A_7 = arith.constant 303104 : i32
    %add3A_8 = arith.addi %add3A_7, %add3A_4 : i32
    "tpu.region"() ({
      %run_scoped3A = tpu.sem_alloc : memref<!tpu.dma_semaphore, #tpu.memory_space<semaphore_mem>>
      %dma_start3A = tpu.memref_slice %arg3[%add3A_8] : memref<909312xi32, #tpu.memory_space<hbm>> -> memref<296xi32, #tpu.memory_space<hbm>>
      %dma_start3A_21 = tpu.memref_slice %arg3[%add3A_8] : memref<909312xi32, #tpu.memory_space<hbm>> -> memref<296xi32, #tpu.memory_space<hbm>>
      tpu.enqueue_dma source(%dma_start3A_21 : memref<296xi32, #tpu.memory_space<hbm>>) target(%arg12 : memref<296xi32, #tpu.memory_space<vmem>>) target_semaphore(%run_scoped3A : memref<!tpu.dma_semaphore, #tpu.memory_space<semaphore_mem>>)
      %dma_wait3A = tpu.memref_slice %arg3[%add3A_8] : memref<909312xi32, #tpu.memory_space<hbm>> -> memref<296xi32, #tpu.memory_space<hbm>>
      %dma_wait3A_22 = tpu.memref_slice %arg3[%add3A_8] : memref<909312xi32, #tpu.memory_space<hbm>> -> memref<296xi32, #tpu.memory_space<hbm>>
      tpu.wait_dma2 semaphore(%run_scoped3A : memref<!tpu.dma_semaphore, #tpu.memory_space<semaphore_mem>>) src(%dma_wait3A_22 : memref<296xi32, #tpu.memory_space<hbm>>) dst(%arg12 : memref<296xi32, #tpu.memory_space<vmem>>)
      tpu.yield
    }) : () -> ()
    %add3A_9 = arith.constant 606208 : i32
    %add3A_10 = arith.addi %add3A_9, %add3A_4 : i32
    "tpu.region"() ({
      %run_scoped3A = tpu.sem_alloc : memref<!tpu.dma_semaphore, #tpu.memory_space<semaphore_mem>>
      %dma_start3A = tpu.memref_slice %arg3[%add3A_10] : memref<909312xi32, #tpu.memory_space<hbm>> -> memref<296xi32, #tpu.memory_space<hbm>>
      %dma_start3A_21 = tpu.memref_slice %arg3[%add3A_10] : memref<909312xi32, #tpu.memory_space<hbm>> -> memref<296xi32, #tpu.memory_space<hbm>>
      tpu.enqueue_dma source(%dma_start3A_21 : memref<296xi32, #tpu.memory_space<hbm>>) target(%arg13 : memref<296xi32, #tpu.memory_space<vmem>>) target_semaphore(%run_scoped3A : memref<!tpu.dma_semaphore, #tpu.memory_space<semaphore_mem>>)
      %dma_wait3A = tpu.memref_slice %arg3[%add3A_10] : memref<909312xi32, #tpu.memory_space<hbm>> -> memref<296xi32, #tpu.memory_space<hbm>>
      %dma_wait3A_22 = tpu.memref_slice %arg3[%add3A_10] : memref<909312xi32, #tpu.memory_space<hbm>> -> memref<296xi32, #tpu.memory_space<hbm>>
      tpu.wait_dma2 semaphore(%run_scoped3A : memref<!tpu.dma_semaphore, #tpu.memory_space<semaphore_mem>>) src(%dma_wait3A_22 : memref<296xi32, #tpu.memory_space<hbm>>) dst(%arg13 : memref<296xi32, #tpu.memory_space<vmem>>)
      tpu.yield
    }) : () -> ()
    %scan3A = arith.constant 0 : i32
    %scan3A_11 = arith.constant 0 : i32
    %scan3A_12 = arith.constant 16 : i32
    %scan3A_13 = arith.addi %scan3A_11, %scan3A_12 : i32
    %scan3A_14 = arith.constant 1 : i32
    %scan3A_15 = scf.for %scan3A_21 = %scan3A_11 to %scan3A_13 step %scan3A_14 iter_args(%scan3A_22 = %scan3A) -> (i32)  : i32 {
      %mul3A_23 = arith.constant 2 : i32
      %mul3A_24 = arith.muli %mul3A_23, %scan3A_21 : i32
      %mul3A_25 = arith.constant 2 : i32
      %mul3A_26 = arith.muli %mul3A_25, %scan3A_21 : i32
      %add3A_27 = arith.constant 1 : i32
      %add3A_28 = arith.addi %mul3A_26, %add3A_27 : i32
      %dma_start3A = arith.constant 0 : i32
      %dma_start3A_29 = arith.constant 0 : i32
      %dma_start3A_30 = tpu.memref_slice %arg2[%dma_start3A, %dma_start3A_29] : memref<50000x64xf32, #tpu.memory_space<hbm>> -> memref<50000x64xf32, #tpu.memory_space<hbm>>
      tpu.enqueue_indirect_dma source(%dma_start3A_30 : memref<50000x64xf32, #tpu.memory_space<hbm>>) target(%arg5 : memref<296x64xf32, #tpu.memory_space<vmem>>) offsets(%arg11 : memref<296xi32, #tpu.memory_space<vmem>>) semaphore(%arg17 : memref<!tpu.dma_semaphore, #tpu.memory_space<semaphore_mem>>)
      %dma_start3A_31 = arith.constant 0 : i32
      %dma_start3A_32 = arith.constant 0 : i32
      %dma_start3A_33 = tpu.memref_slice %arg2[%dma_start3A_31, %dma_start3A_32] : memref<50000x64xf32, #tpu.memory_space<hbm>> -> memref<50000x64xf32, #tpu.memory_space<hbm>>
      tpu.enqueue_indirect_dma source(%dma_start3A_33 : memref<50000x64xf32, #tpu.memory_space<hbm>>) target(%arg6 : memref<296x64xf32, #tpu.memory_space<vmem>>) offsets(%arg12 : memref<296xi32, #tpu.memory_space<vmem>>) semaphore(%arg17 : memref<!tpu.dma_semaphore, #tpu.memory_space<semaphore_mem>>)
      %dma_start3A_34 = arith.constant 0 : i32
      %dma_start3A_35 = arith.constant 0 : i32
      %dma_start3A_36 = tpu.memref_slice %arg2[%dma_start3A_34, %dma_start3A_35] : memref<50000x64xf32, #tpu.memory_space<hbm>> -> memref<50000x64xf32, #tpu.memory_space<hbm>>
      tpu.enqueue_indirect_dma source(%dma_start3A_36 : memref<50000x64xf32, #tpu.memory_space<hbm>>) target(%arg7 : memref<296x64xf32, #tpu.memory_space<vmem>>) offsets(%arg13 : memref<296xi32, #tpu.memory_space<vmem>>) semaphore(%arg17 : memref<!tpu.dma_semaphore, #tpu.memory_space<semaphore_mem>>)
      %gt3A = arith.constant 0 : i32
      %gt3A_37 = arith.cmpi sgt, %scan3A_21, %gt3A : i32
      %convert_element_type3A = arith.extui %gt3A_37 : i1 to i32
      %cond3A = arith.constant 0 : i32
      %cond3A_38 = arith.cmpi ne, %convert_element_type3A, %cond3A : i32
      scf.if %cond3A_38 {
        %sub3A = arith.constant 2 : i32
        %sub3A_86 = arith.subi %add3A_28, %sub3A : i32
        %mul3A_87 = arith.constant 9472 : i32
        %mul3A_88 = arith.muli %add3A, %mul3A_87 : i32
        %mul3A_89 = arith.constant 296 : i32
        %mul3A_90 = arith.muli %sub3A_86, %mul3A_89 : i32
        %add3A_91 = arith.addi %mul3A_88, %mul3A_90 : i32
        "tpu.region"() ({
          %run_scoped3A = tpu.sem_alloc : memref<!tpu.dma_semaphore, #tpu.memory_space<semaphore_mem>>
          %dma_start3A_92 = arith.constant 0 : i32
          %dma_start3A_93 = tpu.memref_slice %arg4[%add3A_91, %dma_start3A_92] : memref<303104x192xf32, #tpu.memory_space<hbm>> -> memref<296x64xf32, #tpu.memory_space<hbm>>
          %dma_start3A_94 = arith.constant 0 : i32
          %dma_start3A_95 = tpu.memref_slice %arg4[%add3A_91, %dma_start3A_94] : memref<303104x192xf32, #tpu.memory_space<hbm>> -> memref<296x64xf32, #tpu.memory_space<hbm>>
          tpu.enqueue_dma source(%arg8 : memref<296x64xf32, #tpu.memory_space<vmem>>) target(%dma_start3A_95 : memref<296x64xf32, #tpu.memory_space<hbm>>) target_semaphore(%run_scoped3A : memref<!tpu.dma_semaphore, #tpu.memory_space<semaphore_mem>>)
          %dma_wait3A_96 = arith.constant 0 : i32
          %dma_wait3A_97 = tpu.memref_slice %arg4[%add3A_91, %dma_wait3A_96] : memref<303104x192xf32, #tpu.memory_space<hbm>> -> memref<296x64xf32, #tpu.memory_space<hbm>>
          %dma_wait3A_98 = arith.constant 0 : i32
          %dma_wait3A_99 = tpu.memref_slice %arg4[%add3A_91, %dma_wait3A_98] : memref<303104x192xf32, #tpu.memory_space<hbm>> -> memref<296x64xf32, #tpu.memory_space<hbm>>
          tpu.wait_dma2 semaphore(%run_scoped3A : memref<!tpu.dma_semaphore, #tpu.memory_space<semaphore_mem>>) src(%arg8 : memref<296x64xf32, #tpu.memory_space<vmem>>) dst(%dma_wait3A_99 : memref<296x64xf32, #tpu.memory_space<hbm>>)
          tpu.yield
        }) : () -> ()
        "tpu.region"() ({
          %run_scoped3A = tpu.sem_alloc : memref<!tpu.dma_semaphore, #tpu.memory_space<semaphore_mem>>
          %dma_start3A_92 = arith.constant 64 : i32
          %dma_start3A_93 = tpu.memref_slice %arg4[%add3A_91, %dma_start3A_92] : memref<303104x192xf32, #tpu.memory_space<hbm>> -> memref<296x64xf32, #tpu.memory_space<hbm>>
          %dma_start3A_94 = arith.constant 64 : i32
          %dma_start3A_95 = tpu.memref_slice %arg4[%add3A_91, %dma_start3A_94] : memref<303104x192xf32, #tpu.memory_space<hbm>> -> memref<296x64xf32, #tpu.memory_space<hbm>>
          tpu.enqueue_dma source(%arg9 : memref<296x64xf32, #tpu.memory_space<vmem>>) target(%dma_start3A_95 : memref<296x64xf32, #tpu.memory_space<hbm>>) target_semaphore(%run_scoped3A : memref<!tpu.dma_semaphore, #tpu.memory_space<semaphore_mem>>)
          %dma_wait3A_96 = arith.constant 64 : i32
          %dma_wait3A_97 = tpu.memref_slice %arg4[%add3A_91, %dma_wait3A_96] : memref<303104x192xf32, #tpu.memory_space<hbm>> -> memref<296x64xf32, #tpu.memory_space<hbm>>
          %dma_wait3A_98 = arith.constant 64 : i32
          %dma_wait3A_99 = tpu.memref_slice %arg4[%add3A_91, %dma_wait3A_98] : memref<303104x192xf32, #tpu.memory_space<hbm>> -> memref<296x64xf32, #tpu.memory_space<hbm>>
          tpu.wait_dma2 semaphore(%run_scoped3A : memref<!tpu.dma_semaphore, #tpu.memory_space<semaphore_mem>>) src(%arg9 : memref<296x64xf32, #tpu.memory_space<vmem>>) dst(%dma_wait3A_99 : memref<296x64xf32, #tpu.memory_space<hbm>>)
          tpu.yield
        }) : () -> ()
        "tpu.region"() ({
          %run_scoped3A = tpu.sem_alloc : memref<!tpu.dma_semaphore, #tpu.memory_space<semaphore_mem>>
          %dma_start3A_92 = arith.constant 128 : i32
          %dma_start3A_93 = tpu.memref_slice %arg4[%add3A_91, %dma_start3A_92] : memref<303104x192xf32, #tpu.memory_space<hbm>> -> memref<296x64xf32, #tpu.memory_space<hbm>>
          %dma_start3A_94 = arith.constant 128 : i32
          %dma_start3A_95 = tpu.memref_slice %arg4[%add3A_91, %dma_start3A_94] : memref<303104x192xf32, #tpu.memory_space<hbm>> -> memref<296x64xf32, #tpu.memory_space<hbm>>
          tpu.enqueue_dma source(%arg10 : memref<296x64xf32, #tpu.memory_space<vmem>>) target(%dma_start3A_95 : memref<296x64xf32, #tpu.memory_space<hbm>>) target_semaphore(%run_scoped3A : memref<!tpu.dma_semaphore, #tpu.memory_space<semaphore_mem>>)
          %dma_wait3A_96 = arith.constant 128 : i32
          %dma_wait3A_97 = tpu.memref_slice %arg4[%add3A_91, %dma_wait3A_96] : memref<303104x192xf32, #tpu.memory_space<hbm>> -> memref<296x64xf32, #tpu.memory_space<hbm>>
          %dma_wait3A_98 = arith.constant 128 : i32
          %dma_wait3A_99 = tpu.memref_slice %arg4[%add3A_91, %dma_wait3A_98] : memref<303104x192xf32, #tpu.memory_space<hbm>> -> memref<296x64xf32, #tpu.memory_space<hbm>>
          tpu.wait_dma2 semaphore(%run_scoped3A : memref<!tpu.dma_semaphore, #tpu.memory_space<semaphore_mem>>) src(%arg10 : memref<296x64xf32, #tpu.memory_space<vmem>>) dst(%dma_wait3A_99 : memref<296x64xf32, #tpu.memory_space<hbm>>)
          tpu.yield
        }) : () -> ()
      } else {
      }
      %mul3A_39 = arith.constant 9472 : i32
      %mul3A_40 = arith.muli %add3A, %mul3A_39 : i32
      %mul3A_41 = arith.constant 296 : i32
      %mul3A_42 = arith.muli %add3A_28, %mul3A_41 : i32
      %add3A_43 = arith.addi %mul3A_40, %mul3A_42 : i32
      %add3A_44 = arith.constant 0 : i32
      %add3A_45 = arith.addi %add3A_44, %add3A_43 : i32
      "tpu.region"() ({
        %run_scoped3A = tpu.sem_alloc : memref<!tpu.dma_semaphore, #tpu.memory_space<semaphore_mem>>
        %dma_start3A_86 = tpu.memref_slice %arg3[%add3A_45] : memref<909312xi32, #tpu.memory_space<hbm>> -> memref<296xi32, #tpu.memory_space<hbm>>
        %dma_start3A_87 = tpu.memref_slice %arg3[%add3A_45] : memref<909312xi32, #tpu.memory_space<hbm>> -> memref<296xi32, #tpu.memory_space<hbm>>
        tpu.enqueue_dma source(%dma_start3A_87 : memref<296xi32, #tpu.memory_space<hbm>>) target(%arg14 : memref<296xi32, #tpu.memory_space<vmem>>) target_semaphore(%run_scoped3A : memref<!tpu.dma_semaphore, #tpu.memory_space<semaphore_mem>>)
        %dma_wait3A_88 = tpu.memref_slice %arg3[%add3A_45] : memref<909312xi32, #tpu.memory_space<hbm>> -> memref<296xi32, #tpu.memory_space<hbm>>
        %dma_wait3A_89 = tpu.memref_slice %arg3[%add3A_45] : memref<909312xi32, #tpu.memory_space<hbm>> -> memref<296xi32, #tpu.memory_space<hbm>>
        tpu.wait_dma2 semaphore(%run_scoped3A : memref<!tpu.dma_semaphore, #tpu.memory_space<semaphore_mem>>) src(%dma_wait3A_89 : memref<296xi32, #tpu.memory_space<hbm>>) dst(%arg14 : memref<296xi32, #tpu.memory_space<vmem>>)
        tpu.yield
      }) : () -> ()
      %add3A_46 = arith.constant 303104 : i32
      %add3A_47 = arith.addi %add3A_46, %add3A_43 : i32
      "tpu.region"() ({
        %run_scoped3A = tpu.sem_alloc : memref<!tpu.dma_semaphore, #tpu.memory_space<semaphore_mem>>
        %dma_start3A_86 = tpu.memref_slice %arg3[%add3A_47] : memref<909312xi32, #tpu.memory_space<hbm>> -> memref<296xi32, #tpu.memory_space<hbm>>
        %dma_start3A_87 = tpu.memref_slice %arg3[%add3A_47] : memref<909312xi32, #tpu.memory_space<hbm>> -> memref<296xi32, #tpu.memory_space<hbm>>
        tpu.enqueue_dma source(%dma_start3A_87 : memref<296xi32, #tpu.memory_space<hbm>>) target(%arg15 : memref<296xi32, #tpu.memory_space<vmem>>) target_semaphore(%run_scoped3A : memref<!tpu.dma_semaphore, #tpu.memory_space<semaphore_mem>>)
        %dma_wait3A_88 = tpu.memref_slice %arg3[%add3A_47] : memref<909312xi32, #tpu.memory_space<hbm>> -> memref<296xi32, #tpu.memory_space<hbm>>
        %dma_wait3A_89 = tpu.memref_slice %arg3[%add3A_47] : memref<909312xi32, #tpu.memory_space<hbm>> -> memref<296xi32, #tpu.memory_space<hbm>>
        tpu.wait_dma2 semaphore(%run_scoped3A : memref<!tpu.dma_semaphore, #tpu.memory_space<semaphore_mem>>) src(%dma_wait3A_89 : memref<296xi32, #tpu.memory_space<hbm>>) dst(%arg15 : memref<296xi32, #tpu.memory_space<vmem>>)
        tpu.yield
      }) : () -> ()
      %add3A_48 = arith.constant 606208 : i32
      %add3A_49 = arith.addi %add3A_48, %add3A_43 : i32
      "tpu.region"() ({
        %run_scoped3A = tpu.sem_alloc : memref<!tpu.dma_semaphore, #tpu.memory_space<semaphore_mem>>
        %dma_start3A_86 = tpu.memref_slice %arg3[%add3A_49] : memref<909312xi32, #tpu.memory_space<hbm>> -> memref<296xi32, #tpu.memory_space<hbm>>
        %dma_start3A_87 = tpu.memref_slice %arg3[%add3A_49] : memref<909312xi32, #tpu.memory_space<hbm>> -> memref<296xi32, #tpu.memory_space<hbm>>
        tpu.enqueue_dma source(%dma_start3A_87 : memref<296xi32, #tpu.memory_space<hbm>>) target(%arg16 : memref<296xi32, #tpu.memory_space<vmem>>) target_semaphore(%run_scoped3A : memref<!tpu.dma_semaphore, #tpu.memory_space<semaphore_mem>>)
        %dma_wait3A_88 = tpu.memref_slice %arg3[%add3A_49] : memref<909312xi32, #tpu.memory_space<hbm>> -> memref<296xi32, #tpu.memory_space<hbm>>
        %dma_wait3A_89 = tpu.memref_slice %arg3[%add3A_49] : memref<909312xi32, #tpu.memory_space<hbm>> -> memref<296xi32, #tpu.memory_space<hbm>>
        tpu.wait_dma2 semaphore(%run_scoped3A : memref<!tpu.dma_semaphore, #tpu.memory_space<semaphore_mem>>) src(%dma_wait3A_89 : memref<296xi32, #tpu.memory_space<hbm>>) dst(%arg16 : memref<296xi32, #tpu.memory_space<vmem>>)
        tpu.yield
      }) : () -> ()
      %dma_wait3A = arith.constant 0 : i32
      %dma_wait3A_50 = arith.constant 0 : i32
      %dma_wait3A_51 = tpu.memref_slice %arg2[%dma_wait3A, %dma_wait3A_50] : memref<50000x64xf32, #tpu.memory_space<hbm>> -> memref<50000x64xf32, #tpu.memory_space<hbm>>
      tpu.wait_indirect_dma semaphore(%arg17 : memref<!tpu.dma_semaphore, #tpu.memory_space<semaphore_mem>>) src(%dma_wait3A_51 : memref<50000x64xf32, #tpu.memory_space<hbm>>) dst(%arg5 : memref<296x64xf32, #tpu.memory_space<vmem>>)
      %dma_wait3A_52 = arith.constant 0 : i32
      %dma_wait3A_53 = arith.constant 0 : i32
      %dma_wait3A_54 = tpu.memref_slice %arg2[%dma_wait3A_52, %dma_wait3A_53] : memref<50000x64xf32, #tpu.memory_space<hbm>> -> memref<50000x64xf32, #tpu.memory_space<hbm>>
      tpu.wait_indirect_dma semaphore(%arg17 : memref<!tpu.dma_semaphore, #tpu.memory_space<semaphore_mem>>) src(%dma_wait3A_54 : memref<50000x64xf32, #tpu.memory_space<hbm>>) dst(%arg6 : memref<296x64xf32, #tpu.memory_space<vmem>>)
      %dma_wait3A_55 = arith.constant 0 : i32
      %dma_wait3A_56 = arith.constant 0 : i32
      %dma_wait3A_57 = tpu.memref_slice %arg2[%dma_wait3A_55, %dma_wait3A_56] : memref<50000x64xf32, #tpu.memory_space<hbm>> -> memref<50000x64xf32, #tpu.memory_space<hbm>>
      tpu.wait_indirect_dma semaphore(%arg17 : memref<!tpu.dma_semaphore, #tpu.memory_space<semaphore_mem>>) src(%dma_wait3A_57 : memref<50000x64xf32, #tpu.memory_space<hbm>>) dst(%arg7 : memref<296x64xf32, #tpu.memory_space<vmem>>)
      %dma_start3A_58 = arith.constant 0 : i32
      %dma_start3A_59 = arith.constant 0 : i32
      %dma_start3A_60 = tpu.memref_slice %arg2[%dma_start3A_58, %dma_start3A_59] : memref<50000x64xf32, #tpu.memory_space<hbm>> -> memref<50000x64xf32, #tpu.memory_space<hbm>>
      tpu.enqueue_indirect_dma source(%dma_start3A_60 : memref<50000x64xf32, #tpu.memory_space<hbm>>) target(%arg8 : memref<296x64xf32, #tpu.memory_space<vmem>>) offsets(%arg14 : memref<296xi32, #tpu.memory_space<vmem>>) semaphore(%arg18 : memref<!tpu.dma_semaphore, #tpu.memory_space<semaphore_mem>>)
      %dma_start3A_61 = arith.constant 0 : i32
      %dma_start3A_62 = arith.constant 0 : i32
      %dma_start3A_63 = tpu.memref_slice %arg2[%dma_start3A_61, %dma_start3A_62] : memref<50000x64xf32, #tpu.memory_space<hbm>> -> memref<50000x64xf32, #tpu.memory_space<hbm>>
      tpu.enqueue_indirect_dma source(%dma_start3A_63 : memref<50000x64xf32, #tpu.memory_space<hbm>>) target(%arg9 : memref<296x64xf32, #tpu.memory_space<vmem>>) offsets(%arg15 : memref<296xi32, #tpu.memory_space<vmem>>) semaphore(%arg18 : memref<!tpu.dma_semaphore, #tpu.memory_space<semaphore_mem>>)
      %dma_start3A_64 = arith.constant 0 : i32
      %dma_start3A_65 = arith.constant 0 : i32
      %dma_start3A_66 = tpu.memref_slice %arg2[%dma_start3A_64, %dma_start3A_65] : memref<50000x64xf32, #tpu.memory_space<hbm>> -> memref<50000x64xf32, #tpu.memory_space<hbm>>
      tpu.enqueue_indirect_dma source(%dma_start3A_66 : memref<50000x64xf32, #tpu.memory_space<hbm>>) target(%arg10 : memref<296x64xf32, #tpu.memory_space<vmem>>) offsets(%arg16 : memref<296xi32, #tpu.memory_space<vmem>>) semaphore(%arg18 : memref<!tpu.dma_semaphore, #tpu.memory_space<semaphore_mem>>)
      %mul3A_67 = arith.constant 9472 : i32
      %mul3A_68 = arith.muli %add3A, %mul3A_67 : i32
      %mul3A_69 = arith.constant 296 : i32
      %mul3A_70 = arith.muli %mul3A_24, %mul3A_69 : i32
      %add3A_71 = arith.addi %mul3A_68, %mul3A_70 : i32
      "tpu.region"() ({
        %run_scoped3A = tpu.sem_alloc : memref<!tpu.dma_semaphore, #tpu.memory_space<semaphore_mem>>
        %dma_start3A_86 = arith.constant 0 : i32
        %dma_start3A_87 = tpu.memref_slice %arg4[%add3A_71, %dma_start3A_86] : memref<303104x192xf32, #tpu.memory_space<hbm>> -> memref<296x64xf32, #tpu.memory_space<hbm>>
        %dma_start3A_88 = arith.constant 0 : i32
        %dma_start3A_89 = tpu.memref_slice %arg4[%add3A_71, %dma_start3A_88] : memref<303104x192xf32, #tpu.memory_space<hbm>> -> memref<296x64xf32, #tpu.memory_space<hbm>>
        tpu.enqueue_dma source(%arg5 : memref<296x64xf32, #tpu.memory_space<vmem>>) target(%dma_start3A_89 : memref<296x64xf32, #tpu.memory_space<hbm>>) target_semaphore(%run_scoped3A : memref<!tpu.dma_semaphore, #tpu.memory_space<semaphore_mem>>)
        %dma_wait3A_90 = arith.constant 0 : i32
        %dma_wait3A_91 = tpu.memref_slice %arg4[%add3A_71, %dma_wait3A_90] : memref<303104x192xf32, #tpu.memory_space<hbm>> -> memref<296x64xf32, #tpu.memory_space<hbm>>
        %dma_wait3A_92 = arith.constant 0 : i32
        %dma_wait3A_93 = tpu.memref_slice %arg4[%add3A_71, %dma_wait3A_92] : memref<303104x192xf32, #tpu.memory_space<hbm>> -> memref<296x64xf32, #tpu.memory_space<hbm>>
        tpu.wait_dma2 semaphore(%run_scoped3A : memref<!tpu.dma_semaphore, #tpu.memory_space<semaphore_mem>>) src(%arg5 : memref<296x64xf32, #tpu.memory_space<vmem>>) dst(%dma_wait3A_93 : memref<296x64xf32, #tpu.memory_space<hbm>>)
        tpu.yield
      }) : () -> ()
      "tpu.region"() ({
        %run_scoped3A = tpu.sem_alloc : memref<!tpu.dma_semaphore, #tpu.memory_space<semaphore_mem>>
        %dma_start3A_86 = arith.constant 64 : i32
        %dma_start3A_87 = tpu.memref_slice %arg4[%add3A_71, %dma_start3A_86] : memref<303104x192xf32, #tpu.memory_space<hbm>> -> memref<296x64xf32, #tpu.memory_space<hbm>>
        %dma_start3A_88 = arith.constant 64 : i32
        %dma_start3A_89 = tpu.memref_slice %arg4[%add3A_71, %dma_start3A_88] : memref<303104x192xf32, #tpu.memory_space<hbm>> -> memref<296x64xf32, #tpu.memory_space<hbm>>
        tpu.enqueue_dma source(%arg6 : memref<296x64xf32, #tpu.memory_space<vmem>>) target(%dma_start3A_89 : memref<296x64xf32, #tpu.memory_space<hbm>>) target_semaphore(%run_scoped3A : memref<!tpu.dma_semaphore, #tpu.memory_space<semaphore_mem>>)
        %dma_wait3A_90 = arith.constant 64 : i32
        %dma_wait3A_91 = tpu.memref_slice %arg4[%add3A_71, %dma_wait3A_90] : memref<303104x192xf32, #tpu.memory_space<hbm>> -> memref<296x64xf32, #tpu.memory_space<hbm>>
        %dma_wait3A_92 = arith.constant 64 : i32
        %dma_wait3A_93 = tpu.memref_slice %arg4[%add3A_71, %dma_wait3A_92] : memref<303104x192xf32, #tpu.memory_space<hbm>> -> memref<296x64xf32, #tpu.memory_space<hbm>>
        tpu.wait_dma2 semaphore(%run_scoped3A : memref<!tpu.dma_semaphore, #tpu.memory_space<semaphore_mem>>) src(%arg6 : memref<296x64xf32, #tpu.memory_space<vmem>>) dst(%dma_wait3A_93 : memref<296x64xf32, #tpu.memory_space<hbm>>)
        tpu.yield
      }) : () -> ()
      "tpu.region"() ({
        %run_scoped3A = tpu.sem_alloc : memref<!tpu.dma_semaphore, #tpu.memory_space<semaphore_mem>>
        %dma_start3A_86 = arith.constant 128 : i32
        %dma_start3A_87 = tpu.memref_slice %arg4[%add3A_71, %dma_start3A_86] : memref<303104x192xf32, #tpu.memory_space<hbm>> -> memref<296x64xf32, #tpu.memory_space<hbm>>
        %dma_start3A_88 = arith.constant 128 : i32
        %dma_start3A_89 = tpu.memref_slice %arg4[%add3A_71, %dma_start3A_88] : memref<303104x192xf32, #tpu.memory_space<hbm>> -> memref<296x64xf32, #tpu.memory_space<hbm>>
        tpu.enqueue_dma source(%arg7 : memref<296x64xf32, #tpu.memory_space<vmem>>) target(%dma_start3A_89 : memref<296x64xf32, #tpu.memory_space<hbm>>) target_semaphore(%run_scoped3A : memref<!tpu.dma_semaphore, #tpu.memory_space<semaphore_mem>>)
        %dma_wait3A_90 = arith.constant 128 : i32
        %dma_wait3A_91 = tpu.memref_slice %arg4[%add3A_71, %dma_wait3A_90] : memref<303104x192xf32, #tpu.memory_space<hbm>> -> memref<296x64xf32, #tpu.memory_space<hbm>>
        %dma_wait3A_92 = arith.constant 128 : i32
        %dma_wait3A_93 = tpu.memref_slice %arg4[%add3A_71, %dma_wait3A_92] : memref<303104x192xf32, #tpu.memory_space<hbm>> -> memref<296x64xf32, #tpu.memory_space<hbm>>
        tpu.wait_dma2 semaphore(%run_scoped3A : memref<!tpu.dma_semaphore, #tpu.memory_space<semaphore_mem>>) src(%arg7 : memref<296x64xf32, #tpu.memory_space<vmem>>) dst(%dma_wait3A_93 : memref<296x64xf32, #tpu.memory_space<hbm>>)
        tpu.yield
      }) : () -> ()
      %lt3A = arith.constant 15 : i32
      %lt3A_72 = arith.cmpi slt, %scan3A_21, %lt3A : i32
      %convert_element_type3A_73 = arith.extui %lt3A_72 : i1 to i32
      %cond3A_74 = arith.constant 0 : i32
      %cond3A_75 = arith.cmpi ne, %convert_element_type3A_73, %cond3A_74 : i32
      scf.if %cond3A_75 {
        %add3A_86 = arith.constant 2 : i32
        %add3A_87 = arith.addi %mul3A_24, %add3A_86 : i32
        %mul3A_88 = arith.constant 9472 : i32
        %mul3A_89 = arith.muli %add3A, %mul3A_88 : i32
        %mul3A_90 = arith.constant 296 : i32
        %mul3A_91 = arith.muli %add3A_87, %mul3A_90 : i32
        %add3A_92 = arith.addi %mul3A_89, %mul3A_91 : i32
        %add3A_93 = arith.constant 0 : i32
        %add3A_94 = arith.addi %add3A_93, %add3A_92 : i32
        "tpu.region"() ({
          %run_scoped3A = tpu.sem_alloc : memref<!tpu.dma_semaphore, #tpu.memory_space<semaphore_mem>>
          %dma_start3A_99 = tpu.memref_slice %arg3[%add3A_94] : memref<909312xi32, #tpu.memory_space<hbm>> -> memref<296xi32, #tpu.memory_space<hbm>>
          %dma_start3A_100 = tpu.memref_slice %arg3[%add3A_94] : memref<909312xi32, #tpu.memory_space<hbm>> -> memref<296xi32, #tpu.memory_space<hbm>>
          tpu.enqueue_dma source(%dma_start3A_100 : memref<296xi32, #tpu.memory_space<hbm>>) target(%arg11 : memref<296xi32, #tpu.memory_space<vmem>>) target_semaphore(%run_scoped3A : memref<!tpu.dma_semaphore, #tpu.memory_space<semaphore_mem>>)
          %dma_wait3A_101 = tpu.memref_slice %arg3[%add3A_94] : memref<909312xi32, #tpu.memory_space<hbm>> -> memref<296xi32, #tpu.memory_space<hbm>>
          %dma_wait3A_102 = tpu.memref_slice %arg3[%add3A_94] : memref<909312xi32, #tpu.memory_space<hbm>> -> memref<296xi32, #tpu.memory_space<hbm>>
          tpu.wait_dma2 semaphore(%run_scoped3A : memref<!tpu.dma_semaphore, #tpu.memory_space<semaphore_mem>>) src(%dma_wait3A_102 : memref<296xi32, #tpu.memory_space<hbm>>) dst(%arg11 : memref<296xi32, #tpu.memory_space<vmem>>)
          tpu.yield
        }) : () -> ()
        %add3A_95 = arith.constant 303104 : i32
        %add3A_96 = arith.addi %add3A_95, %add3A_92 : i32
        "tpu.region"() ({
          %run_scoped3A = tpu.sem_alloc : memref<!tpu.dma_semaphore, #tpu.memory_space<semaphore_mem>>
          %dma_start3A_99 = tpu.memref_slice %arg3[%add3A_96] : memref<909312xi32, #tpu.memory_space<hbm>> -> memref<296xi32, #tpu.memory_space<hbm>>
          %dma_start3A_100 = tpu.memref_slice %arg3[%add3A_96] : memref<909312xi32, #tpu.memory_space<hbm>> -> memref<296xi32, #tpu.memory_space<hbm>>
          tpu.enqueue_dma source(%dma_start3A_100 : memref<296xi32, #tpu.memory_space<hbm>>) target(%arg12 : memref<296xi32, #tpu.memory_space<vmem>>) target_semaphore(%run_scoped3A : memref<!tpu.dma_semaphore, #tpu.memory_space<semaphore_mem>>)
          %dma_wait3A_101 = tpu.memref_slice %arg3[%add3A_96] : memref<909312xi32, #tpu.memory_space<hbm>> -> memref<296xi32, #tpu.memory_space<hbm>>
          %dma_wait3A_102 = tpu.memref_slice %arg3[%add3A_96] : memref<909312xi32, #tpu.memory_space<hbm>> -> memref<296xi32, #tpu.memory_space<hbm>>
          tpu.wait_dma2 semaphore(%run_scoped3A : memref<!tpu.dma_semaphore, #tpu.memory_space<semaphore_mem>>) src(%dma_wait3A_102 : memref<296xi32, #tpu.memory_space<hbm>>) dst(%arg12 : memref<296xi32, #tpu.memory_space<vmem>>)
          tpu.yield
        }) : () -> ()
        %add3A_97 = arith.constant 606208 : i32
        %add3A_98 = arith.addi %add3A_97, %add3A_92 : i32
        "tpu.region"() ({
          %run_scoped3A = tpu.sem_alloc : memref<!tpu.dma_semaphore, #tpu.memory_space<semaphore_mem>>
          %dma_start3A_99 = tpu.memref_slice %arg3[%add3A_98] : memref<909312xi32, #tpu.memory_space<hbm>> -> memref<296xi32, #tpu.memory_space<hbm>>
          %dma_start3A_100 = tpu.memref_slice %arg3[%add3A_98] : memref<909312xi32, #tpu.memory_space<hbm>> -> memref<296xi32, #tpu.memory_space<hbm>>
          tpu.enqueue_dma source(%dma_start3A_100 : memref<296xi32, #tpu.memory_space<hbm>>) target(%arg13 : memref<296xi32, #tpu.memory_space<vmem>>) target_semaphore(%run_scoped3A : memref<!tpu.dma_semaphore, #tpu.memory_space<semaphore_mem>>)
          %dma_wait3A_101 = tpu.memref_slice %arg3[%add3A_98] : memref<909312xi32, #tpu.memory_space<hbm>> -> memref<296xi32, #tpu.memory_space<hbm>>
          %dma_wait3A_102 = tpu.memref_slice %arg3[%add3A_98] : memref<909312xi32, #tpu.memory_space<hbm>> -> memref<296xi32, #tpu.memory_space<hbm>>
          tpu.wait_dma2 semaphore(%run_scoped3A : memref<!tpu.dma_semaphore, #tpu.memory_space<semaphore_mem>>) src(%dma_wait3A_102 : memref<296xi32, #tpu.memory_space<hbm>>) dst(%arg13 : memref<296xi32, #tpu.memory_space<vmem>>)
          tpu.yield
        }) : () -> ()
      } else {
      }
      %dma_wait3A_76 = arith.constant 0 : i32
      %dma_wait3A_77 = arith.constant 0 : i32
      %dma_wait3A_78 = tpu.memref_slice %arg2[%dma_wait3A_76, %dma_wait3A_77] : memref<50000x64xf32, #tpu.memory_space<hbm>> -> memref<50000x64xf32, #tpu.memory_space<hbm>>
      tpu.wait_indirect_dma semaphore(%arg18 : memref<!tpu.dma_semaphore, #tpu.memory_space<semaphore_mem>>) src(%dma_wait3A_78 : memref<50000x64xf32, #tpu.memory_space<hbm>>) dst(%arg8 : memref<296x64xf32, #tpu.memory_space<vmem>>)
      %dma_wait3A_79 = arith.constant 0 : i32
      %dma_wait3A_80 = arith.constant 0 : i32
      %dma_wait3A_81 = tpu.memref_slice %arg2[%dma_wait3A_79, %dma_wait3A_80] : memref<50000x64xf32, #tpu.memory_space<hbm>> -> memref<50000x64xf32, #tpu.memory_space<hbm>>
      tpu.wait_indirect_dma semaphore(%arg18 : memref<!tpu.dma_semaphore, #tpu.memory_space<semaphore_mem>>) src(%dma_wait3A_81 : memref<50000x64xf32, #tpu.memory_space<hbm>>) dst(%arg9 : memref<296x64xf32, #tpu.memory_space<vmem>>)
      %dma_wait3A_82 = arith.constant 0 : i32
      %dma_wait3A_83 = arith.constant 0 : i32
      %dma_wait3A_84 = tpu.memref_slice %arg2[%dma_wait3A_82, %dma_wait3A_83] : memref<50000x64xf32, #tpu.memory_space<hbm>> -> memref<50000x64xf32, #tpu.memory_space<hbm>>
      tpu.wait_indirect_dma semaphore(%arg18 : memref<!tpu.dma_semaphore, #tpu.memory_space<semaphore_mem>>) src(%dma_wait3A_84 : memref<50000x64xf32, #tpu.memory_space<hbm>>) dst(%arg10 : memref<296x64xf32, #tpu.memory_space<vmem>>)
      %scan3A_85 = arith.constant 0 : i32
      scf.yield %scan3A_85 : i32
    }
    %scan3A_16 = arith.constant 16 : i32
    %mul3A_17 = arith.constant 9472 : i32
    %mul3A_18 = arith.muli %add3A, %mul3A_17 : i32
    %add3A_19 = arith.constant 9176 : i32
    %add3A_20 = arith.addi %mul3A_18, %add3A_19 : i32
    "tpu.region"() ({
      %run_scoped3A = tpu.sem_alloc : memref<!tpu.dma_semaphore, #tpu.memory_space<semaphore_mem>>
      %dma_start3A = arith.constant 0 : i32
      %dma_start3A_21 = tpu.memref_slice %arg4[%add3A_20, %dma_start3A] : memref<303104x192xf32, #tpu.memory_space<hbm>> -> memref<296x64xf32, #tpu.memory_space<hbm>>
      %dma_start3A_22 = arith.constant 0 : i32
      %dma_start3A_23 = tpu.memref_slice %arg4[%add3A_20, %dma_start3A_22] : memref<303104x192xf32, #tpu.memory_space<hbm>> -> memref<296x64xf32, #tpu.memory_space<hbm>>
      tpu.enqueue_dma source(%arg8 : memref<296x64xf32, #tpu.memory_space<vmem>>) target(%dma_start3A_23 : memref<296x64xf32, #tpu.memory_space<hbm>>) target_semaphore(%run_scoped3A : memref<!tpu.dma_semaphore, #tpu.memory_space<semaphore_mem>>)
      %dma_wait3A = arith.constant 0 : i32
      %dma_wait3A_24 = tpu.memref_slice %arg4[%add3A_20, %dma_wait3A] : memref<303104x192xf32, #tpu.memory_space<hbm>> -> memref<296x64xf32, #tpu.memory_space<hbm>>
      %dma_wait3A_25 = arith.constant 0 : i32
      %dma_wait3A_26 = tpu.memref_slice %arg4[%add3A_20, %dma_wait3A_25] : memref<303104x192xf32, #tpu.memory_space<hbm>> -> memref<296x64xf32, #tpu.memory_space<hbm>>
      tpu.wait_dma2 semaphore(%run_scoped3A : memref<!tpu.dma_semaphore, #tpu.memory_space<semaphore_mem>>) src(%arg8 : memref<296x64xf32, #tpu.memory_space<vmem>>) dst(%dma_wait3A_26 : memref<296x64xf32, #tpu.memory_space<hbm>>)
      tpu.yield
    }) : () -> ()
    "tpu.region"() ({
      %run_scoped3A = tpu.sem_alloc : memref<!tpu.dma_semaphore, #tpu.memory_space<semaphore_mem>>
      %dma_start3A = arith.constant 64 : i32
      %dma_start3A_21 = tpu.memref_slice %arg4[%add3A_20, %dma_start3A] : memref<303104x192xf32, #tpu.memory_space<hbm>> -> memref<296x64xf32, #tpu.memory_space<hbm>>
      %dma_start3A_22 = arith.constant 64 : i32
      %dma_start3A_23 = tpu.memref_slice %arg4[%add3A_20, %dma_start3A_22] : memref<303104x192xf32, #tpu.memory_space<hbm>> -> memref<296x64xf32, #tpu.memory_space<hbm>>
      tpu.enqueue_dma source(%arg9 : memref<296x64xf32, #tpu.memory_space<vmem>>) target(%dma_start3A_23 : memref<296x64xf32, #tpu.memory_space<hbm>>) target_semaphore(%run_scoped3A : memref<!tpu.dma_semaphore, #tpu.memory_space<semaphore_mem>>)
      %dma_wait3A = arith.constant 64 : i32
      %dma_wait3A_24 = tpu.memref_slice %arg4[%add3A_20, %dma_wait3A] : memref<303104x192xf32, #tpu.memory_space<hbm>> -> memref<296x64xf32, #tpu.memory_space<hbm>>
      %dma_wait3A_25 = arith.constant 64 : i32
      %dma_wait3A_26 = tpu.memref_slice %arg4[%add3A_20, %dma_wait3A_25] : memref<303104x192xf32, #tpu.memory_space<hbm>> -> memref<296x64xf32, #tpu.memory_space<hbm>>
      tpu.wait_dma2 semaphore(%run_scoped3A : memref<!tpu.dma_semaphore, #tpu.memory_space<semaphore_mem>>) src(%arg9 : memref<296x64xf32, #tpu.memory_space<vmem>>) dst(%dma_wait3A_26 : memref<296x64xf32, #tpu.memory_space<hbm>>)
      tpu.yield
    }) : () -> ()
    "tpu.region"() ({
      %run_scoped3A = tpu.sem_alloc : memref<!tpu.dma_semaphore, #tpu.memory_space<semaphore_mem>>
      %dma_start3A = arith.constant 128 : i32
      %dma_start3A_21 = tpu.memref_slice %arg4[%add3A_20, %dma_start3A] : memref<303104x192xf32, #tpu.memory_space<hbm>> -> memref<296x64xf32, #tpu.memory_space<hbm>>
      %dma_start3A_22 = arith.constant 128 : i32
      %dma_start3A_23 = tpu.memref_slice %arg4[%add3A_20, %dma_start3A_22] : memref<303104x192xf32, #tpu.memory_space<hbm>> -> memref<296x64xf32, #tpu.memory_space<hbm>>
      tpu.enqueue_dma source(%arg10 : memref<296x64xf32, #tpu.memory_space<vmem>>) target(%dma_start3A_23 : memref<296x64xf32, #tpu.memory_space<hbm>>) target_semaphore(%run_scoped3A : memref<!tpu.dma_semaphore, #tpu.memory_space<semaphore_mem>>)
      %dma_wait3A = arith.constant 128 : i32
      %dma_wait3A_24 = tpu.memref_slice %arg4[%add3A_20, %dma_wait3A] : memref<303104x192xf32, #tpu.memory_space<hbm>> -> memref<296x64xf32, #tpu.memory_space<hbm>>
      %dma_wait3A_25 = arith.constant 128 : i32
      %dma_wait3A_26 = tpu.memref_slice %arg4[%add3A_20, %dma_wait3A_25] : memref<303104x192xf32, #tpu.memory_space<hbm>> -> memref<296x64xf32, #tpu.memory_space<hbm>>
      tpu.wait_dma2 semaphore(%run_scoped3A : memref<!tpu.dma_semaphore, #tpu.memory_space<semaphore_mem>>) src(%arg10 : memref<296x64xf32, #tpu.memory_space<vmem>>) dst(%dma_wait3A_26 : memref<296x64xf32, #tpu.memory_space<hbm>>)
      tpu.yield
    }) : () -> ()
    return
  }
}

module attributes {stable_mosaic.version = 14 : i64} {
  func.func @_seg_body(%arg0: i32, %arg1: memref<197xi32, #tpu.memory_space<smem>>, %arg2: memref<303104x192xf32, #tpu.memory_space<any>>, %arg3: memref<303104xi32, #tpu.memory_space<any>>, %arg4: memref<192x512xf32, #tpu.memory_space<vmem>>, %arg5: memref<1x512xf32, #tpu.memory_space<vmem>>, %arg6: memref<512x8xf32, #tpu.memory_space<vmem>>, %arg7: memref<192x8xf32, #tpu.memory_space<vmem>>, %arg8: memref<8x512xf32, #tpu.memory_space<vmem>>, %arg9: memref<128x512xf32, #tpu.memory_space<vmem>>, %arg10: memref<512x192xf32, #tpu.memory_space<vmem>>, %arg11: memref<512x192xf32, #tpu.memory_space<vmem>>, %arg12: memref<512xi32, #tpu.memory_space<vmem>>, %arg13: memref<512xi32, #tpu.memory_space<vmem>>, %arg14: memref<!tpu.dma_semaphore, #tpu.memory_space<semaphore_mem>>, %arg15: memref<!tpu.dma_semaphore, #tpu.memory_space<semaphore_mem>>, %arg16: memref<!tpu.dma_semaphore, #tpu.memory_space<semaphore_mem>>, %arg17: memref<!tpu.dma_semaphore, #tpu.memory_space<semaphore_mem>>) attributes {dimension_semantics = [#tpu.dimension_semantics<arbitrary>], iteration_bounds = array<i64: 196>, scalar_prefetch = 0 : i64, scratch_operands = 8 : i64, tpu.core_type = #tpu.core_type<tc>, window_params = [{transform_indices = @transform_0, window_bounds = array<i64: 197>}, {}, {}, {pipeline_mode = #tpu.pipeline_mode<synchronous>, transform_indices = @transform_3, window_bounds = array<i64: 192, 512>}, {pipeline_mode = #tpu.pipeline_mode<synchronous>, transform_indices = @transform_4, window_bounds = array<i64: 1, 512>}, {pipeline_mode = #tpu.pipeline_mode<synchronous>, transform_indices = @transform_5, window_bounds = array<i64: 512, 8>}, {pipeline_mode = #tpu.pipeline_mode<synchronous>, transform_indices = @transform_6, window_bounds = array<i64: 192, 8>}, {pipeline_mode = #tpu.pipeline_mode<synchronous>, transform_indices = @transform_7, window_bounds = array<i64: 8, 512>}, {transform_indices = @transform_8, window_bounds = array<i64: 128, 512>}]} {
    %get3A = arith.index_cast %arg0 : i32 to index
    %get3A_0 = memref.load %arg1[%get3A] : memref<197xi32, #tpu.memory_space<smem>>
    %add3A = arith.constant 1 : i32
    %add3A_1 = arith.addi %arg0, %add3A : i32
    %get3A_2 = arith.index_cast %add3A_1 : i32 to index
    %get3A_3 = memref.load %arg1[%get3A_2] : memref<197xi32, #tpu.memory_space<smem>>
    %jit3A = arith.constant 512 : i32
    %div3A = arith.divsi %get3A_0, %jit3A : i32
    %sign3A = arith.constant 0 : i32
    %sign3A_4 = arith.cmpi sgt, %get3A_0, %sign3A : i32
    %sign3A_5 = arith.extui %sign3A_4 : i1 to i32
    %sign3A_6 = arith.constant 0 : i32
    %sign3A_7 = arith.cmpi slt, %get3A_0, %sign3A_6 : i32
    %sign3A_8 = arith.extui %sign3A_7 : i1 to i32
    %sign3A_9 = arith.subi %sign3A_5, %sign3A_8 : i32
    %sign3A_10 = arith.constant 0 : i32
    %sign3A_11 = arith.cmpi sgt, %jit3A, %sign3A_10 : i32
    %sign3A_12 = arith.extui %sign3A_11 : i1 to i32
    %sign3A_13 = arith.constant 0 : i32
    %sign3A_14 = arith.cmpi slt, %jit3A, %sign3A_13 : i32
    %sign3A_15 = arith.extui %sign3A_14 : i1 to i32
    %sign3A_16 = arith.subi %sign3A_12, %sign3A_15 : i32
    %ne3A = arith.cmpi ne, %sign3A_9, %sign3A_16 : i32
    %rem3A = arith.remsi %get3A_0, %jit3A : i32
    %ne3A_17 = arith.constant 0 : i32
    %ne3A_18 = arith.cmpi ne, %rem3A, %ne3A_17 : i32
    %and3A = arith.andi %ne3A, %ne3A_18 : i1
    %sub3A = arith.constant 1 : i32
    %sub3A_19 = arith.subi %div3A, %sub3A : i32
    %select_n3A = arith.select %and3A, %sub3A_19, %div3A : i32
    %add3A_20 = arith.constant 512 : i32
    %add3A_21 = arith.addi %get3A_3, %add3A_20 : i32
    %sub3A_22 = arith.constant 1 : i32
    %sub3A_23 = arith.subi %add3A_21, %sub3A_22 : i32
    %jit3A_24 = arith.constant 512 : i32
    %div3A_25 = arith.divsi %sub3A_23, %jit3A_24 : i32
    %sign3A_26 = arith.constant 0 : i32
    %sign3A_27 = arith.cmpi sgt, %sub3A_23, %sign3A_26 : i32
    %sign3A_28 = arith.extui %sign3A_27 : i1 to i32
    %sign3A_29 = arith.constant 0 : i32
    %sign3A_30 = arith.cmpi slt, %sub3A_23, %sign3A_29 : i32
    %sign3A_31 = arith.extui %sign3A_30 : i1 to i32
    %sign3A_32 = arith.subi %sign3A_28, %sign3A_31 : i32
    %sign3A_33 = arith.constant 0 : i32
    %sign3A_34 = arith.cmpi sgt, %jit3A_24, %sign3A_33 : i32
    %sign3A_35 = arith.extui %sign3A_34 : i1 to i32
    %sign3A_36 = arith.constant 0 : i32
    %sign3A_37 = arith.cmpi slt, %jit3A_24, %sign3A_36 : i32
    %sign3A_38 = arith.extui %sign3A_37 : i1 to i32
    %sign3A_39 = arith.subi %sign3A_35, %sign3A_38 : i32
    %ne3A_40 = arith.cmpi ne, %sign3A_32, %sign3A_39 : i32
    %rem3A_41 = arith.remsi %sub3A_23, %jit3A_24 : i32
    %ne3A_42 = arith.constant 0 : i32
    %ne3A_43 = arith.cmpi ne, %rem3A_41, %ne3A_42 : i32
    %and3A_44 = arith.andi %ne3A_40, %ne3A_43 : i1
    %sub3A_45 = arith.constant 1 : i32
    %sub3A_46 = arith.subi %div3A_25, %sub3A_45 : i32
    %select_n3A_47 = arith.select %and3A_44, %sub3A_46, %div3A_25 : i32
    %sub3A_48 = arith.subi %select_n3A_47, %select_n3A : i32
    %jit3A_49 = arith.constant 512 : i32
    %div3A_50 = arith.divsi %get3A_3, %jit3A_49 : i32
    %sign3A_51 = arith.constant 0 : i32
    %sign3A_52 = arith.cmpi sgt, %get3A_3, %sign3A_51 : i32
    %sign3A_53 = arith.extui %sign3A_52 : i1 to i32
    %sign3A_54 = arith.constant 0 : i32
    %sign3A_55 = arith.cmpi slt, %get3A_3, %sign3A_54 : i32
    %sign3A_56 = arith.extui %sign3A_55 : i1 to i32
    %sign3A_57 = arith.subi %sign3A_53, %sign3A_56 : i32
    %sign3A_58 = arith.constant 0 : i32
    %sign3A_59 = arith.cmpi sgt, %jit3A_49, %sign3A_58 : i32
    %sign3A_60 = arith.extui %sign3A_59 : i1 to i32
    %sign3A_61 = arith.constant 0 : i32
    %sign3A_62 = arith.cmpi slt, %jit3A_49, %sign3A_61 : i32
    %sign3A_63 = arith.extui %sign3A_62 : i1 to i32
    %sign3A_64 = arith.subi %sign3A_60, %sign3A_63 : i32
    %ne3A_65 = arith.cmpi ne, %sign3A_57, %sign3A_64 : i32
    %rem3A_66 = arith.remsi %get3A_3, %jit3A_49 : i32
    %ne3A_67 = arith.constant 0 : i32
    %ne3A_68 = arith.cmpi ne, %rem3A_66, %ne3A_67 : i32
    %and3A_69 = arith.andi %ne3A_65, %ne3A_68 : i1
    %sub3A_70 = arith.constant 1 : i32
    %sub3A_71 = arith.subi %div3A_50, %sub3A_70 : i32
    %select_n3A_72 = arith.select %and3A_69, %sub3A_71, %div3A_50 : i32
    %min3A = arith.constant 591 : i32
    %min3A_73 = arith.minsi %select_n3A_72, %min3A : i32
    %mul3A = arith.constant 128 : i32
    %mul3A_74 = arith.muli %arg0, %mul3A : i32
    %iota3A = tpu.iota {dimensions = array<i32: 0>} : vector<128x512xi32>
    %add3A_75 = vector.broadcast %mul3A_74 : i32 to vector<128x512xi32>
    %add3A_76 = arith.addi %add3A_75, %iota3A : vector<128x512xi32>
    %eq3A = arith.constant 0 : i32
    %eq3A_77 = arith.cmpi eq, %arg0, %eq3A : i32
    %convert_element_type3A = arith.extui %eq3A_77 : i1 to i32
    %cond3A = arith.constant 0 : i32
    %cond3A_78 = arith.cmpi ne, %convert_element_type3A, %cond3A : i32
    scf.if %cond3A_78 {
      %add3A_145 = arith.constant 0 : i32
      %add3A_146 = arith.addi %select_n3A, %add3A_145 : i32
      %min3A_147 = arith.minsi %add3A_146, %min3A_73 : i32
      %mul3A_148 = arith.constant 512 : i32
      %mul3A_149 = arith.muli %min3A_147, %mul3A_148 : i32
      %dma_start3A = arith.constant 0 : i32
      %dma_start3A_150 = tpu.memref_slice %arg2[%mul3A_149, %dma_start3A] : memref<303104x192xf32, #tpu.memory_space<any>> -> memref<512x192xf32, #tpu.memory_space<any>>
      tpu.enqueue_dma source(%dma_start3A_150 : memref<512x192xf32, #tpu.memory_space<any>>) target(%arg10 : memref<512x192xf32, #tpu.memory_space<vmem>>) target_semaphore(%arg14 : memref<!tpu.dma_semaphore, #tpu.memory_space<semaphore_mem>>)
      %mul3A_151 = arith.constant 512 : i32
      %mul3A_152 = arith.muli %min3A_147, %mul3A_151 : i32
      %dma_start3A_153 = tpu.memref_slice %arg3[%mul3A_152] : memref<303104xi32, #tpu.memory_space<any>> -> memref<512xi32, #tpu.memory_space<any>>
      tpu.enqueue_dma source(%dma_start3A_153 : memref<512xi32, #tpu.memory_space<any>>) target(%arg12 : memref<512xi32, #tpu.memory_space<vmem>>) target_semaphore(%arg16 : memref<!tpu.dma_semaphore, #tpu.memory_space<semaphore_mem>>)
    } else {
    }
    %broadcast_in_dim3A = arith.constant 0.000000e+00 : f32
    %broadcast_in_dim3A_79 = vector.broadcast %broadcast_in_dim3A : f32 to vector<128x512xf32>
    %broadcast_in_dim3A_80 = arith.constant 0.000000e+00 : f32
    %broadcast_in_dim3A_81 = vector.broadcast %broadcast_in_dim3A_80 : f32 to vector<128x8xf32>
    %add3A_82 = arith.constant 1 : i32
    %add3A_83 = arith.addi %sub3A_48, %add3A_82 : i32
    %jit3A_84 = arith.constant 2 : i32
    %div3A_85 = arith.divsi %add3A_83, %jit3A_84 : i32
    %sign3A_86 = arith.constant 0 : i32
    %sign3A_87 = arith.cmpi sgt, %add3A_83, %sign3A_86 : i32
    %sign3A_88 = arith.extui %sign3A_87 : i1 to i32
    %sign3A_89 = arith.constant 0 : i32
    %sign3A_90 = arith.cmpi slt, %add3A_83, %sign3A_89 : i32
    %sign3A_91 = arith.extui %sign3A_90 : i1 to i32
    %sign3A_92 = arith.subi %sign3A_88, %sign3A_91 : i32
    %sign3A_93 = arith.constant 0 : i32
    %sign3A_94 = arith.cmpi sgt, %jit3A_84, %sign3A_93 : i32
    %sign3A_95 = arith.extui %sign3A_94 : i1 to i32
    %sign3A_96 = arith.constant 0 : i32
    %sign3A_97 = arith.cmpi slt, %jit3A_84, %sign3A_96 : i32
    %sign3A_98 = arith.extui %sign3A_97 : i1 to i32
    %sign3A_99 = arith.subi %sign3A_95, %sign3A_98 : i32
    %ne3A_100 = arith.cmpi ne, %sign3A_92, %sign3A_99 : i32
    %rem3A_101 = arith.remsi %add3A_83, %jit3A_84 : i32
    %ne3A_102 = arith.constant 0 : i32
    %ne3A_103 = arith.cmpi ne, %rem3A_101, %ne3A_102 : i32
    %and3A_104 = arith.andi %ne3A_100, %ne3A_103 : i1
    %sub3A_105 = arith.constant 1 : i32
    %sub3A_106 = arith.subi %div3A_85, %sub3A_105 : i32
    %select_n3A_107 = arith.select %and3A_104, %sub3A_106, %div3A_85 : i32
    %while3A = arith.constant 0 : i32
    %while3A_108 = arith.subi %select_n3A_107, %while3A : i32
    %while3A_109 = arith.addi %while3A, %while3A_108 : i32
    %while3A_110 = arith.constant 1 : i32
    %while3A_111 = arith.divsi %while3A_108, %while3A_110 : i32
    %while3A_112 = arith.muli %while3A_111, %while3A_110 : i32
    %while3A_113 = arith.addi %while3A, %while3A_112 : i32
    %while3A_114 = arith.constant 1 : i32
    %while3A_115:2 = scf.for %while3A_145 = %while3A to %while3A_113 step %while3A_114 iter_args(%while3A_146 = %broadcast_in_dim3A_79, %while3A_147 = %broadcast_in_dim3A_81) -> (vector<128x512xf32>, vector<128x8xf32>)  : i32 {
      %mul3A_148 = arith.constant 2 : i32
      %mul3A_149 = arith.muli %mul3A_148, %while3A_145 : i32
      %add3A_150 = arith.constant 1 : i32
      %add3A_151 = arith.addi %mul3A_149, %add3A_150 : i32
      %add3A_152 = arith.addi %select_n3A, %add3A_151 : i32
      %min3A_153 = arith.minsi %add3A_152, %min3A_73 : i32
      %mul3A_154 = arith.constant 512 : i32
      %mul3A_155 = arith.muli %min3A_153, %mul3A_154 : i32
      %dma_start3A = arith.constant 0 : i32
      %dma_start3A_156 = tpu.memref_slice %arg2[%mul3A_155, %dma_start3A] : memref<303104x192xf32, #tpu.memory_space<any>> -> memref<512x192xf32, #tpu.memory_space<any>>
      tpu.enqueue_dma source(%dma_start3A_156 : memref<512x192xf32, #tpu.memory_space<any>>) target(%arg11 : memref<512x192xf32, #tpu.memory_space<vmem>>) target_semaphore(%arg15 : memref<!tpu.dma_semaphore, #tpu.memory_space<semaphore_mem>>)
      %mul3A_157 = arith.constant 512 : i32
      %mul3A_158 = arith.muli %min3A_153, %mul3A_157 : i32
      %dma_start3A_159 = tpu.memref_slice %arg3[%mul3A_158] : memref<303104xi32, #tpu.memory_space<any>> -> memref<512xi32, #tpu.memory_space<any>>
      tpu.enqueue_dma source(%dma_start3A_159 : memref<512xi32, #tpu.memory_space<any>>) target(%arg13 : memref<512xi32, #tpu.memory_space<vmem>>) target_semaphore(%arg17 : memref<!tpu.dma_semaphore, #tpu.memory_space<semaphore_mem>>)
      %dma_wait3A = arith.constant 0 : i32
      %dma_wait3A_160 = arith.constant 0 : i32
      %dma_wait3A_161 = tpu.memref_slice %arg2[%dma_wait3A, %dma_wait3A_160] : memref<303104x192xf32, #tpu.memory_space<any>> -> memref<512x192xf32, #tpu.memory_space<any>>
      tpu.wait_dma2 semaphore(%arg14 : memref<!tpu.dma_semaphore, #tpu.memory_space<semaphore_mem>>) src(%dma_wait3A_161 : memref<512x192xf32, #tpu.memory_space<any>>) dst(%arg10 : memref<512x192xf32, #tpu.memory_space<vmem>>)
      %dma_wait3A_162 = arith.constant 0 : i32
      %dma_wait3A_163 = tpu.memref_slice %arg3[%dma_wait3A_162] : memref<303104xi32, #tpu.memory_space<any>> -> memref<512xi32, #tpu.memory_space<any>>
      tpu.wait_dma2 semaphore(%arg16 : memref<!tpu.dma_semaphore, #tpu.memory_space<semaphore_mem>>) src(%dma_wait3A_163 : memref<512xi32, #tpu.memory_space<any>>) dst(%arg12 : memref<512xi32, #tpu.memory_space<vmem>>)
      %get3A_164 = arith.constant 0 : index
      %get3A_165 = arith.constant 0 : index
      %get3A_166 = vector.load %arg10[%get3A_164, %get3A_165] : memref<512x192xf32, #tpu.memory_space<vmem>>, vector<512x192xf32>
      %get3A_167 = arith.constant 0 : index
      %get3A_168 = arith.constant 0 : index
      %get3A_169 = vector.load %arg4[%get3A_167, %get3A_168] : memref<192x512xf32, #tpu.memory_space<vmem>>, vector<192x512xf32>
      %dot_general3A_170 = arith.constant dense<0.000000e+00> : vector<512x512xf32>
      %dot_general3A_171 = tpu.matmul %get3A_166, %get3A_169, %dot_general3A_170 {dimension_numbers = #tpu.dot_dimension_numbers<[1], [0], [0], [1], [0, 0, 1, 1], [], []>, transpose_lhs_hint = false} : vector<512x192xf32>, vector<192x512xf32>, vector<512x512xf32> -> vector<512x512xf32>
      %get3A_172 = arith.constant 0 : index
      %get3A_173 = arith.constant 0 : index
      %get3A_174 = vector.load %arg5[%get3A_172, %get3A_173] : memref<1x512xf32, #tpu.memory_space<vmem>>, vector<1x512xf32>
      %add3A_175 = vector.broadcast %get3A_174 : vector<1x512xf32> to vector<512x512xf32>
      %add3A_176 = arith.addf %dot_general3A_171, %add3A_175 : vector<512x512xf32>
      %tanh3A = math.tanh %add3A_176 : vector<512x512xf32>
      %get3A_177 = arith.constant 0 : index
      %get3A_178 = arith.constant 0 : index
      %get3A_179 = vector.load %arg6[%get3A_177, %get3A_178] : memref<512x8xf32, #tpu.memory_space<vmem>>, vector<512x8xf32>
      %dot_general3A_180 = arith.constant dense<0.000000e+00> : vector<512x8xf32>
      %dot_general3A_181 = tpu.matmul %tanh3A, %get3A_179, %dot_general3A_180 {dimension_numbers = #tpu.dot_dimension_numbers<[1], [0], [0], [1], [0, 0, 1, 1], [], []>, transpose_lhs_hint = false} : vector<512x512xf32>, vector<512x8xf32>, vector<512x8xf32> -> vector<512x8xf32>
      %get3A_182 = arith.constant 0 : index
      %get3A_183 = arith.constant 0 : index
      %get3A_184 = vector.load %arg7[%get3A_182, %get3A_183] : memref<192x8xf32, #tpu.memory_space<vmem>>, vector<192x8xf32>
      %dot_general3A_185 = arith.constant dense<0.000000e+00> : vector<512x8xf32>
      %dot_general3A_186 = tpu.matmul %get3A_166, %get3A_184, %dot_general3A_185 {dimension_numbers = #tpu.dot_dimension_numbers<[1], [0], [0], [1], [0, 0, 1, 1], [], []>, transpose_lhs_hint = false} : vector<512x192xf32>, vector<192x8xf32>, vector<512x8xf32> -> vector<512x8xf32>
      %add3A_187 = arith.addf %dot_general3A_186, %dot_general3A_181 : vector<512x8xf32>
      %ge3A = arith.constant 0.000000e+00 : f32
      %ge3A_188 = vector.broadcast %ge3A : f32 to vector<512x8xf32>
      %ge3A_189 = arith.cmpf oge, %add3A_187, %ge3A_188 : vector<512x8xf32>
      %mul3A_190 = arith.constant 2.000000e-01 : f32
      %mul3A_191 = vector.broadcast %mul3A_190 : f32 to vector<512x8xf32>
      %mul3A_192 = arith.mulf %mul3A_191, %add3A_187 : vector<512x8xf32>
      %select_n3A_193 = arith.select %ge3A_189, %add3A_187, %mul3A_192 : vector<512x8xi1>, vector<512x8xf32>
      %exp3A_194 = math.exp %select_n3A_193 : vector<512x8xf32>
      %get3A_195 = arith.constant 0 : index
      %get3A_196 = arith.constant 0 : index
      %get3A_197 = vector.load %arg8[%get3A_195, %get3A_196] : memref<8x512xf32, #tpu.memory_space<vmem>>, vector<8x512xf32>
      %dot_general3A_198 = arith.constant dense<0.000000e+00> : vector<512x512xf32>
      %dot_general3A_199 = tpu.matmul %exp3A_194, %get3A_197, %dot_general3A_198 {dimension_numbers = #tpu.dot_dimension_numbers<[1], [0], [0], [1], [0, 0, 1, 1], [], []>, transpose_lhs_hint = false} : vector<512x8xf32>, vector<8x512xf32>, vector<512x512xf32> -> vector<512x512xf32>
      %mul3A_200 = arith.mulf %tanh3A, %dot_general3A_199 : vector<512x512xf32>
      %lt3A = arith.cmpi slt, %mul3A_149, %sub3A_48 : i32
      %get3A_201 = arith.constant 0 : index
      %get3A_202 = vector.load %arg12[%get3A_201] : memref<512xi32, #tpu.memory_space<vmem>>, vector<512xi32>
      %jit3A_203 = arith.constant -1 : i32
      %broadcast_in_dim3A_204 = vector.broadcast %jit3A_203 : i32 to vector<512xi32>
      %select_n3A_205 = arith.select %lt3A, %get3A_202, %broadcast_in_dim3A_204 : vector<512xi32>
      %reshape3A = vector.shape_cast %select_n3A_205 : vector<512xi32> to vector<1x512xi32>
      %eq3A_206 = vector.broadcast %reshape3A : vector<1x512xi32> to vector<128x512xi32>
      %eq3A_207 = arith.cmpi eq, %add3A_76, %eq3A_206 : vector<128x512xi32>
      %convert_element_type3A_208 = arith.extui %eq3A_207 : vector<128x512xi1> to vector<128x512xi32>
      %convert_element_type3A_209 = arith.sitofp %convert_element_type3A_208 : vector<128x512xi32> to vector<128x512xf32>
      %dot_general3A_210 = arith.constant dense<0.000000e+00> : vector<128x512xf32>
      %dot_general3A_211 = tpu.matmul %convert_element_type3A_209, %mul3A_200, %dot_general3A_210 {dimension_numbers = #tpu.dot_dimension_numbers<[1], [0], [0], [1], [0, 0, 1, 1], [], []>, transpose_lhs_hint = false} : vector<128x512xf32>, vector<512x512xf32>, vector<128x512xf32> -> vector<128x512xf32>
      %add3A_212 = arith.addf %while3A_146, %dot_general3A_211 : vector<128x512xf32>
      %dot_general3A_213 = arith.constant dense<0.000000e+00> : vector<128x8xf32>
      %dot_general3A_214 = tpu.matmul %convert_element_type3A_209, %exp3A_194, %dot_general3A_213 {dimension_numbers = #tpu.dot_dimension_numbers<[1], [0], [0], [1], [0, 0, 1, 1], [], []>, transpose_lhs_hint = false} : vector<128x512xf32>, vector<512x8xf32>, vector<128x8xf32> -> vector<128x8xf32>
      %add3A_215 = arith.addf %while3A_147, %dot_general3A_214 : vector<128x8xf32>
      %add3A_216 = arith.constant 2 : i32
      %add3A_217 = arith.addi %mul3A_149, %add3A_216 : i32
      %add3A_218 = arith.addi %select_n3A, %add3A_217 : i32
      %min3A_219 = arith.minsi %add3A_218, %min3A_73 : i32
      %mul3A_220 = arith.constant 512 : i32
      %mul3A_221 = arith.muli %min3A_219, %mul3A_220 : i32
      %dma_start3A_222 = arith.constant 0 : i32
      %dma_start3A_223 = tpu.memref_slice %arg2[%mul3A_221, %dma_start3A_222] : memref<303104x192xf32, #tpu.memory_space<any>> -> memref<512x192xf32, #tpu.memory_space<any>>
      tpu.enqueue_dma source(%dma_start3A_223 : memref<512x192xf32, #tpu.memory_space<any>>) target(%arg10 : memref<512x192xf32, #tpu.memory_space<vmem>>) target_semaphore(%arg14 : memref<!tpu.dma_semaphore, #tpu.memory_space<semaphore_mem>>)
      %mul3A_224 = arith.constant 512 : i32
      %mul3A_225 = arith.muli %min3A_219, %mul3A_224 : i32
      %dma_start3A_226 = tpu.memref_slice %arg3[%mul3A_225] : memref<303104xi32, #tpu.memory_space<any>> -> memref<512xi32, #tpu.memory_space<any>>
      tpu.enqueue_dma source(%dma_start3A_226 : memref<512xi32, #tpu.memory_space<any>>) target(%arg12 : memref<512xi32, #tpu.memory_space<vmem>>) target_semaphore(%arg16 : memref<!tpu.dma_semaphore, #tpu.memory_space<semaphore_mem>>)
      %dma_wait3A_227 = arith.constant 0 : i32
      %dma_wait3A_228 = arith.constant 0 : i32
      %dma_wait3A_229 = tpu.memref_slice %arg2[%dma_wait3A_227, %dma_wait3A_228] : memref<303104x192xf32, #tpu.memory_space<any>> -> memref<512x192xf32, #tpu.memory_space<any>>
      tpu.wait_dma2 semaphore(%arg15 : memref<!tpu.dma_semaphore, #tpu.memory_space<semaphore_mem>>) src(%dma_wait3A_229 : memref<512x192xf32, #tpu.memory_space<any>>) dst(%arg11 : memref<512x192xf32, #tpu.memory_space<vmem>>)
      %dma_wait3A_230 = arith.constant 0 : i32
      %dma_wait3A_231 = tpu.memref_slice %arg3[%dma_wait3A_230] : memref<303104xi32, #tpu.memory_space<any>> -> memref<512xi32, #tpu.memory_space<any>>
      tpu.wait_dma2 semaphore(%arg17 : memref<!tpu.dma_semaphore, #tpu.memory_space<semaphore_mem>>) src(%dma_wait3A_231 : memref<512xi32, #tpu.memory_space<any>>) dst(%arg13 : memref<512xi32, #tpu.memory_space<vmem>>)
      %add3A_232 = arith.constant 1 : i32
      %add3A_233 = arith.addi %mul3A_149, %add3A_232 : i32
      %get3A_234 = arith.constant 0 : index
      %get3A_235 = arith.constant 0 : index
      %get3A_236 = vector.load %arg11[%get3A_234, %get3A_235] : memref<512x192xf32, #tpu.memory_space<vmem>>, vector<512x192xf32>
      %get3A_237 = arith.constant 0 : index
      %get3A_238 = arith.constant 0 : index
      %get3A_239 = vector.load %arg4[%get3A_237, %get3A_238] : memref<192x512xf32, #tpu.memory_space<vmem>>, vector<192x512xf32>
      %dot_general3A_240 = arith.constant dense<0.000000e+00> : vector<512x512xf32>
      %dot_general3A_241 = tpu.matmul %get3A_236, %get3A_239, %dot_general3A_240 {dimension_numbers = #tpu.dot_dimension_numbers<[1], [0], [0], [1], [0, 0, 1, 1], [], []>, transpose_lhs_hint = false} : vector<512x192xf32>, vector<192x512xf32>, vector<512x512xf32> -> vector<512x512xf32>
      %get3A_242 = arith.constant 0 : index
      %get3A_243 = arith.constant 0 : index
      %get3A_244 = vector.load %arg5[%get3A_242, %get3A_243] : memref<1x512xf32, #tpu.memory_space<vmem>>, vector<1x512xf32>
      %add3A_245 = vector.broadcast %get3A_244 : vector<1x512xf32> to vector<512x512xf32>
      %add3A_246 = arith.addf %dot_general3A_241, %add3A_245 : vector<512x512xf32>
      %tanh3A_247 = math.tanh %add3A_246 : vector<512x512xf32>
      %get3A_248 = arith.constant 0 : index
      %get3A_249 = arith.constant 0 : index
      %get3A_250 = vector.load %arg6[%get3A_248, %get3A_249] : memref<512x8xf32, #tpu.memory_space<vmem>>, vector<512x8xf32>
      %dot_general3A_251 = arith.constant dense<0.000000e+00> : vector<512x8xf32>
      %dot_general3A_252 = tpu.matmul %tanh3A_247, %get3A_250, %dot_general3A_251 {dimension_numbers = #tpu.dot_dimension_numbers<[1], [0], [0], [1], [0, 0, 1, 1], [], []>, transpose_lhs_hint = false} : vector<512x512xf32>, vector<512x8xf32>, vector<512x8xf32> -> vector<512x8xf32>
      %get3A_253 = arith.constant 0 : index
      %get3A_254 = arith.constant 0 : index
      %get3A_255 = vector.load %arg7[%get3A_253, %get3A_254] : memref<192x8xf32, #tpu.memory_space<vmem>>, vector<192x8xf32>
      %dot_general3A_256 = arith.constant dense<0.000000e+00> : vector<512x8xf32>
      %dot_general3A_257 = tpu.matmul %get3A_236, %get3A_255, %dot_general3A_256 {dimension_numbers = #tpu.dot_dimension_numbers<[1], [0], [0], [1], [0, 0, 1, 1], [], []>, transpose_lhs_hint = false} : vector<512x192xf32>, vector<192x8xf32>, vector<512x8xf32> -> vector<512x8xf32>
      %add3A_258 = arith.addf %dot_general3A_257, %dot_general3A_252 : vector<512x8xf32>
      %ge3A_259 = arith.constant 0.000000e+00 : f32
      %ge3A_260 = vector.broadcast %ge3A_259 : f32 to vector<512x8xf32>
      %ge3A_261 = arith.cmpf oge, %add3A_258, %ge3A_260 : vector<512x8xf32>
      %mul3A_262 = arith.constant 2.000000e-01 : f32
      %mul3A_263 = vector.broadcast %mul3A_262 : f32 to vector<512x8xf32>
      %mul3A_264 = arith.mulf %mul3A_263, %add3A_258 : vector<512x8xf32>
      %select_n3A_265 = arith.select %ge3A_261, %add3A_258, %mul3A_264 : vector<512x8xi1>, vector<512x8xf32>
      %exp3A_266 = math.exp %select_n3A_265 : vector<512x8xf32>
      %get3A_267 = arith.constant 0 : index
      %get3A_268 = arith.constant 0 : index
      %get3A_269 = vector.load %arg8[%get3A_267, %get3A_268] : memref<8x512xf32, #tpu.memory_space<vmem>>, vector<8x512xf32>
      %dot_general3A_270 = arith.constant dense<0.000000e+00> : vector<512x512xf32>
      %dot_general3A_271 = tpu.matmul %exp3A_266, %get3A_269, %dot_general3A_270 {dimension_numbers = #tpu.dot_dimension_numbers<[1], [0], [0], [1], [0, 0, 1, 1], [], []>, transpose_lhs_hint = false} : vector<512x8xf32>, vector<8x512xf32>, vector<512x512xf32> -> vector<512x512xf32>
      %mul3A_272 = arith.mulf %tanh3A_247, %dot_general3A_271 : vector<512x512xf32>
      %lt3A_273 = arith.cmpi slt, %add3A_233, %sub3A_48 : i32
      %get3A_274 = arith.constant 0 : index
      %get3A_275 = vector.load %arg13[%get3A_274] : memref<512xi32, #tpu.memory_space<vmem>>, vector<512xi32>
      %jit3A_276 = arith.constant -1 : i32
      %broadcast_in_dim3A_277 = vector.broadcast %jit3A_276 : i32 to vector<512xi32>
      %select_n3A_278 = arith.select %lt3A_273, %get3A_275, %broadcast_in_dim3A_277 : vector<512xi32>
      %reshape3A_279 = vector.shape_cast %select_n3A_278 : vector<512xi32> to vector<1x512xi32>
      %eq3A_280 = vector.broadcast %reshape3A_279 : vector<1x512xi32> to vector<128x512xi32>
      %eq3A_281 = arith.cmpi eq, %add3A_76, %eq3A_280 : vector<128x512xi32>
      %convert_element_type3A_282 = arith.extui %eq3A_281 : vector<128x512xi1> to vector<128x512xi32>
      %convert_element_type3A_283 = arith.sitofp %convert_element_type3A_282 : vector<128x512xi32> to vector<128x512xf32>
      %dot_general3A_284 = arith.constant dense<0.000000e+00> : vector<128x512xf32>
      %dot_general3A_285 = tpu.matmul %convert_element_type3A_283, %mul3A_272, %dot_general3A_284 {dimension_numbers = #tpu.dot_dimension_numbers<[1], [0], [0], [1], [0, 0, 1, 1], [], []>, transpose_lhs_hint = false} : vector<128x512xf32>, vector<512x512xf32>, vector<128x512xf32> -> vector<128x512xf32>
      %add3A_286 = arith.addf %add3A_212, %dot_general3A_285 : vector<128x512xf32>
      %dot_general3A_287 = arith.constant dense<0.000000e+00> : vector<128x8xf32>
      %dot_general3A_288 = tpu.matmul %convert_element_type3A_283, %exp3A_266, %dot_general3A_287 {dimension_numbers = #tpu.dot_dimension_numbers<[1], [0], [0], [1], [0, 0, 1, 1], [], []>, transpose_lhs_hint = false} : vector<128x512xf32>, vector<512x8xf32>, vector<128x8xf32> -> vector<128x8xf32>
      %add3A_289 = arith.addf %add3A_215, %dot_general3A_288 : vector<128x8xf32>
      scf.yield %add3A_286, %add3A_289 : vector<128x512xf32>, vector<128x8xf32>
    }
    %while3A_116 = arith.constant 1 : i32
    %while3A_117:2 = scf.for %while3A_145 = %while3A_113 to %while3A_109 step %while3A_116 iter_args(%while3A_146 = %while3A_115#0, %while3A_147 = %while3A_115#1) -> (vector<128x512xf32>, vector<128x8xf32>)  : i32 {
      %mul3A_148 = arith.constant 2 : i32
      %mul3A_149 = arith.muli %mul3A_148, %while3A_145 : i32
      %add3A_150 = arith.constant 1 : i32
      %add3A_151 = arith.addi %mul3A_149, %add3A_150 : i32
      %add3A_152 = arith.addi %select_n3A, %add3A_151 : i32
      %min3A_153 = arith.minsi %add3A_152, %min3A_73 : i32
      %mul3A_154 = arith.constant 512 : i32
      %mul3A_155 = arith.muli %min3A_153, %mul3A_154 : i32
      %dma_start3A = arith.constant 0 : i32
      %dma_start3A_156 = tpu.memref_slice %arg2[%mul3A_155, %dma_start3A] : memref<303104x192xf32, #tpu.memory_space<any>> -> memref<512x192xf32, #tpu.memory_space<any>>
      tpu.enqueue_dma source(%dma_start3A_156 : memref<512x192xf32, #tpu.memory_space<any>>) target(%arg11 : memref<512x192xf32, #tpu.memory_space<vmem>>) target_semaphore(%arg15 : memref<!tpu.dma_semaphore, #tpu.memory_space<semaphore_mem>>)
      %mul3A_157 = arith.constant 512 : i32
      %mul3A_158 = arith.muli %min3A_153, %mul3A_157 : i32
      %dma_start3A_159 = tpu.memref_slice %arg3[%mul3A_158] : memref<303104xi32, #tpu.memory_space<any>> -> memref<512xi32, #tpu.memory_space<any>>
      tpu.enqueue_dma source(%dma_start3A_159 : memref<512xi32, #tpu.memory_space<any>>) target(%arg13 : memref<512xi32, #tpu.memory_space<vmem>>) target_semaphore(%arg17 : memref<!tpu.dma_semaphore, #tpu.memory_space<semaphore_mem>>)
      %dma_wait3A = arith.constant 0 : i32
      %dma_wait3A_160 = arith.constant 0 : i32
      %dma_wait3A_161 = tpu.memref_slice %arg2[%dma_wait3A, %dma_wait3A_160] : memref<303104x192xf32, #tpu.memory_space<any>> -> memref<512x192xf32, #tpu.memory_space<any>>
      tpu.wait_dma2 semaphore(%arg14 : memref<!tpu.dma_semaphore, #tpu.memory_space<semaphore_mem>>) src(%dma_wait3A_161 : memref<512x192xf32, #tpu.memory_space<any>>) dst(%arg10 : memref<512x192xf32, #tpu.memory_space<vmem>>)
      %dma_wait3A_162 = arith.constant 0 : i32
      %dma_wait3A_163 = tpu.memref_slice %arg3[%dma_wait3A_162] : memref<303104xi32, #tpu.memory_space<any>> -> memref<512xi32, #tpu.memory_space<any>>
      tpu.wait_dma2 semaphore(%arg16 : memref<!tpu.dma_semaphore, #tpu.memory_space<semaphore_mem>>) src(%dma_wait3A_163 : memref<512xi32, #tpu.memory_space<any>>) dst(%arg12 : memref<512xi32, #tpu.memory_space<vmem>>)
      %get3A_164 = arith.constant 0 : index
      %get3A_165 = arith.constant 0 : index
      %get3A_166 = vector.load %arg10[%get3A_164, %get3A_165] : memref<512x192xf32, #tpu.memory_space<vmem>>, vector<512x192xf32>
      %get3A_167 = arith.constant 0 : index
      %get3A_168 = arith.constant 0 : index
      %get3A_169 = vector.load %arg4[%get3A_167, %get3A_168] : memref<192x512xf32, #tpu.memory_space<vmem>>, vector<192x512xf32>
      %dot_general3A_170 = arith.constant dense<0.000000e+00> : vector<512x512xf32>
      %dot_general3A_171 = tpu.matmul %get3A_166, %get3A_169, %dot_general3A_170 {dimension_numbers = #tpu.dot_dimension_numbers<[1], [0], [0], [1], [0, 0, 1, 1], [], []>, transpose_lhs_hint = false} : vector<512x192xf32>, vector<192x512xf32>, vector<512x512xf32> -> vector<512x512xf32>
      %get3A_172 = arith.constant 0 : index
      %get3A_173 = arith.constant 0 : index
      %get3A_174 = vector.load %arg5[%get3A_172, %get3A_173] : memref<1x512xf32, #tpu.memory_space<vmem>>, vector<1x512xf32>
      %add3A_175 = vector.broadcast %get3A_174 : vector<1x512xf32> to vector<512x512xf32>
      %add3A_176 = arith.addf %dot_general3A_171, %add3A_175 : vector<512x512xf32>
      %tanh3A = math.tanh %add3A_176 : vector<512x512xf32>
      %get3A_177 = arith.constant 0 : index
      %get3A_178 = arith.constant 0 : index
      %get3A_179 = vector.load %arg6[%get3A_177, %get3A_178] : memref<512x8xf32, #tpu.memory_space<vmem>>, vector<512x8xf32>
      %dot_general3A_180 = arith.constant dense<0.000000e+00> : vector<512x8xf32>
      %dot_general3A_181 = tpu.matmul %tanh3A, %get3A_179, %dot_general3A_180 {dimension_numbers = #tpu.dot_dimension_numbers<[1], [0], [0], [1], [0, 0, 1, 1], [], []>, transpose_lhs_hint = false} : vector<512x512xf32>, vector<512x8xf32>, vector<512x8xf32> -> vector<512x8xf32>
      %get3A_182 = arith.constant 0 : index
      %get3A_183 = arith.constant 0 : index
      %get3A_184 = vector.load %arg7[%get3A_182, %get3A_183] : memref<192x8xf32, #tpu.memory_space<vmem>>, vector<192x8xf32>
      %dot_general3A_185 = arith.constant dense<0.000000e+00> : vector<512x8xf32>
      %dot_general3A_186 = tpu.matmul %get3A_166, %get3A_184, %dot_general3A_185 {dimension_numbers = #tpu.dot_dimension_numbers<[1], [0], [0], [1], [0, 0, 1, 1], [], []>, transpose_lhs_hint = false} : vector<512x192xf32>, vector<192x8xf32>, vector<512x8xf32> -> vector<512x8xf32>
      %add3A_187 = arith.addf %dot_general3A_186, %dot_general3A_181 : vector<512x8xf32>
      %ge3A = arith.constant 0.000000e+00 : f32
      %ge3A_188 = vector.broadcast %ge3A : f32 to vector<512x8xf32>
      %ge3A_189 = arith.cmpf oge, %add3A_187, %ge3A_188 : vector<512x8xf32>
      %mul3A_190 = arith.constant 2.000000e-01 : f32
      %mul3A_191 = vector.broadcast %mul3A_190 : f32 to vector<512x8xf32>
      %mul3A_192 = arith.mulf %mul3A_191, %add3A_187 : vector<512x8xf32>
      %select_n3A_193 = arith.select %ge3A_189, %add3A_187, %mul3A_192 : vector<512x8xi1>, vector<512x8xf32>
      %exp3A_194 = math.exp %select_n3A_193 : vector<512x8xf32>
      %get3A_195 = arith.constant 0 : index
      %get3A_196 = arith.constant 0 : index
      %get3A_197 = vector.load %arg8[%get3A_195, %get3A_196] : memref<8x512xf32, #tpu.memory_space<vmem>>, vector<8x512xf32>
      %dot_general3A_198 = arith.constant dense<0.000000e+00> : vector<512x512xf32>
      %dot_general3A_199 = tpu.matmul %exp3A_194, %get3A_197, %dot_general3A_198 {dimension_numbers = #tpu.dot_dimension_numbers<[1], [0], [0], [1], [0, 0, 1, 1], [], []>, transpose_lhs_hint = false} : vector<512x8xf32>, vector<8x512xf32>, vector<512x512xf32> -> vector<512x512xf32>
      %mul3A_200 = arith.mulf %tanh3A, %dot_general3A_199 : vector<512x512xf32>
      %lt3A = arith.cmpi slt, %mul3A_149, %sub3A_48 : i32
      %get3A_201 = arith.constant 0 : index
      %get3A_202 = vector.load %arg12[%get3A_201] : memref<512xi32, #tpu.memory_space<vmem>>, vector<512xi32>
      %jit3A_203 = arith.constant -1 : i32
      %broadcast_in_dim3A_204 = vector.broadcast %jit3A_203 : i32 to vector<512xi32>
      %select_n3A_205 = arith.select %lt3A, %get3A_202, %broadcast_in_dim3A_204 : vector<512xi32>
      %reshape3A = vector.shape_cast %select_n3A_205 : vector<512xi32> to vector<1x512xi32>
      %eq3A_206 = vector.broadcast %reshape3A : vector<1x512xi32> to vector<128x512xi32>
      %eq3A_207 = arith.cmpi eq, %add3A_76, %eq3A_206 : vector<128x512xi32>
      %convert_element_type3A_208 = arith.extui %eq3A_207 : vector<128x512xi1> to vector<128x512xi32>
      %convert_element_type3A_209 = arith.sitofp %convert_element_type3A_208 : vector<128x512xi32> to vector<128x512xf32>
      %dot_general3A_210 = arith.constant dense<0.000000e+00> : vector<128x512xf32>
      %dot_general3A_211 = tpu.matmul %convert_element_type3A_209, %mul3A_200, %dot_general3A_210 {dimension_numbers = #tpu.dot_dimension_numbers<[1], [0], [0], [1], [0, 0, 1, 1], [], []>, transpose_lhs_hint = false} : vector<128x512xf32>, vector<512x512xf32>, vector<128x512xf32> -> vector<128x512xf32>
      %add3A_212 = arith.addf %while3A_146, %dot_general3A_211 : vector<128x512xf32>
      %dot_general3A_213 = arith.constant dense<0.000000e+00> : vector<128x8xf32>
      %dot_general3A_214 = tpu.matmul %convert_element_type3A_209, %exp3A_194, %dot_general3A_213 {dimension_numbers = #tpu.dot_dimension_numbers<[1], [0], [0], [1], [0, 0, 1, 1], [], []>, transpose_lhs_hint = false} : vector<128x512xf32>, vector<512x8xf32>, vector<128x8xf32> -> vector<128x8xf32>
      %add3A_215 = arith.addf %while3A_147, %dot_general3A_214 : vector<128x8xf32>
      %add3A_216 = arith.constant 2 : i32
      %add3A_217 = arith.addi %mul3A_149, %add3A_216 : i32
      %add3A_218 = arith.addi %select_n3A, %add3A_217 : i32
      %min3A_219 = arith.minsi %add3A_218, %min3A_73 : i32
      %mul3A_220 = arith.constant 512 : i32
      %mul3A_221 = arith.muli %min3A_219, %mul3A_220 : i32
      %dma_start3A_222 = arith.constant 0 : i32
      %dma_start3A_223 = tpu.memref_slice %arg2[%mul3A_221, %dma_start3A_222] : memref<303104x192xf32, #tpu.memory_space<any>> -> memref<512x192xf32, #tpu.memory_space<any>>
      tpu.enqueue_dma source(%dma_start3A_223 : memref<512x192xf32, #tpu.memory_space<any>>) target(%arg10 : memref<512x192xf32, #tpu.memory_space<vmem>>) target_semaphore(%arg14 : memref<!tpu.dma_semaphore, #tpu.memory_space<semaphore_mem>>)
      %mul3A_224 = arith.constant 512 : i32
      %mul3A_225 = arith.muli %min3A_219, %mul3A_224 : i32
      %dma_start3A_226 = tpu.memref_slice %arg3[%mul3A_225] : memref<303104xi32, #tpu.memory_space<any>> -> memref<512xi32, #tpu.memory_space<any>>
      tpu.enqueue_dma source(%dma_start3A_226 : memref<512xi32, #tpu.memory_space<any>>) target(%arg12 : memref<512xi32, #tpu.memory_space<vmem>>) target_semaphore(%arg16 : memref<!tpu.dma_semaphore, #tpu.memory_space<semaphore_mem>>)
      %dma_wait3A_227 = arith.constant 0 : i32
      %dma_wait3A_228 = arith.constant 0 : i32
      %dma_wait3A_229 = tpu.memref_slice %arg2[%dma_wait3A_227, %dma_wait3A_228] : memref<303104x192xf32, #tpu.memory_space<any>> -> memref<512x192xf32, #tpu.memory_space<any>>
      tpu.wait_dma2 semaphore(%arg15 : memref<!tpu.dma_semaphore, #tpu.memory_space<semaphore_mem>>) src(%dma_wait3A_229 : memref<512x192xf32, #tpu.memory_space<any>>) dst(%arg11 : memref<512x192xf32, #tpu.memory_space<vmem>>)
      %dma_wait3A_230 = arith.constant 0 : i32
      %dma_wait3A_231 = tpu.memref_slice %arg3[%dma_wait3A_230] : memref<303104xi32, #tpu.memory_space<any>> -> memref<512xi32, #tpu.memory_space<any>>
      tpu.wait_dma2 semaphore(%arg17 : memref<!tpu.dma_semaphore, #tpu.memory_space<semaphore_mem>>) src(%dma_wait3A_231 : memref<512xi32, #tpu.memory_space<any>>) dst(%arg13 : memref<512xi32, #tpu.memory_space<vmem>>)
      %add3A_232 = arith.constant 1 : i32
      %add3A_233 = arith.addi %mul3A_149, %add3A_232 : i32
      %get3A_234 = arith.constant 0 : index
      %get3A_235 = arith.constant 0 : index
      %get3A_236 = vector.load %arg11[%get3A_234, %get3A_235] : memref<512x192xf32, #tpu.memory_space<vmem>>, vector<512x192xf32>
      %get3A_237 = arith.constant 0 : index
      %get3A_238 = arith.constant 0 : index
      %get3A_239 = vector.load %arg4[%get3A_237, %get3A_238] : memref<192x512xf32, #tpu.memory_space<vmem>>, vector<192x512xf32>
      %dot_general3A_240 = arith.constant dense<0.000000e+00> : vector<512x512xf32>
      %dot_general3A_241 = tpu.matmul %get3A_236, %get3A_239, %dot_general3A_240 {dimension_numbers = #tpu.dot_dimension_numbers<[1], [0], [0], [1], [0, 0, 1, 1], [], []>, transpose_lhs_hint = false} : vector<512x192xf32>, vector<192x512xf32>, vector<512x512xf32> -> vector<512x512xf32>
      %get3A_242 = arith.constant 0 : index
      %get3A_243 = arith.constant 0 : index
      %get3A_244 = vector.load %arg5[%get3A_242, %get3A_243] : memref<1x512xf32, #tpu.memory_space<vmem>>, vector<1x512xf32>
      %add3A_245 = vector.broadcast %get3A_244 : vector<1x512xf32> to vector<512x512xf32>
      %add3A_246 = arith.addf %dot_general3A_241, %add3A_245 : vector<512x512xf32>
      %tanh3A_247 = math.tanh %add3A_246 : vector<512x512xf32>
      %get3A_248 = arith.constant 0 : index
      %get3A_249 = arith.constant 0 : index
      %get3A_250 = vector.load %arg6[%get3A_248, %get3A_249] : memref<512x8xf32, #tpu.memory_space<vmem>>, vector<512x8xf32>
      %dot_general3A_251 = arith.constant dense<0.000000e+00> : vector<512x8xf32>
      %dot_general3A_252 = tpu.matmul %tanh3A_247, %get3A_250, %dot_general3A_251 {dimension_numbers = #tpu.dot_dimension_numbers<[1], [0], [0], [1], [0, 0, 1, 1], [], []>, transpose_lhs_hint = false} : vector<512x512xf32>, vector<512x8xf32>, vector<512x8xf32> -> vector<512x8xf32>
      %get3A_253 = arith.constant 0 : index
      %get3A_254 = arith.constant 0 : index
      %get3A_255 = vector.load %arg7[%get3A_253, %get3A_254] : memref<192x8xf32, #tpu.memory_space<vmem>>, vector<192x8xf32>
      %dot_general3A_256 = arith.constant dense<0.000000e+00> : vector<512x8xf32>
      %dot_general3A_257 = tpu.matmul %get3A_236, %get3A_255, %dot_general3A_256 {dimension_numbers = #tpu.dot_dimension_numbers<[1], [0], [0], [1], [0, 0, 1, 1], [], []>, transpose_lhs_hint = false} : vector<512x192xf32>, vector<192x8xf32>, vector<512x8xf32> -> vector<512x8xf32>
      %add3A_258 = arith.addf %dot_general3A_257, %dot_general3A_252 : vector<512x8xf32>
      %ge3A_259 = arith.constant 0.000000e+00 : f32
      %ge3A_260 = vector.broadcast %ge3A_259 : f32 to vector<512x8xf32>
      %ge3A_261 = arith.cmpf oge, %add3A_258, %ge3A_260 : vector<512x8xf32>
      %mul3A_262 = arith.constant 2.000000e-01 : f32
      %mul3A_263 = vector.broadcast %mul3A_262 : f32 to vector<512x8xf32>
      %mul3A_264 = arith.mulf %mul3A_263, %add3A_258 : vector<512x8xf32>
      %select_n3A_265 = arith.select %ge3A_261, %add3A_258, %mul3A_264 : vector<512x8xi1>, vector<512x8xf32>
      %exp3A_266 = math.exp %select_n3A_265 : vector<512x8xf32>
      %get3A_267 = arith.constant 0 : index
      %get3A_268 = arith.constant 0 : index
      %get3A_269 = vector.load %arg8[%get3A_267, %get3A_268] : memref<8x512xf32, #tpu.memory_space<vmem>>, vector<8x512xf32>
      %dot_general3A_270 = arith.constant dense<0.000000e+00> : vector<512x512xf32>
      %dot_general3A_271 = tpu.matmul %exp3A_266, %get3A_269, %dot_general3A_270 {dimension_numbers = #tpu.dot_dimension_numbers<[1], [0], [0], [1], [0, 0, 1, 1], [], []>, transpose_lhs_hint = false} : vector<512x8xf32>, vector<8x512xf32>, vector<512x512xf32> -> vector<512x512xf32>
      %mul3A_272 = arith.mulf %tanh3A_247, %dot_general3A_271 : vector<512x512xf32>
      %lt3A_273 = arith.cmpi slt, %add3A_233, %sub3A_48 : i32
      %get3A_274 = arith.constant 0 : index
      %get3A_275 = vector.load %arg13[%get3A_274] : memref<512xi32, #tpu.memory_space<vmem>>, vector<512xi32>
      %jit3A_276 = arith.constant -1 : i32
      %broadcast_in_dim3A_277 = vector.broadcast %jit3A_276 : i32 to vector<512xi32>
      %select_n3A_278 = arith.select %lt3A_273, %get3A_275, %broadcast_in_dim3A_277 : vector<512xi32>
      %reshape3A_279 = vector.shape_cast %select_n3A_278 : vector<512xi32> to vector<1x512xi32>
      %eq3A_280 = vector.broadcast %reshape3A_279 : vector<1x512xi32> to vector<128x512xi32>
      %eq3A_281 = arith.cmpi eq, %add3A_76, %eq3A_280 : vector<128x512xi32>
      %convert_element_type3A_282 = arith.extui %eq3A_281 : vector<128x512xi1> to vector<128x512xi32>
      %convert_element_type3A_283 = arith.sitofp %convert_element_type3A_282 : vector<128x512xi32> to vector<128x512xf32>
      %dot_general3A_284 = arith.constant dense<0.000000e+00> : vector<128x512xf32>
      %dot_general3A_285 = tpu.matmul %convert_element_type3A_283, %mul3A_272, %dot_general3A_284 {dimension_numbers = #tpu.dot_dimension_numbers<[1], [0], [0], [1], [0, 0, 1, 1], [], []>, transpose_lhs_hint = false} : vector<128x512xf32>, vector<512x512xf32>, vector<128x512xf32> -> vector<128x512xf32>
      %add3A_286 = arith.addf %add3A_212, %dot_general3A_285 : vector<128x512xf32>
      %dot_general3A_287 = arith.constant dense<0.000000e+00> : vector<128x8xf32>
      %dot_general3A_288 = tpu.matmul %convert_element_type3A_283, %exp3A_266, %dot_general3A_287 {dimension_numbers = #tpu.dot_dimension_numbers<[1], [0], [0], [1], [0, 0, 1, 1], [], []>, transpose_lhs_hint = false} : vector<128x512xf32>, vector<512x8xf32>, vector<128x8xf32> -> vector<128x8xf32>
      %add3A_289 = arith.addf %add3A_215, %dot_general3A_288 : vector<128x8xf32>
      scf.yield %add3A_286, %add3A_289 : vector<128x512xf32>, vector<128x8xf32>
    }
    %eq3A_118 = arith.constant 195 : i32
    %eq3A_119 = arith.cmpi eq, %arg0, %eq3A_118 : i32
    %convert_element_type3A_120 = arith.extui %eq3A_119 : i1 to i32
    %cond3A_121 = arith.constant 0 : i32
    %cond3A_122 = arith.cmpi ne, %convert_element_type3A_120, %cond3A_121 : i32
    scf.if %cond3A_122 {
      %dma_wait3A = arith.constant 0 : i32
      %dma_wait3A_145 = arith.constant 0 : i32
      %dma_wait3A_146 = tpu.memref_slice %arg2[%dma_wait3A, %dma_wait3A_145] : memref<303104x192xf32, #tpu.memory_space<any>> -> memref<512x192xf32, #tpu.memory_space<any>>
      tpu.wait_dma2 semaphore(%arg14 : memref<!tpu.dma_semaphore, #tpu.memory_space<semaphore_mem>>) src(%dma_wait3A_146 : memref<512x192xf32, #tpu.memory_space<any>>) dst(%arg10 : memref<512x192xf32, #tpu.memory_space<vmem>>)
      %dma_wait3A_147 = arith.constant 0 : i32
      %dma_wait3A_148 = tpu.memref_slice %arg3[%dma_wait3A_147] : memref<303104xi32, #tpu.memory_space<any>> -> memref<512xi32, #tpu.memory_space<any>>
      tpu.wait_dma2 semaphore(%arg16 : memref<!tpu.dma_semaphore, #tpu.memory_space<semaphore_mem>>) src(%dma_wait3A_148 : memref<512xi32, #tpu.memory_space<any>>) dst(%arg12 : memref<512xi32, #tpu.memory_space<vmem>>)
    } else {
    }
    %add3A_123 = arith.constant 9.99999971E-10 : f32
    %add3A_124 = vector.broadcast %add3A_123 : f32 to vector<128x8xf32>
    %add3A_125 = arith.addf %while3A_117#1, %add3A_124 : vector<128x8xf32>
    %div3A_126 = arith.constant 1.000000e+00 : f32
    %div3A_127 = vector.broadcast %div3A_126 : f32 to vector<128x8xf32>
    %div3A_128 = arith.divf %div3A_127, %add3A_125 : vector<128x8xf32>
    %get3A_129 = arith.constant 0 : index
    %get3A_130 = arith.constant 0 : index
    %get3A_131 = vector.load %arg8[%get3A_129, %get3A_130] : memref<8x512xf32, #tpu.memory_space<vmem>>, vector<8x512xf32>
    %dot_general3A = arith.constant dense<0.000000e+00> : vector<128x512xf32>
    %dot_general3A_132 = tpu.matmul %div3A_128, %get3A_131, %dot_general3A {dimension_numbers = #tpu.dot_dimension_numbers<[1], [0], [0], [1], [0, 0, 1, 1], [], []>, transpose_lhs_hint = false} : vector<128x8xf32>, vector<8x512xf32>, vector<128x512xf32> -> vector<128x512xf32>
    %mul3A_133 = arith.mulf %while3A_117#0, %dot_general3A_132 : vector<128x512xf32>
    %gt3A = arith.constant 0.000000e+00 : f32
    %gt3A_134 = vector.broadcast %gt3A : f32 to vector<128x512xf32>
    %gt3A_135 = arith.cmpf ogt, %mul3A_133, %gt3A_134 : vector<128x512xf32>
    %min3A_136 = arith.constant 0.000000e+00 : f32
    %min3A_137 = vector.broadcast %min3A_136 : f32 to vector<128x512xf32>
    %min3A_138 = arith.minimumf %mul3A_133, %min3A_137 : vector<128x512xf32>
    %exp3A = math.exp %min3A_138 : vector<128x512xf32>
    %sub3A_139 = arith.constant 1.000000e+00 : f32
    %sub3A_140 = vector.broadcast %sub3A_139 : f32 to vector<128x512xf32>
    %sub3A_141 = arith.subf %exp3A, %sub3A_140 : vector<128x512xf32>
    %select_n3A_142 = arith.select %gt3A_135, %mul3A_133, %sub3A_141 : vector<128x512xi1>, vector<128x512xf32>
    %swap3A = arith.constant 0 : index
    %swap3A_143 = arith.constant 0 : index
    %swap3A_144 = vector.load %arg9[%swap3A, %swap3A_143] : memref<128x512xf32, #tpu.memory_space<vmem>>, vector<128x512xf32>
    tpu.vector_store %arg9[%swap3A, %swap3A_143], %select_n3A_142 {strides = array<i32>} : memref<128x512xf32, #tpu.memory_space<vmem>>, vector<128x512xf32>,
    return
  }
  func.func @transform_0(%arg0: i32) -> i32 {
    %c0_i32 = arith.constant 0 : i32
    %c0_i32_0 = arith.constant 0 : i32
    return %c0_i32 : i32
  }
  func.func @transform_3(%arg0: i32) -> (i32, i32) {
    %c0_i32 = arith.constant 0 : i32
    %c0_i32_0 = arith.constant 0 : i32
    %c0_i32_1 = arith.constant 0 : i32
    return %c0_i32, %c0_i32_0 : i32, i32
  }
  func.func @transform_4(%arg0: i32) -> (i32, i32) {
    %c0_i32 = arith.constant 0 : i32
    %c0_i32_0 = arith.constant 0 : i32
    %c0_i32_1 = arith.constant 0 : i32
    return %c0_i32, %c0_i32_0 : i32, i32
  }
  func.func @transform_5(%arg0: i32) -> (i32, i32) {
    %c0_i32 = arith.constant 0 : i32
    %c0_i32_0 = arith.constant 0 : i32
    %c0_i32_1 = arith.constant 0 : i32
    return %c0_i32, %c0_i32_0 : i32, i32
  }
  func.func @transform_6(%arg0: i32) -> (i32, i32) {
    %c0_i32 = arith.constant 0 : i32
    %c0_i32_0 = arith.constant 0 : i32
    %c0_i32_1 = arith.constant 0 : i32
    return %c0_i32, %c0_i32_0 : i32, i32
  }
  func.func @transform_7(%arg0: i32) -> (i32, i32) {
    %c0_i32 = arith.constant 0 : i32
    %c0_i32_0 = arith.constant 0 : i32
    %c0_i32_1 = arith.constant 0 : i32
    return %c0_i32, %c0_i32_0 : i32, i32
  }
  func.func @transform_8(%arg0: i32) -> (i32, i32) {
    %c0_i32 = arith.constant 0 : i32
    %c0_i32_0 = arith.constant 0 : i32
    return %arg0, %c0_i32 : i32, i32
  }
}

</mosaic_0001>

<sc_bundles>
// kernel: kernel.10.cloned.1.call-start
scs
__scs_entry_jumppad:
0x0: {  	(pc) =	sbr.rel $0x88, $3  }
0x1: {  	(tag) =	ssettag $0x0;
	lr =	simm.s32 $0x1  }
0x2: {  	[smem:$0x3F79] =	sst lr;
	_ =	strace $0xD0000000  }
0x3: {  	_ = 	snop  }
0x4: {  	_ = 	snop  }
0x5: {  	_ = 	snop  }
0x6: {  	_ = 	snop  }
0x7: {  	_ = 	snop  }
__scs_overlays_trampoline_lowered:
0x8: {  	[smem:$0x3F88] =	sst s0  }
0x9: {  	[smem:$0x3F89] =	sst s1  }
0xa: {  	[smem:$0x3F8A] =	sst s2  }
0xb: {  	[smem:$0x3F8B] =	sst s3  }
0xc: {  	[smem:$0x3F8C] =	sst s4  }
0xd: {  	[smem:$0x3F8D] =	sst s5  }
0xe: {  	[smem:$0x3F8E] =	sst s6  }
0xf: {  	[smem:$0x3F8F] =	sst s7  }
0x10: {  	[smem:$0x3F90] =	sst s8  }
0x11: {  	[smem:$0x3F91] =	sst s9;
	s0 =	simm.s32 @!p0 $0x0  }
0x12: {  	s1 =	sld [smem:$0x3F77];
	s0 =	simm.s32 @p0 $0x1  }
0x13: {  	[smem:$0x3F92] =	sst s0;
	s0 =	simm.s32 @!p1 $0x0  }
0x14: {  	s2 =	sld [smem:$0x3F76];
	s0 =	simm.s32 @p1 $0x1  }
0x15: {  	[smem:$0x3F93] =	sst s0;
	s0 =	simm.s32 @!p2 $0x0  }
0x16: {  	s3 =	sld [smem:$0x3FDB];
	s0 =	simm.s32 @p2 $0x1  }
0x17: {  	s4 =	simm.s32 $0x1BF5;
	[smem:$0x3F95] =	sst s0  }
0x18: {  	s0 =	sld [smem:$0x3F78];
	_ =	swait.ge [sflag:s4], $0x0  }
0x19: {  	s7 =	sld [smem:$0x3F79]  }
0x1a: {  	s8 =	sadd.s32 $0xFFFFE003, lr  }
0x1b: {  	s9 =	sadd.s32 $0xFFFFFEF7, lr;
	s5 =	simm.s32 $0xFFFFFFFF;
	p2 =	slt.u32 s8, $0xFFFFF086  }
0x1c: {  	p1 =	slt.u32 s9, $0xF7A;
	s5 =	simm.s32 @!p2 $0x0  }
0x1d: {  	s5 =	simm.s32 @p1 $0x1;
	p0 =	seq.s32 s7, s2  }
0x1e: {  	s7 =	smul.u32 @!p0 $0xF7A, s2;
	p2 =	seq.s32 @!p0 s5, $0x0  }
0x1f: {  	s9 =	smul.u32 $0xF7A, s1;
	s8 =	simm.s32 @!p0 $0x1BF5;
	p2 =	por !p2, p0  }
0x20: {  	[sflag:s8] =	ssyncset.s32 @!p0 $0xFFFFF086;
	s6 =	sadd.s32 @!p0 s3, s7;
	s7 =	simm.s32 @!p0 $0x108  }
0x21: {  	s3 =	sadd.s32 s3, s9;
	s6 =	sadd.s32 @!p0 $0x88, s6;
	s7 =	simm.s32 @p2 $0x1082  }
0x22: {  	[simem:s7], [sflag:s8] =	dma.local @!p0 [hbm:s6], $0xF7A  }
0x23: {  	s9 =	sor.u32 $0xD0000000, s2;
	s6 =	simm.s32 $0x108;
	_ =	swait.ge @!p0 [sflag:s8], $0x0  }
0x24: {  	s3 =	sadd.s32 $0x88, s3;
	s6 =	simm.s32 @!p1 $0x1082;
	[sflag:s4] =	ssyncset.s32 $0xFFFFF086  }
0x25: {  	[simem:s6], [sflag:s4] =	dma.local [hbm:s3], $0xF7A  }
0x26: {  	[smem:$0x3F79] =	sst s1;
	(tag) =	ssettag s2;
	_ =	strace s9  }
0x27: {  	s1 =	sld [smem:$0x3F89]  }
0x28: {  	s2 =	sld [smem:$0x3F8A]  }
0x29: {  	s4 =	sld [smem:$0x3F8C]  }
0x2a: {  	p0 =	seq.s32 s5, $0x0;
	s5 =	sld [smem:$0x3F8D]  }
0x2b: {  	s6 =	sld [smem:$0x3F8E]  }
0x2c: {  	s7 =	sld [smem:$0x3F8F]  }
0x2d: {  	s3 =	simm.s32 $0x108;
	s8 =	sld [smem:$0x3F90]  }
0x2e: {  	s3 =	simm.s32 @!p0 $0x1082;
	s9 =	sld [smem:$0x3F91]  }
0x2f: {  	lr =	sadd.s32 s0, s3;
	s0 =	sld [smem:$0x3F88]  }
0x30: {  	s3 =	sld [smem:$0x3F8B]  }
0x31: {  	[smem:$0x3F94] =	sst s10  }
0x32: {  	s10 =	sld [smem:$0x3F92];
	_ =	sdelay $0x3  }
0x33: {  	p0 =	seq.s32 s10, $0x1;
	s10 =	sld [smem:$0x3F94];
	_ =	sdelay $0x3  }
0x34: {  	[smem:$0x3F94] =	sst s10  }
0x35: {  	s10 =	sld [smem:$0x3F93];
	_ =	sdelay $0x3  }
0x36: {  	p1 =	seq.s32 s10, $0x1;
	s10 =	sld [smem:$0x3F94];
	_ =	sdelay $0x3  }
0x37: {  	[smem:$0x3F94] =	sst s10  }
0x38: {  	s10 =	sld [smem:$0x3F95]  }
0x39: {  	_ = 	snop;
	(pc) =	sbr.ind lr, $3  }
0x3a: {  	_ = 	snop  }
0x3b: {  	_ = 	snop  }
0x3c: {  	p2 =	seq.s32 s10, $0x1;
	s10 =	sld [smem:$0x3F94]  }
0x3d: {  	_ =	shalt  }
0x3e: {  	_ =	shalt  }
0x3f: {  	_ =	shalt  }
0x40: {  	_ =	shalt  }
0x41: {  	_ =	shalt  }
0x42: {  	_ =	shalt  }
0x43: {  	_ =	shalt  }
0x44: {  	_ =	shalt  }
0x45: {  	_ =	shalt  }
0x46: {  	_ =	shalt  }
0x47: {  	_ =	shalt  }
0x48: {  	_ =	shalt  }
0x49: {  	_ =	shalt  }
0x4a: {  	_ =	shalt  }
0x4b: {  	_ =	shalt  }
0x4c: {  	_ =	shalt  }
0x4d: {  	_ =	shalt  }
0x4e: {  	_ =	shalt  }
0x4f: {  	_ =	shalt  }
0x50: {  	_ =	shalt  }
0x51: {  	_ =	shalt  }
0x52: {  	_ =	shalt  }
0x53: {  	_ =	shalt  }
0x54: {  	_ =	shalt  }
0x55: {  	_ =	shalt  }
0x56: {  	_ =	shalt  }
0x57: {  	_ =	shalt  }
0x58: {  	_ =	shalt  }
0x59: {  	_ =	shalt  }
0x5a: {  	_ =	shalt  }
0x5b: {  	_ =	shalt  }
0x5c: {  	_ =	shalt  }
0x5d: {  	_ =	shalt  }
0x5e: {  	_ =	shalt  }
0x5f: {  	_ =	shalt  }
0x60: {  	_ =	shalt  }
0x61: {  	_ =	shalt  }
0x62: {  	_ =	shalt  }
0x63: {  	_ =	shalt  }
0x64: {  	_ =	shalt  }
0x65: {  	_ =	shalt  }
0x66: {  	_ =	shalt  }
0x67: {  	_ =	shalt  }
0x68: {  	_ =	shalt  }
0x69: {  	_ =	shalt  }
0x6a: {  	_ =	shalt  }
0x6b: {  	_ =	shalt  }
0x6c: {  	_ =	shalt  }
0x6d: {  	_ =	shalt  }
0x6e: {  	_ =	shalt  }
0x6f: {  	_ =	shalt  }
0x70: {  	_ =	shalt  }
0x71: {  	_ =	shalt  }
0x72: {  	_ =	shalt  }
0x73: {  	_ =	shalt  }
0x74: {  	_ =	shalt  }
0x75: {  	_ =	shalt  }
0x76: {  	_ =	shalt  }
0x77: {  	_ =	shalt  }
0x78: {  	_ =	shalt  }
0x79: {  	_ =	shalt  }
0x7a: {  	_ =	shalt  }
0x7b: {  	_ =	shalt  }
0x7c: {  	_ =	shalt  }
0x7d: {  	_ =	shalt  }
0x7e: {  	_ =	shalt  }
0x7f: {  	_ =	shalt  }
0x80: {  	_ =	shalt  }
0x81: {  	_ =	shalt  }
0x82: {  	_ =	shalt  }
0x83: {  	_ =	shalt  }
0x84: {  	_ =	shalt  }
0x85: {  	_ =	shalt  }
0x86: {  	_ =	shalt  }
0x87: {  	_ =	shalt  }
.Lfunc_end0:
.L_simem_size_0:
called_computation_lowered:
.L_overlay_start_0:
0x88: {  	s2 =	sld [smem:$0x3FD9]  }
0x89: {  	s3 =	sld [smem:$0x3FFE];
	_ =	sdelay $0x1  }
0x8a: {  	s1 =	srdreg.scid  }
0x8b: {  	s0 =	sand.u32 $0x1, s1  }
0x8c: {  	s15 =	sshll.u32 s0, $0xA;
	s2 =	sadd.s32 s3, s2  }
0x8d: {  	s2 =	sadd.s32 s2, s15  }
0x8e: {  	[smem:$0x3FA0] =	sst s2  }
0x8f: {  	_ = 	snop  }
0x90: {  	s2 =	sld [smem:$0x3FD0];
	_ =	sdelay $0x2  }
0x91: {  	s4 =	simm.s32 $0xD;
	s16 =	simm.s32 $0x10  }
0x92: {  	[smem:s16], [sflag:s4] =	dma.local [hbm:s2], $0x1  }
0x93: {  	_ =	swait.eq [sflag:s4], $0x1  }
0x94: {  	[sflag:s4] =	ssyncset.done $0x0  }
0x95: {  	s17 =	sld [smem:$0x10];
	[sflag:s4] =	ssyncadd.s32 $0xFFFFFFFF  }
0x96: {  	s18 =	sld [smem:$0x12];
	(tm) =	ssettm $0x1  }
0x97: {  	s19 =	sld [smem:$0x3FFB];
	_ =	sdelay $0x3  }
0x98: {  	_ =	strace s19  }
0x99: {  	s2 =	sld [smem:$0x3FFC];
	_ =	sdelay $0x3  }
0x9a: {  	_ =	strace s2  }
0x9b: {  	s2 =	sld [smem:$0x3FFD];
	_ =	sdelay $0x3  }
0x9c: {  	_ =	strace s2  }
0x9d: {  	_ =	strace $0x8FFFFFFF  }
0x9e: {  	s20 =	sld [smem:$0x3FDB];
	_ =	sdelay $0x1  }
0x9f: {  	s5 =	simm.s32 $_scs_section_size  }
0xa0: {  	s6 =	simm.s32 $_size__tile_overlayer_lowered;
	s7 =	simm.s32 $_tile_overlayer_lowered  }
0xa1: {  	s8 =	simm.s32 $0x1BFF;
	s21 =	sshll.u32 s7, $0x1;
	s5 =	sadd.s32 s5, s20  }
0xa2: {  	s22 =	simm.s32 $0x0;
	s6 =	sshll.u32 s6, $0x1;
	s7 =	sadd.s32 s21, s5  }
0xa3: {  	[timem:s22], [sflag:s8] =	dma.local [hbm:s7], s6  }
0xa4: {  	_ =	swait.ge [sflag:s8], s6  }
0xa5: {  	s6 =	ssub.s32 $0x0, s6;
	[sflag:s8] =	ssyncset.done $0x0  }
0xa6: {  	[sflag:s8] =	ssyncadd.s32 s6;
	_ =	sdelay $0x1  }
0xa7: {  	s23 =	simm.s32 $0x1B8B  }
0xa8: {  	_ =	swait.ge [sflag:s23], $0x1  }
0xa9: {  	[sflag:s23] =	ssyncset.done $0x0  }
0xaa: {  	[sflag:s23] =	ssyncadd.s32 $0xFFFFFFFF  }
0xab: {  	s6 =	sld [smem:$0x0]  }
0xac: {  	s7 =	sand.u32 $0xFFFFFFFE, s1  }
0xad: {  	p0 =	sne.s32 s1, s7  }
0xae: {  	s7 =	sshll.u32 @p0 s7, $0xE  }
0xaf: {  	s7 =	sadd.s32 @p0 $0x11B8D, s7;
	s8 =	sshll.u32 @p0 s6, $0x11  }
0xb0: {  	s7 =	sor.u32 @p0 s8, s7  }
0xb1: {  	[sflag:s7] =	ssyncadd.remote.s32 @p0 $0x1;
	_ =	sdelay $0x1  }
0xb2: {  	s7 =	simm.s32 @p0 $0x1B8D  }
0xb3: {  	_ =	swait.eq @p0 [sflag:s7], $0x1  }
0xb4: {  	[sflag:s7] =	ssyncadd.s32 @p0 $0xFFFFFFFF  }
0xb5: {  	s8 =	sshll.u32 @!p0 s1, $0xE  }
0xb6: {  	s8 =	sor.u32 @!p0 $0x4000, s8;
	s7 =	simm.s32 @!p0 $0x1B8D  }
0xb7: {  	s6 =	sshll.u32 @!p0 s6, $0x11;
	s8 =	sadd.s32 @!p0 $0x11B8D, s8;
	_ =	swait.eq @!p0 [sflag:s7], $0x1  }
0xb8: {  	s6 =	sor.u32 @!p0 s6, s8;
	[sflag:s7] =	ssyncadd.s32 @!p0 $0xFFFFFFFF  }
0xb9: {  	s25 =	simm.s32 $0x1B8E;
	s24 =	sld [smem:$0x3FFE];
	[sflag:s6] =	ssyncadd.remote.s32 @!p0 $0x1  }
0xba: {  	s26 =	simm.s32 $execute0_lowered;
	[smem:$0x3FD2] =	sst s25  }
0xbb: {  	s7 =	sshll.u32 s26, $0x1;
	_ =	strace $0x8000004C;
	[dreg:$0x1] =	wrdreg $0xFFFFFFFF  }
0xbc: {  	s28 =	simm.s32 $_size_execute0_lowered;
	s5 =	sadd.s32 s5, s7;
	[dreg:$0x0] =	wrdreg $0x0  }
0xbd: {  	s7 =	sshll.u32 s28, $0x1;
	[dreg:$0x2] =	wrdreg s5  }
0xbe: {  	[dreg:$0x3] =	wrdreg s7  }
0xbf: {  	[dreg:$0x4] =	wrdreg $0xC0  }
0xc0: {  	_ =	task [dreg:s22], $0x5FFFF  }
0xc1: {  	[dreg:$0x1] =	wrdreg $0xFFFFFFFF  }
0xc2: {  	[dreg:$0x0] =	wrdreg $0x60  }
0xc3: {  	[dreg:$0x2] =	wrdreg s18  }
0xc4: {  	[dreg:$0x3] =	wrdreg s17  }
0xc5: {  	[dreg:$0x4] =	wrdreg s24  }
0xc6: {  	[dreg:$0x5] =	wrdreg $0x9  }
0xc7: {  	_ =	task.clear_ibuf [dreg:s22], $0x6FFFF;
	_ =	strace $0x9000004C  }
0xc8: {  	s29 =	simm.s32 $0x9;
	_ =	strace $0x8000004E  }
0xc9: {  	_ =	swait.ge [sflag:s29], $0x1  }
0xca: {  	[sflag:s29] =	ssyncadd.s32 $0xFFFFFFFF  }
0xcb: {  	_ =	strace $0x9000004E  }
0xcc: {  	_ =	sfence  }
0xcd: {  	s30 =	sld [smem:$0x0];
	_ =	sdelay $0x2  }
0xce: {  	s31 =	sshll.u32 s1, $0xD;
	s1 =	sshrl.u32 s1, $0x2  }
0xcf: {  	s4 =	sand.u32 $0x4000, s31;
	s1 =	sadd.s32 s1, s30  }
0xd0: {  	s0 =	sor.u32 s4, s0;
	s1 =	sshll.u32 s1, $0x11  }
0xd1: {  	s0 =	sor.u32 s1, s0  }
0xd2: {  	s0 =	sadd.s32 $0x8F2B, s0  }
0xd3: {  	[sflag:s0] =	ssyncadd.remote.s32 $0x1  }
0xd4: {  	_ =	sfence.sel $0xFFFF  }
0xd5: {  	[dreg:$0x0] =	wrdreg $0xFFFFFFFF;
	(pc) =	sbr.abs _section_cstart, $3  }
0xd6: {  	[dreg:$0x1] =	wrdreg $0xFFFFFFFF  }
0xd7: {  	_ =	task.clear_ibuf [dreg:s22], $0x2FFFF;
	_ =	strace $0x9FFFFFFF  }
0xd8: {  	(tm) =	ssettm $0x7FFFFFFF  }
0xd9: {  	_ =	shalt  }
tec
execute0_lowered:
.L_overlay_start_1:
0x0: {  	(tag) =	ssettag $0x1  }
0x1: {  	s1 =	rddreg [dreg:$0x0]  }
0x2: {  	s3 =	rddreg [dreg:$0x1];
	s0 =	srdreg.scid  }
0x3: {  	s11 =	stileid.u32;
	s2 =	rddreg [dreg:$0x2]  }
0x4: {  	s4 =	simm.s32 $0x0;
	s14 =	simm.s32 $0x1BC00;
	s15 =	simm.s32 $0x3  }
0x5: {  	s16 =	simm.s32 $0x1BD28;
	s17 =	simm.s32 $0x1BE50;
	s28 =	simm.s32 $0x17200  }
0x6: {  	s29 =	simm.s32 $0x40;
	s30 =	simm.s32 $0xC0;
	s31 =	simm.s32 $0x2  }
0x7: {  	s0 =	sand.u32 $0x1, s0;
	[smem:$0x7FF] =	sst s4;
	s6 =	sadd.s32 $0xE04000, s2  }
0x8: {  	s5 =	sshll.u32 s11, $0x1;
	s19 =	sadd.s32 $0xE04008, s2;
	s2 =	sadd.s32 $0xE04010, s2  }
0x9: {  	s21 =	smul.u32 $0x6F000, s11;
	s8 =	sor.u32 s0, s5;
	_ =	strace $0x8000004D  }
0xa: {  	s7 =	ssub.s32 $0x2, s0;
	[dreg:$0x4] =	wrdreg s19;
	s0 =	smul.u32 $0x37800, s0  }
0xb: {  	[dreg:$0x5] =	wrdreg s2;
	s5 =	smul.u32 $0x2500, s8;
	s2 =	sadd.s32 s21, s6  }
0xc: {  	s19 =	simm.s32 $0x4A00;
	s9 =	sshrl.u32 s7, $0x1;
	s0 =	sadd.s32 s0, s2  }
0xd: {  	s8 =	smul.u32 $0x1BC000, s8;
	s20 =	sadd.s32 $0x128, s5;
	[dreg:$0x8] =	wrdreg s0  }
0xe: {  	s9 =	ssub.s32 s7, s9;
	s22 =	sadd.s32 $0x250, s5;
	[dreg:$0x6] =	wrdreg s20  }
0xf: {  	s10 =	sshrl.u32 s5, $0x3;
	s26 =	smax.u32 s9, $0x1;
	[dreg:$0x7] =	wrdreg s22  }
0x10: {  	s21 =	simm.s32 $0x1BF78;
	s18 =	sadd.s32 s3, s10;
	[dreg:$0xf] =	wrdreg s26  }
0x11: {  	s8 =	sshrl.u32 s8, $0x3;
	s12 =	sadd.s32 $0x9400, s18;
	[dreg:$0x9] =	wrdreg s18  }
0x12: {  	s8 =	sadd.s32 s6, s8;
	s7 =	sadd.s32 $0x12800, s18;
	[dreg:$0xa] =	wrdreg s12  }
0x13: {  	s2 =	simm.s32 $0x0;
	s23 =	sadd.s32 $0x35C40, s8;
	[dreg:$0xb] =	wrdreg s7  }
0x14: {  	s20 =	simm.s32 $0x9400;
	s24 =	sadd.s32 $0x35C48, s8;
	[dreg:$0xc] =	wrdreg s23  }
0x15: {  	s22 =	simm.s32 $0x1C0A0;
	s25 =	sadd.s32 $0x35C50, s8;
	[dreg:$0xd] =	wrdreg s24  }
0x16: {  	s26 =	simm.s32 $0x12800;
	s18 =	simm.s32 $0x128;
	[dreg:$0xe] =	wrdreg s25  }
0x17: {  	s23 =	simm.s32 $0x1C1C8;
	s24 =	simm.s32 $0x1;
	s25 =	simm.s32 $0xDE00  }
.LBB2_1:
0x18: {  	[dreg:$0x10] =	wrdreg s2  }
0x19: {  	s0 =	rddreg [dreg:$0x9]  }
0x1a: {  	[tilespmem:s14], [sflag:$0x3] =	stream.linear.gather [hbm4b:s0+s4], $0x128, $0x38;
	[tilespmem:$0x1C2F0] =	vst v63  }
0x1b: {  	_ =	swait.ge [sflag:s15], $0x128  }
0x1c: {  	[sflag:s15] =	ssyncset.done $0x0  }
0x1d: {  	s12 =	rddreg [dreg:$0xa];
	[sflag:s15] =	ssyncadd.s32 $0xFFFFFED8  }
0x1e: {  	[tilespmem:s16], [sflag:$0x3] =	stream.linear.gather [hbm4b:s12+s4], $0x128, $0x38;
	[tilespmem:$0x1C2F0] =	vst v63  }
0x1f: {  	_ =	swait.ge [sflag:s15], $0x128  }
0x20: {  	[sflag:s15] =	ssyncset.done $0x0  }
0x21: {  	s13 =	rddreg [dreg:$0xb];
	[sflag:s15] =	ssyncadd.s32 $0xFFFFFED8  }
0x22: {  	[tilespmem:s17], [sflag:$0x3] =	stream.linear.gather [hbm4b:s13+s4], $0x128, $0x38;
	[tilespmem:$0x1C2F0] =	vst v63  }
0x23: {  	_ =	swait.ge [sflag:s15], $0x128  }
0x24: {  	[sflag:s15] =	ssyncset.done $0x0  }
0x25: {  	[sflag:s15] =	ssyncadd.s32 $0xFFFFFED8  }
0x26: {  	[tilespmem:s4], [sflag:$0x1] =	stream.indirect.gather [hbm4b:s1+s18], $0x40, s14, s18, $0xb8;
	[tilespmem:$0x1C2F0] =	vst v63  }
0x27: {  	p0 =	por $0x1, $0x1;
	s0 =	rddreg [dreg:$0x8]  }
0x28: {  	[tilespmem:s19], [sflag:$0x1] =	stream.indirect.gather [hbm4b:s1+s18], $0x40, s16, s18, $0xb8;
	[tilespmem:$0x1C2F0] =	vst v63  }
0x29: {  	s8 =	simm.s32 @!p0 $0xDE00;
	s9 =	simm.s32 @!p0 $0x3;
	s0 =	sadd.s32 @!p0 $0x0, s0  }
0x2a: {  	[tilespmem:s20], [sflag:$0x1] =	stream.indirect.gather [hbm4b:s1+s18], $0x40, s17, s18, $0xb8;
	[tilespmem:$0x1C2F0] =	vst v63  }
0x2b: {  	s11 =	simm.s32 @!p0 $0x40;
	s12 =	simm.s32 @!p0 $0xC0;
	s10 =	sadd.s32 @!p0 $0xFFFFE440, s0  }
0x2c: {  	[hbm4b:s10+s11] =	stream.strided.scatter @!p0 [tilespmem:s8], [sflag:$0x3], $0x4A00, s12, s11, $0x38;
	[tilespmem:$0x1C2F0] =	vst v63  }
0x2d: {  	_ =	swait.ge @!p0 [sflag:s9], $0x4A00  }
0x2e: {  	[sflag:s9] =	ssyncset.done @!p0 $0x0  }
0x2f: {  	s8 =	sadd.s32 @!p0 $0xFFFFE448, s0;
	s10 =	simm.s32 @!p0 $0x12800;
	[sflag:s9] =	ssyncadd.s32 @!p0 $0xFFFFB600  }
0x30: {  	[hbm4b:s8+s11] =	stream.strided.scatter @!p0 [tilespmem:s10], [sflag:$0x3], $0x4A00, s12, s11, $0x38;
	[tilespmem:$0x1C2F0] =	vst v63  }
0x31: {  	_ =	swait.ge @!p0 [sflag:s9], $0x4A00  }
0x32: {  	[sflag:s9] =	ssyncset.done @!p0 $0x0  }
0x33: {  	s0 =	sadd.s32 @!p0 $0xFFFFE450, s0;
	s8 =	simm.s32 @!p0 $0x17200;
	[sflag:s9] =	ssyncadd.s32 @!p0 $0xFFFFB600  }
0x34: {  	[hbm4b:s0+s11] =	stream.strided.scatter @!p0 [tilespmem:s8], [sflag:$0x3], $0x4A00, s12, s11, $0x38;
	[tilespmem:$0x1C2F0] =	vst v63  }
0x35: {  	s8 =	simm.s32 $0x0;
	_ =	swait.ge @!p0 [sflag:s9], $0x4A00  }
0x36: {  	s8 =	simm.s32 @p0 $0x0;
	s2 =	rddreg [dreg:$0x6]  }
0x37: {  	s0 =	sadd.s32 s8, s2  }
0x38: {  	[sflag:s9] =	ssyncset.done @!p0 $0x0;
	s0 =	sshrl.u32 s0, $0x3  }
0x39: {  	[sflag:s9] =	ssyncadd.s32 @!p0 $0xFFFFB600;
	s0 =	sadd.s32 s3, s0  }
0x3a: {  	[tilespmem:s21], [sflag:$0x3] =	stream.linear.gather [hbm4b:s0+s4], $0x128, $0x38;
	[tilespmem:$0x1C2F0] =	vst v63  }
0x3b: {  	_ =	swait.ge [sflag:s15], $0x128  }
0x3c: {  	[sflag:s15] =	ssyncset.done $0x0  }
0x3d: {  	s7 =	sadd.s32 $0x9400, s0;
	[sflag:s15] =	ssyncadd.s32 $0xFFFFFED8  }
0x3e: {  	[tilespmem:s22], [sflag:$0x3] =	stream.linear.gather [hbm4b:s7+s4], $0x128, $0x38;
	[tilespmem:$0x1C2F0] =	vst v63  }
0x3f: {  	_ =	swait.ge [sflag:s15], $0x128  }
0x40: {  	[sflag:s15] =	ssyncset.done $0x0  }
0x41: {  	s0 =	sadd.s32 $0x12800, s0;
	[sflag:s15] =	ssyncadd.s32 $0xFFFFFED8  }
0x42: {  	[tilespmem:s23], [sflag:$0x3] =	stream.linear.gather [hbm4b:s0+s4], $0x128, $0x38;
	[tilespmem:$0x1C2F0] =	vst v63  }
0x43: {  	_ =	swait.ge [sflag:s15], $0x128  }
0x44: {  	[sflag:s15] =	ssyncset.done $0x0  }
0x45: {  	[sflag:s15] =	ssyncadd.s32 $0xFFFFFED8  }
0x46: {  	_ =	swait.ge [sflag:s24], $0x4A00  }
0x47: {  	[sflag:s24] =	ssyncset.done $0x0  }
0x48: {  	[sflag:s24] =	ssyncadd.s32 $0xFFFFB600  }
0x49: {  	_ =	swait.ge [sflag:s24], $0x4A00  }
0x4a: {  	[sflag:s24] =	ssyncset.done $0x0  }
0x4b: {  	[sflag:s24] =	ssyncadd.s32 $0xFFFFB600  }
0x4c: {  	_ =	swait.ge [sflag:s24], $0x4A00  }
0x4d: {  	[sflag:s24] =	ssyncset.done $0x0  }
0x4e: {  	[sflag:s24] =	ssyncadd.s32 $0xFFFFB600  }
0x4f: {  	[tilespmem:s25], [sflag:$0x2] =	stream.indirect.gather [hbm4b:s1+s18], $0x40, s21, s18, $0xb8;
	[tilespmem:$0x1C2F0] =	vst v63  }
0x50: {  	s10 =	sadd.s32 s5, s8  }
0x51: {  	[tilespmem:s26], [sflag:$0x2] =	stream.indirect.gather [hbm4b:s1+s18], $0x40, s22, s18, $0xb8;
	[tilespmem:$0x1C2F0] =	vst v63  }
0x52: {  	s0 =	smul.u32 $0x18, s10  }
0x53: {  	[tilespmem:s28], [sflag:$0x2] =	stream.indirect.gather [hbm4b:s1+s18], $0x40, s23, s18, $0xb8;
	[tilespmem:$0x1C2F0] =	vst v63  }
0x54: {  	s11 =	sadd.s32 s6, s0  }
0x55: {  	[hbm4b:s11+s29] =	stream.strided.scatter [tilespmem:s4], [sflag:$0x3], $0x4A00, s30, s29, $0x38;
	[tilespmem:$0x1C2F0] =	vst v63  }
0x56: {  	_ =	swait.ge [sflag:s15], $0x4A00  }
0x57: {  	s12 =	rddreg [dreg:$0x4];
	[sflag:s15] =	ssyncset.done $0x0  }
0x58: {  	[sflag:s15] =	ssyncadd.s32 $0xFFFFB600;
	s9 =	sadd.s32 s0, s12  }
0x59: {  	[hbm4b:s9+s29] =	stream.strided.scatter [tilespmem:s19], [sflag:$0x3], $0x4A00, s30, s29, $0x38;
	[tilespmem:$0x1C2F0] =	vst v63  }
0x5a: {  	_ =	swait.ge [sflag:s15], $0x4A00  }
0x5b: {  	s13 =	rddreg [dreg:$0x5];
	[sflag:s15] =	ssyncset.done $0x0  }
0x5c: {  	[sflag:s15] =	ssyncadd.s32 $0xFFFFB600;
	s0 =	sadd.s32 s0, s13  }
0x5d: {  	[hbm4b:s0+s29] =	stream.strided.scatter [tilespmem:s20], [sflag:$0x3], $0x4A00, s30, s29, $0x38;
	[tilespmem:$0x1C2F0] =	vst v63  }
0x5e: {  	_ =	swait.ge [sflag:s15], $0x4A00  }
0x5f: {  	p0 =	por $0x0, $0x0;
	s0 =	rddreg [dreg:$0x7]  }
0x60: {  	s10 =	simm.s32 @!p0 $0x3;
	s0 =	sadd.s32 @!p0 s8, s0  }
0x61: {  	s9 =	simm.s32 @!p0 $0x0;
	[sflag:s15] =	ssyncset.done $0x0;
	s0 =	sshrl.u32 @!p0 s0, $0x3  }
0x62: {  	s8 =	simm.s32 @!p0 $0x1BC00;
	[sflag:s15] =	ssyncadd.s32 $0xFFFFB600;
	s0 =	sadd.s32 @!p0 s3, s0  }
0x63: {  	[tilespmem:s8], [sflag:$0x3] =	stream.linear.gather @!p0 [hbm4b:s0+s9], $0x128, $0x38;
	[tilespmem:$0x1C2F0] =	vst v63  }
0x64: {  	_ =	swait.ge @!p0 [sflag:s10], $0x128  }
0x65: {  	[sflag:s10] =	ssyncset.done @!p0 $0x0  }
0x66: {  	s11 =	simm.s32 @!p0 $0x1BD28;
	s8 =	sadd.s32 @!p0 $0x9400, s0;
	[sflag:s10] =	ssyncadd.s32 @!p0 $0xFFFFFED8  }
0x67: {  	[tilespmem:s11], [sflag:$0x3] =	stream.linear.gather @!p0 [hbm4b:s8+s9], $0x128, $0x38;
	[tilespmem:$0x1C2F0] =	vst v63  }
0x68: {  	_ =	swait.ge @!p0 [sflag:s10], $0x128  }
0x69: {  	[sflag:s10] =	ssyncset.done @!p0 $0x0  }
0x6a: {  	s0 =	sadd.s32 @!p0 $0x12800, s0;
	s8 =	simm.s32 @!p0 $0x1BE50;
	[sflag:s10] =	ssyncadd.s32 @!p0 $0xFFFFFED8  }
0x6b: {  	[tilespmem:s8], [sflag:$0x3] =	stream.linear.gather @!p0 [hbm4b:s0+s9], $0x128, $0x38;
	[tilespmem:$0x1C2F0] =	vst v63  }
0x6c: {  	_ =	swait.ge @!p0 [sflag:s10], $0x128  }
0x6d: {  	[sflag:s10] =	ssyncset.done @!p0 $0x0  }
0x6e: {  	[sflag:s10] =	ssyncadd.s32 @!p0 $0xFFFFFED8  }
0x6f: {  	_ =	swait.ge [sflag:s31], $0x4A00  }
0x70: {  	[sflag:s31] =	ssyncset.done $0x0  }
0x71: {  	[sflag:s31] =	ssyncadd.s32 $0xFFFFB600  }
0x72: {  	_ =	swait.ge [sflag:s31], $0x4A00  }
0x73: {  	[sflag:s31] =	ssyncset.done $0x0  }
0x74: {  	[sflag:s31] =	ssyncadd.s32 $0xFFFFB600  }
0x75: {  	s0 =	simm.s32 $0x3780;
	s10 =	simm.s32 $0x0;
	_ =	swait.ge [sflag:s31], $0x4A00  }
.LBB2_2:
0x76: {  	[sflag:s31] =	ssyncset.done $0x0  }
0x77: {  	s9 =	smov.u32 s0;
	[sflag:s31] =	ssyncadd.s32 $0xFFFFB600  }
0x78: {  	[tilespmem:s4], [sflag:$0x1] =	stream.indirect.gather [hbm4b:s1+s18], $0x40, s14, s18, $0xb8;
	[tilespmem:$0x1C2F0] =	vst v63  }
0x79: {  	s8 =	rddreg [dreg:$0x8];
	p1 =	seq.s32 s9, $0x0  }
0x7a: {  	[tilespmem:s19], [sflag:$0x1] =	stream.indirect.gather [hbm4b:s1+s18], $0x40, s16, s18, $0xb8;
	[tilespmem:$0x1C2F0] =	vst v63  }
0x7b: {  	s8 =	sadd.s32 @!p1 s9, s8;
	s11 =	simm.s32 @!p1 $0xDE00;
	s12 =	simm.s32 @!p1 $0x3  }
0x7c: {  	[tilespmem:s20], [sflag:$0x1] =	stream.indirect.gather [hbm4b:s1+s18], $0x40, s17, s18, $0xb8;
	[tilespmem:$0x1C2F0] =	vst v63  }
0x7d: {  	s7 =	simm.s32 @!p1 $0x40;
	s2 =	simm.s32 @!p1 $0xC0;
	s13 =	sadd.s32 @!p1 $0xFFFFE440, s8  }
0x7e: {  	[hbm4b:s13+s7] =	stream.strided.scatter @!p1 [tilespmem:s11], [sflag:$0x3], $0x4A00, s2, s7, $0x38;
	[tilespmem:$0x1C2F0] =	vst v63  }
0x7f: {  	_ =	swait.ge @!p1 [sflag:s12], $0x4A00  }
0x80: {  	s11 =	sadd.s32 @!p1 $0xFFFFE450, s8;
	[sflag:s12] =	ssyncset.done @!p1 $0x0  }
0x81: {  	s8 =	sadd.s32 @!p1 $0xFFFFE448, s8;
	s13 =	simm.s32 @!p1 $0x12800;
	[sflag:s12] =	ssyncadd.s32 @!p1 $0xFFFFB600  }
0x82: {  	[hbm4b:s8+s7] =	stream.strided.scatter @!p1 [tilespmem:s13], [sflag:$0x3], $0x4A00, s2, s7, $0x38;
	[tilespmem:$0x1C2F0] =	vst v63  }
0x83: {  	_ =	swait.ge @!p1 [sflag:s12], $0x4A00  }
0x84: {  	[sflag:s12] =	ssyncset.done @!p1 $0x0  }
0x85: {  	s10 =	sadd.s32 $0x250, s10;
	s8 =	simm.s32 @!p1 $0x17200;
	[sflag:s12] =	ssyncadd.s32 @!p1 $0xFFFFB600  }
0x86: {  	[hbm4b:s11+s7] =	stream.strided.scatter @!p1 [tilespmem:s8], [sflag:$0x3], $0x4A00, s2, s7, $0x38;
	[tilespmem:$0x1C2F0] =	vst v63  }
0x87: {  	s8 =	smov.u32 s10;
	_ =	swait.ge @!p1 [sflag:s12], $0x4A00  }
0x88: {  	s8 =	simm.s32 @p1 $0x0;
	s11 =	rddreg [dreg:$0x6]  }
0x89: {  	s2 =	sadd.s32 s8, s11  }
0x8a: {  	[sflag:s12] =	ssyncset.done @!p1 $0x0;
	s2 =	sshrl.u32 s2, $0x3  }
0x8b: {  	[sflag:s12] =	ssyncadd.s32 @!p1 $0xFFFFB600;
	s2 =	sadd.s32 s3, s2  }
0x8c: {  	[tilespmem:s21], [sflag:$0x3] =	stream.linear.gather [hbm4b:s2+s4], $0x128, $0x38;
	[tilespmem:$0x1C2F0] =	vst v63  }
0x8d: {  	_ =	swait.ge [sflag:s15], $0x128  }
0x8e: {  	[sflag:s15] =	ssyncset.done $0x0  }
0x8f: {  	s13 =	sadd.s32 $0x9400, s2;
	[sflag:s15] =	ssyncadd.s32 $0xFFFFFED8  }
0x90: {  	[tilespmem:s22], [sflag:$0x3] =	stream.linear.gather [hbm4b:s13+s4], $0x128, $0x38;
	[tilespmem:$0x1C2F0] =	vst v63  }
0x91: {  	_ =	swait.ge [sflag:s15], $0x128  }
0x92: {  	[sflag:s15] =	ssyncset.done $0x0  }
0x93: {  	s2 =	sadd.s32 $0x12800, s2;
	[sflag:s15] =	ssyncadd.s32 $0xFFFFFED8  }
0x94: {  	[tilespmem:s23], [sflag:$0x3] =	stream.linear.gather [hbm4b:s2+s4], $0x128, $0x38;
	[tilespmem:$0x1C2F0] =	vst v63  }
0x95: {  	_ =	swait.ge [sflag:s15], $0x128  }
0x96: {  	[sflag:s15] =	ssyncset.done $0x0  }
0x97: {  	[sflag:s15] =	ssyncadd.s32 $0xFFFFFED8  }
0x98: {  	_ =	swait.ge [sflag:s24], $0x4A00  }
0x99: {  	[sflag:s24] =	ssyncset.done $0x0  }
0x9a: {  	[sflag:s24] =	ssyncadd.s32 $0xFFFFB600  }
0x9b: {  	_ =	swait.ge [sflag:s24], $0x4A00  }
0x9c: {  	[sflag:s24] =	ssyncset.done $0x0  }
0x9d: {  	[sflag:s24] =	ssyncadd.s32 $0xFFFFB600  }
0x9e: {  	_ =	swait.ge [sflag:s24], $0x4A00  }
0x9f: {  	[sflag:s24] =	ssyncset.done $0x0  }
0xa0: {  	[sflag:s24] =	ssyncadd.s32 $0xFFFFB600  }
0xa1: {  	[tilespmem:s25], [sflag:$0x2] =	stream.indirect.gather [hbm4b:s1+s18], $0x40, s21, s18, $0xb8;
	[tilespmem:$0x1C2F0] =	vst v63  }
0xa2: {  	s7 =	sadd.s32 s5, s8  }
0xa3: {  	[tilespmem:s26], [sflag:$0x2] =	stream.indirect.gather [hbm4b:s1+s18], $0x40, s22, s18, $0xb8;
	[tilespmem:$0x1C2F0] =	vst v63  }
0xa4: {  	s11 =	smul.u32 $0x18, s7  }
0xa5: {  	[tilespmem:s28], [sflag:$0x2] =	stream.indirect.gather [hbm4b:s1+s18], $0x40, s23, s18, $0xb8;
	[tilespmem:$0x1C2F0] =	vst v63  }
0xa6: {  	s7 =	sadd.s32 s6, s11  }
0xa7: {  	[hbm4b:s7+s29] =	stream.strided.scatter [tilespmem:s4], [sflag:$0x3], $0x4A00, s30, s29, $0x38;
	[tilespmem:$0x1C2F0] =	vst v63  }
0xa8: {  	_ =	swait.ge [sflag:s15], $0x4A00  }
0xa9: {  	s12 =	rddreg [dreg:$0x4];
	[sflag:s15] =	ssyncset.done $0x0  }
0xaa: {  	[sflag:s15] =	ssyncadd.s32 $0xFFFFB600;
	s7 =	sadd.s32 s11, s12  }
0xab: {  	[hbm4b:s7+s29] =	stream.strided.scatter [tilespmem:s19], [sflag:$0x3], $0x4A00, s30, s29, $0x38;
	[tilespmem:$0x1C2F0] =	vst v63  }
0xac: {  	_ =	swait.ge [sflag:s15], $0x4A00  }
0xad: {  	s13 =	rddreg [dreg:$0x5];
	[sflag:s15] =	ssyncset.done $0x0  }
0xae: {  	[sflag:s15] =	ssyncadd.s32 $0xFFFFB600;
	s2 =	sadd.s32 s11, s13  }
0xaf: {  	[hbm4b:s2+s29] =	stream.strided.scatter [tilespmem:s20], [sflag:$0x3], $0x4A00, s30, s29, $0x38;
	[tilespmem:$0x1C2F0] =	vst v63  }
0xb0: {  	_ =	swait.ge [sflag:s15], $0x4A00  }
0xb1: {  	p1 =	seq.s32 s9, $0x34080;
	s2 =	rddreg [dreg:$0x7]  }
0xb2: {  	s9 =	simm.s32 @!p1 $0x3;
	s2 =	sadd.s32 @!p1 s8, s2  }
0xb3: {  	s7 =	simm.s32 @!p1 $0x1BC00;
	[sflag:s15] =	ssyncset.done $0x0;
	s2 =	sshrl.u32 @!p1 s2, $0x3  }
0xb4: {  	[sflag:s15] =	ssyncadd.s32 $0xFFFFB600;
	s8 =	simm.s32 @!p1 $0x0;
	s2 =	sadd.s32 @!p1 s3, s2  }
0xb5: {  	[tilespmem:s7], [sflag:$0x3] =	stream.linear.gather @!p1 [hbm4b:s2+s8], $0x128, $0x38;
	[tilespmem:$0x1C2F0] =	vst v63  }
0xb6: {  	_ =	swait.ge @!p1 [sflag:s9], $0x128  }
0xb7: {  	[sflag:s9] =	ssyncset.done @!p1 $0x0  }
0xb8: {  	s11 =	simm.s32 @!p1 $0x1BD28;
	s7 =	sadd.s32 @!p1 $0x9400, s2;
	[sflag:s9] =	ssyncadd.s32 @!p1 $0xFFFFFED8  }
0xb9: {  	[tilespmem:s11], [sflag:$0x3] =	stream.linear.gather @!p1 [hbm4b:s7+s8], $0x128, $0x38;
	[tilespmem:$0x1C2F0] =	vst v63  }
0xba: {  	_ =	swait.ge @!p1 [sflag:s9], $0x128  }
0xbb: {  	[sflag:s9] =	ssyncset.done @!p1 $0x0  }
0xbc: {  	s2 =	sadd.s32 @!p1 $0x12800, s2;
	s7 =	simm.s32 @!p1 $0x1BE50;
	[sflag:s9] =	ssyncadd.s32 @!p1 $0xFFFFFED8  }
0xbd: {  	[tilespmem:s7], [sflag:$0x3] =	stream.linear.gather @!p1 [hbm4b:s2+s8], $0x128, $0x38;
	[tilespmem:$0x1C2F0] =	vst v63  }
0xbe: {  	_ =	swait.ge @!p1 [sflag:s9], $0x128  }
0xbf: {  	[sflag:s9] =	ssyncset.done @!p1 $0x0  }
0xc0: {  	[sflag:s9] =	ssyncadd.s32 @!p1 $0xFFFFFED8  }
0xc1: {  	s0 =	sadd.s32 $0x3780, s0;
	_ =	swait.ge [sflag:s31], $0x4A00  }
0xc2: {  	p0 =	sne.s32 s0, $0x37800;
	[sflag:s31] =	ssyncset.done $0x0  }
.Ltmp0:
0xc3: {  	[sflag:s31] =	ssyncadd.s32 $0xFFFFB600;
	(pc) =	sbr.rel @p0 .LBB2_2-.Ltmp0, $4  }
0xc4: {  	_ =	swait.ge [sflag:s31], $0x4A00  }
0xc5: {  	[sflag:s31] =	ssyncset.done $0x0  }
0xc6: {  	[sflag:s31] =	ssyncadd.s32 $0xFFFFB600  }
0xc7: {  	_ =	swait.ge [sflag:s31], $0x4A00  }
0xc8: {  	[sflag:s31] =	ssyncset.done $0x0  }
0xc9: {  	s0 =	rddreg [dreg:$0xc];
	[sflag:s31] =	ssyncadd.s32 $0xFFFFB600  }
0xca: {  	[hbm4b:s0+s29] =	stream.strided.scatter [tilespmem:s25], [sflag:$0x3], $0x4A00, s30, s29, $0x38;
	[tilespmem:$0x1C2F0] =	vst v63  }
0xcb: {  	_ =	swait.ge [sflag:s15], $0x4A00  }
0xcc: {  	[sflag:s15] =	ssyncset.done $0x0  }
0xcd: {  	s11 =	rddreg [dreg:$0xd];
	[sflag:s15] =	ssyncadd.s32 $0xFFFFB600  }
0xce: {  	[hbm4b:s11+s29] =	stream.strided.scatter [tilespmem:s26], [sflag:$0x3], $0x4A00, s30, s29, $0x38;
	[tilespmem:$0x1C2F0] =	vst v63  }
0xcf: {  	_ =	swait.ge [sflag:s15], $0x4A00  }
0xd0: {  	[sflag:s15] =	ssyncset.done $0x0  }
0xd1: {  	s12 =	rddreg [dreg:$0xe];
	[sflag:s15] =	ssyncadd.s32 $0xFFFFB600  }
0xd2: {  	[hbm4b:s12+s29] =	stream.strided.scatter [tilespmem:s28], [sflag:$0x3], $0x4A00, s30, s29, $0x38;
	[tilespmem:$0x1C2F0] =	vst v63  }
0xd3: {  	_ =	swait.ge [sflag:s15], $0x4A00  }
0xd4: {  	s2 =	rddreg [dreg:$0x10]  }
0xd5: {  	s13 =	rddreg [dreg:$0xf];
	s2 =	sadd.s32 $0x1, s2  }
0xd6: {  	p0 =	sne.s32 s2, s13  }
.Ltmp1:
0xd7: {  	_ = 	snop;
	(pc) =	sbr.rel @p0 .LBB2_1-.Ltmp1, $3  }
0xd8: {  	_ =	sdelay $0x1  }
0xd9: {  	[sflag:s15] =	ssyncset.done $0x0  }
0xda: {  	[sflag:s15] =	ssyncadd.s32 $0xFFFFB600  }
0xdb: {  	_ =	sfence.sel $0x180000  }
0xdc: {  	[bflag:$0x0] =	sbarrier.arrive $0xFFFF  }
0xdd: {  	_ =	strace $0x9000004D  }
0xde: {  	s0 =	stileid.u32;
	[bflag:$0x2] =	sbarrier.arrive $0xFFFF  }
0xdf: {  	p0 =	sne.s32 s0, $0x0;
	s0 =	rddreg [dreg:$0x3]  }
0xe0: {  	s0 =	sadd.s32 @!p0 $0x100000, s0  }
0xe1: {  	[sflag:s0] =	ssyncadd.tile.s32 @!p0 $0x1;
	_ =	shalt  }
.Lfunc_end2:
_tile_overlayer_lowered:
.L_overlay_start_2:
0xe2: {  	(tag) =	ssettag $0x2  }
0xe3: {  	s0 =	rddreg [dreg:$0x0];
	s2 =	stileid.u32  }
0xe4: {  	s1 =	rddreg [dreg:$0x1];
	p0 =	sne.s32 s2, $0x0  }
0xe5: {  	s3 =	rddreg [dreg:$0x2];
	[bflag:$0x3] =	sbarrier.arrive $0xFFFF;
	s2 =	simm.s32 @!p0 $0x1C03  }
0xe6: {  	[timem:s3], [sflag:s2] =	dma.local @!p0 [hbm:s0], s1  }
0xe7: {  	s0 =	simm.s32 @!p0 $0x3  }
0xe8: {  	_ =	swait.ge @!p0 [sflag:s0], s1  }
0xe9: {  	s1 =	ssub.s32 @!p0 $0x0, s1;
	[sflag:s0] =	ssyncset.done @!p0 $0x0  }
0xea: {  	[sflag:s0] =	ssyncadd.s32 @!p0 s1  }
0xeb: {  	[bflag:$0x3] =	sbarrier.arrive $0xFFFF  }
0xec: {  	_ =	shalt  }

// kernel: kernel.13.cloned.1.call-start
scs
__scs_entry_jumppad:
0x0: {  	(pc) =	sbr.rel $0x88, $3  }
0x1: {  	(tag) =	ssettag $0x0;
	lr =	simm.s32 $0x1  }
0x2: {  	[smem:$0x3F79] =	sst lr;
	_ =	strace $0xD0000000  }
0x3: {  	_ = 	snop  }
0x4: {  	_ = 	snop  }
0x5: {  	_ = 	snop  }
0x6: {  	_ = 	snop  }
0x7: {  	_ = 	snop  }
__scs_overlays_trampoline_lowered:
0x8: {  	[smem:$0x3F88] =	sst s0  }
0x9: {  	[smem:$0x3F89] =	sst s1  }
0xa: {  	[smem:$0x3F8A] =	sst s2  }
0xb: {  	[smem:$0x3F8B] =	sst s3  }
0xc: {  	[smem:$0x3F8C] =	sst s4  }
0xd: {  	[smem:$0x3F8D] =	sst s5  }
0xe: {  	[smem:$0x3F8E] =	sst s6  }
0xf: {  	[smem:$0x3F8F] =	sst s7  }
0x10: {  	[smem:$0x3F90] =	sst s8  }
0x11: {  	[smem:$0x3F91] =	sst s9;
	s0 =	simm.s32 @!p0 $0x0  }
0x12: {  	s1 =	sld [smem:$0x3F77];
	s0 =	simm.s32 @p0 $0x1  }
0x13: {  	[smem:$0x3F92] =	sst s0;
	s0 =	simm.s32 @!p1 $0x0  }
0x14: {  	s2 =	sld [smem:$0x3F76];
	s0 =	simm.s32 @p1 $0x1  }
0x15: {  	[smem:$0x3F93] =	sst s0;
	s0 =	simm.s32 @!p2 $0x0  }
0x16: {  	s3 =	sld [smem:$0x3FDB];
	s0 =	simm.s32 @p2 $0x1  }
0x17: {  	s4 =	simm.s32 $0x1BF5;
	[smem:$0x3F95] =	sst s0  }
0x18: {  	s0 =	sld [smem:$0x3F78];
	_ =	swait.ge [sflag:s4], $0x0  }
0x19: {  	s7 =	sld [smem:$0x3F79]  }
0x1a: {  	s8 =	sadd.s32 $0xFFFFE003, lr  }
0x1b: {  	s9 =	sadd.s32 $0xFFFFFEF7, lr;
	s5 =	simm.s32 $0xFFFFFFFF;
	p2 =	slt.u32 s8, $0xFFFFF086  }
0x1c: {  	p1 =	slt.u32 s9, $0xF7A;
	s5 =	simm.s32 @!p2 $0x0  }
0x1d: {  	s5 =	simm.s32 @p1 $0x1;
	p0 =	seq.s32 s7, s2  }
0x1e: {  	s7 =	smul.u32 @!p0 $0xF7A, s2;
	p2 =	seq.s32 @!p0 s5, $0x0  }
0x1f: {  	s9 =	smul.u32 $0xF7A, s1;
	s8 =	simm.s32 @!p0 $0x1BF5;
	p2 =	por !p2, p0  }
0x20: {  	[sflag:s8] =	ssyncset.s32 @!p0 $0xFFFFF086;
	s6 =	sadd.s32 @!p0 s3, s7;
	s7 =	simm.s32 @!p0 $0x108  }
0x21: {  	s3 =	sadd.s32 s3, s9;
	s6 =	sadd.s32 @!p0 $0x88, s6;
	s7 =	simm.s32 @p2 $0x1082  }
0x22: {  	[simem:s7], [sflag:s8] =	dma.local @!p0 [hbm:s6], $0xF7A  }
0x23: {  	s9 =	sor.u32 $0xD0000000, s2;
	s6 =	simm.s32 $0x108;
	_ =	swait.ge @!p0 [sflag:s8], $0x0  }
0x24: {  	s3 =	sadd.s32 $0x88, s3;
	s6 =	simm.s32 @!p1 $0x1082;
	[sflag:s4] =	ssyncset.s32 $0xFFFFF086  }
0x25: {  	[simem:s6], [sflag:s4] =	dma.local [hbm:s3], $0xF7A  }
0x26: {  	[smem:$0x3F79] =	sst s1;
	(tag) =	ssettag s2;
	_ =	strace s9  }
0x27: {  	s1 =	sld [smem:$0x3F89]  }
0x28: {  	s2 =	sld [smem:$0x3F8A]  }
0x29: {  	s4 =	sld [smem:$0x3F8C]  }
0x2a: {  	p0 =	seq.s32 s5, $0x0;
	s5 =	sld [smem:$0x3F8D]  }
0x2b: {  	s6 =	sld [smem:$0x3F8E]  }
0x2c: {  	s7 =	sld [smem:$0x3F8F]  }
0x2d: {  	s3 =	simm.s32 $0x108;
	s8 =	sld [smem:$0x3F90]  }
0x2e: {  	s3 =	simm.s32 @!p0 $0x1082;
	s9 =	sld [smem:$0x3F91]  }
0x2f: {  	lr =	sadd.s32 s0, s3;
	s0 =	sld [smem:$0x3F88]  }
0x30: {  	s3 =	sld [smem:$0x3F8B]  }
0x31: {  	[smem:$0x3F94] =	sst s10  }
0x32: {  	s10 =	sld [smem:$0x3F92];
	_ =	sdelay $0x3  }
0x33: {  	p0 =	seq.s32 s10, $0x1;
	s10 =	sld [smem:$0x3F94];
	_ =	sdelay $0x3  }
0x34: {  	[smem:$0x3F94] =	sst s10  }
0x35: {  	s10 =	sld [smem:$0x3F93];
	_ =	sdelay $0x3  }
0x36: {  	p1 =	seq.s32 s10, $0x1;
	s10 =	sld [smem:$0x3F94];
	_ =	sdelay $0x3  }
0x37: {  	[smem:$0x3F94] =	sst s10  }
0x38: {  	s10 =	sld [smem:$0x3F95]  }
0x39: {  	_ = 	snop;
	(pc) =	sbr.ind lr, $3  }
0x3a: {  	_ = 	snop  }
0x3b: {  	_ = 	snop  }
0x3c: {  	p2 =	seq.s32 s10, $0x1;
	s10 =	sld [smem:$0x3F94]  }
0x3d: {  	_ =	shalt  }
0x3e: {  	_ =	shalt  }
0x3f: {  	_ =	shalt  }
0x40: {  	_ =	shalt  }
0x41: {  	_ =	shalt  }
0x42: {  	_ =	shalt  }
0x43: {  	_ =	shalt  }
0x44: {  	_ =	shalt  }
0x45: {  	_ =	shalt  }
0x46: {  	_ =	shalt  }
0x47: {  	_ =	shalt  }
0x48: {  	_ =	shalt  }
0x49: {  	_ =	shalt  }
0x4a: {  	_ =	shalt  }
0x4b: {  	_ =	shalt  }
0x4c: {  	_ =	shalt  }
0x4d: {  	_ =	shalt  }
0x4e: {  	_ =	shalt  }
0x4f: {  	_ =	shalt  }
0x50: {  	_ =	shalt  }
0x51: {  	_ =	shalt  }
0x52: {  	_ =	shalt  }
0x53: {  	_ =	shalt  }
0x54: {  	_ =	shalt  }
0x55: {  	_ =	shalt  }
0x56: {  	_ =	shalt  }
0x57: {  	_ =	shalt  }
0x58: {  	_ =	shalt  }
0x59: {  	_ =	shalt  }
0x5a: {  	_ =	shalt  }
0x5b: {  	_ =	shalt  }
0x5c: {  	_ =	shalt  }
0x5d: {  	_ =	shalt  }
0x5e: {  	_ =	shalt  }
0x5f: {  	_ =	shalt  }
0x60: {  	_ =	shalt  }
0x61: {  	_ =	shalt  }
0x62: {  	_ =	shalt  }
0x63: {  	_ =	shalt  }
0x64: {  	_ =	shalt  }
0x65: {  	_ =	shalt  }
0x66: {  	_ =	shalt  }
0x67: {  	_ =	shalt  }
0x68: {  	_ =	shalt  }
0x69: {  	_ =	shalt  }
0x6a: {  	_ =	shalt  }
0x6b: {  	_ =	shalt  }
0x6c: {  	_ =	shalt  }
0x6d: {  	_ =	shalt  }
0x6e: {  	_ =	shalt  }
0x6f: {  	_ =	shalt  }
0x70: {  	_ =	shalt  }
0x71: {  	_ =	shalt  }
0x72: {  	_ =	shalt  }
0x73: {  	_ =	shalt  }
0x74: {  	_ =	shalt  }
0x75: {  	_ =	shalt  }
0x76: {  	_ =	shalt  }
0x77: {  	_ =	shalt  }
0x78: {  	_ =	shalt  }
0x79: {  	_ =	shalt  }
0x7a: {  	_ =	shalt  }
0x7b: {  	_ =	shalt  }
0x7c: {  	_ =	shalt  }
0x7d: {  	_ =	shalt  }
0x7e: {  	_ =	shalt  }
0x7f: {  	_ =	shalt  }
0x80: {  	_ =	shalt  }
0x81: {  	_ =	shalt  }
0x82: {  	_ =	shalt  }
0x83: {  	_ =	shalt  }
0x84: {  	_ =	shalt  }
0x85: {  	_ =	shalt  }
0x86: {  	_ =	shalt  }
0x87: {  	_ =	shalt  }
.Lfunc_end0:
.L_simem_size_0:
called_computation.1_lowered:
.L_overlay_start_0:
0x88: {  	s2 =	sld [smem:$0x3FD9]  }
0x89: {  	s3 =	sld [smem:$0x3FFE];
	_ =	sdelay $0x1  }
0x8a: {  	s1 =	srdreg.scid  }
0x8b: {  	s0 =	sand.u32 $0x1, s1  }
0x8c: {  	s15 =	sshll.u32 s0, $0xA;
	s2 =	sadd.s32 s3, s2  }
0x8d: {  	s2 =	sadd.s32 s2, s15  }
0x8e: {  	[smem:$0x3FA0] =	sst s2  }
0x8f: {  	_ = 	snop  }
0x90: {  	s2 =	sld [smem:$0x3FD0];
	_ =	sdelay $0x2  }
0x91: {  	s4 =	simm.s32 $0xD;
	s16 =	simm.s32 $0x10  }
0x92: {  	[smem:s16], [sflag:s4] =	dma.local [hbm:s2], $0x1  }
0x93: {  	_ =	swait.eq [sflag:s4], $0x1  }
0x94: {  	[sflag:s4] =	ssyncset.done $0x0  }
0x95: {  	s17 =	sld [smem:$0x11];
	[sflag:s4] =	ssyncadd.s32 $0xFFFFFFFF  }
0x96: {  	s18 =	sld [smem:$0x12];
	(tm) =	ssettm $0x1  }
0x97: {  	s19 =	sld [smem:$0x3FFB];
	_ =	sdelay $0x3  }
0x98: {  	_ =	strace s19  }
0x99: {  	s2 =	sld [smem:$0x3FFC];
	_ =	sdelay $0x3  }
0x9a: {  	_ =	strace s2  }
0x9b: {  	s2 =	sld [smem:$0x3FFD];
	_ =	sdelay $0x3  }
0x9c: {  	_ =	strace s2  }
0x9d: {  	_ =	strace $0x8FFFFFFF  }
0x9e: {  	s20 =	sld [smem:$0x3FDB];
	_ =	sdelay $0x1  }
0x9f: {  	s5 =	simm.s32 $_scs_section_size  }
0xa0: {  	s6 =	simm.s32 $_size__tile_overlayer_lowered;
	s7 =	simm.s32 $_tile_overlayer_lowered  }
0xa1: {  	s8 =	simm.s32 $0x1BFF;
	s21 =	sshll.u32 s7, $0x1;
	s5 =	sadd.s32 s5, s20  }
0xa2: {  	s22 =	simm.s32 $0x0;
	s6 =	sshll.u32 s6, $0x1;
	s7 =	sadd.s32 s21, s5  }
0xa3: {  	[timem:s22], [sflag:s8] =	dma.local [hbm:s7], s6  }
0xa4: {  	_ =	swait.ge [sflag:s8], s6  }
0xa5: {  	s6 =	ssub.s32 $0x0, s6;
	[sflag:s8] =	ssyncset.done $0x0  }
0xa6: {  	[sflag:s8] =	ssyncadd.s32 s6;
	_ =	sdelay $0x1  }
0xa7: {  	s23 =	simm.s32 $0x1B8B  }
0xa8: {  	_ =	swait.ge [sflag:s23], $0x1  }
0xa9: {  	[sflag:s23] =	ssyncset.done $0x0  }
0xaa: {  	[sflag:s23] =	ssyncadd.s32 $0xFFFFFFFF  }
0xab: {  	s6 =	sld [smem:$0x0]  }
0xac: {  	s7 =	sand.u32 $0xFFFFFFFE, s1  }
0xad: {  	p0 =	sne.s32 s1, s7  }
0xae: {  	s7 =	sshll.u32 @p0 s7, $0xE  }
0xaf: {  	s7 =	sadd.s32 @p0 $0x11B8D, s7;
	s8 =	sshll.u32 @p0 s6, $0x11  }
0xb0: {  	s7 =	sor.u32 @p0 s8, s7  }
0xb1: {  	[sflag:s7] =	ssyncadd.remote.s32 @p0 $0x1;
	_ =	sdelay $0x1  }
0xb2: {  	s7 =	simm.s32 @p0 $0x1B8D  }
0xb3: {  	_ =	swait.eq @p0 [sflag:s7], $0x1  }
0xb4: {  	[sflag:s7] =	ssyncadd.s32 @p0 $0xFFFFFFFF  }
0xb5: {  	s8 =	sshll.u32 @!p0 s1, $0xE  }
0xb6: {  	s8 =	sor.u32 @!p0 $0x4000, s8;
	s7 =	simm.s32 @!p0 $0x1B8D  }
0xb7: {  	s6 =	sshll.u32 @!p0 s6, $0x11;
	s8 =	sadd.s32 @!p0 $0x11B8D, s8;
	_ =	swait.eq @!p0 [sflag:s7], $0x1  }
0xb8: {  	s6 =	sor.u32 @!p0 s6, s8;
	[sflag:s7] =	ssyncadd.s32 @!p0 $0xFFFFFFFF  }
0xb9: {  	s25 =	simm.s32 $0x1B8E;
	s24 =	sld [smem:$0x3FFE];
	[sflag:s6] =	ssyncadd.remote.s32 @!p0 $0x1  }
0xba: {  	s26 =	simm.s32 $execute0_lowered;
	[smem:$0x3FD2] =	sst s25  }
0xbb: {  	s7 =	sshll.u32 s26, $0x1;
	_ =	strace $0x8000004F;
	[dreg:$0x1] =	wrdreg $0xFFFFFFFF  }
0xbc: {  	s28 =	simm.s32 $_size_execute0_lowered;
	s5 =	sadd.s32 s5, s7;
	[dreg:$0x0] =	wrdreg $0x0  }
0xbd: {  	s7 =	sshll.u32 s28, $0x1;
	[dreg:$0x2] =	wrdreg s5  }
0xbe: {  	[dreg:$0x3] =	wrdreg s7  }
0xbf: {  	[dreg:$0x4] =	wrdreg $0xC0  }
0xc0: {  	_ =	task [dreg:s22], $0x5FFFF  }
0xc1: {  	[dreg:$0x1] =	wrdreg $0xFFFFFFFF  }
0xc2: {  	[dreg:$0x0] =	wrdreg $0x60  }
0xc3: {  	[dreg:$0x2] =	wrdreg s18  }
0xc4: {  	[dreg:$0x3] =	wrdreg s17  }
0xc5: {  	[dreg:$0x4] =	wrdreg s24  }
0xc6: {  	[dreg:$0x5] =	wrdreg $0xA  }
0xc7: {  	_ =	task.clear_ibuf [dreg:s22], $0x6FFFF;
	_ =	strace $0x9000004F  }
0xc8: {  	s29 =	simm.s32 $0xA;
	_ =	strace $0x80000051  }
0xc9: {  	_ =	swait.ge [sflag:s29], $0x1  }
0xca: {  	[sflag:s29] =	ssyncadd.s32 $0xFFFFFFFF  }
0xcb: {  	_ =	strace $0x90000051  }
0xcc: {  	_ =	sfence  }
0xcd: {  	s30 =	sld [smem:$0x0];
	_ =	sdelay $0x2  }
0xce: {  	s31 =	sshll.u32 s1, $0xD;
	s1 =	sshrl.u32 s1, $0x2  }
0xcf: {  	s4 =	sand.u32 $0x4000, s31;
	s1 =	sadd.s32 s1, s30  }
0xd0: {  	s0 =	sor.u32 s4, s0;
	s1 =	sshll.u32 s1, $0x11  }
0xd1: {  	s0 =	sor.u32 s1, s0  }
0xd2: {  	s0 =	sadd.s32 $0x8F2B, s0  }
0xd3: {  	[sflag:s0] =	ssyncadd.remote.s32 $0x1  }
0xd4: {  	_ =	sfence.sel $0xFFFF  }
0xd5: {  	[dreg:$0x0] =	wrdreg $0xFFFFFFFF;
	(pc) =	sbr.abs _section_cstart, $3  }
0xd6: {  	[dreg:$0x1] =	wrdreg $0xFFFFFFFF  }
0xd7: {  	_ =	task.clear_ibuf [dreg:s22], $0x2FFFF;
	_ =	strace $0x9FFFFFFF  }
0xd8: {  	(tm) =	ssettm $0x7FFFFFFF  }
0xd9: {  	_ =	shalt  }
tec
execute0_lowered:
.L_overlay_start_1:
0x0: {  	(tag) =	ssettag $0x1  }
0x1: {  	s1 =	rddreg [dreg:$0x0]  }
0x2: {  	s3 =	rddreg [dreg:$0x1];
	s0 =	srdreg.scid  }
0x3: {  	s11 =	stileid.u32;
	s2 =	rddreg [dreg:$0x2]  }
0x4: {  	s4 =	simm.s32 $0x0;
	s14 =	simm.s32 $0x1BC00;
	s15 =	simm.s32 $0x3  }
0x5: {  	s16 =	simm.s32 $0x1BD28;
	s17 =	simm.s32 $0x1BE50;
	s28 =	simm.s32 $0x17200  }
0x6: {  	s29 =	simm.s32 $0x40;
	s30 =	simm.s32 $0xC0;
	s31 =	simm.s32 $0x2  }
0x7: {  	s0 =	sand.u32 $0x1, s0;
	[smem:$0x7FF] =	sst s4;
	s6 =	sadd.s32 $0x14F4000, s2  }
0x8: {  	s5 =	sshll.u32 s11, $0x1;
	s19 =	sadd.s32 $0x14F4008, s2;
	s2 =	sadd.s32 $0x14F4010, s2  }
0x9: {  	s21 =	smul.u32 $0x6F000, s11;
	s8 =	sor.u32 s0, s5;
	_ =	strace $0x80000050  }
0xa: {  	s7 =	ssub.s32 $0x2, s0;
	[dreg:$0x4] =	wrdreg s19;
	s0 =	smul.u32 $0x37800, s0  }
0xb: {  	[dreg:$0x5] =	wrdreg s2;
	s5 =	smul.u32 $0x2500, s8;
	s2 =	sadd.s32 s21, s6  }
0xc: {  	s19 =	simm.s32 $0x4A00;
	s9 =	sshrl.u32 s7, $0x1;
	s0 =	sadd.s32 s0, s2  }
0xd: {  	s8 =	smul.u32 $0x1BC000, s8;
	s20 =	sadd.s32 $0x128, s5;
	[dreg:$0x8] =	wrdreg s0  }
0xe: {  	s9 =	ssub.s32 s7, s9;
	s22 =	sadd.s32 $0x250, s5;
	[dreg:$0x6] =	wrdreg s20  }
0xf: {  	s10 =	sshrl.u32 s5, $0x3;
	s26 =	smax.u32 s9, $0x1;
	[dreg:$0x7] =	wrdreg s22  }
0x10: {  	s21 =	simm.s32 $0x1BF78;
	s18 =	sadd.s32 s3, s10;
	[dreg:$0xf] =	wrdreg s26  }
0x11: {  	s8 =	sshrl.u32 s8, $0x3;
	s12 =	sadd.s32 $0x9400, s18;
	[dreg:$0x9] =	wrdreg s18  }
0x12: {  	s8 =	sadd.s32 s6, s8;
	s7 =	sadd.s32 $0x12800, s18;
	[dreg:$0xa] =	wrdreg s12  }
0x13: {  	s2 =	simm.s32 $0x0;
	s23 =	sadd.s32 $0x35C40, s8;
	[dreg:$0xb] =	wrdreg s7  }
0x14: {  	s20 =	simm.s32 $0x9400;
	s24 =	sadd.s32 $0x35C48, s8;
	[dreg:$0xc] =	wrdreg s23  }
0x15: {  	s22 =	simm.s32 $0x1C0A0;
	s25 =	sadd.s32 $0x35C50, s8;
	[dreg:$0xd] =	wrdreg s24  }
0x16: {  	s26 =	simm.s32 $0x12800;
	s18 =	simm.s32 $0x128;
	[dreg:$0xe] =	wrdreg s25  }
0x17: {  	s23 =	simm.s32 $0x1C1C8;
	s24 =	simm.s32 $0x1;
	s25 =	simm.s32 $0xDE00  }
.LBB2_1:
0x18: {  	[dreg:$0x10] =	wrdreg s2  }
0x19: {  	s0 =	rddreg [dreg:$0x9]  }
0x1a: {  	[tilespmem:s14], [sflag:$0x3] =	stream.linear.gather [hbm4b:s0+s4], $0x128, $0x38;
	[tilespmem:$0x1C2F0] =	vst v63  }
0x1b: {  	_ =	swait.ge [sflag:s15], $0x128  }
0x1c: {  	[sflag:s15] =	ssyncset.done $0x0  }
0x1d: {  	s12 =	rddreg [dreg:$0xa];
	[sflag:s15] =	ssyncadd.s32 $0xFFFFFED8  }
0x1e: {  	[tilespmem:s16], [sflag:$0x3] =	stream.linear.gather [hbm4b:s12+s4], $0x128, $0x38;
	[tilespmem:$0x1C2F0] =	vst v63  }
0x1f: {  	_ =	swait.ge [sflag:s15], $0x128  }
0x20: {  	[sflag:s15] =	ssyncset.done $0x0  }
0x21: {  	s13 =	rddreg [dreg:$0xb];
	[sflag:s15] =	ssyncadd.s32 $0xFFFFFED8  }
0x22: {  	[tilespmem:s17], [sflag:$0x3] =	stream.linear.gather [hbm4b:s13+s4], $0x128, $0x38;
	[tilespmem:$0x1C2F0] =	vst v63  }
0x23: {  	_ =	swait.ge [sflag:s15], $0x128  }
0x24: {  	[sflag:s15] =	ssyncset.done $0x0  }
0x25: {  	[sflag:s15] =	ssyncadd.s32 $0xFFFFFED8  }
0x26: {  	[tilespmem:s4], [sflag:$0x1] =	stream.indirect.gather [hbm4b:s1+s18], $0x40, s14, s18, $0xb8;
	[tilespmem:$0x1C2F0] =	vst v63  }
0x27: {  	p0 =	por $0x1, $0x1;
	s0 =	rddreg [dreg:$0x8]  }
0x28: {  	[tilespmem:s19], [sflag:$0x1] =	stream.indirect.gather [hbm4b:s1+s18], $0x40, s16, s18, $0xb8;
	[tilespmem:$0x1C2F0] =	vst v63  }
0x29: {  	s8 =	simm.s32 @!p0 $0xDE00;
	s9 =	simm.s32 @!p0 $0x3;
	s0 =	sadd.s32 @!p0 $0x0, s0  }
0x2a: {  	[tilespmem:s20], [sflag:$0x1] =	stream.indirect.gather [hbm4b:s1+s18], $0x40, s17, s18, $0xb8;
	[tilespmem:$0x1C2F0] =	vst v63  }
0x2b: {  	s11 =	simm.s32 @!p0 $0x40;
	s12 =	simm.s32 @!p0 $0xC0;
	s10 =	sadd.s32 @!p0 $0xFFFFE440, s0  }
0x2c: {  	[hbm4b:s10+s11] =	stream.strided.scatter @!p0 [tilespmem:s8], [sflag:$0x3], $0x4A00, s12, s11, $0x38;
	[tilespmem:$0x1C2F0] =	vst v63  }
0x2d: {  	_ =	swait.ge @!p0 [sflag:s9], $0x4A00  }
0x2e: {  	[sflag:s9] =	ssyncset.done @!p0 $0x0  }
0x2f: {  	s8 =	sadd.s32 @!p0 $0xFFFFE448, s0;
	s10 =	simm.s32 @!p0 $0x12800;
	[sflag:s9] =	ssyncadd.s32 @!p0 $0xFFFFB600  }
0x30: {  	[hbm4b:s8+s11] =	stream.strided.scatter @!p0 [tilespmem:s10], [sflag:$0x3], $0x4A00, s12, s11, $0x38;
	[tilespmem:$0x1C2F0] =	vst v63  }
0x31: {  	_ =	swait.ge @!p0 [sflag:s9], $0x4A00  }
0x32: {  	[sflag:s9] =	ssyncset.done @!p0 $0x0  }
0x33: {  	s0 =	sadd.s32 @!p0 $0xFFFFE450, s0;
	s8 =	simm.s32 @!p0 $0x17200;
	[sflag:s9] =	ssyncadd.s32 @!p0 $0xFFFFB600  }
0x34: {  	[hbm4b:s0+s11] =	stream.strided.scatter @!p0 [tilespmem:s8], [sflag:$0x3], $0x4A00, s12, s11, $0x38;
	[tilespmem:$0x1C2F0] =	vst v63  }
0x35: {  	s8 =	simm.s32 $0x0;
	_ =	swait.ge @!p0 [sflag:s9], $0x4A00  }
0x36: {  	s8 =	simm.s32 @p0 $0x0;
	s2 =	rddreg [dreg:$0x6]  }
0x37: {  	s0 =	sadd.s32 s8, s2  }
0x38: {  	[sflag:s9] =	ssyncset.done @!p0 $0x0;
	s0 =	sshrl.u32 s0, $0x3  }
0x39: {  	[sflag:s9] =	ssyncadd.s32 @!p0 $0xFFFFB600;
	s0 =	sadd.s32 s3, s0  }
0x3a: {  	[tilespmem:s21], [sflag:$0x3] =	stream.linear.gather [hbm4b:s0+s4], $0x128, $0x38;
	[tilespmem:$0x1C2F0] =	vst v63  }
0x3b: {  	_ =	swait.ge [sflag:s15], $0x128  }
0x3c: {  	[sflag:s15] =	ssyncset.done $0x0  }
0x3d: {  	s7 =	sadd.s32 $0x9400, s0;
	[sflag:s15] =	ssyncadd.s32 $0xFFFFFED8  }
0x3e: {  	[tilespmem:s22], [sflag:$0x3] =	stream.linear.gather [hbm4b:s7+s4], $0x128, $0x38;
	[tilespmem:$0x1C2F0] =	vst v63  }
0x3f: {  	_ =	swait.ge [sflag:s15], $0x128  }
0x40: {  	[sflag:s15] =	ssyncset.done $0x0  }
0x41: {  	s0 =	sadd.s32 $0x12800, s0;
	[sflag:s15] =	ssyncadd.s32 $0xFFFFFED8  }
0x42: {  	[tilespmem:s23], [sflag:$0x3] =	stream.linear.gather [hbm4b:s0+s4], $0x128, $0x38;
	[tilespmem:$0x1C2F0] =	vst v63  }
0x43: {  	_ =	swait.ge [sflag:s15], $0x128  }
0x44: {  	[sflag:s15] =	ssyncset.done $0x0  }
0x45: {  	[sflag:s15] =	ssyncadd.s32 $0xFFFFFED8  }
0x46: {  	_ =	swait.ge [sflag:s24], $0x4A00  }
0x47: {  	[sflag:s24] =	ssyncset.done $0x0  }
0x48: {  	[sflag:s24] =	ssyncadd.s32 $0xFFFFB600  }
0x49: {  	_ =	swait.ge [sflag:s24], $0x4A00  }
0x4a: {  	[sflag:s24] =	ssyncset.done $0x0  }
0x4b: {  	[sflag:s24] =	ssyncadd.s32 $0xFFFFB600  }
0x4c: {  	_ =	swait.ge [sflag:s24], $0x4A00  }
0x4d: {  	[sflag:s24] =	ssyncset.done $0x0  }
0x4e: {  	[sflag:s24] =	ssyncadd.s32 $0xFFFFB600  }
0x4f: {  	[tilespmem:s25], [sflag:$0x2] =	stream.indirect.gather [hbm4b:s1+s18], $0x40, s21, s18, $0xb8;
	[tilespmem:$0x1C2F0] =	vst v63  }
0x50: {  	s10 =	sadd.s32 s5, s8  }
0x51: {  	[tilespmem:s26], [sflag:$0x2] =	stream.indirect.gather [hbm4b:s1+s18], $0x40, s22, s18, $0xb8;
	[tilespmem:$0x1C2F0] =	vst v63  }
0x52: {  	s0 =	smul.u32 $0x18, s10  }
0x53: {  	[tilespmem:s28], [sflag:$0x2] =	stream.indirect.gather [hbm4b:s1+s18], $0x40, s23, s18, $0xb8;
	[tilespmem:$0x1C2F0] =	vst v63  }
0x54: {  	s11 =	sadd.s32 s6, s0  }
0x55: {  	[hbm4b:s11+s29] =	stream.strided.scatter [tilespmem:s4], [sflag:$0x3], $0x4A00, s30, s29, $0x38;
	[tilespmem:$0x1C2F0] =	vst v63  }
0x56: {  	_ =	swait.ge [sflag:s15], $0x4A00  }
0x57: {  	s12 =	rddreg [dreg:$0x4];
	[sflag:s15] =	ssyncset.done $0x0  }
0x58: {  	[sflag:s15] =	ssyncadd.s32 $0xFFFFB600;
	s9 =	sadd.s32 s0, s12  }
0x59: {  	[hbm4b:s9+s29] =	stream.strided.scatter [tilespmem:s19], [sflag:$0x3], $0x4A00, s30, s29, $0x38;
	[tilespmem:$0x1C2F0] =	vst v63  }
0x5a: {  	_ =	swait.ge [sflag:s15], $0x4A00  }
0x5b: {  	s13 =	rddreg [dreg:$0x5];
	[sflag:s15] =	ssyncset.done $0x0  }
0x5c: {  	[sflag:s15] =	ssyncadd.s32 $0xFFFFB600;
	s0 =	sadd.s32 s0, s13  }
0x5d: {  	[hbm4b:s0+s29] =	stream.strided.scatter [tilespmem:s20], [sflag:$0x3], $0x4A00, s30, s29, $0x38;
	[tilespmem:$0x1C2F0] =	vst v63  }
0x5e: {  	_ =	swait.ge [sflag:s15], $0x4A00  }
0x5f: {  	p0 =	por $0x0, $0x0;
	s0 =	rddreg [dreg:$0x7]  }
0x60: {  	s10 =	simm.s32 @!p0 $0x3;
	s0 =	sadd.s32 @!p0 s8, s0  }
0x61: {  	s9 =	simm.s32 @!p0 $0x0;
	[sflag:s15] =	ssyncset.done $0x0;
	s0 =	sshrl.u32 @!p0 s0, $0x3  }
0x62: {  	s8 =	simm.s32 @!p0 $0x1BC00;
	[sflag:s15] =	ssyncadd.s32 $0xFFFFB600;
	s0 =	sadd.s32 @!p0 s3, s0  }
0x63: {  	[tilespmem:s8], [sflag:$0x3] =	stream.linear.gather @!p0 [hbm4b:s0+s9], $0x128, $0x38;
	[tilespmem:$0x1C2F0] =	vst v63  }
0x64: {  	_ =	swait.ge @!p0 [sflag:s10], $0x128  }
0x65: {  	[sflag:s10] =	ssyncset.done @!p0 $0x0  }
0x66: {  	s11 =	simm.s32 @!p0 $0x1BD28;
	s8 =	sadd.s32 @!p0 $0x9400, s0;
	[sflag:s10] =	ssyncadd.s32 @!p0 $0xFFFFFED8  }
0x67: {  	[tilespmem:s11], [sflag:$0x3] =	stream.linear.gather @!p0 [hbm4b:s8+s9], $0x128, $0x38;
	[tilespmem:$0x1C2F0] =	vst v63  }
0x68: {  	_ =	swait.ge @!p0 [sflag:s10], $0x128  }
0x69: {  	[sflag:s10] =	ssyncset.done @!p0 $0x0  }
0x6a: {  	s0 =	sadd.s32 @!p0 $0x12800, s0;
	s8 =	simm.s32 @!p0 $0x1BE50;
	[sflag:s10] =	ssyncadd.s32 @!p0 $0xFFFFFED8  }
0x6b: {  	[tilespmem:s8], [sflag:$0x3] =	stream.linear.gather @!p0 [hbm4b:s0+s9], $0x128, $0x38;
	[tilespmem:$0x1C2F0] =	vst v63  }
0x6c: {  	_ =	swait.ge @!p0 [sflag:s10], $0x128  }
0x6d: {  	[sflag:s10] =	ssyncset.done @!p0 $0x0  }
0x6e: {  	[sflag:s10] =	ssyncadd.s32 @!p0 $0xFFFFFED8  }
0x6f: {  	_ =	swait.ge [sflag:s31], $0x4A00  }
0x70: {  	[sflag:s31] =	ssyncset.done $0x0  }
0x71: {  	[sflag:s31] =	ssyncadd.s32 $0xFFFFB600  }
0x72: {  	_ =	swait.ge [sflag:s31], $0x4A00  }
0x73: {  	[sflag:s31] =	ssyncset.done $0x0  }
0x74: {  	[sflag:s31] =	ssyncadd.s32 $0xFFFFB600  }
0x75: {  	s0 =	simm.s32 $0x3780;
	s10 =	simm.s32 $0x0;
	_ =	swait.ge [sflag:s31], $0x4A00  }
.LBB2_2:
0x76: {  	[sflag:s31] =	ssyncset.done $0x0  }
0x77: {  	s9 =	smov.u32 s0;
	[sflag:s31] =	ssyncadd.s32 $0xFFFFB600  }
0x78: {  	[tilespmem:s4], [sflag:$0x1] =	stream.indirect.gather [hbm4b:s1+s18], $0x40, s14, s18, $0xb8;
	[tilespmem:$0x1C2F0] =	vst v63  }
0x79: {  	s8 =	rddreg [dreg:$0x8];
	p1 =	seq.s32 s9, $0x0  }
0x7a: {  	[tilespmem:s19], [sflag:$0x1] =	stream.indirect.gather [hbm4b:s1+s18], $0x40, s16, s18, $0xb8;
	[tilespmem:$0x1C2F0] =	vst v63  }
0x7b: {  	s8 =	sadd.s32 @!p1 s9, s8;
	s11 =	simm.s32 @!p1 $0xDE00;
	s12 =	simm.s32 @!p1 $0x3  }
0x7c: {  	[tilespmem:s20], [sflag:$0x1] =	stream.indirect.gather [hbm4b:s1+s18], $0x40, s17, s18, $0xb8;
	[tilespmem:$0x1C2F0] =	vst v63  }
0x7d: {  	s7 =	simm.s32 @!p1 $0x40;
	s2 =	simm.s32 @!p1 $0xC0;
	s13 =	sadd.s32 @!p1 $0xFFFFE440, s8  }
0x7e: {  	[hbm4b:s13+s7] =	stream.strided.scatter @!p1 [tilespmem:s11], [sflag:$0x3], $0x4A00, s2, s7, $0x38;
	[tilespmem:$0x1C2F0] =	vst v63  }
0x7f: {  	_ =	swait.ge @!p1 [sflag:s12], $0x4A00  }
0x80: {  	s11 =	sadd.s32 @!p1 $0xFFFFE450, s8;
	[sflag:s12] =	ssyncset.done @!p1 $0x0  }
0x81: {  	s8 =	sadd.s32 @!p1 $0xFFFFE448, s8;
	s13 =	simm.s32 @!p1 $0x12800;
	[sflag:s12] =	ssyncadd.s32 @!p1 $0xFFFFB600  }
0x82: {  	[hbm4b:s8+s7] =	stream.strided.scatter @!p1 [tilespmem:s13], [sflag:$0x3], $0x4A00, s2, s7, $0x38;
	[tilespmem:$0x1C2F0] =	vst v63  }
0x83: {  	_ =	swait.ge @!p1 [sflag:s12], $0x4A00  }
0x84: {  	[sflag:s12] =	ssyncset.done @!p1 $0x0  }
0x85: {  	s10 =	sadd.s32 $0x250, s10;
	s8 =	simm.s32 @!p1 $0x17200;
	[sflag:s12] =	ssyncadd.s32 @!p1 $0xFFFFB600  }
0x86: {  	[hbm4b:s11+s7] =	stream.strided.scatter @!p1 [tilespmem:s8], [sflag:$0x3], $0x4A00, s2, s7, $0x38;
	[tilespmem:$0x1C2F0] =	vst v63  }
0x87: {  	s8 =	smov.u32 s10;
	_ =	swait.ge @!p1 [sflag:s12], $0x4A00  }
0x88: {  	s8 =	simm.s32 @p1 $0x0;
	s11 =	rddreg [dreg:$0x6]  }
0x89: {  	s2 =	sadd.s32 s8, s11  }
0x8a: {  	[sflag:s12] =	ssyncset.done @!p1 $0x0;
	s2 =	sshrl.u32 s2, $0x3  }
0x8b: {  	[sflag:s12] =	ssyncadd.s32 @!p1 $0xFFFFB600;
	s2 =	sadd.s32 s3, s2  }
0x8c: {  	[tilespmem:s21], [sflag:$0x3] =	stream.linear.gather [hbm4b:s2+s4], $0x128, $0x38;
	[tilespmem:$0x1C2F0] =	vst v63  }
0x8d: {  	_ =	swait.ge [sflag:s15], $0x128  }
0x8e: {  	[sflag:s15] =	ssyncset.done $0x0  }
0x8f: {  	s13 =	sadd.s32 $0x9400, s2;
	[sflag:s15] =	ssyncadd.s32 $0xFFFFFED8  }
0x90: {  	[tilespmem:s22], [sflag:$0x3] =	stream.linear.gather [hbm4b:s13+s4], $0x128, $0x38;
	[tilespmem:$0x1C2F0] =	vst v63  }
0x91: {  	_ =	swait.ge [sflag:s15], $0x128  }
0x92: {  	[sflag:s15] =	ssyncset.done $0x0  }
0x93: {  	s2 =	sadd.s32 $0x12800, s2;
	[sflag:s15] =	ssyncadd.s32 $0xFFFFFED8  }
0x94: {  	[tilespmem:s23], [sflag:$0x3] =	stream.linear.gather [hbm4b:s2+s4], $0x128, $0x38;
	[tilespmem:$0x1C2F0] =	vst v63  }
0x95: {  	_ =	swait.ge [sflag:s15], $0x128  }
0x96: {  	[sflag:s15] =	ssyncset.done $0x0  }
0x97: {  	[sflag:s15] =	ssyncadd.s32 $0xFFFFFED8  }
0x98: {  	_ =	swait.ge [sflag:s24], $0x4A00  }
0x99: {  	[sflag:s24] =	ssyncset.done $0x0  }
0x9a: {  	[sflag:s24] =	ssyncadd.s32 $0xFFFFB600  }
0x9b: {  	_ =	swait.ge [sflag:s24], $0x4A00  }
0x9c: {  	[sflag:s24] =	ssyncset.done $0x0  }
0x9d: {  	[sflag:s24] =	ssyncadd.s32 $0xFFFFB600  }
0x9e: {  	_ =	swait.ge [sflag:s24], $0x4A00  }
0x9f: {  	[sflag:s24] =	ssyncset.done $0x0  }
0xa0: {  	[sflag:s24] =	ssyncadd.s32 $0xFFFFB600  }
0xa1: {  	[tilespmem:s25], [sflag:$0x2] =	stream.indirect.gather [hbm4b:s1+s18], $0x40, s21, s18, $0xb8;
	[tilespmem:$0x1C2F0] =	vst v63  }
0xa2: {  	s7 =	sadd.s32 s5, s8  }
0xa3: {  	[tilespmem:s26], [sflag:$0x2] =	stream.indirect.gather [hbm4b:s1+s18], $0x40, s22, s18, $0xb8;
	[tilespmem:$0x1C2F0] =	vst v63  }
0xa4: {  	s11 =	smul.u32 $0x18, s7  }
0xa5: {  	[tilespmem:s28], [sflag:$0x2] =	stream.indirect.gather [hbm4b:s1+s18], $0x40, s23, s18, $0xb8;
	[tilespmem:$0x1C2F0] =	vst v63  }
0xa6: {  	s7 =	sadd.s32 s6, s11  }
0xa7: {  	[hbm4b:s7+s29] =	stream.strided.scatter [tilespmem:s4], [sflag:$0x3], $0x4A00, s30, s29, $0x38;
	[tilespmem:$0x1C2F0] =	vst v63  }
0xa8: {  	_ =	swait.ge [sflag:s15], $0x4A00  }
0xa9: {  	s12 =	rddreg [dreg:$0x4];
	[sflag:s15] =	ssyncset.done $0x0  }
0xaa: {  	[sflag:s15] =	ssyncadd.s32 $0xFFFFB600;
	s7 =	sadd.s32 s11, s12  }
0xab: {  	[hbm4b:s7+s29] =	stream.strided.scatter [tilespmem:s19], [sflag:$0x3], $0x4A00, s30, s29, $0x38;
	[tilespmem:$0x1C2F0] =	vst v63  }
0xac: {  	_ =	swait.ge [sflag:s15], $0x4A00  }
0xad: {  	s13 =	rddreg [dreg:$0x5];
	[sflag:s15] =	ssyncset.done $0x0  }
0xae: {  	[sflag:s15] =	ssyncadd.s32 $0xFFFFB600;
	s2 =	sadd.s32 s11, s13  }
0xaf: {  	[hbm4b:s2+s29] =	stream.strided.scatter [tilespmem:s20], [sflag:$0x3], $0x4A00, s30, s29, $0x38;
	[tilespmem:$0x1C2F0] =	vst v63  }
0xb0: {  	_ =	swait.ge [sflag:s15], $0x4A00  }
0xb1: {  	p1 =	seq.s32 s9, $0x34080;
	s2 =	rddreg [dreg:$0x7]  }
0xb2: {  	s9 =	simm.s32 @!p1 $0x3;
	s2 =	sadd.s32 @!p1 s8, s2  }
0xb3: {  	s7 =	simm.s32 @!p1 $0x1BC00;
	[sflag:s15] =	ssyncset.done $0x0;
	s2 =	sshrl.u32 @!p1 s2, $0x3  }
0xb4: {  	[sflag:s15] =	ssyncadd.s32 $0xFFFFB600;
	s8 =	simm.s32 @!p1 $0x0;
	s2 =	sadd.s32 @!p1 s3, s2  }
0xb5: {  	[tilespmem:s7], [sflag:$0x3] =	stream.linear.gather @!p1 [hbm4b:s2+s8], $0x128, $0x38;
	[tilespmem:$0x1C2F0] =	vst v63  }
0xb6: {  	_ =	swait.ge @!p1 [sflag:s9], $0x128  }
0xb7: {  	[sflag:s9] =	ssyncset.done @!p1 $0x0  }
0xb8: {  	s11 =	simm.s32 @!p1 $0x1BD28;
	s7 =	sadd.s32 @!p1 $0x9400, s2;
	[sflag:s9] =	ssyncadd.s32 @!p1 $0xFFFFFED8  }
0xb9: {  	[tilespmem:s11], [sflag:$0x3] =	stream.linear.gather @!p1 [hbm4b:s7+s8], $0x128, $0x38;
	[tilespmem:$0x1C2F0] =	vst v63  }
0xba: {  	_ =	swait.ge @!p1 [sflag:s9], $0x128  }
0xbb: {  	[sflag:s9] =	ssyncset.done @!p1 $0x0  }
0xbc: {  	s2 =	sadd.s32 @!p1 $0x12800, s2;
	s7 =	simm.s32 @!p1 $0x1BE50;
	[sflag:s9] =	ssyncadd.s32 @!p1 $0xFFFFFED8  }
0xbd: {  	[tilespmem:s7], [sflag:$0x3] =	stream.linear.gather @!p1 [hbm4b:s2+s8], $0x128, $0x38;
	[tilespmem:$0x1C2F0] =	vst v63  }
0xbe: {  	_ =	swait.ge @!p1 [sflag:s9], $0x128  }
0xbf: {  	[sflag:s9] =	ssyncset.done @!p1 $0x0  }
0xc0: {  	[sflag:s9] =	ssyncadd.s32 @!p1 $0xFFFFFED8  }
0xc1: {  	s0 =	sadd.s32 $0x3780, s0;
	_ =	swait.ge [sflag:s31], $0x4A00  }
0xc2: {  	p0 =	sne.s32 s0, $0x37800;
	[sflag:s31] =	ssyncset.done $0x0  }
.Ltmp0:
0xc3: {  	[sflag:s31] =	ssyncadd.s32 $0xFFFFB600;
	(pc) =	sbr.rel @p0 .LBB2_2-.Ltmp0, $4  }
0xc4: {  	_ =	swait.ge [sflag:s31], $0x4A00  }
0xc5: {  	[sflag:s31] =	ssyncset.done $0x0  }
0xc6: {  	[sflag:s31] =	ssyncadd.s32 $0xFFFFB600  }
0xc7: {  	_ =	swait.ge [sflag:s31], $0x4A00  }
0xc8: {  	[sflag:s31] =	ssyncset.done $0x0  }
0xc9: {  	s0 =	rddreg [dreg:$0xc];
	[sflag:s31] =	ssyncadd.s32 $0xFFFFB600  }
0xca: {  	[hbm4b:s0+s29] =	stream.strided.scatter [tilespmem:s25], [sflag:$0x3], $0x4A00, s30, s29, $0x38;
	[tilespmem:$0x1C2F0] =	vst v63  }
0xcb: {  	_ =	swait.ge [sflag:s15], $0x4A00  }
0xcc: {  	[sflag:s15] =	ssyncset.done $0x0  }
0xcd: {  	s11 =	rddreg [dreg:$0xd];
	[sflag:s15] =	ssyncadd.s32 $0xFFFFB600  }
0xce: {  	[hbm4b:s11+s29] =	stream.strided.scatter [tilespmem:s26], [sflag:$0x3], $0x4A00, s30, s29, $0x38;
	[tilespmem:$0x1C2F0] =	vst v63  }
0xcf: {  	_ =	swait.ge [sflag:s15], $0x4A00  }
0xd0: {  	[sflag:s15] =	ssyncset.done $0x0  }
0xd1: {  	s12 =	rddreg [dreg:$0xe];
	[sflag:s15] =	ssyncadd.s32 $0xFFFFB600  }
0xd2: {  	[hbm4b:s12+s29] =	stream.strided.scatter [tilespmem:s28], [sflag:$0x3], $0x4A00, s30, s29, $0x38;
	[tilespmem:$0x1C2F0] =	vst v63  }
0xd3: {  	_ =	swait.ge [sflag:s15], $0x4A00  }
0xd4: {  	s2 =	rddreg [dreg:$0x10]  }
0xd5: {  	s13 =	rddreg [dreg:$0xf];
	s2 =	sadd.s32 $0x1, s2  }
0xd6: {  	p0 =	sne.s32 s2, s13  }
.Ltmp1:
0xd7: {  	_ = 	snop;
	(pc) =	sbr.rel @p0 .LBB2_1-.Ltmp1, $3  }
0xd8: {  	_ =	sdelay $0x1  }
0xd9: {  	[sflag:s15] =	ssyncset.done $0x0  }
0xda: {  	[sflag:s15] =	ssyncadd.s32 $0xFFFFB600  }
0xdb: {  	_ =	sfence.sel $0x180000  }
0xdc: {  	[bflag:$0x0] =	sbarrier.arrive $0xFFFF  }
0xdd: {  	_ =	strace $0x90000050  }
0xde: {  	s0 =	stileid.u32;
	[bflag:$0x2] =	sbarrier.arrive $0xFFFF  }
0xdf: {  	p0 =	sne.s32 s0, $0x0;
	s0 =	rddreg [dreg:$0x3]  }
0xe0: {  	s0 =	sadd.s32 @!p0 $0x100000, s0  }
0xe1: {  	[sflag:s0] =	ssyncadd.tile.s32 @!p0 $0x1;
	_ =	shalt  }
.Lfunc_end2:
_tile_overlayer_lowered:
.L_overlay_start_2:
0xe2: {  	(tag) =	ssettag $0x2  }
0xe3: {  	s0 =	rddreg [dreg:$0x0];
	s2 =	stileid.u32  }
0xe4: {  	s1 =	rddreg [dreg:$0x1];
	p0 =	sne.s32 s2, $0x0  }
0xe5: {  	s3 =	rddreg [dreg:$0x2];
	[bflag:$0x3] =	sbarrier.arrive $0xFFFF;
	s2 =	simm.s32 @!p0 $0x1C03  }
0xe6: {  	[timem:s3], [sflag:s2] =	dma.local @!p0 [hbm:s0], s1  }
0xe7: {  	s0 =	simm.s32 @!p0 $0x3  }
0xe8: {  	_ =	swait.ge @!p0 [sflag:s0], s1  }
0xe9: {  	s1 =	ssub.s32 @!p0 $0x0, s1;
	[sflag:s0] =	ssyncset.done @!p0 $0x0  }
0xea: {  	[sflag:s0] =	ssyncadd.s32 @!p0 s1  }
0xeb: {  	[bflag:$0x3] =	sbarrier.arrive $0xFFFF  }
0xec: {  	_ =	shalt  }

// kernel: kernel.16.cloned.1.call-start
scs
__scs_entry_jumppad:
0x0: {  	(pc) =	sbr.rel $0x88, $3  }
0x1: {  	(tag) =	ssettag $0x0;
	lr =	simm.s32 $0x1  }
0x2: {  	[smem:$0x3F79] =	sst lr;
	_ =	strace $0xD0000000  }
0x3: {  	_ = 	snop  }
0x4: {  	_ = 	snop  }
0x5: {  	_ = 	snop  }
0x6: {  	_ = 	snop  }
0x7: {  	_ = 	snop  }
__scs_overlays_trampoline_lowered:
0x8: {  	[smem:$0x3F88] =	sst s0  }
0x9: {  	[smem:$0x3F89] =	sst s1  }
0xa: {  	[smem:$0x3F8A] =	sst s2  }
0xb: {  	[smem:$0x3F8B] =	sst s3  }
0xc: {  	[smem:$0x3F8C] =	sst s4  }
0xd: {  	[smem:$0x3F8D] =	sst s5  }
0xe: {  	[smem:$0x3F8E] =	sst s6  }
0xf: {  	[smem:$0x3F8F] =	sst s7  }
0x10: {  	[smem:$0x3F90] =	sst s8  }
0x11: {  	[smem:$0x3F91] =	sst s9;
	s0 =	simm.s32 @!p0 $0x0  }
0x12: {  	s1 =	sld [smem:$0x3F77];
	s0 =	simm.s32 @p0 $0x1  }
0x13: {  	[smem:$0x3F92] =	sst s0;
	s0 =	simm.s32 @!p1 $0x0  }
0x14: {  	s2 =	sld [smem:$0x3F76];
	s0 =	simm.s32 @p1 $0x1  }
0x15: {  	[smem:$0x3F93] =	sst s0;
	s0 =	simm.s32 @!p2 $0x0  }
0x16: {  	s3 =	sld [smem:$0x3FDB];
	s0 =	simm.s32 @p2 $0x1  }
0x17: {  	s4 =	simm.s32 $0x1BF5;
	[smem:$0x3F95] =	sst s0  }
0x18: {  	s0 =	sld [smem:$0x3F78];
	_ =	swait.ge [sflag:s4], $0x0  }
0x19: {  	s7 =	sld [smem:$0x3F79]  }
0x1a: {  	s8 =	sadd.s32 $0xFFFFE003, lr  }
0x1b: {  	s9 =	sadd.s32 $0xFFFFFEF7, lr;
	s5 =	simm.s32 $0xFFFFFFFF;
	p2 =	slt.u32 s8, $0xFFFFF086  }
0x1c: {  	p1 =	slt.u32 s9, $0xF7A;
	s5 =	simm.s32 @!p2 $0x0  }
0x1d: {  	s5 =	simm.s32 @p1 $0x1;
	p0 =	seq.s32 s7, s2  }
0x1e: {  	s7 =	smul.u32 @!p0 $0xF7A, s2;
	p2 =	seq.s32 @!p0 s5, $0x0  }
0x1f: {  	s9 =	smul.u32 $0xF7A, s1;
	s8 =	simm.s32 @!p0 $0x1BF5;
	p2 =	por !p2, p0  }
0x20: {  	[sflag:s8] =	ssyncset.s32 @!p0 $0xFFFFF086;
	s6 =	sadd.s32 @!p0 s3, s7;
	s7 =	simm.s32 @!p0 $0x108  }
0x21: {  	s3 =	sadd.s32 s3, s9;
	s6 =	sadd.s32 @!p0 $0x88, s6;
	s7 =	simm.s32 @p2 $0x1082  }
0x22: {  	[simem:s7], [sflag:s8] =	dma.local @!p0 [hbm:s6], $0xF7A  }
0x23: {  	s9 =	sor.u32 $0xD0000000, s2;
	s6 =	simm.s32 $0x108;
	_ =	swait.ge @!p0 [sflag:s8], $0x0  }
0x24: {  	s3 =	sadd.s32 $0x88, s3;
	s6 =	simm.s32 @!p1 $0x1082;
	[sflag:s4] =	ssyncset.s32 $0xFFFFF086  }
0x25: {  	[simem:s6], [sflag:s4] =	dma.local [hbm:s3], $0xF7A  }
0x26: {  	[smem:$0x3F79] =	sst s1;
	(tag) =	ssettag s2;
	_ =	strace s9  }
0x27: {  	s1 =	sld [smem:$0x3F89]  }
0x28: {  	s2 =	sld [smem:$0x3F8A]  }
0x29: {  	s4 =	sld [smem:$0x3F8C]  }
0x2a: {  	p0 =	seq.s32 s5, $0x0;
	s5 =	sld [smem:$0x3F8D]  }
0x2b: {  	s6 =	sld [smem:$0x3F8E]  }
0x2c: {  	s7 =	sld [smem:$0x3F8F]  }
0x2d: {  	s3 =	simm.s32 $0x108;
	s8 =	sld [smem:$0x3F90]  }
0x2e: {  	s3 =	simm.s32 @!p0 $0x1082;
	s9 =	sld [smem:$0x3F91]  }
0x2f: {  	lr =	sadd.s32 s0, s3;
	s0 =	sld [smem:$0x3F88]  }
0x30: {  	s3 =	sld [smem:$0x3F8B]  }
0x31: {  	[smem:$0x3F94] =	sst s10  }
0x32: {  	s10 =	sld [smem:$0x3F92];
	_ =	sdelay $0x3  }
0x33: {  	p0 =	seq.s32 s10, $0x1;
	s10 =	sld [smem:$0x3F94];
	_ =	sdelay $0x3  }
0x34: {  	[smem:$0x3F94] =	sst s10  }
0x35: {  	s10 =	sld [smem:$0x3F93];
	_ =	sdelay $0x3  }
0x36: {  	p1 =	seq.s32 s10, $0x1;
	s10 =	sld [smem:$0x3F94];
	_ =	sdelay $0x3  }
0x37: {  	[smem:$0x3F94] =	sst s10  }
0x38: {  	s10 =	sld [smem:$0x3F95]  }
0x39: {  	_ = 	snop;
	(pc) =	sbr.ind lr, $3  }
0x3a: {  	_ = 	snop  }
0x3b: {  	_ = 	snop  }
0x3c: {  	p2 =	seq.s32 s10, $0x1;
	s10 =	sld [smem:$0x3F94]  }
0x3d: {  	_ =	shalt  }
0x3e: {  	_ =	shalt  }
0x3f: {  	_ =	shalt  }
0x40: {  	_ =	shalt  }
0x41: {  	_ =	shalt  }
0x42: {  	_ =	shalt  }
0x43: {  	_ =	shalt  }
0x44: {  	_ =	shalt  }
0x45: {  	_ =	shalt  }
0x46: {  	_ =	shalt  }
0x47: {  	_ =	shalt  }
0x48: {  	_ =	shalt  }
0x49: {  	_ =	shalt  }
0x4a: {  	_ =	shalt  }
0x4b: {  	_ =	shalt  }
0x4c: {  	_ =	shalt  }
0x4d: {  	_ =	shalt  }
0x4e: {  	_ =	shalt  }
0x4f: {  	_ =	shalt  }
0x50: {  	_ =	shalt  }
0x51: {  	_ =	shalt  }
0x52: {  	_ =	shalt  }
0x53: {  	_ =	shalt  }
0x54: {  	_ =	shalt  }
0x55: {  	_ =	shalt  }
0x56: {  	_ =	shalt  }
0x57: {  	_ =	shalt  }
0x58: {  	_ =	shalt  }
0x59: {  	_ =	shalt  }
0x5a: {  	_ =	shalt  }
0x5b: {  	_ =	shalt  }
0x5c: {  	_ =	shalt  }
0x5d: {  	_ =	shalt  }
0x5e: {  	_ =	shalt  }
0x5f: {  	_ =	shalt  }
0x60: {  	_ =	shalt  }
0x61: {  	_ =	shalt  }
0x62: {  	_ =	shalt  }
0x63: {  	_ =	shalt  }
0x64: {  	_ =	shalt  }
0x65: {  	_ =	shalt  }
0x66: {  	_ =	shalt  }
0x67: {  	_ =	shalt  }
0x68: {  	_ =	shalt  }
0x69: {  	_ =	shalt  }
0x6a: {  	_ =	shalt  }
0x6b: {  	_ =	shalt  }
0x6c: {  	_ =	shalt  }
0x6d: {  	_ =	shalt  }
0x6e: {  	_ =	shalt  }
0x6f: {  	_ =	shalt  }
0x70: {  	_ =	shalt  }
0x71: {  	_ =	shalt  }
0x72: {  	_ =	shalt  }
0x73: {  	_ =	shalt  }
0x74: {  	_ =	shalt  }
0x75: {  	_ =	shalt  }
0x76: {  	_ =	shalt  }
0x77: {  	_ =	shalt  }
0x78: {  	_ =	shalt  }
0x79: {  	_ =	shalt  }
0x7a: {  	_ =	shalt  }
0x7b: {  	_ =	shalt  }
0x7c: {  	_ =	shalt  }
0x7d: {  	_ =	shalt  }
0x7e: {  	_ =	shalt  }
0x7f: {  	_ =	shalt  }
0x80: {  	_ =	shalt  }
0x81: {  	_ =	shalt  }
0x82: {  	_ =	shalt  }
0x83: {  	_ =	shalt  }
0x84: {  	_ =	shalt  }
0x85: {  	_ =	shalt  }
0x86: {  	_ =	shalt  }
0x87: {  	_ =	shalt  }
.Lfunc_end0:
.L_simem_size_0:
called_computation.2_lowered:
.L_overlay_start_0:
0x88: {  	s2 =	sld [smem:$0x3FD9]  }
0x89: {  	s3 =	sld [smem:$0x3FFE];
	_ =	sdelay $0x1  }
0x8a: {  	s1 =	srdreg.scid  }
0x8b: {  	s0 =	sand.u32 $0x1, s1  }
0x8c: {  	s14 =	sshll.u32 s0, $0xA;
	s2 =	sadd.s32 s3, s2  }
0x8d: {  	s2 =	sadd.s32 s2, s14  }
0x8e: {  	[smem:$0x3FA0] =	sst s2  }
0x8f: {  	_ = 	snop  }
0x90: {  	s2 =	sld [smem:$0x3FD0];
	_ =	sdelay $0x2  }
0x91: {  	s15 =	simm.s32 $0xD;
	s4 =	simm.s32 $0x10  }
0x92: {  	[smem:s4], [sflag:s15] =	dma.local [hbm:s2], $0x1  }
0x93: {  	_ =	swait.eq [sflag:s15], $0x1  }
0x94: {  	[sflag:s15] =	ssyncset.done $0x0  }
0x95: {  	s16 =	sld [smem:$0x12];
	[sflag:s15] =	ssyncadd.s32 $0xFFFFFFFF  }
0x96: {  	s17 =	sld [smem:$0x13];
	(tm) =	ssettm $0x1  }
0x97: {  	s18 =	sld [smem:$0x3FFB];
	_ =	sdelay $0x3  }
0x98: {  	_ =	strace s18  }
0x99: {  	s4 =	sld [smem:$0x3FFC];
	_ =	sdelay $0x3  }
0x9a: {  	_ =	strace s4  }
0x9b: {  	s4 =	sld [smem:$0x3FFD];
	_ =	sdelay $0x3  }
0x9c: {  	_ =	strace s4  }
0x9d: {  	_ =	strace $0x8FFFFFFF  }
0x9e: {  	s19 =	sld [smem:$0x3FDB];
	_ =	sdelay $0x1  }
0x9f: {  	s5 =	simm.s32 $_scs_section_size  }
0xa0: {  	s6 =	simm.s32 $_size__tile_overlayer_lowered;
	s7 =	simm.s32 $_tile_overlayer_lowered  }
0xa1: {  	s22 =	simm.s32 $0x1BFF;
	s21 =	sshll.u32 s7, $0x1;
	s4 =	sadd.s32 s5, s19  }
0xa2: {  	s8 =	simm.s32 $0x0;
	s20 =	sshll.u32 s6, $0x1;
	s6 =	sadd.s32 s21, s4  }
0xa3: {  	[timem:s8], [sflag:s22] =	dma.local [hbm:s6], s20  }
0xa4: {  	_ =	swait.ge [sflag:s22], s20  }
0xa5: {  	s5 =	ssub.s32 $0x0, s20;
	[sflag:s22] =	ssyncset.done $0x0  }
0xa6: {  	[sflag:s22] =	ssyncadd.s32 s5;
	_ =	sdelay $0x1  }
0xa7: {  	s23 =	simm.s32 $0x1B8B  }
0xa8: {  	_ =	swait.ge [sflag:s23], $0x1  }
0xa9: {  	[sflag:s23] =	ssyncset.done $0x0  }
0xaa: {  	s25 =	simm.s32 $0x1B8E;
	s24 =	sld [smem:$0x3FFE];
	[sflag:s23] =	ssyncadd.s32 $0xFFFFFFFF  }
0xab: {  	s26 =	simm.s32 $execute0_lowered;
	[smem:$0x3FD2] =	sst s25  }
0xac: {  	s6 =	sshll.u32 s26, $0x1;
	_ =	strace $0x80000046;
	[dreg:$0x1] =	wrdreg $0xFFFFFFFF  }
0xad: {  	s28 =	simm.s32 $_size_execute0_lowered;
	s4 =	sadd.s32 s4, s6;
	[dreg:$0x0] =	wrdreg $0x0  }
0xae: {  	s6 =	sshll.u32 s28, $0x1;
	[dreg:$0x2] =	wrdreg s4  }
0xaf: {  	[dreg:$0x3] =	wrdreg s6  }
0xb0: {  	[dreg:$0x4] =	wrdreg $0xC0  }
0xb1: {  	_ =	task [dreg:s8], $0x5FFFF  }
0xb2: {  	[dreg:$0x1] =	wrdreg $0xFFFFFFFF  }
0xb3: {  	[dreg:$0x0] =	wrdreg $0x60  }
0xb4: {  	[dreg:$0x2] =	wrdreg s16  }
0xb5: {  	[dreg:$0x3] =	wrdreg s17  }
0xb6: {  	[dreg:$0x4] =	wrdreg s24  }
0xb7: {  	[dreg:$0x5] =	wrdreg $0xB  }
0xb8: {  	_ =	task.clear_ibuf [dreg:s8], $0x6FFFF;
	_ =	strace $0x90000046  }
0xb9: {  	s29 =	simm.s32 $0xB;
	_ =	strace $0x80000048  }
0xba: {  	_ =	swait.ge [sflag:s29], $0x1  }
0xbb: {  	[sflag:s29] =	ssyncadd.s32 $0xFFFFFFFF  }
0xbc: {  	_ =	strace $0x90000048  }
0xbd: {  	_ =	sfence  }
0xbe: {  	s30 =	sld [smem:$0x0];
	_ =	sdelay $0x2  }
0xbf: {  	s31 =	sshll.u32 s1, $0xD;
	s1 =	sshrl.u32 s1, $0x2  }
0xc0: {  	s3 =	sand.u32 $0x4000, s31;
	s1 =	sadd.s32 s1, s30  }
0xc1: {  	s0 =	sor.u32 s3, s0;
	s1 =	sshll.u32 s1, $0x11  }
0xc2: {  	s0 =	sor.u32 s1, s0  }
0xc3: {  	s0 =	sadd.s32 $0x8F2B, s0  }
0xc4: {  	[sflag:s0] =	ssyncadd.remote.s32 $0x1  }
0xc5: {  	_ =	sfence.sel $0xFFFF  }
0xc6: {  	[dreg:$0x0] =	wrdreg $0xFFFFFFFF;
	(pc) =	sbr.abs _section_cstart, $3  }
0xc7: {  	[dreg:$0x1] =	wrdreg $0xFFFFFFFF  }
0xc8: {  	_ =	task.clear_ibuf [dreg:s8], $0x2FFFF;
	_ =	strace $0x9FFFFFFF  }
0xc9: {  	(tm) =	ssettm $0x7FFFFFFF  }
tec
execute0_lowered:
.L_overlay_start_1:
0x0: {  	(tag) =	ssettag $0x1  }
0x1: {  	s1 =	rddreg [dreg:$0x0]  }
0x2: {  	s3 =	rddreg [dreg:$0x1];
	s0 =	srdreg.scid  }
0x3: {  	s11 =	stileid.u32;
	s2 =	rddreg [dreg:$0x2]  }
0x4: {  	s4 =	simm.s32 $0x0;
	s14 =	simm.s32 $0x1BC00;
	s15 =	simm.s32 $0x3  }
0x5: {  	s16 =	simm.s32 $0x1BD28;
	s17 =	simm.s32 $0x1BE50;
	s28 =	simm.s32 $0x17200  }
0x6: {  	s29 =	simm.s32 $0x40;
	s30 =	simm.s32 $0xC0;
	s31 =	simm.s32 $0x2  }
0x7: {  	s0 =	sand.u32 $0x1, s0;
	s5 =	sshll.u32 s11, $0x1;
	[smem:$0x7FF] =	sst s4  }
0x8: {  	s6 =	sadd.s32 $0x8400, s2;
	s19 =	sadd.s32 $0x8408, s2;
	s2 =	sadd.s32 $0x8410, s2  }
0x9: {  	s21 =	smul.u32 $0x6F000, s11;
	s8 =	sor.u32 s0, s5;
	_ =	strace $0x80000047  }
0xa: {  	s7 =	ssub.s32 $0x2, s0;
	[dreg:$0x4] =	wrdreg s19;
	s0 =	smul.u32 $0x37800, s0  }
0xb: {  	[dreg:$0x5] =	wrdreg s2;
	s5 =	smul.u32 $0x2500, s8;
	s2 =	sadd.s32 s21, s6  }
0xc: {  	s19 =	simm.s32 $0x4A00;
	s9 =	sshrl.u32 s7, $0x1;
	s0 =	sadd.s32 s0, s2  }
0xd: {  	s8 =	smul.u32 $0x1BC000, s8;
	s20 =	sadd.s32 $0x128, s5;
	[dreg:$0x8] =	wrdreg s0  }
0xe: {  	s9 =	ssub.s32 s7, s9;
	s22 =	sadd.s32 $0x250, s5;
	[dreg:$0x6] =	wrdreg s20  }
0xf: {  	s10 =	sshrl.u32 s5, $0x3;
	s26 =	smax.u32 s9, $0x1;
	[dreg:$0x7] =	wrdreg s22  }
0x10: {  	s21 =	simm.s32 $0x1BF78;
	s18 =	sadd.s32 s3, s10;
	[dreg:$0xf] =	wrdreg s26  }
0x11: {  	s8 =	sshrl.u32 s8, $0x3;
	s12 =	sadd.s32 $0x9400, s18;
	[dreg:$0x9] =	wrdreg s18  }
0x12: {  	s8 =	sadd.s32 s6, s8;
	s7 =	sadd.s32 $0x12800, s18;
	[dreg:$0xa] =	wrdreg s12  }
0x13: {  	s2 =	simm.s32 $0x0;
	s23 =	sadd.s32 $0x35C40, s8;
	[dreg:$0xb] =	wrdreg s7  }
0x14: {  	s20 =	simm.s32 $0x9400;
	s24 =	sadd.s32 $0x35C48, s8;
	[dreg:$0xc] =	wrdreg s23  }
0x15: {  	s22 =	simm.s32 $0x1C0A0;
	s25 =	sadd.s32 $0x35C50, s8;
	[dreg:$0xd] =	wrdreg s24  }
0x16: {  	s26 =	simm.s32 $0x12800;
	s18 =	simm.s32 $0x128;
	[dreg:$0xe] =	wrdreg s25  }
0x17: {  	s23 =	simm.s32 $0x1C1C8;
	s24 =	simm.s32 $0x1;
	s25 =	simm.s32 $0xDE00  }
.LBB2_1:
0x18: {  	[dreg:$0x10] =	wrdreg s2  }
0x19: {  	s0 =	rddreg [dreg:$0x9]  }
0x1a: {  	[tilespmem:s14], [sflag:$0x3] =	stream.linear.gather [hbm4b:s0+s4], $0x128, $0x38;
	[tilespmem:$0x1C2F0] =	vst v63  }
0x1b: {  	_ =	swait.ge [sflag:s15], $0x128  }
0x1c: {  	[sflag:s15] =	ssyncset.done $0x0  }
0x1d: {  	s12 =	rddreg [dreg:$0xa];
	[sflag:s15] =	ssyncadd.s32 $0xFFFFFED8  }
0x1e: {  	[tilespmem:s16], [sflag:$0x3] =	stream.linear.gather [hbm4b:s12+s4], $0x128, $0x38;
	[tilespmem:$0x1C2F0] =	vst v63  }
0x1f: {  	_ =	swait.ge [sflag:s15], $0x128  }
0x20: {  	[sflag:s15] =	ssyncset.done $0x0  }
0x21: {  	s13 =	rddreg [dreg:$0xb];
	[sflag:s15] =	ssyncadd.s32 $0xFFFFFED8  }
0x22: {  	[tilespmem:s17], [sflag:$0x3] =	stream.linear.gather [hbm4b:s13+s4], $0x128, $0x38;
	[tilespmem:$0x1C2F0] =	vst v63  }
0x23: {  	_ =	swait.ge [sflag:s15], $0x128  }
0x24: {  	[sflag:s15] =	ssyncset.done $0x0  }
0x25: {  	[sflag:s15] =	ssyncadd.s32 $0xFFFFFED8  }
0x26: {  	[tilespmem:s4], [sflag:$0x1] =	stream.indirect.gather [hbm4b:s1+s18], $0x40, s14, s18, $0xb8;
	[tilespmem:$0x1C2F0] =	vst v63  }
0x27: {  	p0 =	por $0x1, $0x1;
	s0 =	rddreg [dreg:$0x8]  }
0x28: {  	[tilespmem:s19], [sflag:$0x1] =	stream.indirect.gather [hbm4b:s1+s18], $0x40, s16, s18, $0xb8;
	[tilespmem:$0x1C2F0] =	vst v63  }
0x29: {  	s8 =	simm.s32 @!p0 $0xDE00;
	s9 =	simm.s32 @!p0 $0x3;
	s0 =	sadd.s32 @!p0 $0x0, s0  }
0x2a: {  	[tilespmem:s20], [sflag:$0x1] =	stream.indirect.gather [hbm4b:s1+s18], $0x40, s17, s18, $0xb8;
	[tilespmem:$0x1C2F0] =	vst v63  }
0x2b: {  	s11 =	simm.s32 @!p0 $0x40;
	s12 =	simm.s32 @!p0 $0xC0;
	s10 =	sadd.s32 @!p0 $0xFFFFE440, s0  }
0x2c: {  	[hbm4b:s10+s11] =	stream.strided.scatter @!p0 [tilespmem:s8], [sflag:$0x3], $0x4A00, s12, s11, $0x38;
	[tilespmem:$0x1C2F0] =	vst v63  }
0x2d: {  	_ =	swait.ge @!p0 [sflag:s9], $0x4A00  }
0x2e: {  	[sflag:s9] =	ssyncset.done @!p0 $0x0  }
0x2f: {  	s8 =	sadd.s32 @!p0 $0xFFFFE448, s0;
	s10 =	simm.s32 @!p0 $0x12800;
	[sflag:s9] =	ssyncadd.s32 @!p0 $0xFFFFB600  }
0x30: {  	[hbm4b:s8+s11] =	stream.strided.scatter @!p0 [tilespmem:s10], [sflag:$0x3], $0x4A00, s12, s11, $0x38;
	[tilespmem:$0x1C2F0] =	vst v63  }
0x31: {  	_ =	swait.ge @!p0 [sflag:s9], $0x4A00  }
0x32: {  	[sflag:s9] =	ssyncset.done @!p0 $0x0  }
0x33: {  	s0 =	sadd.s32 @!p0 $0xFFFFE450, s0;
	s8 =	simm.s32 @!p0 $0x17200;
	[sflag:s9] =	ssyncadd.s32 @!p0 $0xFFFFB600  }
0x34: {  	[hbm4b:s0+s11] =	stream.strided.scatter @!p0 [tilespmem:s8], [sflag:$0x3], $0x4A00, s12, s11, $0x38;
	[tilespmem:$0x1C2F0] =	vst v63  }
0x35: {  	s8 =	simm.s32 $0x0;
	_ =	swait.ge @!p0 [sflag:s9], $0x4A00  }
0x36: {  	s8 =	simm.s32 @p0 $0x0;
	s2 =	rddreg [dreg:$0x6]  }
0x37: {  	s0 =	sadd.s32 s8, s2  }
0x38: {  	[sflag:s9] =	ssyncset.done @!p0 $0x0;
	s0 =	sshrl.u32 s0, $0x3  }
0x39: {  	[sflag:s9] =	ssyncadd.s32 @!p0 $0xFFFFB600;
	s0 =	sadd.s32 s3, s0  }
0x3a: {  	[tilespmem:s21], [sflag:$0x3] =	stream.linear.gather [hbm4b:s0+s4], $0x128, $0x38;
	[tilespmem:$0x1C2F0] =	vst v63  }
0x3b: {  	_ =	swait.ge [sflag:s15], $0x128  }
0x3c: {  	[sflag:s15] =	ssyncset.done $0x0  }
0x3d: {  	s7 =	sadd.s32 $0x9400, s0;
	[sflag:s15] =	ssyncadd.s32 $0xFFFFFED8  }
0x3e: {  	[tilespmem:s22], [sflag:$0x3] =	stream.linear.gather [hbm4b:s7+s4], $0x128, $0x38;
	[tilespmem:$0x1C2F0] =	vst v63  }
0x3f: {  	_ =	swait.ge [sflag:s15], $0x128  }
0x40: {  	[sflag:s15] =	ssyncset.done $0x0  }
0x41: {  	s0 =	sadd.s32 $0x12800, s0;
	[sflag:s15] =	ssyncadd.s32 $0xFFFFFED8  }
0x42: {  	[tilespmem:s23], [sflag:$0x3] =	stream.linear.gather [hbm4b:s0+s4], $0x128, $0x38;
	[tilespmem:$0x1C2F0] =	vst v63  }
0x43: {  	_ =	swait.ge [sflag:s15], $0x128  }
0x44: {  	[sflag:s15] =	ssyncset.done $0x0  }
0x45: {  	[sflag:s15] =	ssyncadd.s32 $0xFFFFFED8  }
0x46: {  	_ =	swait.ge [sflag:s24], $0x4A00  }
0x47: {  	[sflag:s24] =	ssyncset.done $0x0  }
0x48: {  	[sflag:s24] =	ssyncadd.s32 $0xFFFFB600  }
0x49: {  	_ =	swait.ge [sflag:s24], $0x4A00  }
0x4a: {  	[sflag:s24] =	ssyncset.done $0x0  }
0x4b: {  	[sflag:s24] =	ssyncadd.s32 $0xFFFFB600  }
0x4c: {  	_ =	swait.ge [sflag:s24], $0x4A00  }
0x4d: {  	[sflag:s24] =	ssyncset.done $0x0  }
0x4e: {  	[sflag:s24] =	ssyncadd.s32 $0xFFFFB600  }
0x4f: {  	[tilespmem:s25], [sflag:$0x2] =	stream.indirect.gather [hbm4b:s1+s18], $0x40, s21, s18, $0xb8;
	[tilespmem:$0x1C2F0] =	vst v63  }
0x50: {  	s10 =	sadd.s32 s5, s8  }
0x51: {  	[tilespmem:s26], [sflag:$0x2] =	stream.indirect.gather [hbm4b:s1+s18], $0x40, s22, s18, $0xb8;
	[tilespmem:$0x1C2F0] =	vst v63  }
0x52: {  	s0 =	smul.u32 $0x18, s10  }
0x53: {  	[tilespmem:s28], [sflag:$0x2] =	stream.indirect.gather [hbm4b:s1+s18], $0x40, s23, s18, $0xb8;
	[tilespmem:$0x1C2F0] =	vst v63  }
0x54: {  	s11 =	sadd.s32 s6, s0  }
0x55: {  	[hbm4b:s11+s29] =	stream.strided.scatter [tilespmem:s4], [sflag:$0x3], $0x4A00, s30, s29, $0x38;
	[tilespmem:$0x1C2F0] =	vst v63  }
0x56: {  	_ =	swait.ge [sflag:s15], $0x4A00  }
0x57: {  	s12 =	rddreg [dreg:$0x4];
	[sflag:s15] =	ssyncset.done $0x0  }
0x58: {  	[sflag:s15] =	ssyncadd.s32 $0xFFFFB600;
	s9 =	sadd.s32 s0, s12  }
0x59: {  	[hbm4b:s9+s29] =	stream.strided.scatter [tilespmem:s19], [sflag:$0x3], $0x4A00, s30, s29, $0x38;
	[tilespmem:$0x1C2F0] =	vst v63  }
0x5a: {  	_ =	swait.ge [sflag:s15], $0x4A00  }
0x5b: {  	s13 =	rddreg [dreg:$0x5];
	[sflag:s15] =	ssyncset.done $0x0  }
0x5c: {  	[sflag:s15] =	ssyncadd.s32 $0xFFFFB600;
	s0 =	sadd.s32 s0, s13  }
0x5d: {  	[hbm4b:s0+s29] =	stream.strided.scatter [tilespmem:s20], [sflag:$0x3], $0x4A00, s30, s29, $0x38;
	[tilespmem:$0x1C2F0] =	vst v63  }
0x5e: {  	_ =	swait.ge [sflag:s15], $0x4A00  }
0x5f: {  	p0 =	por $0x0, $0x0;
	s0 =	rddreg [dreg:$0x7]  }
0x60: {  	s10 =	simm.s32 @!p0 $0x3;
	s0 =	sadd.s32 @!p0 s8, s0  }
0x61: {  	s9 =	simm.s32 @!p0 $0x0;
	[sflag:s15] =	ssyncset.done $0x0;
	s0 =	sshrl.u32 @!p0 s0, $0x3  }
0x62: {  	s8 =	simm.s32 @!p0 $0x1BC00;
	[sflag:s15] =	ssyncadd.s32 $0xFFFFB600;
	s0 =	sadd.s32 @!p0 s3, s0  }
0x63: {  	[tilespmem:s8], [sflag:$0x3] =	stream.linear.gather @!p0 [hbm4b:s0+s9], $0x128, $0x38;
	[tilespmem:$0x1C2F0] =	vst v63  }
0x64: {  	_ =	swait.ge @!p0 [sflag:s10], $0x128  }
0x65: {  	[sflag:s10] =	ssyncset.done @!p0 $0x0  }
0x66: {  	s11 =	simm.s32 @!p0 $0x1BD28;
	s8 =	sadd.s32 @!p0 $0x9400, s0;
	[sflag:s10] =	ssyncadd.s32 @!p0 $0xFFFFFED8  }
0x67: {  	[tilespmem:s11], [sflag:$0x3] =	stream.linear.gather @!p0 [hbm4b:s8+s9], $0x128, $0x38;
	[tilespmem:$0x1C2F0] =	vst v63  }
0x68: {  	_ =	swait.ge @!p0 [sflag:s10], $0x128  }
0x69: {  	[sflag:s10] =	ssyncset.done @!p0 $0x0  }
0x6a: {  	s0 =	sadd.s32 @!p0 $0x12800, s0;
	s8 =	simm.s32 @!p0 $0x1BE50;
	[sflag:s10] =	ssyncadd.s32 @!p0 $0xFFFFFED8  }
0x6b: {  	[tilespmem:s8], [sflag:$0x3] =	stream.linear.gather @!p0 [hbm4b:s0+s9], $0x128, $0x38;
	[tilespmem:$0x1C2F0] =	vst v63  }
0x6c: {  	_ =	swait.ge @!p0 [sflag:s10], $0x128  }
0x6d: {  	[sflag:s10] =	ssyncset.done @!p0 $0x0  }
0x6e: {  	[sflag:s10] =	ssyncadd.s32 @!p0 $0xFFFFFED8  }
0x6f: {  	_ =	swait.ge [sflag:s31], $0x4A00  }
0x70: {  	[sflag:s31] =	ssyncset.done $0x0  }
0x71: {  	[sflag:s31] =	ssyncadd.s32 $0xFFFFB600  }
0x72: {  	_ =	swait.ge [sflag:s31], $0x4A00  }
0x73: {  	[sflag:s31] =	ssyncset.done $0x0  }
0x74: {  	[sflag:s31] =	ssyncadd.s32 $0xFFFFB600  }
0x75: {  	s0 =	simm.s32 $0x3780;
	s10 =	simm.s32 $0x0;
	_ =	swait.ge [sflag:s31], $0x4A00  }
.LBB2_2:
0x76: {  	[sflag:s31] =	ssyncset.done $0x0  }
0x77: {  	s9 =	smov.u32 s0;
	[sflag:s31] =	ssyncadd.s32 $0xFFFFB600  }
0x78: {  	[tilespmem:s4], [sflag:$0x1] =	stream.indirect.gather [hbm4b:s1+s18], $0x40, s14, s18, $0xb8;
	[tilespmem:$0x1C2F0] =	vst v63  }
0x79: {  	s8 =	rddreg [dreg:$0x8];
	p1 =	seq.s32 s9, $0x0  }
0x7a: {  	[tilespmem:s19], [sflag:$0x1] =	stream.indirect.gather [hbm4b:s1+s18], $0x40, s16, s18, $0xb8;
	[tilespmem:$0x1C2F0] =	vst v63  }
0x7b: {  	s8 =	sadd.s32 @!p1 s9, s8;
	s11 =	simm.s32 @!p1 $0xDE00;
	s12 =	simm.s32 @!p1 $0x3  }
0x7c: {  	[tilespmem:s20], [sflag:$0x1] =	stream.indirect.gather [hbm4b:s1+s18], $0x40, s17, s18, $0xb8;
	[tilespmem:$0x1C2F0] =	vst v63  }
0x7d: {  	s7 =	simm.s32 @!p1 $0x40;
	s2 =	simm.s32 @!p1 $0xC0;
	s13 =	sadd.s32 @!p1 $0xFFFFE440, s8  }
0x7e: {  	[hbm4b:s13+s7] =	stream.strided.scatter @!p1 [tilespmem:s11], [sflag:$0x3], $0x4A00, s2, s7, $0x38;
	[tilespmem:$0x1C2F0] =	vst v63  }
0x7f: {  	_ =	swait.ge @!p1 [sflag:s12], $0x4A00  }
0x80: {  	s11 =	sadd.s32 @!p1 $0xFFFFE450, s8;
	[sflag:s12] =	ssyncset.done @!p1 $0x0  }
0x81: {  	s8 =	sadd.s32 @!p1 $0xFFFFE448, s8;
	s13 =	simm.s32 @!p1 $0x12800;
	[sflag:s12] =	ssyncadd.s32 @!p1 $0xFFFFB600  }
0x82: {  	[hbm4b:s8+s7] =	stream.strided.scatter @!p1 [tilespmem:s13], [sflag:$0x3], $0x4A00, s2, s7, $0x38;
	[tilespmem:$0x1C2F0] =	vst v63  }
0x83: {  	_ =	swait.ge @!p1 [sflag:s12], $0x4A00  }
0x84: {  	[sflag:s12] =	ssyncset.done @!p1 $0x0  }
0x85: {  	s10 =	sadd.s32 $0x250, s10;
	s8 =	simm.s32 @!p1 $0x17200;
	[sflag:s12] =	ssyncadd.s32 @!p1 $0xFFFFB600  }
0x86: {  	[hbm4b:s11+s7] =	stream.strided.scatter @!p1 [tilespmem:s8], [sflag:$0x3], $0x4A00, s2, s7, $0x38;
	[tilespmem:$0x1C2F0] =	vst v63  }
0x87: {  	s8 =	smov.u32 s10;
	_ =	swait.ge @!p1 [sflag:s12], $0x4A00  }
0x88: {  	s8 =	simm.s32 @p1 $0x0;
	s11 =	rddreg [dreg:$0x6]  }
0x89: {  	s2 =	sadd.s32 s8, s11  }
0x8a: {  	[sflag:s12] =	ssyncset.done @!p1 $0x0;
	s2 =	sshrl.u32 s2, $0x3  }
0x8b: {  	[sflag:s12] =	ssyncadd.s32 @!p1 $0xFFFFB600;
	s2 =	sadd.s32 s3, s2  }
0x8c: {  	[tilespmem:s21], [sflag:$0x3] =	stream.linear.gather [hbm4b:s2+s4], $0x128, $0x38;
	[tilespmem:$0x1C2F0] =	vst v63  }
0x8d: {  	_ =	swait.ge [sflag:s15], $0x128  }
0x8e: {  	[sflag:s15] =	ssyncset.done $0x0  }
0x8f: {  	s13 =	sadd.s32 $0x9400, s2;
	[sflag:s15] =	ssyncadd.s32 $0xFFFFFED8  }
0x90: {  	[tilespmem:s22], [sflag:$0x3] =	stream.linear.gather [hbm4b:s13+s4], $0x128, $0x38;
	[tilespmem:$0x1C2F0] =	vst v63  }
0x91: {  	_ =	swait.ge [sflag:s15], $0x128  }
0x92: {  	[sflag:s15] =	ssyncset.done $0x0  }
0x93: {  	s2 =	sadd.s32 $0x12800, s2;
	[sflag:s15] =	ssyncadd.s32 $0xFFFFFED8  }
0x94: {  	[tilespmem:s23], [sflag:$0x3] =	stream.linear.gather [hbm4b:s2+s4], $0x128, $0x38;
	[tilespmem:$0x1C2F0] =	vst v63  }
0x95: {  	_ =	swait.ge [sflag:s15], $0x128  }
0x96: {  	[sflag:s15] =	ssyncset.done $0x0  }
0x97: {  	[sflag:s15] =	ssyncadd.s32 $0xFFFFFED8  }
0x98: {  	_ =	swait.ge [sflag:s24], $0x4A00  }
0x99: {  	[sflag:s24] =	ssyncset.done $0x0  }
0x9a: {  	[sflag:s24] =	ssyncadd.s32 $0xFFFFB600  }
0x9b: {  	_ =	swait.ge [sflag:s24], $0x4A00  }
0x9c: {  	[sflag:s24] =	ssyncset.done $0x0  }
0x9d: {  	[sflag:s24] =	ssyncadd.s32 $0xFFFFB600  }
0x9e: {  	_ =	swait.ge [sflag:s24], $0x4A00  }
0x9f: {  	[sflag:s24] =	ssyncset.done $0x0  }
0xa0: {  	[sflag:s24] =	ssyncadd.s32 $0xFFFFB600  }
0xa1: {  	[tilespmem:s25], [sflag:$0x2] =	stream.indirect.gather [hbm4b:s1+s18], $0x40, s21, s18, $0xb8;
	[tilespmem:$0x1C2F0] =	vst v63  }
0xa2: {  	s7 =	sadd.s32 s5, s8  }
0xa3: {  	[tilespmem:s26], [sflag:$0x2] =	stream.indirect.gather [hbm4b:s1+s18], $0x40, s22, s18, $0xb8;
	[tilespmem:$0x1C2F0] =	vst v63  }
0xa4: {  	s11 =	smul.u32 $0x18, s7  }
0xa5: {  	[tilespmem:s28], [sflag:$0x2] =	stream.indirect.gather [hbm4b:s1+s18], $0x40, s23, s18, $0xb8;
	[tilespmem:$0x1C2F0] =	vst v63  }
0xa6: {  	s7 =	sadd.s32 s6, s11  }
0xa7: {  	[hbm4b:s7+s29] =	stream.strided.scatter [tilespmem:s4], [sflag:$0x3], $0x4A00, s30, s29, $0x38;
	[tilespmem:$0x1C2F0] =	vst v63  }
0xa8: {  	_ =	swait.ge [sflag:s15], $0x4A00  }
0xa9: {  	s12 =	rddreg [dreg:$0x4];
	[sflag:s15] =	ssyncset.done $0x0  }
0xaa: {  	[sflag:s15] =	ssyncadd.s32 $0xFFFFB600;
	s7 =	sadd.s32 s11, s12  }
0xab: {  	[hbm4b:s7+s29] =	stream.strided.scatter [tilespmem:s19], [sflag:$0x3], $0x4A00, s30, s29, $0x38;
	[tilespmem:$0x1C2F0] =	vst v63  }
0xac: {  	_ =	swait.ge [sflag:s15], $0x4A00  }
0xad: {  	s13 =	rddreg [dreg:$0x5];
	[sflag:s15] =	ssyncset.done $0x0  }
0xae: {  	[sflag:s15] =	ssyncadd.s32 $0xFFFFB600;
	s2 =	sadd.s32 s11, s13  }
0xaf: {  	[hbm4b:s2+s29] =	stream.strided.scatter [tilespmem:s20], [sflag:$0x3], $0x4A00, s30, s29, $0x38;
	[tilespmem:$0x1C2F0] =	vst v63  }
0xb0: {  	_ =	swait.ge [sflag:s15], $0x4A00  }
0xb1: {  	p1 =	seq.s32 s9, $0x34080;
	s2 =	rddreg [dreg:$0x7]  }
0xb2: {  	s9 =	simm.s32 @!p1 $0x3;
	s2 =	sadd.s32 @!p1 s8, s2  }
0xb3: {  	s7 =	simm.s32 @!p1 $0x1BC00;
	[sflag:s15] =	ssyncset.done $0x0;
	s2 =	sshrl.u32 @!p1 s2, $0x3  }
0xb4: {  	[sflag:s15] =	ssyncadd.s32 $0xFFFFB600;
	s8 =	simm.s32 @!p1 $0x0;
	s2 =	sadd.s32 @!p1 s3, s2  }
0xb5: {  	[tilespmem:s7], [sflag:$0x3] =	stream.linear.gather @!p1 [hbm4b:s2+s8], $0x128, $0x38;
	[tilespmem:$0x1C2F0] =	vst v63  }
0xb6: {  	_ =	swait.ge @!p1 [sflag:s9], $0x128  }
0xb7: {  	[sflag:s9] =	ssyncset.done @!p1 $0x0  }
0xb8: {  	s11 =	simm.s32 @!p1 $0x1BD28;
	s7 =	sadd.s32 @!p1 $0x9400, s2;
	[sflag:s9] =	ssyncadd.s32 @!p1 $0xFFFFFED8  }
0xb9: {  	[tilespmem:s11], [sflag:$0x3] =	stream.linear.gather @!p1 [hbm4b:s7+s8], $0x128, $0x38;
	[tilespmem:$0x1C2F0] =	vst v63  }
0xba: {  	_ =	swait.ge @!p1 [sflag:s9], $0x128  }
0xbb: {  	[sflag:s9] =	ssyncset.done @!p1 $0x0  }
0xbc: {  	s2 =	sadd.s32 @!p1 $0x12800, s2;
	s7 =	simm.s32 @!p1 $0x1BE50;
	[sflag:s9] =	ssyncadd.s32 @!p1 $0xFFFFFED8  }
0xbd: {  	[tilespmem:s7], [sflag:$0x3] =	stream.linear.gather @!p1 [hbm4b:s2+s8], $0x128, $0x38;
	[tilespmem:$0x1C2F0] =	vst v63  }
0xbe: {  	_ =	swait.ge @!p1 [sflag:s9], $0x128  }
0xbf: {  	[sflag:s9] =	ssyncset.done @!p1 $0x0  }
0xc0: {  	[sflag:s9] =	ssyncadd.s32 @!p1 $0xFFFFFED8  }
0xc1: {  	s0 =	sadd.s32 $0x3780, s0;
	_ =	swait.ge [sflag:s31], $0x4A00  }
0xc2: {  	p0 =	sne.s32 s0, $0x37800;
	[sflag:s31] =	ssyncset.done $0x0  }
.Ltmp0:
0xc3: {  	[sflag:s31] =	ssyncadd.s32 $0xFFFFB600;
	(pc) =	sbr.rel @p0 .LBB2_2-.Ltmp0, $4  }
0xc4: {  	_ =	swait.ge [sflag:s31], $0x4A00  }
0xc5: {  	[sflag:s31] =	ssyncset.done $0x0  }
0xc6: {  	[sflag:s31] =	ssyncadd.s32 $0xFFFFB600  }
0xc7: {  	_ =	swait.ge [sflag:s31], $0x4A00  }
0xc8: {  	[sflag:s31] =	ssyncset.done $0x0  }
0xc9: {  	s0 =	rddreg [dreg:$0xc];
	[sflag:s31] =	ssyncadd.s32 $0xFFFFB600  }
0xca: {  	[hbm4b:s0+s29] =	stream.strided.scatter [tilespmem:s25], [sflag:$0x3], $0x4A00, s30, s29, $0x38;
	[tilespmem:$0x1C2F0] =	vst v63  }
0xcb: {  	_ =	swait.ge [sflag:s15], $0x4A00  }
0xcc: {  	[sflag:s15] =	ssyncset.done $0x0  }
0xcd: {  	s11 =	rddreg [dreg:$0xd];
	[sflag:s15] =	ssyncadd.s32 $0xFFFFB600  }
0xce: {  	[hbm4b:s11+s29] =	stream.strided.scatter [tilespmem:s26], [sflag:$0x3], $0x4A00, s30, s29, $0x38;
	[tilespmem:$0x1C2F0] =	vst v63  }
0xcf: {  	_ =	swait.ge [sflag:s15], $0x4A00  }
0xd0: {  	[sflag:s15] =	ssyncset.done $0x0  }
0xd1: {  	s12 =	rddreg [dreg:$0xe];
	[sflag:s15] =	ssyncadd.s32 $0xFFFFB600  }
0xd2: {  	[hbm4b:s12+s29] =	stream.strided.scatter [tilespmem:s28], [sflag:$0x3], $0x4A00, s30, s29, $0x38;
	[tilespmem:$0x1C2F0] =	vst v63  }
0xd3: {  	_ =	swait.ge [sflag:s15], $0x4A00  }
0xd4: {  	s2 =	rddreg [dreg:$0x10]  }
0xd5: {  	s13 =	rddreg [dreg:$0xf];
	s2 =	sadd.s32 $0x1, s2  }
0xd6: {  	p0 =	sne.s32 s2, s13  }
.Ltmp1:
0xd7: {  	_ = 	snop;
	(pc) =	sbr.rel @p0 .LBB2_1-.Ltmp1, $3  }
0xd8: {  	_ =	sdelay $0x1  }
0xd9: {  	[sflag:s15] =	ssyncset.done $0x0  }
0xda: {  	[sflag:s15] =	ssyncadd.s32 $0xFFFFB600  }
0xdb: {  	_ =	sfence.sel $0x180000  }
0xdc: {  	[bflag:$0x0] =	sbarrier.arrive $0xFFFF  }
0xdd: {  	_ =	strace $0x90000047  }
0xde: {  	s0 =	stileid.u32;
	[bflag:$0x2] =	sbarrier.arrive $0xFFFF  }
0xdf: {  	p0 =	sne.s32 s0, $0x0;
	s0 =	rddreg [dreg:$0x3]  }
0xe0: {  	s0 =	sadd.s32 @!p0 $0x100000, s0  }
0xe1: {  	[sflag:s0] =	ssyncadd.tile.s32 @!p0 $0x1;
	_ =	shalt  }
.Lfunc_end2:
_tile_overlayer_lowered:
.L_overlay_start_2:
0xe2: {  	(tag) =	ssettag $0x2  }
0xe3: {  	s0 =	rddreg [dreg:$0x0];
	s2 =	stileid.u32  }
0xe4: {  	s1 =	rddreg [dreg:$0x1];
	p0 =	sne.s32 s2, $0x0  }
0xe5: {  	s3 =	rddreg [dreg:$0x2];
	[bflag:$0x3] =	sbarrier.arrive $0xFFFF;
	s2 =	simm.s32 @!p0 $0x1C03  }
0xe6: {  	[timem:s3], [sflag:s2] =	dma.local @!p0 [hbm:s0], s1  }
0xe7: {  	s0 =	simm.s32 @!p0 $0x3  }
0xe8: {  	_ =	swait.ge @!p0 [sflag:s0], s1  }
0xe9: {  	s1 =	ssub.s32 @!p0 $0x0, s1;
	[sflag:s0] =	ssyncset.done @!p0 $0x0  }
0xea: {  	[sflag:s0] =	ssyncadd.s32 @!p0 s1  }
0xeb: {  	[bflag:$0x3] =	sbarrier.arrive $0xFFFF  }
0xec: {  	_ =	shalt  }

// kernel: kernel.19.cloned.1.call-start
scs
__scs_entry_jumppad:
0x0: {  	(pc) =	sbr.rel $0x88, $3  }
0x1: {  	(tag) =	ssettag $0x0;
	lr =	simm.s32 $0x1  }
0x2: {  	[smem:$0x3F79] =	sst lr;
	_ =	strace $0xD0000000  }
0x3: {  	_ = 	snop  }
0x4: {  	_ = 	snop  }
0x5: {  	_ = 	snop  }
0x6: {  	_ = 	snop  }
0x7: {  	_ = 	snop  }
__scs_overlays_trampoline_lowered:
0x8: {  	[smem:$0x3F88] =	sst s0  }
0x9: {  	[smem:$0x3F89] =	sst s1  }
0xa: {  	[smem:$0x3F8A] =	sst s2  }
0xb: {  	[smem:$0x3F8B] =	sst s3  }
0xc: {  	[smem:$0x3F8C] =	sst s4  }
0xd: {  	[smem:$0x3F8D] =	sst s5  }
0xe: {  	[smem:$0x3F8E] =	sst s6  }
0xf: {  	[smem:$0x3F8F] =	sst s7  }
0x10: {  	[smem:$0x3F90] =	sst s8  }
0x11: {  	[smem:$0x3F91] =	sst s9;
	s0 =	simm.s32 @!p0 $0x0  }
0x12: {  	s1 =	sld [smem:$0x3F77];
	s0 =	simm.s32 @p0 $0x1  }
0x13: {  	[smem:$0x3F92] =	sst s0;
	s0 =	simm.s32 @!p1 $0x0  }
0x14: {  	s2 =	sld [smem:$0x3F76];
	s0 =	simm.s32 @p1 $0x1  }
0x15: {  	[smem:$0x3F93] =	sst s0;
	s0 =	simm.s32 @!p2 $0x0  }
0x16: {  	s3 =	sld [smem:$0x3FDB];
	s0 =	simm.s32 @p2 $0x1  }
0x17: {  	s4 =	simm.s32 $0x1BF5;
	[smem:$0x3F95] =	sst s0  }
0x18: {  	s0 =	sld [smem:$0x3F78];
	_ =	swait.ge [sflag:s4], $0x0  }
0x19: {  	s7 =	sld [smem:$0x3F79]  }
0x1a: {  	s8 =	sadd.s32 $0xFFFFE003, lr  }
0x1b: {  	s9 =	sadd.s32 $0xFFFFFEF7, lr;
	s5 =	simm.s32 $0xFFFFFFFF;
	p2 =	slt.u32 s8, $0xFFFFF086  }
0x1c: {  	p1 =	slt.u32 s9, $0xF7A;
	s5 =	simm.s32 @!p2 $0x0  }
0x1d: {  	s5 =	simm.s32 @p1 $0x1;
	p0 =	seq.s32 s7, s2  }
0x1e: {  	s7 =	smul.u32 @!p0 $0xF7A, s2;
	p2 =	seq.s32 @!p0 s5, $0x0  }
0x1f: {  	s9 =	smul.u32 $0xF7A, s1;
	s8 =	simm.s32 @!p0 $0x1BF5;
	p2 =	por !p2, p0  }
0x20: {  	[sflag:s8] =	ssyncset.s32 @!p0 $0xFFFFF086;
	s6 =	sadd.s32 @!p0 s3, s7;
	s7 =	simm.s32 @!p0 $0x108  }
0x21: {  	s3 =	sadd.s32 s3, s9;
	s6 =	sadd.s32 @!p0 $0x88, s6;
	s7 =	simm.s32 @p2 $0x1082  }
0x22: {  	[simem:s7], [sflag:s8] =	dma.local @!p0 [hbm:s6], $0xF7A  }
0x23: {  	s9 =	sor.u32 $0xD0000000, s2;
	s6 =	simm.s32 $0x108;
	_ =	swait.ge @!p0 [sflag:s8], $0x0  }
0x24: {  	s3 =	sadd.s32 $0x88, s3;
	s6 =	simm.s32 @!p1 $0x1082;
	[sflag:s4] =	ssyncset.s32 $0xFFFFF086  }
0x25: {  	[simem:s6], [sflag:s4] =	dma.local [hbm:s3], $0xF7A  }
0x26: {  	[smem:$0x3F79] =	sst s1;
	(tag) =	ssettag s2;
	_ =	strace s9  }
0x27: {  	s1 =	sld [smem:$0x3F89]  }
0x28: {  	s2 =	sld [smem:$0x3F8A]  }
0x29: {  	s4 =	sld [smem:$0x3F8C]  }
0x2a: {  	p0 =	seq.s32 s5, $0x0;
	s5 =	sld [smem:$0x3F8D]  }
0x2b: {  	s6 =	sld [smem:$0x3F8E]  }
0x2c: {  	s7 =	sld [smem:$0x3F8F]  }
0x2d: {  	s3 =	simm.s32 $0x108;
	s8 =	sld [smem:$0x3F90]  }
0x2e: {  	s3 =	simm.s32 @!p0 $0x1082;
	s9 =	sld [smem:$0x3F91]  }
0x2f: {  	lr =	sadd.s32 s0, s3;
	s0 =	sld [smem:$0x3F88]  }
0x30: {  	s3 =	sld [smem:$0x3F8B]  }
0x31: {  	[smem:$0x3F94] =	sst s10  }
0x32: {  	s10 =	sld [smem:$0x3F92];
	_ =	sdelay $0x3  }
0x33: {  	p0 =	seq.s32 s10, $0x1;
	s10 =	sld [smem:$0x3F94];
	_ =	sdelay $0x3  }
0x34: {  	[smem:$0x3F94] =	sst s10  }
0x35: {  	s10 =	sld [smem:$0x3F93];
	_ =	sdelay $0x3  }
0x36: {  	p1 =	seq.s32 s10, $0x1;
	s10 =	sld [smem:$0x3F94];
	_ =	sdelay $0x3  }
0x37: {  	[smem:$0x3F94] =	sst s10  }
0x38: {  	s10 =	sld [smem:$0x3F95]  }
0x39: {  	_ = 	snop;
	(pc) =	sbr.ind lr, $3  }
0x3a: {  	_ = 	snop  }
0x3b: {  	_ = 	snop  }
0x3c: {  	p2 =	seq.s32 s10, $0x1;
	s10 =	sld [smem:$0x3F94]  }
0x3d: {  	_ =	shalt  }
0x3e: {  	_ =	shalt  }
0x3f: {  	_ =	shalt  }
0x40: {  	_ =	shalt  }
0x41: {  	_ =	shalt  }
0x42: {  	_ =	shalt  }
0x43: {  	_ =	shalt  }
0x44: {  	_ =	shalt  }
0x45: {  	_ =	shalt  }
0x46: {  	_ =	shalt  }
0x47: {  	_ =	shalt  }
0x48: {  	_ =	shalt  }
0x49: {  	_ =	shalt  }
0x4a: {  	_ =	shalt  }
0x4b: {  	_ =	shalt  }
0x4c: {  	_ =	shalt  }
0x4d: {  	_ =	shalt  }
0x4e: {  	_ =	shalt  }
0x4f: {  	_ =	shalt  }
0x50: {  	_ =	shalt  }
0x51: {  	_ =	shalt  }
0x52: {  	_ =	shalt  }
0x53: {  	_ =	shalt  }
0x54: {  	_ =	shalt  }
0x55: {  	_ =	shalt  }
0x56: {  	_ =	shalt  }
0x57: {  	_ =	shalt  }
0x58: {  	_ =	shalt  }
0x59: {  	_ =	shalt  }
0x5a: {  	_ =	shalt  }
0x5b: {  	_ =	shalt  }
0x5c: {  	_ =	shalt  }
0x5d: {  	_ =	shalt  }
0x5e: {  	_ =	shalt  }
0x5f: {  	_ =	shalt  }
0x60: {  	_ =	shalt  }
0x61: {  	_ =	shalt  }
0x62: {  	_ =	shalt  }
0x63: {  	_ =	shalt  }
0x64: {  	_ =	shalt  }
0x65: {  	_ =	shalt  }
0x66: {  	_ =	shalt  }
0x67: {  	_ =	shalt  }
0x68: {  	_ =	shalt  }
0x69: {  	_ =	shalt  }
0x6a: {  	_ =	shalt  }
0x6b: {  	_ =	shalt  }
0x6c: {  	_ =	shalt  }
0x6d: {  	_ =	shalt  }
0x6e: {  	_ =	shalt  }
0x6f: {  	_ =	shalt  }
0x70: {  	_ =	shalt  }
0x71: {  	_ =	shalt  }
0x72: {  	_ =	shalt  }
0x73: {  	_ =	shalt  }
0x74: {  	_ =	shalt  }
0x75: {  	_ =	shalt  }
0x76: {  	_ =	shalt  }
0x77: {  	_ =	shalt  }
0x78: {  	_ =	shalt  }
0x79: {  	_ =	shalt  }
0x7a: {  	_ =	shalt  }
0x7b: {  	_ =	shalt  }
0x7c: {  	_ =	shalt  }
0x7d: {  	_ =	shalt  }
0x7e: {  	_ =	shalt  }
0x7f: {  	_ =	shalt  }
0x80: {  	_ =	shalt  }
0x81: {  	_ =	shalt  }
0x82: {  	_ =	shalt  }
0x83: {  	_ =	shalt  }
0x84: {  	_ =	shalt  }
0x85: {  	_ =	shalt  }
0x86: {  	_ =	shalt  }
0x87: {  	_ =	shalt  }
.Lfunc_end0:
.L_simem_size_0:
called_computation.3_lowered:
.L_overlay_start_0:
0x88: {  	s2 =	sld [smem:$0x3FD9]  }
0x89: {  	s3 =	sld [smem:$0x3FFE];
	_ =	sdelay $0x1  }
0x8a: {  	s1 =	srdreg.scid  }
0x8b: {  	s0 =	sand.u32 $0x1, s1  }
0x8c: {  	s15 =	sshll.u32 s0, $0xA;
	s2 =	sadd.s32 s3, s2  }
0x8d: {  	s2 =	sadd.s32 s2, s15  }
0x8e: {  	[smem:$0x3FA0] =	sst s2  }
0x8f: {  	_ = 	snop  }
0x90: {  	s2 =	sld [smem:$0x3FD0];
	_ =	sdelay $0x2  }
0x91: {  	s16 =	simm.s32 $0xD;
	s4 =	simm.s32 $0x10  }
0x92: {  	[smem:s4], [sflag:s16] =	dma.local [hbm:s2], $0x1  }
0x93: {  	_ =	swait.eq [sflag:s16], $0x1  }
0x94: {  	[sflag:s16] =	ssyncset.done $0x0  }
0x95: {  	[sflag:s16] =	ssyncadd.s32 $0xFFFFFFFF  }
0x96: {  	s17 =	sld [smem:$0x12];
	(tm) =	ssettm $0x1  }
0x97: {  	s18 =	sld [smem:$0x3FFB];
	_ =	sdelay $0x3  }
0x98: {  	_ =	strace s18  }
0x99: {  	s2 =	sld [smem:$0x3FFC];
	_ =	sdelay $0x3  }
0x9a: {  	_ =	strace s2  }
0x9b: {  	s2 =	sld [smem:$0x3FFD];
	_ =	sdelay $0x3  }
0x9c: {  	_ =	strace s2  }
0x9d: {  	_ =	strace $0x8FFFFFFF  }
0x9e: {  	s19 =	sld [smem:$0x3FDB];
	_ =	sdelay $0x1  }
0x9f: {  	s20 =	simm.s32 $_scs_section_size  }
0xa0: {  	s5 =	simm.s32 $_size__tile_overlayer_lowered;
	s6 =	simm.s32 $_tile_overlayer_lowered  }
0xa1: {  	s7 =	simm.s32 $0x1BFF;
	s21 =	sshll.u32 s6, $0x1;
	s4 =	sadd.s32 s20, s19  }
0xa2: {  	s22 =	simm.s32 $0x0;
	s5 =	sshll.u32 s5, $0x1;
	s6 =	sadd.s32 s21, s4  }
0xa3: {  	[timem:s22], [sflag:s7] =	dma.local [hbm:s6], s5  }
0xa4: {  	_ =	swait.ge [sflag:s7], s5  }
0xa5: {  	s5 =	ssub.s32 $0x0, s5;
	[sflag:s7] =	ssyncset.done $0x0  }
0xa6: {  	[sflag:s7] =	ssyncadd.s32 s5;
	_ =	sdelay $0x1  }
0xa7: {  	s23 =	simm.s32 $0x1B8B  }
0xa8: {  	_ =	swait.ge [sflag:s23], $0x1  }
0xa9: {  	[sflag:s23] =	ssyncset.done $0x0  }
0xaa: {  	[sflag:s23] =	ssyncadd.s32 $0xFFFFFFFF  }
0xab: {  	s5 =	sld [smem:$0x0]  }
0xac: {  	s6 =	sand.u32 $0xFFFFFFFE, s1  }
0xad: {  	p0 =	sne.s32 s1, s6  }
0xae: {  	s6 =	sshll.u32 @p0 s6, $0xE  }
0xaf: {  	s6 =	sadd.s32 @p0 $0x11B8D, s6;
	s7 =	sshll.u32 @p0 s5, $0x11  }
0xb0: {  	s6 =	sor.u32 @p0 s7, s6  }
0xb1: {  	[sflag:s6] =	ssyncadd.remote.s32 @p0 $0x1;
	_ =	sdelay $0x1  }
0xb2: {  	s6 =	simm.s32 @p0 $0x1B8D  }
0xb3: {  	_ =	swait.eq @p0 [sflag:s6], $0x1  }
0xb4: {  	[sflag:s6] =	ssyncadd.s32 @p0 $0xFFFFFFFF  }
0xb5: {  	s7 =	sshll.u32 @!p0 s1, $0xE  }
0xb6: {  	s7 =	sor.u32 @!p0 $0x4000, s7;
	s6 =	simm.s32 @!p0 $0x1B8D  }
0xb7: {  	s5 =	sshll.u32 @!p0 s5, $0x11;
	s7 =	sadd.s32 @!p0 $0x11B8D, s7;
	_ =	swait.eq @!p0 [sflag:s6], $0x1  }
0xb8: {  	s5 =	sor.u32 @!p0 s5, s7;
	[sflag:s6] =	ssyncadd.s32 @!p0 $0xFFFFFFFF  }
0xb9: {  	s25 =	simm.s32 $0x1B8E;
	s24 =	sld [smem:$0x3FFE];
	[sflag:s5] =	ssyncadd.remote.s32 @!p0 $0x1  }
0xba: {  	s26 =	simm.s32 $execute0_lowered;
	[smem:$0x3FD2] =	sst s25  }
0xbb: {  	s6 =	sshll.u32 s26, $0x1;
	_ =	strace $0x80000049;
	[dreg:$0x1] =	wrdreg $0xFFFFFFFF  }
0xbc: {  	s28 =	simm.s32 $_size_execute0_lowered;
	s4 =	sadd.s32 s4, s6;
	[dreg:$0x0] =	wrdreg $0x0  }
0xbd: {  	s6 =	sshll.u32 s28, $0x1;
	[dreg:$0x2] =	wrdreg s4  }
0xbe: {  	[dreg:$0x3] =	wrdreg s6  }
0xbf: {  	[dreg:$0x4] =	wrdreg $0xC0  }
0xc0: {  	_ =	task [dreg:s22], $0x5FFFF  }
0xc1: {  	[dreg:$0x1] =	wrdreg $0xFFFFFFFF  }
0xc2: {  	[dreg:$0x0] =	wrdreg $0x60  }
0xc3: {  	[dreg:$0x2] =	wrdreg s17  }
0xc4: {  	[dreg:$0x3] =	wrdreg s24  }
0xc5: {  	[dreg:$0x4] =	wrdreg $0xC  }
0xc6: {  	_ =	task.clear_ibuf [dreg:s22], $0x5FFFF;
	_ =	strace $0x90000049  }
0xc7: {  	s29 =	simm.s32 $0xC;
	_ =	strace $0x8000004B  }
0xc8: {  	_ =	swait.ge [sflag:s29], $0x1  }
0xc9: {  	[sflag:s29] =	ssyncadd.s32 $0xFFFFFFFF  }
0xca: {  	_ =	strace $0x9000004B  }
0xcb: {  	_ =	sfence  }
0xcc: {  	s30 =	sld [smem:$0x0];
	_ =	sdelay $0x2  }
0xcd: {  	s31 =	sshll.u32 s1, $0xD;
	s1 =	sshrl.u32 s1, $0x2  }
0xce: {  	s4 =	sand.u32 $0x4000, s31;
	s1 =	sadd.s32 s1, s30  }
0xcf: {  	s0 =	sor.u32 s4, s0;
	s1 =	sshll.u32 s1, $0x11  }
0xd0: {  	s0 =	sor.u32 s1, s0  }
0xd1: {  	s0 =	sadd.s32 $0x8F2B, s0  }
0xd2: {  	[sflag:s0] =	ssyncadd.remote.s32 $0x1  }
0xd3: {  	_ =	sfence.sel $0xFFFF  }
0xd4: {  	[dreg:$0x0] =	wrdreg $0xFFFFFFFF;
	(pc) =	sbr.abs _section_cstart, $3  }
0xd5: {  	[dreg:$0x1] =	wrdreg $0xFFFFFFFF  }
0xd6: {  	_ =	task.clear_ibuf [dreg:s22], $0x2FFFF;
	_ =	strace $0x9FFFFFFF  }
0xd7: {  	(tm) =	ssettm $0x7FFFFFFF  }
tec
execute0_lowered:
.L_overlay_start_1:
0x0: {  	(tag) =	ssettag $0x1  }
0x1: {  	s2 =	rddreg [dreg:$0x0];
	s0 =	srdreg.scid  }
0x2: {  	s11 =	stileid.u32;
	s1 =	rddreg [dreg:$0x1];
	s3 =	simm.s32 $0x0  }
0x3: {  	s14 =	simm.s32 $0x1BC00;
	s15 =	simm.s32 $0x3;
	s16 =	simm.s32 $0x1BD28  }
0x4: {  	s17 =	simm.s32 $0x1BE50;
	s28 =	simm.s32 $0x17200;
	s29 =	simm.s32 $0x40  }
0x5: {  	s30 =	simm.s32 $0xC0;
	s31 =	simm.s32 $0x2;
	s0 =	sand.u32 $0x1, s0  }
0x6: {  	[smem:$0x7FF] =	sst s3;
	s5 =	sadd.s32 $0x6F8400, s1;
	s6 =	sadd.s32 $0x714000, s1  }
0x7: {  	s4 =	sshll.u32 s11, $0x1;
	s19 =	sadd.s32 $0x714008, s1;
	s1 =	sadd.s32 $0x714010, s1  }
0x8: {  	s21 =	smul.u32 $0x6F000, s11;
	s8 =	sor.u32 s0, s4;
	_ =	strace $0x8000004A  }
0x9: {  	s7 =	ssub.s32 $0x2, s0;
	[dreg:$0x3] =	wrdreg s19;
	s0 =	smul.u32 $0x37800, s0  }
0xa: {  	[dreg:$0x4] =	wrdreg s1;
	s4 =	smul.u32 $0x2500, s8;
	s1 =	sadd.s32 s21, s6  }
0xb: {  	s19 =	simm.s32 $0x4A00;
	s9 =	sshrl.u32 s7, $0x1;
	s0 =	sadd.s32 s0, s1  }
0xc: {  	s8 =	smul.u32 $0x1BC000, s8;
	s20 =	sadd.s32 $0x128, s4;
	[dreg:$0x7] =	wrdreg s0  }
0xd: {  	s9 =	ssub.s32 s7, s9;
	s22 =	sadd.s32 $0x250, s4;
	[dreg:$0x5] =	wrdreg s20  }
0xe: {  	s10 =	sshrl.u32 s4, $0x3;
	s26 =	smax.u32 s9, $0x1;
	[dreg:$0x6] =	wrdreg s22  }
0xf: {  	s21 =	simm.s32 $0x1BF78;
	s18 =	sadd.s32 s5, s10;
	[dreg:$0xe] =	wrdreg s26  }
0x10: {  	s8 =	sshrl.u32 s8, $0x3;
	s12 =	sadd.s32 $0x9400, s18;
	[dreg:$0x8] =	wrdreg s18  }
0x11: {  	s8 =	sadd.s32 s6, s8;
	s7 =	sadd.s32 $0x12800, s18;
	[dreg:$0x9] =	wrdreg s12  }
0x12: {  	s1 =	simm.s32 $0x0;
	s23 =	sadd.s32 $0x35C40, s8;
	[dreg:$0xa] =	wrdreg s7  }
0x13: {  	s20 =	simm.s32 $0x9400;
	s24 =	sadd.s32 $0x35C48, s8;
	[dreg:$0xb] =	wrdreg s23  }
0x14: {  	s22 =	simm.s32 $0x1C0A0;
	s25 =	sadd.s32 $0x35C50, s8;
	[dreg:$0xc] =	wrdreg s24  }
0x15: {  	s26 =	simm.s32 $0x12800;
	s18 =	simm.s32 $0x128;
	[dreg:$0xd] =	wrdreg s25  }
0x16: {  	s23 =	simm.s32 $0x1C1C8;
	s24 =	simm.s32 $0x1;
	s25 =	simm.s32 $0xDE00  }
.LBB2_1:
0x17: {  	[dreg:$0xf] =	wrdreg s1  }
0x18: {  	s0 =	rddreg [dreg:$0x8]  }
0x19: {  	[tilespmem:s14], [sflag:$0x3] =	stream.linear.gather [hbm4b:s0+s3], $0x128, $0x38;
	[tilespmem:$0x1C2F0] =	vst v63  }
0x1a: {  	_ =	swait.ge [sflag:s15], $0x128  }
0x1b: {  	[sflag:s15] =	ssyncset.done $0x0  }
0x1c: {  	s12 =	rddreg [dreg:$0x9];
	[sflag:s15] =	ssyncadd.s32 $0xFFFFFED8  }
0x1d: {  	[tilespmem:s16], [sflag:$0x3] =	stream.linear.gather [hbm4b:s12+s3], $0x128, $0x38;
	[tilespmem:$0x1C2F0] =	vst v63  }
0x1e: {  	_ =	swait.ge [sflag:s15], $0x128  }
0x1f: {  	[sflag:s15] =	ssyncset.done $0x0  }
0x20: {  	s13 =	rddreg [dreg:$0xa];
	[sflag:s15] =	ssyncadd.s32 $0xFFFFFED8  }
0x21: {  	[tilespmem:s17], [sflag:$0x3] =	stream.linear.gather [hbm4b:s13+s3], $0x128, $0x38;
	[tilespmem:$0x1C2F0] =	vst v63  }
0x22: {  	_ =	swait.ge [sflag:s15], $0x128  }
0x23: {  	[sflag:s15] =	ssyncset.done $0x0  }
0x24: {  	[sflag:s15] =	ssyncadd.s32 $0xFFFFFED8  }
0x25: {  	[tilespmem:s3], [sflag:$0x1] =	stream.indirect.gather [hbm4b:s2+s18], $0x40, s14, s18, $0xb8;
	[tilespmem:$0x1C2F0] =	vst v63  }
0x26: {  	p0 =	por $0x1, $0x1;
	s0 =	rddreg [dreg:$0x7]  }
0x27: {  	[tilespmem:s19], [sflag:$0x1] =	stream.indirect.gather [hbm4b:s2+s18], $0x40, s16, s18, $0xb8;
	[tilespmem:$0x1C2F0] =	vst v63  }
0x28: {  	s8 =	simm.s32 @!p0 $0xDE00;
	s9 =	simm.s32 @!p0 $0x3;
	s0 =	sadd.s32 @!p0 $0x0, s0  }
0x29: {  	[tilespmem:s20], [sflag:$0x1] =	stream.indirect.gather [hbm4b:s2+s18], $0x40, s17, s18, $0xb8;
	[tilespmem:$0x1C2F0] =	vst v63  }
0x2a: {  	s11 =	simm.s32 @!p0 $0x40;
	s12 =	simm.s32 @!p0 $0xC0;
	s10 =	sadd.s32 @!p0 $0xFFFFE440, s0  }
0x2b: {  	[hbm4b:s10+s11] =	stream.strided.scatter @!p0 [tilespmem:s8], [sflag:$0x3], $0x4A00, s12, s11, $0x38;
	[tilespmem:$0x1C2F0] =	vst v63  }
0x2c: {  	_ =	swait.ge @!p0 [sflag:s9], $0x4A00  }
0x2d: {  	[sflag:s9] =	ssyncset.done @!p0 $0x0  }
0x2e: {  	s8 =	sadd.s32 @!p0 $0xFFFFE448, s0;
	s10 =	simm.s32 @!p0 $0x12800;
	[sflag:s9] =	ssyncadd.s32 @!p0 $0xFFFFB600  }
0x2f: {  	[hbm4b:s8+s11] =	stream.strided.scatter @!p0 [tilespmem:s10], [sflag:$0x3], $0x4A00, s12, s11, $0x38;
	[tilespmem:$0x1C2F0] =	vst v63  }
0x30: {  	_ =	swait.ge @!p0 [sflag:s9], $0x4A00  }
0x31: {  	[sflag:s9] =	ssyncset.done @!p0 $0x0  }
0x32: {  	s0 =	sadd.s32 @!p0 $0xFFFFE450, s0;
	s8 =	simm.s32 @!p0 $0x17200;
	[sflag:s9] =	ssyncadd.s32 @!p0 $0xFFFFB600  }
0x33: {  	[hbm4b:s0+s11] =	stream.strided.scatter @!p0 [tilespmem:s8], [sflag:$0x3], $0x4A00, s12, s11, $0x38;
	[tilespmem:$0x1C2F0] =	vst v63  }
0x34: {  	s8 =	simm.s32 $0x0;
	_ =	swait.ge @!p0 [sflag:s9], $0x4A00  }
0x35: {  	s8 =	simm.s32 @p0 $0x0;
	s1 =	rddreg [dreg:$0x5]  }
0x36: {  	s0 =	sadd.s32 s8, s1  }
0x37: {  	[sflag:s9] =	ssyncset.done @!p0 $0x0;
	s0 =	sshrl.u32 s0, $0x3  }
0x38: {  	[sflag:s9] =	ssyncadd.s32 @!p0 $0xFFFFB600;
	s0 =	sadd.s32 s5, s0  }
0x39: {  	[tilespmem:s21], [sflag:$0x3] =	stream.linear.gather [hbm4b:s0+s3], $0x128, $0x38;
	[tilespmem:$0x1C2F0] =	vst v63  }
0x3a: {  	_ =	swait.ge [sflag:s15], $0x128  }
0x3b: {  	[sflag:s15] =	ssyncset.done $0x0  }
0x3c: {  	s7 =	sadd.s32 $0x9400, s0;
	[sflag:s15] =	ssyncadd.s32 $0xFFFFFED8  }
0x3d: {  	[tilespmem:s22], [sflag:$0x3] =	stream.linear.gather [hbm4b:s7+s3], $0x128, $0x38;
	[tilespmem:$0x1C2F0] =	vst v63  }
0x3e: {  	_ =	swait.ge [sflag:s15], $0x128  }
0x3f: {  	[sflag:s15] =	ssyncset.done $0x0  }
0x40: {  	s0 =	sadd.s32 $0x12800, s0;
	[sflag:s15] =	ssyncadd.s32 $0xFFFFFED8  }
0x41: {  	[tilespmem:s23], [sflag:$0x3] =	stream.linear.gather [hbm4b:s0+s3], $0x128, $0x38;
	[tilespmem:$0x1C2F0] =	vst v63  }
0x42: {  	_ =	swait.ge [sflag:s15], $0x128  }
0x43: {  	[sflag:s15] =	ssyncset.done $0x0  }
0x44: {  	[sflag:s15] =	ssyncadd.s32 $0xFFFFFED8  }
0x45: {  	_ =	swait.ge [sflag:s24], $0x4A00  }
0x46: {  	[sflag:s24] =	ssyncset.done $0x0  }
0x47: {  	[sflag:s24] =	ssyncadd.s32 $0xFFFFB600  }
0x48: {  	_ =	swait.ge [sflag:s24], $0x4A00  }
0x49: {  	[sflag:s24] =	ssyncset.done $0x0  }
0x4a: {  	[sflag:s24] =	ssyncadd.s32 $0xFFFFB600  }
0x4b: {  	_ =	swait.ge [sflag:s24], $0x4A00  }
0x4c: {  	[sflag:s24] =	ssyncset.done $0x0  }
0x4d: {  	[sflag:s24] =	ssyncadd.s32 $0xFFFFB600  }
0x4e: {  	[tilespmem:s25], [sflag:$0x2] =	stream.indirect.gather [hbm4b:s2+s18], $0x40, s21, s18, $0xb8;
	[tilespmem:$0x1C2F0] =	vst v63  }
0x4f: {  	s10 =	sadd.s32 s4, s8  }
0x50: {  	[tilespmem:s26], [sflag:$0x2] =	stream.indirect.gather [hbm4b:s2+s18], $0x40, s22, s18, $0xb8;
	[tilespmem:$0x1C2F0] =	vst v63  }
0x51: {  	s0 =	smul.u32 $0x18, s10  }
0x52: {  	[tilespmem:s28], [sflag:$0x2] =	stream.indirect.gather [hbm4b:s2+s18], $0x40, s23, s18, $0xb8;
	[tilespmem:$0x1C2F0] =	vst v63  }
0x53: {  	s11 =	sadd.s32 s6, s0  }
0x54: {  	[hbm4b:s11+s29] =	stream.strided.scatter [tilespmem:s3], [sflag:$0x3], $0x4A00, s30, s29, $0x38;
	[tilespmem:$0x1C2F0] =	vst v63  }
0x55: {  	_ =	swait.ge [sflag:s15], $0x4A00  }
0x56: {  	s12 =	rddreg [dreg:$0x3];
	[sflag:s15] =	ssyncset.done $0x0  }
0x57: {  	[sflag:s15] =	ssyncadd.s32 $0xFFFFB600;
	s9 =	sadd.s32 s0, s12  }
0x58: {  	[hbm4b:s9+s29] =	stream.strided.scatter [tilespmem:s19], [sflag:$0x3], $0x4A00, s30, s29, $0x38;
	[tilespmem:$0x1C2F0] =	vst v63  }
0x59: {  	_ =	swait.ge [sflag:s15], $0x4A00  }
0x5a: {  	s13 =	rddreg [dreg:$0x4];
	[sflag:s15] =	ssyncset.done $0x0  }
0x5b: {  	[sflag:s15] =	ssyncadd.s32 $0xFFFFB600;
	s0 =	sadd.s32 s0, s13  }
0x5c: {  	[hbm4b:s0+s29] =	stream.strided.scatter [tilespmem:s20], [sflag:$0x3], $0x4A00, s30, s29, $0x38;
	[tilespmem:$0x1C2F0] =	vst v63  }
0x5d: {  	_ =	swait.ge [sflag:s15], $0x4A00  }
0x5e: {  	p0 =	por $0x0, $0x0;
	s0 =	rddreg [dreg:$0x6]  }
0x5f: {  	s10 =	simm.s32 @!p0 $0x3;
	s0 =	sadd.s32 @!p0 s8, s0  }
0x60: {  	s9 =	simm.s32 @!p0 $0x0;
	[sflag:s15] =	ssyncset.done $0x0;
	s0 =	sshrl.u32 @!p0 s0, $0x3  }
0x61: {  	s8 =	simm.s32 @!p0 $0x1BC00;
	[sflag:s15] =	ssyncadd.s32 $0xFFFFB600;
	s0 =	sadd.s32 @!p0 s5, s0  }
0x62: {  	[tilespmem:s8], [sflag:$0x3] =	stream.linear.gather @!p0 [hbm4b:s0+s9], $0x128, $0x38;
	[tilespmem:$0x1C2F0] =	vst v63  }
0x63: {  	_ =	swait.ge @!p0 [sflag:s10], $0x128  }
0x64: {  	[sflag:s10] =	ssyncset.done @!p0 $0x0  }
0x65: {  	s11 =	simm.s32 @!p0 $0x1BD28;
	s8 =	sadd.s32 @!p0 $0x9400, s0;
	[sflag:s10] =	ssyncadd.s32 @!p0 $0xFFFFFED8  }
0x66: {  	[tilespmem:s11], [sflag:$0x3] =	stream.linear.gather @!p0 [hbm4b:s8+s9], $0x128, $0x38;
	[tilespmem:$0x1C2F0] =	vst v63  }
0x67: {  	_ =	swait.ge @!p0 [sflag:s10], $0x128  }
0x68: {  	[sflag:s10] =	ssyncset.done @!p0 $0x0  }
0x69: {  	s0 =	sadd.s32 @!p0 $0x12800, s0;
	s8 =	simm.s32 @!p0 $0x1BE50;
	[sflag:s10] =	ssyncadd.s32 @!p0 $0xFFFFFED8  }
0x6a: {  	[tilespmem:s8], [sflag:$0x3] =	stream.linear.gather @!p0 [hbm4b:s0+s9], $0x128, $0x38;
	[tilespmem:$0x1C2F0] =	vst v63  }
0x6b: {  	_ =	swait.ge @!p0 [sflag:s10], $0x128  }
0x6c: {  	[sflag:s10] =	ssyncset.done @!p0 $0x0  }
0x6d: {  	[sflag:s10] =	ssyncadd.s32 @!p0 $0xFFFFFED8  }
0x6e: {  	_ =	swait.ge [sflag:s31], $0x4A00  }
0x6f: {  	[sflag:s31] =	ssyncset.done $0x0  }
0x70: {  	[sflag:s31] =	ssyncadd.s32 $0xFFFFB600  }
0x71: {  	_ =	swait.ge [sflag:s31], $0x4A00  }
0x72: {  	[sflag:s31] =	ssyncset.done $0x0  }
0x73: {  	[sflag:s31] =	ssyncadd.s32 $0xFFFFB600  }
0x74: {  	s0 =	simm.s32 $0x3780;
	s10 =	simm.s32 $0x0;
	_ =	swait.ge [sflag:s31], $0x4A00  }
.LBB2_2:
0x75: {  	[sflag:s31] =	ssyncset.done $0x0  }
0x76: {  	s9 =	smov.u32 s0;
	[sflag:s31] =	ssyncadd.s32 $0xFFFFB600  }
0x77: {  	[tilespmem:s3], [sflag:$0x1] =	stream.indirect.gather [hbm4b:s2+s18], $0x40, s14, s18, $0xb8;
	[tilespmem:$0x1C2F0] =	vst v63  }
0x78: {  	s8 =	rddreg [dreg:$0x7];
	p1 =	seq.s32 s9, $0x0  }
0x79: {  	[tilespmem:s19], [sflag:$0x1] =	stream.indirect.gather [hbm4b:s2+s18], $0x40, s16, s18, $0xb8;
	[tilespmem:$0x1C2F0] =	vst v63  }
0x7a: {  	s8 =	sadd.s32 @!p1 s9, s8;
	s11 =	simm.s32 @!p1 $0xDE00;
	s12 =	simm.s32 @!p1 $0x3  }
0x7b: {  	[tilespmem:s20], [sflag:$0x1] =	stream.indirect.gather [hbm4b:s2+s18], $0x40, s17, s18, $0xb8;
	[tilespmem:$0x1C2F0] =	vst v63  }
0x7c: {  	s7 =	simm.s32 @!p1 $0x40;
	s1 =	simm.s32 @!p1 $0xC0;
	s13 =	sadd.s32 @!p1 $0xFFFFE440, s8  }
0x7d: {  	[hbm4b:s13+s7] =	stream.strided.scatter @!p1 [tilespmem:s11], [sflag:$0x3], $0x4A00, s1, s7, $0x38;
	[tilespmem:$0x1C2F0] =	vst v63  }
0x7e: {  	_ =	swait.ge @!p1 [sflag:s12], $0x4A00  }
0x7f: {  	s11 =	sadd.s32 @!p1 $0xFFFFE450, s8;
	[sflag:s12] =	ssyncset.done @!p1 $0x0  }
0x80: {  	s8 =	sadd.s32 @!p1 $0xFFFFE448, s8;
	s13 =	simm.s32 @!p1 $0x12800;
	[sflag:s12] =	ssyncadd.s32 @!p1 $0xFFFFB600  }
0x81: {  	[hbm4b:s8+s7] =	stream.strided.scatter @!p1 [tilespmem:s13], [sflag:$0x3], $0x4A00, s1, s7, $0x38;
	[tilespmem:$0x1C2F0] =	vst v63  }
0x82: {  	_ =	swait.ge @!p1 [sflag:s12], $0x4A00  }
0x83: {  	[sflag:s12] =	ssyncset.done @!p1 $0x0  }
0x84: {  	s10 =	sadd.s32 $0x250, s10;
	s8 =	simm.s32 @!p1 $0x17200;
	[sflag:s12] =	ssyncadd.s32 @!p1 $0xFFFFB600  }
0x85: {  	[hbm4b:s11+s7] =	stream.strided.scatter @!p1 [tilespmem:s8], [sflag:$0x3], $0x4A00, s1, s7, $0x38;
	[tilespmem:$0x1C2F0] =	vst v63  }
0x86: {  	s8 =	smov.u32 s10;
	_ =	swait.ge @!p1 [sflag:s12], $0x4A00  }
0x87: {  	s8 =	simm.s32 @p1 $0x0;
	s11 =	rddreg [dreg:$0x5]  }
0x88: {  	s1 =	sadd.s32 s8, s11  }
0x89: {  	[sflag:s12] =	ssyncset.done @!p1 $0x0;
	s1 =	sshrl.u32 s1, $0x3  }
0x8a: {  	[sflag:s12] =	ssyncadd.s32 @!p1 $0xFFFFB600;
	s1 =	sadd.s32 s5, s1  }
0x8b: {  	[tilespmem:s21], [sflag:$0x3] =	stream.linear.gather [hbm4b:s1+s3], $0x128, $0x38;
	[tilespmem:$0x1C2F0] =	vst v63  }
0x8c: {  	_ =	swait.ge [sflag:s15], $0x128  }
0x8d: {  	[sflag:s15] =	ssyncset.done $0x0  }
0x8e: {  	s13 =	sadd.s32 $0x9400, s1;
	[sflag:s15] =	ssyncadd.s32 $0xFFFFFED8  }
0x8f: {  	[tilespmem:s22], [sflag:$0x3] =	stream.linear.gather [hbm4b:s13+s3], $0x128, $0x38;
	[tilespmem:$0x1C2F0] =	vst v63  }
0x90: {  	_ =	swait.ge [sflag:s15], $0x128  }
0x91: {  	[sflag:s15] =	ssyncset.done $0x0  }
0x92: {  	s1 =	sadd.s32 $0x12800, s1;
	[sflag:s15] =	ssyncadd.s32 $0xFFFFFED8  }
0x93: {  	[tilespmem:s23], [sflag:$0x3] =	stream.linear.gather [hbm4b:s1+s3], $0x128, $0x38;
	[tilespmem:$0x1C2F0] =	vst v63  }
0x94: {  	_ =	swait.ge [sflag:s15], $0x128  }
0x95: {  	[sflag:s15] =	ssyncset.done $0x0  }
0x96: {  	[sflag:s15] =	ssyncadd.s32 $0xFFFFFED8  }
0x97: {  	_ =	swait.ge [sflag:s24], $0x4A00  }
0x98: {  	[sflag:s24] =	ssyncset.done $0x0  }
0x99: {  	[sflag:s24] =	ssyncadd.s32 $0xFFFFB600  }
0x9a: {  	_ =	swait.ge [sflag:s24], $0x4A00  }
0x9b: {  	[sflag:s24] =	ssyncset.done $0x0  }
0x9c: {  	[sflag:s24] =	ssyncadd.s32 $0xFFFFB600  }
0x9d: {  	_ =	swait.ge [sflag:s24], $0x4A00  }
0x9e: {  	[sflag:s24] =	ssyncset.done $0x0  }
0x9f: {  	[sflag:s24] =	ssyncadd.s32 $0xFFFFB600  }
0xa0: {  	[tilespmem:s25], [sflag:$0x2] =	stream.indirect.gather [hbm4b:s2+s18], $0x40, s21, s18, $0xb8;
	[tilespmem:$0x1C2F0] =	vst v63  }
0xa1: {  	s7 =	sadd.s32 s4, s8  }
0xa2: {  	[tilespmem:s26], [sflag:$0x2] =	stream.indirect.gather [hbm4b:s2+s18], $0x40, s22, s18, $0xb8;
	[tilespmem:$0x1C2F0] =	vst v63  }
0xa3: {  	s11 =	smul.u32 $0x18, s7  }
0xa4: {  	[tilespmem:s28], [sflag:$0x2] =	stream.indirect.gather [hbm4b:s2+s18], $0x40, s23, s18, $0xb8;
	[tilespmem:$0x1C2F0] =	vst v63  }
0xa5: {  	s7 =	sadd.s32 s6, s11  }
0xa6: {  	[hbm4b:s7+s29] =	stream.strided.scatter [tilespmem:s3], [sflag:$0x3], $0x4A00, s30, s29, $0x38;
	[tilespmem:$0x1C2F0] =	vst v63  }
0xa7: {  	_ =	swait.ge [sflag:s15], $0x4A00  }
0xa8: {  	s12 =	rddreg [dreg:$0x3];
	[sflag:s15] =	ssyncset.done $0x0  }
0xa9: {  	[sflag:s15] =	ssyncadd.s32 $0xFFFFB600;
	s7 =	sadd.s32 s11, s12  }
0xaa: {  	[hbm4b:s7+s29] =	stream.strided.scatter [tilespmem:s19], [sflag:$0x3], $0x4A00, s30, s29, $0x38;
	[tilespmem:$0x1C2F0] =	vst v63  }
0xab: {  	_ =	swait.ge [sflag:s15], $0x4A00  }
0xac: {  	s13 =	rddreg [dreg:$0x4];
	[sflag:s15] =	ssyncset.done $0x0  }
0xad: {  	[sflag:s15] =	ssyncadd.s32 $0xFFFFB600;
	s1 =	sadd.s32 s11, s13  }
0xae: {  	[hbm4b:s1+s29] =	stream.strided.scatter [tilespmem:s20], [sflag:$0x3], $0x4A00, s30, s29, $0x38;
	[tilespmem:$0x1C2F0] =	vst v63  }
0xaf: {  	_ =	swait.ge [sflag:s15], $0x4A00  }
0xb0: {  	p1 =	seq.s32 s9, $0x34080;
	s1 =	rddreg [dreg:$0x6]  }
0xb1: {  	s9 =	simm.s32 @!p1 $0x3;
	s1 =	sadd.s32 @!p1 s8, s1  }
0xb2: {  	s7 =	simm.s32 @!p1 $0x1BC00;
	[sflag:s15] =	ssyncset.done $0x0;
	s1 =	sshrl.u32 @!p1 s1, $0x3  }
0xb3: {  	[sflag:s15] =	ssyncadd.s32 $0xFFFFB600;
	s8 =	simm.s32 @!p1 $0x0;
	s1 =	sadd.s32 @!p1 s5, s1  }
0xb4: {  	[tilespmem:s7], [sflag:$0x3] =	stream.linear.gather @!p1 [hbm4b:s1+s8], $0x128, $0x38;
	[tilespmem:$0x1C2F0] =	vst v63  }
0xb5: {  	_ =	swait.ge @!p1 [sflag:s9], $0x128  }
0xb6: {  	[sflag:s9] =	ssyncset.done @!p1 $0x0  }
0xb7: {  	s11 =	simm.s32 @!p1 $0x1BD28;
	s7 =	sadd.s32 @!p1 $0x9400, s1;
	[sflag:s9] =	ssyncadd.s32 @!p1 $0xFFFFFED8  }
0xb8: {  	[tilespmem:s11], [sflag:$0x3] =	stream.linear.gather @!p1 [hbm4b:s7+s8], $0x128, $0x38;
	[tilespmem:$0x1C2F0] =	vst v63  }
0xb9: {  	_ =	swait.ge @!p1 [sflag:s9], $0x128  }
0xba: {  	[sflag:s9] =	ssyncset.done @!p1 $0x0  }
0xbb: {  	s1 =	sadd.s32 @!p1 $0x12800, s1;
	s7 =	simm.s32 @!p1 $0x1BE50;
	[sflag:s9] =	ssyncadd.s32 @!p1 $0xFFFFFED8  }
0xbc: {  	[tilespmem:s7], [sflag:$0x3] =	stream.linear.gather @!p1 [hbm4b:s1+s8], $0x128, $0x38;
	[tilespmem:$0x1C2F0] =	vst v63  }
0xbd: {  	_ =	swait.ge @!p1 [sflag:s9], $0x128  }
0xbe: {  	[sflag:s9] =	ssyncset.done @!p1 $0x0  }
0xbf: {  	[sflag:s9] =	ssyncadd.s32 @!p1 $0xFFFFFED8  }
0xc0: {  	s0 =	sadd.s32 $0x3780, s0;
	_ =	swait.ge [sflag:s31], $0x4A00  }
0xc1: {  	p0 =	sne.s32 s0, $0x37800;
	[sflag:s31] =	ssyncset.done $0x0  }
.Ltmp0:
0xc2: {  	[sflag:s31] =	ssyncadd.s32 $0xFFFFB600;
	(pc) =	sbr.rel @p0 .LBB2_2-.Ltmp0, $4  }
0xc3: {  	_ =	swait.ge [sflag:s31], $0x4A00  }
0xc4: {  	[sflag:s31] =	ssyncset.done $0x0  }
0xc5: {  	[sflag:s31] =	ssyncadd.s32 $0xFFFFB600  }
0xc6: {  	_ =	swait.ge [sflag:s31], $0x4A00  }
0xc7: {  	[sflag:s31] =	ssyncset.done $0x0  }
0xc8: {  	s0 =	rddreg [dreg:$0xb];
	[sflag:s31] =	ssyncadd.s32 $0xFFFFB600  }
0xc9: {  	[hbm4b:s0+s29] =	stream.strided.scatter [tilespmem:s25], [sflag:$0x3], $0x4A00, s30, s29, $0x38;
	[tilespmem:$0x1C2F0] =	vst v63  }
0xca: {  	_ =	swait.ge [sflag:s15], $0x4A00  }
0xcb: {  	[sflag:s15] =	ssyncset.done $0x0  }
0xcc: {  	s11 =	rddreg [dreg:$0xc];
	[sflag:s15] =	ssyncadd.s32 $0xFFFFB600  }
0xcd: {  	[hbm4b:s11+s29] =	stream.strided.scatter [tilespmem:s26], [sflag:$0x3], $0x4A00, s30, s29, $0x38;
	[tilespmem:$0x1C2F0] =	vst v63  }
0xce: {  	_ =	swait.ge [sflag:s15], $0x4A00  }
0xcf: {  	[sflag:s15] =	ssyncset.done $0x0  }
0xd0: {  	s12 =	rddreg [dreg:$0xd];
	[sflag:s15] =	ssyncadd.s32 $0xFFFFB600  }
0xd1: {  	[hbm4b:s12+s29] =	stream.strided.scatter [tilespmem:s28], [sflag:$0x3], $0x4A00, s30, s29, $0x38;
	[tilespmem:$0x1C2F0] =	vst v63  }
0xd2: {  	_ =	swait.ge [sflag:s15], $0x4A00  }
0xd3: {  	s1 =	rddreg [dreg:$0xf]  }
0xd4: {  	s13 =	rddreg [dreg:$0xe];
	s1 =	sadd.s32 $0x1, s1  }
0xd5: {  	p0 =	sne.s32 s1, s13  }
.Ltmp1:
0xd6: {  	_ = 	snop;
	(pc) =	sbr.rel @p0 .LBB2_1-.Ltmp1, $3  }
0xd7: {  	_ =	sdelay $0x1  }
0xd8: {  	[sflag:s15] =	ssyncset.done $0x0  }
0xd9: {  	[sflag:s15] =	ssyncadd.s32 $0xFFFFB600  }
0xda: {  	_ =	sfence.sel $0x180000  }
0xdb: {  	[bflag:$0x0] =	sbarrier.arrive $0xFFFF  }
0xdc: {  	_ =	strace $0x9000004A  }
0xdd: {  	s0 =	stileid.u32;
	[bflag:$0x2] =	sbarrier.arrive $0xFFFF  }
0xde: {  	p0 =	sne.s32 s0, $0x0;
	s0 =	rddreg [dreg:$0x2]  }
0xdf: {  	s0 =	sadd.s32 @!p0 $0x100000, s0  }
0xe0: {  	[sflag:s0] =	ssyncadd.tile.s32 @!p0 $0x1;
	_ =	shalt  }
.Lfunc_end2:
_tile_overlayer_lowered:
.L_overlay_start_2:
0xe1: {  	(tag) =	ssettag $0x2  }
0xe2: {  	s0 =	rddreg [dreg:$0x0];
	s2 =	stileid.u32  }
0xe3: {  	s1 =	rddreg [dreg:$0x1];
	p0 =	sne.s32 s2, $0x0  }
0xe4: {  	s3 =	rddreg [dreg:$0x2];
	[bflag:$0x3] =	sbarrier.arrive $0xFFFF;
	s2 =	simm.s32 @!p0 $0x1C03  }
0xe5: {  	[timem:s3], [sflag:s2] =	dma.local @!p0 [hbm:s0], s1  }
0xe6: {  	s0 =	simm.s32 @!p0 $0x3  }
0xe7: {  	_ =	swait.ge @!p0 [sflag:s0], s1  }
0xe8: {  	s1 =	ssub.s32 @!p0 $0x0, s1;
	[sflag:s0] =	ssyncset.done @!p0 $0x0  }
0xe9: {  	[sflag:s0] =	ssyncadd.s32 @!p0 s1  }
0xea: {  	[bflag:$0x3] =	sbarrier.arrive $0xFFFF  }
0xeb: {  	_ =	shalt  }

</sc_bundles>
